<compile_context>
chip_gen: v7x
topology: tpu7x:2x2x1
jax: 0.10.2.dev20260603
libtpu: 0.0.44.dev20260713+nightly
codegen_flags: <defaults>
</compile_context>

<pallas_src>
import functools

import jax
import jax.numpy as jnp
import numpy as np
from jax import lax
from jax.experimental import pallas as pl
from jax.experimental.pallas import tpu as pltpu
from jax.experimental.pallas import tpu_sc as plsc

N = 10000
E = 320000
D = 128
NC = 1000
CD = 8
HEADS = 8
HID = 16
OUT = 64

NWORKERS = 32
KCH = 80
K1 = 50
K2 = 80
EPW = E // NWORKERS
IB = 25
W1COLS = HEADS * HID
GW1 = 16 + W1COLS
GW2 = 16 + OUT

_MASK1 = np.repeat(np.eye(HEADS, 16, dtype=np.float32), HID, axis=0)
_MASK2 = np.zeros((OUT, 16), np.float32)
_MASK2[:, 0] = 1.0
_EYE128 = np.eye(W1COLS, dtype=np.float32)
_EYE64 = np.eye(OUT, dtype=np.float32)
_Z8x128 = np.zeros((16 - CD, W1COLS), np.float32)
_SM1 = np.zeros((GW1, W1COLS), np.float32)
_SM1[16:, :] = _EYE128
_RM1 = np.zeros((GW1, W1COLS), np.float32)
for _h in range(HEADS):
  _RM1[_h, _h * HID:(_h + 1) * HID] = 1.0
_SM2 = np.zeros((GW2, OUT), np.float32)
_SM2[16:, :] = _EYE64
_RM2 = np.zeros((GW2, OUT), np.float32)
_RM2[0, :] = 1.0
_ZROWS1 = np.zeros((N // 16, GW1), np.float32)
_ZROWS2 = np.zeros((N // 16, GW2), np.float32)


def _comm_gather_kernel(n_pad):
  per_w = n_pad // NWORKERS
  steps = per_w // KCH
  mesh = plsc.VectorSubcoreMesh(core_axis_name="c", subcore_axis_name="s")

  @functools.partial(
      pl.kernel,
      mesh=mesh,
      out_type=jax.ShapeDtypeStruct((n_pad, 16), jnp.float32),
      compiler_params=pltpu.CompilerParams(use_tc_tiling_on_sc=False),
      scratch_types=[
          pltpu.VMEM((steps, KCH), jnp.int32),
          pltpu.VMEM((KCH, 16), jnp.float32),
          pltpu.SemaphoreType.DMA,
      ],
  )
  def k(ids_hbm, ctab_hbm, out_hbm, idxb, rows, sem):
    cid = lax.axis_index("c")
    sid = lax.axis_index("s")
    wid = cid * 16 + sid
    pltpu.sync_copy(ids_hbm.at[pl.ds(wid * steps, steps)], idxb)
    for kk in range(steps):
      pltpu.async_copy(ctab_hbm.at[idxb.at[kk]], rows, sem).wait()
      pltpu.sync_copy(rows, out_hbm.at[pl.ds(wid * per_w + kk * KCH, KCH)])

  return k


def _lane_bcast(v, lane):
  idx = jnp.full((16, 1), lane, jnp.int32)
  return lax.gather(
      v, idx,
      lax.GatherDimensionNumbers(
          offset_dims=(), collapsed_slice_dims=(0,), start_index_map=(0,)),
      (1,),
      mode=lax.GatherScatterMode.PROMISE_IN_BOUNDS)


def _edge_kernel(width, heads, kch):
  rows_per_tile = N // 16
  nchunk = EPW // kch
  nblock = nchunk // IB
  mesh = plsc.VectorSubcoreMesh(core_axis_name="c", subcore_axis_name="s")

  @functools.partial(
      pl.kernel,
      mesh=mesh,
      out_type=jax.ShapeDtypeStruct((2, N, width), jnp.float32),
      compiler_params=pltpu.CompilerParams(use_tc_tiling_on_sc=False),
      scratch_types=[
          pltpu.VMEM_SHARED((N, width), jnp.float32),
          pltpu.VMEM((IB, kch), jnp.int32),
          pltpu.VMEM((IB, kch), jnp.int32),
          pltpu.VMEM((kch, width), jnp.float32),
          pltpu.VMEM((kch, width), jnp.float32),
          pltpu.VMEM((kch, 16), jnp.float32),
          pltpu.VMEM((kch, width), jnp.float32),
          pltpu.VMEM((kch, width), jnp.float32),
          pltpu.SemaphoreType.DMA,
          pltpu.SemaphoreType.DMA,
          pltpu.SemaphoreType.DMA,
          pltpu.SemaphoreType.DMA,
          pltpu.SemaphoreType.DMA,
      ],
  )
  def k(g_hbm, d_hbm, src_hbm, dst_hbm, z_hbm, out_hbm,
        acc, sidx, didx, grow0, grow1, drow, msg0, msg1,
        sg0, sg1, sd, ssc0, ssc1):
    cid = lax.axis_index("c")
    sid = lax.axis_index("s")
    wid = cid * 16 + sid

    pltpu.sync_copy(z_hbm, acc.at[pl.ds(sid * rows_per_tile, rows_per_tile)])
    plsc.subcore_barrier()

    base = wid * nchunk
    nvec = width // 16

    def compute_chunk(gbuf, mbuf):
      @plsc.parallel_loop(0, kch)
      def edge_body(e):
        z = gbuf[e, pl.ds(0, 16)] + drow[e, pl.ds(0, 16)]
        z = jnp.where(z >= 0.0, z, z * jnp.float32(0.2))
        w = jnp.exp(z)
        mbuf[e, pl.ds(0, 16)] = w
        for kk in range(1, nvec):
          lane = (kk - 1) if heads == HEADS else 0
          wb = _lane_bcast(w, lane)
          mbuf[e, pl.ds(16 * kk, 16)] = gbuf[e, pl.ds(16 * kk, 16)] * wb

    def fire_g(j, gbuf, sem):
      pltpu.async_copy(g_hbm.at[sidx.at[j]], gbuf, sem)

    def wait_g(j, gbuf, sem):
      pltpu.make_async_copy(g_hbm.at[sidx.at[j]], gbuf, sem).wait()

    def fire_d(j):
      pltpu.async_copy(d_hbm.at[didx.at[j]], drow, sd)

    def wait_d(j):
      pltpu.make_async_copy(d_hbm.at[didx.at[j]], drow, sd).wait()

    def fire_sct(j, mbuf, sem):
      pltpu.async_copy(mbuf, acc.at[didx.at[j]], sem, add=True)

    def wait_sct(j, mbuf, sem):
      pltpu.make_async_copy(mbuf, acc.at[didx.at[j]], sem).wait()

    def block_body(jb, carry):
      pltpu.sync_copy(src_hbm.at[pl.ds(base + jb * IB, IB)], sidx)
      pltpu.sync_copy(dst_hbm.at[pl.ds(base + jb * IB, IB)], didx)
      fire_g(0, grow0, sg0)
      fire_d(0)
      wait_g(0, grow0, sg0)
      fire_g(1, grow1, sg1)
      wait_d(0)
      compute_chunk(grow0, msg0)
      fire_d(1)
      fire_sct(0, msg0, ssc0)
      wait_g(1, grow1, sg1)
      fire_g(2, grow0, sg0)
      wait_d(1)
      compute_chunk(grow1, msg1)
      fire_d(2)
      fire_sct(1, msg1, ssc1)

      def pair_body(jj, c):
        j0 = 2 * jj + 2
        wait_g(j0, grow0, sg0)
        fire_g(j0 + 1, grow1, sg1)
        wait_sct(j0 - 2, msg0, ssc0)
        wait_d(j0)
        compute_chunk(grow0, msg0)
        fire_d(j0 + 1)
        fire_sct(j0, msg0, ssc0)
        wait_g(j0 + 1, grow1, sg1)
        fire_g(j0 + 2, grow0, sg0)
        wait_sct(j0 - 1, msg1, ssc1)
        wait_d(j0 + 1)
        compute_chunk(grow1, msg1)
        fire_d(j0 + 2)
        fire_sct(j0 + 1, msg1, ssc1)
        return c

      lax.fori_loop(0, (IB - 3) // 2, pair_body, 0)
      wait_g(IB - 1, grow0, sg0)
      wait_sct(IB - 3, msg0, ssc0)
      wait_d(IB - 1)
      compute_chunk(grow0, msg0)
      fire_sct(IB - 1, msg0, ssc0)
      wait_sct(IB - 1, msg0, ssc0)
      wait_sct(IB - 2, msg1, ssc1)
      return carry

    lax.fori_loop(0, nblock, block_body, 0)
    plsc.subcore_barrier()
    pltpu.sync_copy(
        acc.at[pl.ds(sid * rows_per_tile, rows_per_tile)],
        out_hbm.at[cid, pl.ds(sid * rows_per_tile, rows_per_tile)])

  return k


def _tc1_kernel(x_blk, c_blk, w1x, w1c, p1, pd1, g_out, d_out):
  h1 = jnp.dot(x_blk[...], w1x[...], precision=lax.Precision.DEFAULT)
  h1 = h1 + jnp.dot(c_blk[...], w1c[...], precision=lax.Precision.DEFAULT)
  g_out[...] = jnp.dot(h1, p1[...], precision=lax.Precision.DEFAULT)
  d_out[...] = jnp.dot(h1, pd1[...], precision=lax.Precision.DEFAULT)


def _tc2_kernel(p_blk, sm, rm, b1_blk, w2, p2, pd2, g_out, d_out):
  accs = p_blk[0] + p_blk[1]
  den = jnp.dot(accs, rm[...], precision=lax.Precision.DEFAULT)
  msgs = jnp.dot(accs, sm[...], precision=lax.Precision.DEFAULT)
  h_mid = jnp.maximum(msgs / (den + 1e-16) + b1_blk[...], 0.0)
  h2 = jnp.dot(h_mid, w2[...], precision=lax.Precision.DEFAULT)
  g_out[...] = jnp.dot(h2, p2[...], precision=lax.Precision.DEFAULT)
  d_out[...] = jnp.dot(h2, pd2[...], precision=lax.Precision.DEFAULT)


def _tc3_kernel(p_blk, sm, rm, b2_blk, out_ref):
  accs = p_blk[0] + p_blk[1]
  den = jnp.dot(accs, rm[...], precision=lax.Precision.DEFAULT)
  msgs = jnp.dot(accs, sm[...], precision=lax.Precision.DEFAULT)
  out_ref[...] = msgs / (den + 1e-16) + b2_blk[...]


def kernel(x, edge_index, comm_ids, comm_table, W1, a_src1, a_dst1, b1,
           W2, a_src2, a_dst2, b2):
  f32 = jnp.float32

  w1x = W1[:D, :]
  w1c = jnp.concatenate([W1[D:, :], _Z8x128], axis=0)

  p1 = jnp.concatenate([a_src1.reshape(-1)[:, None] * _MASK1, _EYE128], axis=1)
  pd1 = a_dst1.reshape(-1)[:, None] * _MASK1

  sm1 = _SM1
  rm1 = _RM1

  p2 = jnp.concatenate([a_src2[0][:, None] * _MASK2, _EYE64], axis=1)
  pd2 = a_dst2[0][:, None] * _MASK2
  sm2 = _SM2
  rm2 = _RM2

  src1_2d = edge_index[0].reshape(E // K1, K1)
  dst1_2d = edge_index[1].reshape(E // K1, K1)
  src2_2d = edge_index[0].reshape(E // K2, K2)
  dst2_2d = edge_index[1].reshape(E // K2, K2)

  n_pad = 10240
  ids_pad = jnp.zeros((n_pad,), jnp.int32).at[:N].set(comm_ids)
  ids2d = ids_pad.reshape(n_pad // KCH, KCH)
  ctab_pad = jnp.zeros((NC, 16), f32).at[:, :CD].set(comm_table)

  z1 = jnp.asarray(_ZROWS1)
  z2 = jnp.asarray(_ZROWS2)

  c_full = _comm_gather_kernel(n_pad)(ids2d, ctab_pad)
  c_nodes = c_full[:N]

  nb = 5
  rb = N // nb
  g1, d1 = pl.pallas_call(
      _tc1_kernel,
      grid=(nb,),
      in_specs=[
          pl.BlockSpec((rb, D), lambda i: (i, 0)),
          pl.BlockSpec((rb, 16), lambda i: (i, 0)),
          pl.BlockSpec((D, W1COLS), lambda i: (0, 0)),
          pl.BlockSpec((16, W1COLS), lambda i: (0, 0)),
          pl.BlockSpec((W1COLS, GW1), lambda i: (0, 0)),
          pl.BlockSpec((W1COLS, 16), lambda i: (0, 0)),
      ],
      out_specs=[
          pl.BlockSpec((rb, GW1), lambda i: (i, 0)),
          pl.BlockSpec((rb, 16), lambda i: (i, 0)),
      ],
      out_shape=[
          jax.ShapeDtypeStruct((N, GW1), f32),
          jax.ShapeDtypeStruct((N, 16), f32),
      ],
  )(x, c_nodes, w1x, w1c, p1, pd1)

  part1 = _edge_kernel(GW1, HEADS, K1)(g1, d1, src1_2d, dst1_2d, z1)

  g2, d2 = pl.pallas_call(
      _tc2_kernel,
      grid=(nb,),
      in_specs=[
          pl.BlockSpec((2, rb, GW1), lambda i: (0, i, 0)),
          pl.BlockSpec((GW1, W1COLS), lambda i: (0, 0)),
          pl.BlockSpec((GW1, W1COLS), lambda i: (0, 0)),
          pl.BlockSpec((1, W1COLS), lambda i: (0, 0)),
          pl.BlockSpec((W1COLS, OUT), lambda i: (0, 0)),
          pl.BlockSpec((OUT, GW2), lambda i: (0, 0)),
          pl.BlockSpec((OUT, 16), lambda i: (0, 0)),
      ],
      out_specs=[
          pl.BlockSpec((rb, GW2), lambda i: (i, 0)),
          pl.BlockSpec((rb, 16), lambda i: (i, 0)),
      ],
      out_shape=[
          jax.ShapeDtypeStruct((N, GW2), f32),
          jax.ShapeDtypeStruct((N, 16), f32),
      ],
  )(part1, sm1, rm1, b1.reshape(1, W1COLS), W2, p2, pd2)

  part2 = _edge_kernel(GW2, 1, K2)(g2, d2, src2_2d, dst2_2d, z2)

  out = pl.pallas_call(
      _tc3_kernel,
      grid=(nb,),
      in_specs=[
          pl.BlockSpec((2, rb, GW2), lambda i: (0, i, 0)),
          pl.BlockSpec((GW2, OUT), lambda i: (0, 0)),
          pl.BlockSpec((GW2, OUT), lambda i: (0, 0)),
          pl.BlockSpec((1, OUT), lambda i: (0, 0)),
      ],
      out_specs=pl.BlockSpec((rb, OUT), lambda i: (i, 0)),
      out_shape=jax.ShapeDtypeStruct((N, OUT), f32),
  )(part2, sm2, rm2, b2.reshape(1, OUT))

  return out

# --- scband reference (transcript-rebuilt; emitter-appended) ---
"""Pipeline reference for scband-gat-72619307041134 (READ-ONLY COPY).

The authoritative reference and input builder live on the scoring server;
editing this copy changes nothing except your own understanding.
"""

import jax, jax.numpy as jnp
import numpy as np

N = 10000
E = 320000
D = 128
NC = 1000
CD = 8
HEADS = 8
HID = 16
OUT = 64


def setup_inputs(seed: int = 0) -> dict:
    key = jax.random.key(seed)
    ks = jax.random.split(key, 12)
    inp = {}
    inp["x"] = jax.random.normal(ks[0], (N, D), dtype=jnp.float32)
    inp["edge_index"] = jax.random.randint(ks[1], (2, E), 0, N, dtype=jnp.int32)
    inp["comm_ids"] = jax.random.randint(ks[2], (N,), 0, NC, dtype=jnp.int32)
    # learned parameters
    inp["comm_table"] = jax.random.normal(ks[3], (NC, CD), dtype=jnp.float32) * 0.1
    din1 = D + CD
    inp["W1"] = jax.random.normal(ks[4], (din1, HEADS * HID), dtype=jnp.float32) * (1.0 / np.sqrt(din1))
    inp["a_src1"] = jax.random.normal(ks[5], (HEADS, HID), dtype=jnp.float32) * 0.1
    inp["a_dst1"] = jax.random.normal(ks[6], (HEADS, HID), dtype=jnp.float32) * 0.1
    inp["b1"] = jnp.zeros((HEADS * HID,), dtype=jnp.float32)
    din2 = HEADS * HID
    inp["W2"] = jax.random.normal(ks[7], (din2, OUT), dtype=jnp.float32) * (1.0 / np.sqrt(din2))
    inp["a_src2"] = jax.random.normal(ks[8], (1, OUT), dtype=jnp.float32) * 0.1
    inp["a_dst2"] = jax.random.normal(ks[9], (1, OUT), dtype=jnp.float32) * 0.1
    inp["b2"] = jnp.zeros((OUT,), dtype=jnp.float32)
    return inp


def _gat_conv(h_in, src, dst, W, a_s, a_d, b, heads, out_ch, n_nodes):
    # linear projection per head
    h = (h_in @ W).reshape(n_nodes, heads, out_ch)
    alpha_s = jnp.sum(h * a_s[None, :, :], axis=-1)  # [N, H]
    alpha_d = jnp.sum(h * a_d[None, :, :], axis=-1)  # [N, H]
    # edge attention logits (src -> dst)
    e = alpha_s[src] + alpha_d[dst]                  # [E, H] (gather)
    e = jax.nn.leaky_relu(e, negative_slope=0.2)
    # softmax over incoming edges per destination node
    m = jax.ops.segment_max(e, dst, num_segments=n_nodes)
    m = jnp.where(jnp.isfinite(m), m, 0.0)
    ex = jnp.exp(e - m[dst])
    denom = jax.ops.segment_sum(ex, dst, num_segments=n_nodes)
    alpha = ex / (denom[dst] + 1e-16)
    # weighted message aggregation (gather + scatter-add)
    msg = h[src] * alpha[..., None]                  # [E, H, C]
    out = jax.ops.segment_sum(msg, dst, num_segments=n_nodes)
    out = out.reshape(n_nodes, heads * out_ch)       # concat heads
    return out + b


def reference(x, edge_index, comm_ids, comm_table, W1, a_src1, a_dst1, b1, W2, a_src2, a_dst2, b2):
    src = edge_index[0]
    dst = edge_index[1]
    c = comm_table[comm_ids]                         # embedding gather
    x = jnp.concatenate([x, c], axis=-1)
    h = _gat_conv(x, src, dst, W1, a_src1, a_dst1, b1, HEADS, HID, x.shape[0])
    h = jax.nn.relu(h)
    # dropout p=0.6 is identity in eval mode
    out = _gat_conv(h, src, dst, W2, a_src2, a_dst2, b2, 1, OUT, h.shape[0])
    return out

if __name__ == "__main__":
    import jax
    _d = setup_inputs()
    print(jax.jit(kernel)(*tuple(_d.values())))

</pallas_src>

<mosaic_0001>
#map = affine_map<(d0, d1) -> (0, 0)>
#map1 = affine_map<(d0, d1) -> (0, 0, 0)>
module attributes {stable_mosaic.version = 14 : i64} {
  func.func @k(%arg0: i32, %arg1: i32, %arg2: memref<10000x80xf32, #tpu.memory_space<hbm>>, %arg3: memref<10000x16xf32, #tpu.memory_space<hbm>>, %arg4: memref<4000x80xi32, #tpu.memory_space<hbm>>, %arg5: memref<4000x80xi32, #tpu.memory_space<hbm>>, %arg6: memref<625x80xf32, #tpu.memory_space<hbm>>, %arg7: memref<2x10000x80xf32, #tpu.memory_space<hbm>>, %arg8: memref<10000x80xf32, #tpu.memory_space<vmem_shared>>, %arg9: memref<25x80xi32, #tpu.memory_space<vmem>>, %arg10: memref<25x80xi32, #tpu.memory_space<vmem>>, %arg11: memref<80x80xf32, #tpu.memory_space<vmem>>, %arg12: memref<80x80xf32, #tpu.memory_space<vmem>>, %arg13: memref<80x16xf32, #tpu.memory_space<vmem>>, %arg14: memref<80x80xf32, #tpu.memory_space<vmem>>, %arg15: memref<80x80xf32, #tpu.memory_space<vmem>>, %arg16: memref<!tpu.dma_semaphore, #tpu.memory_space<semaphore_mem>>, %arg17: memref<!tpu.dma_semaphore, #tpu.memory_space<semaphore_mem>>, %arg18: memref<!tpu.dma_semaphore, #tpu.memory_space<semaphore_mem>>, %arg19: memref<!tpu.dma_semaphore, #tpu.memory_space<semaphore_mem>>, %arg20: memref<!tpu.dma_semaphore, #tpu.memory_space<semaphore_mem>>) attributes {dimension_semantics = [#tpu.dimension_semantics<core_parallel>, #tpu.dimension_semantics<subcore_parallel>], iteration_bounds = array<i64: 2, 16>, scalar_prefetch = 0 : i64, scratch_operands = 13 : i64, tpu.core_type = #tpu.core_type<sc_vector_subcore>, window_params = [{transform_indices = #map}, {transform_indices = #map}, {transform_indices = #map}, {transform_indices = #map}, {transform_indices = #map}, {transform_indices = #map1}]} {
    %mul3A = arith.constant 16 : i32
    %mul3A_0 = arith.muli %arg0, %mul3A : i32
    %add3A = arith.addi %mul3A_0, %arg1 : i32
    %mul3A_1 = arith.constant 625 : i32
    %mul3A_2 = arith.muli %arg1, %mul3A_1 : i32
    "tpu.region"() ({
      %run_scoped3A = tpu.sem_alloc : memref<!tpu.dma_semaphore, #tpu.memory_space<semaphore_mem>>
      %dma_start3A = arith.constant 0 : i32
      %dma_start3A_15 = tpu.memref_slice %arg8[%mul3A_2, %dma_start3A] : memref<10000x80xf32, #tpu.memory_space<vmem_shared>> -> memref<625x80xf32, #tpu.memory_space<vmem_shared>>
      tpu.enqueue_dma source(%arg6 : memref<625x80xf32, #tpu.memory_space<hbm>>) target(%dma_start3A_15 : memref<625x80xf32, #tpu.memory_space<vmem_shared>>) target_semaphore(%run_scoped3A : memref<!tpu.dma_semaphore, #tpu.memory_space<semaphore_mem>>)
      %dma_wait3A = arith.constant 0 : i32
      %dma_wait3A_16 = tpu.memref_slice %arg8[%mul3A_2, %dma_wait3A] : memref<10000x80xf32, #tpu.memory_space<vmem_shared>> -> memref<625x80xf32, #tpu.memory_space<vmem_shared>>
      tpu.wait_dma2 semaphore(%run_scoped3A : memref<!tpu.dma_semaphore, #tpu.memory_space<semaphore_mem>>) src(%arg6 : memref<625x80xf32, #tpu.memory_space<hbm>>) dst(%dma_wait3A_16 : memref<625x80xf32, #tpu.memory_space<vmem_shared>>)
      tpu.yield
    }) : () -> ()
    %barrier3A = arith.constant 0 : index
    tpu.barrier barrier_id(%barrier3A)
    %mul3A_3 = arith.constant 125 : i32
    %mul3A_4 = arith.muli %add3A, %mul3A_3 : i32
    %scan3A = arith.constant 0 : i32
    %scan3A_5 = arith.constant 0 : i32
    %scan3A_6 = arith.constant 5 : i32
    %scan3A_7 = arith.addi %scan3A_5, %scan3A_6 : i32
    %scan3A_8 = arith.constant 1 : i32
    scf.for %scan3A_15 = %scan3A_5 to %scan3A_7 step %scan3A_8  : i32 {
      %mul3A_16 = arith.constant 25 : i32
      %mul3A_17 = arith.muli %scan3A_15, %mul3A_16 : i32
      %add3A_18 = arith.addi %mul3A_4, %mul3A_17 : i32
      "tpu.region"() ({
        %run_scoped3A = tpu.sem_alloc : memref<!tpu.dma_semaphore, #tpu.memory_space<semaphore_mem>>
        %dma_start3A_160 = arith.constant 0 : i32
        %dma_start3A_161 = tpu.memref_slice %arg4[%add3A_18, %dma_start3A_160] : memref<4000x80xi32, #tpu.memory_space<hbm>> -> memref<25x80xi32, #tpu.memory_space<hbm>>
        %dma_start3A_162 = arith.constant 0 : i32
        %dma_start3A_163 = tpu.memref_slice %arg4[%add3A_18, %dma_start3A_162] : memref<4000x80xi32, #tpu.memory_space<hbm>> -> memref<25x80xi32, #tpu.memory_space<hbm>>
        tpu.enqueue_dma source(%dma_start3A_163 : memref<25x80xi32, #tpu.memory_space<hbm>>) target(%arg9 : memref<25x80xi32, #tpu.memory_space<vmem>>) target_semaphore(%run_scoped3A : memref<!tpu.dma_semaphore, #tpu.memory_space<semaphore_mem>>)
        %dma_wait3A_164 = arith.constant 0 : i32
        %dma_wait3A_165 = tpu.memref_slice %arg4[%add3A_18, %dma_wait3A_164] : memref<4000x80xi32, #tpu.memory_space<hbm>> -> memref<25x80xi32, #tpu.memory_space<hbm>>
        %dma_wait3A_166 = arith.constant 0 : i32
        %dma_wait3A_167 = tpu.memref_slice %arg4[%add3A_18, %dma_wait3A_166] : memref<4000x80xi32, #tpu.memory_space<hbm>> -> memref<25x80xi32, #tpu.memory_space<hbm>>
        tpu.wait_dma2 semaphore(%run_scoped3A : memref<!tpu.dma_semaphore, #tpu.memory_space<semaphore_mem>>) src(%dma_wait3A_167 : memref<25x80xi32, #tpu.memory_space<hbm>>) dst(%arg9 : memref<25x80xi32, #tpu.memory_space<vmem>>)
        tpu.yield
      }) : () -> ()
      %mul3A_19 = arith.constant 25 : i32
      %mul3A_20 = arith.muli %scan3A_15, %mul3A_19 : i32
      %add3A_21 = arith.addi %mul3A_4, %mul3A_20 : i32
      "tpu.region"() ({
        %run_scoped3A = tpu.sem_alloc : memref<!tpu.dma_semaphore, #tpu.memory_space<semaphore_mem>>
        %dma_start3A_160 = arith.constant 0 : i32
        %dma_start3A_161 = tpu.memref_slice %arg5[%add3A_21, %dma_start3A_160] : memref<4000x80xi32, #tpu.memory_space<hbm>> -> memref<25x80xi32, #tpu.memory_space<hbm>>
        %dma_start3A_162 = arith.constant 0 : i32
        %dma_start3A_163 = tpu.memref_slice %arg5[%add3A_21, %dma_start3A_162] : memref<4000x80xi32, #tpu.memory_space<hbm>> -> memref<25x80xi32, #tpu.memory_space<hbm>>
        tpu.enqueue_dma source(%dma_start3A_163 : memref<25x80xi32, #tpu.memory_space<hbm>>) target(%arg10 : memref<25x80xi32, #tpu.memory_space<vmem>>) target_semaphore(%run_scoped3A : memref<!tpu.dma_semaphore, #tpu.memory_space<semaphore_mem>>)
        %dma_wait3A_164 = arith.constant 0 : i32
        %dma_wait3A_165 = tpu.memref_slice %arg5[%add3A_21, %dma_wait3A_164] : memref<4000x80xi32, #tpu.memory_space<hbm>> -> memref<25x80xi32, #tpu.memory_space<hbm>>
        %dma_wait3A_166 = arith.constant 0 : i32
        %dma_wait3A_167 = tpu.memref_slice %arg5[%add3A_21, %dma_wait3A_166] : memref<4000x80xi32, #tpu.memory_space<hbm>> -> memref<25x80xi32, #tpu.memory_space<hbm>>
        tpu.wait_dma2 semaphore(%run_scoped3A : memref<!tpu.dma_semaphore, #tpu.memory_space<semaphore_mem>>) src(%dma_wait3A_167 : memref<25x80xi32, #tpu.memory_space<hbm>>) dst(%arg10 : memref<25x80xi32, #tpu.memory_space<vmem>>)
        tpu.yield
      }) : () -> ()
      %dma_start3A = arith.constant 0 : i32
      %dma_start3A_22 = arith.constant 0 : i32
      %dma_start3A_23 = tpu.memref_slice %arg9[%dma_start3A, %dma_start3A_22] : memref<25x80xi32, #tpu.memory_space<vmem>> -> memref<1x80xi32, #tpu.memory_space<vmem>>
      %dma_start3A_24 = tpu.memref_squeeze %dma_start3A_23 : memref<1x80xi32, #tpu.memory_space<vmem>> -> memref<80xi32, #tpu.memory_space<vmem>>
      %dma_start3A_25 = arith.constant 0 : i32
      %dma_start3A_26 = arith.constant 0 : i32
      %dma_start3A_27 = tpu.memref_slice %arg2[%dma_start3A_25, %dma_start3A_26] : memref<10000x80xf32, #tpu.memory_space<hbm>> -> memref<10000x80xf32, #tpu.memory_space<hbm>>
      tpu.enqueue_indirect_dma source(%dma_start3A_27 : memref<10000x80xf32, #tpu.memory_space<hbm>>) target(%arg11 : memref<80x80xf32, #tpu.memory_space<vmem>>) offsets(%dma_start3A_24 : memref<80xi32, #tpu.memory_space<vmem>>) semaphore(%arg16 : memref<!tpu.dma_semaphore, #tpu.memory_space<semaphore_mem>>)
      %dma_start3A_28 = arith.constant 0 : i32
      %dma_start3A_29 = arith.constant 0 : i32
      %dma_start3A_30 = tpu.memref_slice %arg10[%dma_start3A_28, %dma_start3A_29] : memref<25x80xi32, #tpu.memory_space<vmem>> -> memref<1x80xi32, #tpu.memory_space<vmem>>
      %dma_start3A_31 = tpu.memref_squeeze %dma_start3A_30 : memref<1x80xi32, #tpu.memory_space<vmem>> -> memref<80xi32, #tpu.memory_space<vmem>>
      %dma_start3A_32 = arith.constant 0 : i32
      %dma_start3A_33 = arith.constant 0 : i32
      %dma_start3A_34 = tpu.memref_slice %arg3[%dma_start3A_32, %dma_start3A_33] : memref<10000x16xf32, #tpu.memory_space<hbm>> -> memref<10000x16xf32, #tpu.memory_space<hbm>>
      tpu.enqueue_indirect_dma source(%dma_start3A_34 : memref<10000x16xf32, #tpu.memory_space<hbm>>) target(%arg13 : memref<80x16xf32, #tpu.memory_space<vmem>>) offsets(%dma_start3A_31 : memref<80xi32, #tpu.memory_space<vmem>>) semaphore(%arg18 : memref<!tpu.dma_semaphore, #tpu.memory_space<semaphore_mem>>)
      %dma_wait3A = arith.constant 0 : i32
      %dma_wait3A_35 = arith.constant 0 : i32
      %dma_wait3A_36 = tpu.memref_slice %arg9[%dma_wait3A, %dma_wait3A_35] : memref<25x80xi32, #tpu.memory_space<vmem>> -> memref<1x80xi32, #tpu.memory_space<vmem>>
      %dma_wait3A_37 = tpu.memref_squeeze %dma_wait3A_36 : memref<1x80xi32, #tpu.memory_space<vmem>> -> memref<80xi32, #tpu.memory_space<vmem>>
      %dma_wait3A_38 = arith.constant 0 : i32
      %dma_wait3A_39 = arith.constant 0 : i32
      %dma_wait3A_40 = tpu.memref_slice %arg2[%dma_wait3A_38, %dma_wait3A_39] : memref<10000x80xf32, #tpu.memory_space<hbm>> -> memref<10000x80xf32, #tpu.memory_space<hbm>>
      tpu.wait_indirect_dma semaphore(%arg16 : memref<!tpu.dma_semaphore, #tpu.memory_space<semaphore_mem>>) src(%dma_wait3A_40 : memref<10000x80xf32, #tpu.memory_space<hbm>>) dst(%arg11 : memref<80x80xf32, #tpu.memory_space<vmem>>)
      %dma_start3A_41 = arith.constant 1 : i32
      %dma_start3A_42 = arith.constant 0 : i32
      %dma_start3A_43 = tpu.memref_slice %arg9[%dma_start3A_41, %dma_start3A_42] : memref<25x80xi32, #tpu.memory_space<vmem>> -> memref<1x80xi32, #tpu.memory_space<vmem>>
      %dma_start3A_44 = tpu.memref_squeeze %dma_start3A_43 : memref<1x80xi32, #tpu.memory_space<vmem>> -> memref<80xi32, #tpu.memory_space<vmem>>
      %dma_start3A_45 = arith.constant 0 : i32
      %dma_start3A_46 = arith.constant 0 : i32
      %dma_start3A_47 = tpu.memref_slice %arg2[%dma_start3A_45, %dma_start3A_46] : memref<10000x80xf32, #tpu.memory_space<hbm>> -> memref<10000x80xf32, #tpu.memory_space<hbm>>
      tpu.enqueue_indirect_dma source(%dma_start3A_47 : memref<10000x80xf32, #tpu.memory_space<hbm>>) target(%arg12 : memref<80x80xf32, #tpu.memory_space<vmem>>) offsets(%dma_start3A_44 : memref<80xi32, #tpu.memory_space<vmem>>) semaphore(%arg17 : memref<!tpu.dma_semaphore, #tpu.memory_space<semaphore_mem>>)
      %dma_wait3A_48 = arith.constant 0 : i32
      %dma_wait3A_49 = arith.constant 0 : i32
      %dma_wait3A_50 = tpu.memref_slice %arg10[%dma_wait3A_48, %dma_wait3A_49] : memref<25x80xi32, #tpu.memory_space<vmem>> -> memref<1x80xi32, #tpu.memory_space<vmem>>
      %dma_wait3A_51 = tpu.memref_squeeze %dma_wait3A_50 : memref<1x80xi32, #tpu.memory_space<vmem>> -> memref<80xi32, #tpu.memory_space<vmem>>
      %dma_wait3A_52 = arith.constant 0 : i32
      %dma_wait3A_53 = arith.constant 0 : i32
      %dma_wait3A_54 = tpu.memref_slice %arg3[%dma_wait3A_52, %dma_wait3A_53] : memref<10000x16xf32, #tpu.memory_space<hbm>> -> memref<10000x16xf32, #tpu.memory_space<hbm>>
      tpu.wait_indirect_dma semaphore(%arg18 : memref<!tpu.dma_semaphore, #tpu.memory_space<semaphore_mem>>) src(%dma_wait3A_54 : memref<10000x16xf32, #tpu.memory_space<hbm>>) dst(%arg13 : memref<80x16xf32, #tpu.memory_space<vmem>>)
      %parallel_loop3A = arith.constant 0 : i32
      %parallel_loop3A_55 = arith.constant 80 : i32
      %parallel_loop3A_56 = arith.constant 1 : i32
      scf.for %parallel_loop3A_160 = %parallel_loop3A to %parallel_loop3A_55 step %parallel_loop3A_56  : i32 {
        %parallel_loop3A_161 = arith.index_cast %parallel_loop3A_160 : i32 to index
        %parallel_loop3A_162 = arith.constant 0 : index
        %parallel_loop3A_163 = tpu.vector_load %arg11[%parallel_loop3A_161, %parallel_loop3A_162] {strides = array<i32>} : memref<80x80xf32, #tpu.memory_space<vmem>>, vector<1x16xf32>,
        %parallel_loop3A_164 = vector.shape_cast %parallel_loop3A_163 : vector<1x16xf32> to vector<16xf32>
        %parallel_loop3A_165 = arith.index_cast %parallel_loop3A_160 : i32 to index
        %parallel_loop3A_166 = arith.constant 0 : index
        %parallel_loop3A_167 = tpu.vector_load %arg13[%parallel_loop3A_165, %parallel_loop3A_166] {strides = array<i32>} : memref<80x16xf32, #tpu.memory_space<vmem>>, vector<1x16xf32>,
        %parallel_loop3A_168 = vector.shape_cast %parallel_loop3A_167 : vector<1x16xf32> to vector<16xf32>
        %parallel_loop3A_169 = arith.addf %parallel_loop3A_164, %parallel_loop3A_168 : vector<16xf32>
        %parallel_loop3A_170 = arith.constant 0.000000e+00 : f32
        %parallel_loop3A_171 = vector.broadcast %parallel_loop3A_170 : f32 to vector<16xf32>
        %parallel_loop3A_172 = arith.cmpf oge, %parallel_loop3A_169, %parallel_loop3A_171 : vector<16xf32>
        %parallel_loop3A_173 = arith.constant 2.000000e-01 : f32
        %parallel_loop3A_174 = vector.broadcast %parallel_loop3A_173 : f32 to vector<16xf32>
        %parallel_loop3A_175 = arith.mulf %parallel_loop3A_169, %parallel_loop3A_174 : vector<16xf32>
        %parallel_loop3A_176 = arith.select %parallel_loop3A_172, %parallel_loop3A_169, %parallel_loop3A_175 : vector<16xi1>, vector<16xf32>
        %parallel_loop3A_177 = math.exp %parallel_loop3A_176 : vector<16xf32>
        %parallel_loop3A_178 = arith.index_cast %parallel_loop3A_160 : i32 to index
        %parallel_loop3A_179 = arith.constant 0 : index
        %parallel_loop3A_180 = tpu.vector_load %arg14[%parallel_loop3A_178, %parallel_loop3A_179] {strides = array<i32>} : memref<80x80xf32, #tpu.memory_space<vmem>>, vector<1x16xf32>,
        %parallel_loop3A_181 = vector.shape_cast %parallel_loop3A_180 : vector<1x16xf32> to vector<16xf32>
        %parallel_loop3A_182 = vector.shape_cast %parallel_loop3A_177 : vector<16xf32> to vector<1x16xf32>
        tpu.vector_store %arg14[%parallel_loop3A_178, %parallel_loop3A_179], %parallel_loop3A_182 {strides = array<i32>} : memref<80x80xf32, #tpu.memory_space<vmem>>, vector<1x16xf32>,
        %parallel_loop3A_183 = arith.constant 0 : i32
        %parallel_loop3A_184 = vector.broadcast %parallel_loop3A_183 : i32 to vector<16x1xi32>
        %parallel_loop3A_185 = vector.shape_cast %parallel_loop3A_184 : vector<16x1xi32> to vector<16xi32>
        %parallel_loop3A_186 = tpu.dynamic_gather %parallel_loop3A_177[%parallel_loop3A_185] in [0] : vector<16xf32>, vector<16xi32> -> vector<16xf32>
        %parallel_loop3A_187 = arith.index_cast %parallel_loop3A_160 : i32 to index
        %parallel_loop3A_188 = arith.constant 16 : index
        %parallel_loop3A_189 = tpu.vector_load %arg11[%parallel_loop3A_187, %parallel_loop3A_188] {strides = array<i32>} : memref<80x80xf32, #tpu.memory_space<vmem>>, vector<1x16xf32>,
        %parallel_loop3A_190 = vector.shape_cast %parallel_loop3A_189 : vector<1x16xf32> to vector<16xf32>
        %parallel_loop3A_191 = arith.mulf %parallel_loop3A_190, %parallel_loop3A_186 : vector<16xf32>
        %parallel_loop3A_192 = arith.index_cast %parallel_loop3A_160 : i32 to index
        %parallel_loop3A_193 = arith.constant 16 : index
        %parallel_loop3A_194 = tpu.vector_load %arg14[%parallel_loop3A_192, %parallel_loop3A_193] {strides = array<i32>} : memref<80x80xf32, #tpu.memory_space<vmem>>, vector<1x16xf32>,
        %parallel_loop3A_195 = vector.shape_cast %parallel_loop3A_194 : vector<1x16xf32> to vector<16xf32>
        %parallel_loop3A_196 = vector.shape_cast %parallel_loop3A_191 : vector<16xf32> to vector<1x16xf32>
        tpu.vector_store %arg14[%parallel_loop3A_192, %parallel_loop3A_193], %parallel_loop3A_196 {strides = array<i32>} : memref<80x80xf32, #tpu.memory_space<vmem>>, vector<1x16xf32>,
        %parallel_loop3A_197 = arith.constant 0 : i32
        %parallel_loop3A_198 = vector.broadcast %parallel_loop3A_197 : i32 to vector<16x1xi32>
        %parallel_loop3A_199 = vector.shape_cast %parallel_loop3A_198 : vector<16x1xi32> to vector<16xi32>
        %parallel_loop3A_200 = tpu.dynamic_gather %parallel_loop3A_177[%parallel_loop3A_199] in [0] : vector<16xf32>, vector<16xi32> -> vector<16xf32>
        %parallel_loop3A_201 = arith.index_cast %parallel_loop3A_160 : i32 to index
        %parallel_loop3A_202 = arith.constant 32 : index
        %parallel_loop3A_203 = tpu.vector_load %arg11[%parallel_loop3A_201, %parallel_loop3A_202] {strides = array<i32>} : memref<80x80xf32, #tpu.memory_space<vmem>>, vector<1x16xf32>,
        %parallel_loop3A_204 = vector.shape_cast %parallel_loop3A_203 : vector<1x16xf32> to vector<16xf32>
        %parallel_loop3A_205 = arith.mulf %parallel_loop3A_204, %parallel_loop3A_200 : vector<16xf32>
        %parallel_loop3A_206 = arith.index_cast %parallel_loop3A_160 : i32 to index
        %parallel_loop3A_207 = arith.constant 32 : index
        %parallel_loop3A_208 = tpu.vector_load %arg14[%parallel_loop3A_206, %parallel_loop3A_207] {strides = array<i32>} : memref<80x80xf32, #tpu.memory_space<vmem>>, vector<1x16xf32>,
        %parallel_loop3A_209 = vector.shape_cast %parallel_loop3A_208 : vector<1x16xf32> to vector<16xf32>
        %parallel_loop3A_210 = vector.shape_cast %parallel_loop3A_205 : vector<16xf32> to vector<1x16xf32>
        tpu.vector_store %arg14[%parallel_loop3A_206, %parallel_loop3A_207], %parallel_loop3A_210 {strides = array<i32>} : memref<80x80xf32, #tpu.memory_space<vmem>>, vector<1x16xf32>,
        %parallel_loop3A_211 = arith.constant 0 : i32
        %parallel_loop3A_212 = vector.broadcast %parallel_loop3A_211 : i32 to vector<16x1xi32>
        %parallel_loop3A_213 = vector.shape_cast %parallel_loop3A_212 : vector<16x1xi32> to vector<16xi32>
        %parallel_loop3A_214 = tpu.dynamic_gather %parallel_loop3A_177[%parallel_loop3A_213] in [0] : vector<16xf32>, vector<16xi32> -> vector<16xf32>
        %parallel_loop3A_215 = arith.index_cast %parallel_loop3A_160 : i32 to index
        %parallel_loop3A_216 = arith.constant 48 : index
        %parallel_loop3A_217 = tpu.vector_load %arg11[%parallel_loop3A_215, %parallel_loop3A_216] {strides = array<i32>} : memref<80x80xf32, #tpu.memory_space<vmem>>, vector<1x16xf32>,
        %parallel_loop3A_218 = vector.shape_cast %parallel_loop3A_217 : vector<1x16xf32> to vector<16xf32>
        %parallel_loop3A_219 = arith.mulf %parallel_loop3A_218, %parallel_loop3A_214 : vector<16xf32>
        %parallel_loop3A_220 = arith.index_cast %parallel_loop3A_160 : i32 to index
        %parallel_loop3A_221 = arith.constant 48 : index
        %parallel_loop3A_222 = tpu.vector_load %arg14[%parallel_loop3A_220, %parallel_loop3A_221] {strides = array<i32>} : memref<80x80xf32, #tpu.memory_space<vmem>>, vector<1x16xf32>,
        %parallel_loop3A_223 = vector.shape_cast %parallel_loop3A_222 : vector<1x16xf32> to vector<16xf32>
        %parallel_loop3A_224 = vector.shape_cast %parallel_loop3A_219 : vector<16xf32> to vector<1x16xf32>
        tpu.vector_store %arg14[%parallel_loop3A_220, %parallel_loop3A_221], %parallel_loop3A_224 {strides = array<i32>} : memref<80x80xf32, #tpu.memory_space<vmem>>, vector<1x16xf32>,
        %parallel_loop3A_225 = arith.constant 0 : i32
        %parallel_loop3A_226 = vector.broadcast %parallel_loop3A_225 : i32 to vector<16x1xi32>
        %parallel_loop3A_227 = vector.shape_cast %parallel_loop3A_226 : vector<16x1xi32> to vector<16xi32>
        %parallel_loop3A_228 = tpu.dynamic_gather %parallel_loop3A_177[%parallel_loop3A_227] in [0] : vector<16xf32>, vector<16xi32> -> vector<16xf32>
        %parallel_loop3A_229 = arith.index_cast %parallel_loop3A_160 : i32 to index
        %parallel_loop3A_230 = arith.constant 64 : index
        %parallel_loop3A_231 = tpu.vector_load %arg11[%parallel_loop3A_229, %parallel_loop3A_230] {strides = array<i32>} : memref<80x80xf32, #tpu.memory_space<vmem>>, vector<1x16xf32>,
        %parallel_loop3A_232 = vector.shape_cast %parallel_loop3A_231 : vector<1x16xf32> to vector<16xf32>
        %parallel_loop3A_233 = arith.mulf %parallel_loop3A_232, %parallel_loop3A_228 : vector<16xf32>
        %parallel_loop3A_234 = arith.index_cast %parallel_loop3A_160 : i32 to index
        %parallel_loop3A_235 = arith.constant 64 : index
        %parallel_loop3A_236 = tpu.vector_load %arg14[%parallel_loop3A_234, %parallel_loop3A_235] {strides = array<i32>} : memref<80x80xf32, #tpu.memory_space<vmem>>, vector<1x16xf32>,
        %parallel_loop3A_237 = vector.shape_cast %parallel_loop3A_236 : vector<1x16xf32> to vector<16xf32>
        %parallel_loop3A_238 = vector.shape_cast %parallel_loop3A_233 : vector<16xf32> to vector<1x16xf32>
        tpu.vector_store %arg14[%parallel_loop3A_234, %parallel_loop3A_235], %parallel_loop3A_238 {strides = array<i32>} : memref<80x80xf32, #tpu.memory_space<vmem>>, vector<1x16xf32>,
      } {sc.loop_unroll_factor = 1 : i64, sc.parallel_access}
      %dma_start3A_57 = arith.constant 1 : i32
      %dma_start3A_58 = arith.constant 0 : i32
      %dma_start3A_59 = tpu.memref_slice %arg10[%dma_start3A_57, %dma_start3A_58] : memref<25x80xi32, #tpu.memory_space<vmem>> -> memref<1x80xi32, #tpu.memory_space<vmem>>
      %dma_start3A_60 = tpu.memref_squeeze %dma_start3A_59 : memref<1x80xi32, #tpu.memory_space<vmem>> -> memref<80xi32, #tpu.memory_space<vmem>>
      %dma_start3A_61 = arith.constant 0 : i32
      %dma_start3A_62 = arith.constant 0 : i32
      %dma_start3A_63 = tpu.memref_slice %arg3[%dma_start3A_61, %dma_start3A_62] : memref<10000x16xf32, #tpu.memory_space<hbm>> -> memref<10000x16xf32, #tpu.memory_space<hbm>>
      tpu.enqueue_indirect_dma source(%dma_start3A_63 : memref<10000x16xf32, #tpu.memory_space<hbm>>) target(%arg13 : memref<80x16xf32, #tpu.memory_space<vmem>>) offsets(%dma_start3A_60 : memref<80xi32, #tpu.memory_space<vmem>>) semaphore(%arg18 : memref<!tpu.dma_semaphore, #tpu.memory_space<semaphore_mem>>)
      %dma_start3A_64 = arith.constant 0 : i32
      %dma_start3A_65 = arith.constant 0 : i32
      %dma_start3A_66 = tpu.memref_slice %arg10[%dma_start3A_64, %dma_start3A_65] : memref<25x80xi32, #tpu.memory_space<vmem>> -> memref<1x80xi32, #tpu.memory_space<vmem>>
      %dma_start3A_67 = tpu.memref_squeeze %dma_start3A_66 : memref<1x80xi32, #tpu.memory_space<vmem>> -> memref<80xi32, #tpu.memory_space<vmem>>
      %dma_start3A_68 = arith.constant 0 : i32
      %dma_start3A_69 = arith.constant 0 : i32
      %dma_start3A_70 = tpu.memref_slice %arg8[%dma_start3A_68, %dma_start3A_69] : memref<10000x80xf32, #tpu.memory_space<vmem_shared>> -> memref<10000x80xf32, #tpu.memory_space<vmem_shared>>
      tpu.enqueue_indirect_dma source(%arg14 : memref<80x80xf32, #tpu.memory_space<vmem>>) target(%dma_start3A_70 : memref<10000x80xf32, #tpu.memory_space<vmem_shared>>) offsets(%dma_start3A_67 : memref<80xi32, #tpu.memory_space<vmem>>) semaphore(%arg19 : memref<!tpu.dma_semaphore, #tpu.memory_space<semaphore_mem>>) {add = true}
      %dma_wait3A_71 = arith.constant 1 : i32
      %dma_wait3A_72 = arith.constant 0 : i32
      %dma_wait3A_73 = tpu.memref_slice %arg9[%dma_wait3A_71, %dma_wait3A_72] : memref<25x80xi32, #tpu.memory_space<vmem>> -> memref<1x80xi32, #tpu.memory_space<vmem>>
      %dma_wait3A_74 = tpu.memref_squeeze %dma_wait3A_73 : memref<1x80xi32, #tpu.memory_space<vmem>> -> memref<80xi32, #tpu.memory_space<vmem>>
      %dma_wait3A_75 = arith.constant 0 : i32
      %dma_wait3A_76 = arith.constant 0 : i32
      %dma_wait3A_77 = tpu.memref_slice %arg2[%dma_wait3A_75, %dma_wait3A_76] : memref<10000x80xf32, #tpu.memory_space<hbm>> -> memref<10000x80xf32, #tpu.memory_space<hbm>>
      tpu.wait_indirect_dma semaphore(%arg17 : memref<!tpu.dma_semaphore, #tpu.memory_space<semaphore_mem>>) src(%dma_wait3A_77 : memref<10000x80xf32, #tpu.memory_space<hbm>>) dst(%arg12 : memref<80x80xf32, #tpu.memory_space<vmem>>)
      %dma_start3A_78 = arith.constant 2 : i32
      %dma_start3A_79 = arith.constant 0 : i32
      %dma_start3A_80 = tpu.memref_slice %arg9[%dma_start3A_78, %dma_start3A_79] : memref<25x80xi32, #tpu.memory_space<vmem>> -> memref<1x80xi32, #tpu.memory_space<vmem>>
      %dma_start3A_81 = tpu.memref_squeeze %dma_start3A_80 : memref<1x80xi32, #tpu.memory_space<vmem>> -> memref<80xi32, #tpu.memory_space<vmem>>
      %dma_start3A_82 = arith.constant 0 : i32
      %dma_start3A_83 = arith.constant 0 : i32
      %dma_start3A_84 = tpu.memref_slice %arg2[%dma_start3A_82, %dma_start3A_83] : memref<10000x80xf32, #tpu.memory_space<hbm>> -> memref<10000x80xf32, #tpu.memory_space<hbm>>
      tpu.enqueue_indirect_dma source(%dma_start3A_84 : memref<10000x80xf32, #tpu.memory_space<hbm>>) target(%arg11 : memref<80x80xf32, #tpu.memory_space<vmem>>) offsets(%dma_start3A_81 : memref<80xi32, #tpu.memory_space<vmem>>) semaphore(%arg16 : memref<!tpu.dma_semaphore, #tpu.memory_space<semaphore_mem>>)
      %dma_wait3A_85 = arith.constant 1 : i32
      %dma_wait3A_86 = arith.constant 0 : i32
      %dma_wait3A_87 = tpu.memref_slice %arg10[%dma_wait3A_85, %dma_wait3A_86] : memref<25x80xi32, #tpu.memory_space<vmem>> -> memref<1x80xi32, #tpu.memory_space<vmem>>
      %dma_wait3A_88 = tpu.memref_squeeze %dma_wait3A_87 : memref<1x80xi32, #tpu.memory_space<vmem>> -> memref<80xi32, #tpu.memory_space<vmem>>
      %dma_wait3A_89 = arith.constant 0 : i32
      %dma_wait3A_90 = arith.constant 0 : i32
      %dma_wait3A_91 = tpu.memref_slice %arg3[%dma_wait3A_89, %dma_wait3A_90] : memref<10000x16xf32, #tpu.memory_space<hbm>> -> memref<10000x16xf32, #tpu.memory_space<hbm>>
      tpu.wait_indirect_dma semaphore(%arg18 : memref<!tpu.dma_semaphore, #tpu.memory_space<semaphore_mem>>) src(%dma_wait3A_91 : memref<10000x16xf32, #tpu.memory_space<hbm>>) dst(%arg13 : memref<80x16xf32, #tpu.memory_space<vmem>>)
      %parallel_loop3A_92 = arith.constant 0 : i32
      %parallel_loop3A_93 = arith.constant 80 : i32
      %parallel_loop3A_94 = arith.constant 1 : i32
      scf.for %parallel_loop3A_160 = %parallel_loop3A_92 to %parallel_loop3A_93 step %parallel_loop3A_94  : i32 {
        %parallel_loop3A_161 = arith.index_cast %parallel_loop3A_160 : i32 to index
        %parallel_loop3A_162 = arith.constant 0 : index
        %parallel_loop3A_163 = tpu.vector_load %arg12[%parallel_loop3A_161, %parallel_loop3A_162] {strides = array<i32>} : memref<80x80xf32, #tpu.memory_space<vmem>>, vector<1x16xf32>,
        %parallel_loop3A_164 = vector.shape_cast %parallel_loop3A_163 : vector<1x16xf32> to vector<16xf32>
        %parallel_loop3A_165 = arith.index_cast %parallel_loop3A_160 : i32 to index
        %parallel_loop3A_166 = arith.constant 0 : index
        %parallel_loop3A_167 = tpu.vector_load %arg13[%parallel_loop3A_165, %parallel_loop3A_166] {strides = array<i32>} : memref<80x16xf32, #tpu.memory_space<vmem>>, vector<1x16xf32>,
        %parallel_loop3A_168 = vector.shape_cast %parallel_loop3A_167 : vector<1x16xf32> to vector<16xf32>
        %parallel_loop3A_169 = arith.addf %parallel_loop3A_164, %parallel_loop3A_168 : vector<16xf32>
        %parallel_loop3A_170 = arith.constant 0.000000e+00 : f32
        %parallel_loop3A_171 = vector.broadcast %parallel_loop3A_170 : f32 to vector<16xf32>
        %parallel_loop3A_172 = arith.cmpf oge, %parallel_loop3A_169, %parallel_loop3A_171 : vector<16xf32>
        %parallel_loop3A_173 = arith.constant 2.000000e-01 : f32
        %parallel_loop3A_174 = vector.broadcast %parallel_loop3A_173 : f32 to vector<16xf32>
        %parallel_loop3A_175 = arith.mulf %parallel_loop3A_169, %parallel_loop3A_174 : vector<16xf32>
        %parallel_loop3A_176 = arith.select %parallel_loop3A_172, %parallel_loop3A_169, %parallel_loop3A_175 : vector<16xi1>, vector<16xf32>
        %parallel_loop3A_177 = math.exp %parallel_loop3A_176 : vector<16xf32>
        %parallel_loop3A_178 = arith.index_cast %parallel_loop3A_160 : i32 to index
        %parallel_loop3A_179 = arith.constant 0 : index
        %parallel_loop3A_180 = tpu.vector_load %arg15[%parallel_loop3A_178, %parallel_loop3A_179] {strides = array<i32>} : memref<80x80xf32, #tpu.memory_space<vmem>>, vector<1x16xf32>,
        %parallel_loop3A_181 = vector.shape_cast %parallel_loop3A_180 : vector<1x16xf32> to vector<16xf32>
        %parallel_loop3A_182 = vector.shape_cast %parallel_loop3A_177 : vector<16xf32> to vector<1x16xf32>
        tpu.vector_store %arg15[%parallel_loop3A_178, %parallel_loop3A_179], %parallel_loop3A_182 {strides = array<i32>} : memref<80x80xf32, #tpu.memory_space<vmem>>, vector<1x16xf32>,
        %parallel_loop3A_183 = arith.constant 0 : i32
        %parallel_loop3A_184 = vector.broadcast %parallel_loop3A_183 : i32 to vector<16x1xi32>
        %parallel_loop3A_185 = vector.shape_cast %parallel_loop3A_184 : vector<16x1xi32> to vector<16xi32>
        %parallel_loop3A_186 = tpu.dynamic_gather %parallel_loop3A_177[%parallel_loop3A_185] in [0] : vector<16xf32>, vector<16xi32> -> vector<16xf32>
        %parallel_loop3A_187 = arith.index_cast %parallel_loop3A_160 : i32 to index
        %parallel_loop3A_188 = arith.constant 16 : index
        %parallel_loop3A_189 = tpu.vector_load %arg12[%parallel_loop3A_187, %parallel_loop3A_188] {strides = array<i32>} : memref<80x80xf32, #tpu.memory_space<vmem>>, vector<1x16xf32>,
        %parallel_loop3A_190 = vector.shape_cast %parallel_loop3A_189 : vector<1x16xf32> to vector<16xf32>
        %parallel_loop3A_191 = arith.mulf %parallel_loop3A_190, %parallel_loop3A_186 : vector<16xf32>
        %parallel_loop3A_192 = arith.index_cast %parallel_loop3A_160 : i32 to index
        %parallel_loop3A_193 = arith.constant 16 : index
        %parallel_loop3A_194 = tpu.vector_load %arg15[%parallel_loop3A_192, %parallel_loop3A_193] {strides = array<i32>} : memref<80x80xf32, #tpu.memory_space<vmem>>, vector<1x16xf32>,
        %parallel_loop3A_195 = vector.shape_cast %parallel_loop3A_194 : vector<1x16xf32> to vector<16xf32>
        %parallel_loop3A_196 = vector.shape_cast %parallel_loop3A_191 : vector<16xf32> to vector<1x16xf32>
        tpu.vector_store %arg15[%parallel_loop3A_192, %parallel_loop3A_193], %parallel_loop3A_196 {strides = array<i32>} : memref<80x80xf32, #tpu.memory_space<vmem>>, vector<1x16xf32>,
        %parallel_loop3A_197 = arith.constant 0 : i32
        %parallel_loop3A_198 = vector.broadcast %parallel_loop3A_197 : i32 to vector<16x1xi32>
        %parallel_loop3A_199 = vector.shape_cast %parallel_loop3A_198 : vector<16x1xi32> to vector<16xi32>
        %parallel_loop3A_200 = tpu.dynamic_gather %parallel_loop3A_177[%parallel_loop3A_199] in [0] : vector<16xf32>, vector<16xi32> -> vector<16xf32>
        %parallel_loop3A_201 = arith.index_cast %parallel_loop3A_160 : i32 to index
        %parallel_loop3A_202 = arith.constant 32 : index
        %parallel_loop3A_203 = tpu.vector_load %arg12[%parallel_loop3A_201, %parallel_loop3A_202] {strides = array<i32>} : memref<80x80xf32, #tpu.memory_space<vmem>>, vector<1x16xf32>,
        %parallel_loop3A_204 = vector.shape_cast %parallel_loop3A_203 : vector<1x16xf32> to vector<16xf32>
        %parallel_loop3A_205 = arith.mulf %parallel_loop3A_204, %parallel_loop3A_200 : vector<16xf32>
        %parallel_loop3A_206 = arith.index_cast %parallel_loop3A_160 : i32 to index
        %parallel_loop3A_207 = arith.constant 32 : index
        %parallel_loop3A_208 = tpu.vector_load %arg15[%parallel_loop3A_206, %parallel_loop3A_207] {strides = array<i32>} : memref<80x80xf32, #tpu.memory_space<vmem>>, vector<1x16xf32>,
        %parallel_loop3A_209 = vector.shape_cast %parallel_loop3A_208 : vector<1x16xf32> to vector<16xf32>
        %parallel_loop3A_210 = vector.shape_cast %parallel_loop3A_205 : vector<16xf32> to vector<1x16xf32>
        tpu.vector_store %arg15[%parallel_loop3A_206, %parallel_loop3A_207], %parallel_loop3A_210 {strides = array<i32>} : memref<80x80xf32, #tpu.memory_space<vmem>>, vector<1x16xf32>,
        %parallel_loop3A_211 = arith.constant 0 : i32
        %parallel_loop3A_212 = vector.broadcast %parallel_loop3A_211 : i32 to vector<16x1xi32>
        %parallel_loop3A_213 = vector.shape_cast %parallel_loop3A_212 : vector<16x1xi32> to vector<16xi32>
        %parallel_loop3A_214 = tpu.dynamic_gather %parallel_loop3A_177[%parallel_loop3A_213] in [0] : vector<16xf32>, vector<16xi32> -> vector<16xf32>
        %parallel_loop3A_215 = arith.index_cast %parallel_loop3A_160 : i32 to index
        %parallel_loop3A_216 = arith.constant 48 : index
        %parallel_loop3A_217 = tpu.vector_load %arg12[%parallel_loop3A_215, %parallel_loop3A_216] {strides = array<i32>} : memref<80x80xf32, #tpu.memory_space<vmem>>, vector<1x16xf32>,
        %parallel_loop3A_218 = vector.shape_cast %parallel_loop3A_217 : vector<1x16xf32> to vector<16xf32>
        %parallel_loop3A_219 = arith.mulf %parallel_loop3A_218, %parallel_loop3A_214 : vector<16xf32>
        %parallel_loop3A_220 = arith.index_cast %parallel_loop3A_160 : i32 to index
        %parallel_loop3A_221 = arith.constant 48 : index
        %parallel_loop3A_222 = tpu.vector_load %arg15[%parallel_loop3A_220, %parallel_loop3A_221] {strides = array<i32>} : memref<80x80xf32, #tpu.memory_space<vmem>>, vector<1x16xf32>,
        %parallel_loop3A_223 = vector.shape_cast %parallel_loop3A_222 : vector<1x16xf32> to vector<16xf32>
        %parallel_loop3A_224 = vector.shape_cast %parallel_loop3A_219 : vector<16xf32> to vector<1x16xf32>
        tpu.vector_store %arg15[%parallel_loop3A_220, %parallel_loop3A_221], %parallel_loop3A_224 {strides = array<i32>} : memref<80x80xf32, #tpu.memory_space<vmem>>, vector<1x16xf32>,
        %parallel_loop3A_225 = arith.constant 0 : i32
        %parallel_loop3A_226 = vector.broadcast %parallel_loop3A_225 : i32 to vector<16x1xi32>
        %parallel_loop3A_227 = vector.shape_cast %parallel_loop3A_226 : vector<16x1xi32> to vector<16xi32>
        %parallel_loop3A_228 = tpu.dynamic_gather %parallel_loop3A_177[%parallel_loop3A_227] in [0] : vector<16xf32>, vector<16xi32> -> vector<16xf32>
        %parallel_loop3A_229 = arith.index_cast %parallel_loop3A_160 : i32 to index
        %parallel_loop3A_230 = arith.constant 64 : index
        %parallel_loop3A_231 = tpu.vector_load %arg12[%parallel_loop3A_229, %parallel_loop3A_230] {strides = array<i32>} : memref<80x80xf32, #tpu.memory_space<vmem>>, vector<1x16xf32>,
        %parallel_loop3A_232 = vector.shape_cast %parallel_loop3A_231 : vector<1x16xf32> to vector<16xf32>
        %parallel_loop3A_233 = arith.mulf %parallel_loop3A_232, %parallel_loop3A_228 : vector<16xf32>
        %parallel_loop3A_234 = arith.index_cast %parallel_loop3A_160 : i32 to index
        %parallel_loop3A_235 = arith.constant 64 : index
        %parallel_loop3A_236 = tpu.vector_load %arg15[%parallel_loop3A_234, %parallel_loop3A_235] {strides = array<i32>} : memref<80x80xf32, #tpu.memory_space<vmem>>, vector<1x16xf32>,
        %parallel_loop3A_237 = vector.shape_cast %parallel_loop3A_236 : vector<1x16xf32> to vector<16xf32>
        %parallel_loop3A_238 = vector.shape_cast %parallel_loop3A_233 : vector<16xf32> to vector<1x16xf32>
        tpu.vector_store %arg15[%parallel_loop3A_234, %parallel_loop3A_235], %parallel_loop3A_238 {strides = array<i32>} : memref<80x80xf32, #tpu.memory_space<vmem>>, vector<1x16xf32>,
      } {sc.loop_unroll_factor = 1 : i64, sc.parallel_access}
      %dma_start3A_95 = arith.constant 2 : i32
      %dma_start3A_96 = arith.constant 0 : i32
      %dma_start3A_97 = tpu.memref_slice %arg10[%dma_start3A_95, %dma_start3A_96] : memref<25x80xi32, #tpu.memory_space<vmem>> -> memref<1x80xi32, #tpu.memory_space<vmem>>
      %dma_start3A_98 = tpu.memref_squeeze %dma_start3A_97 : memref<1x80xi32, #tpu.memory_space<vmem>> -> memref<80xi32, #tpu.memory_space<vmem>>
      %dma_start3A_99 = arith.constant 0 : i32
      %dma_start3A_100 = arith.constant 0 : i32
      %dma_start3A_101 = tpu.memref_slice %arg3[%dma_start3A_99, %dma_start3A_100] : memref<10000x16xf32, #tpu.memory_space<hbm>> -> memref<10000x16xf32, #tpu.memory_space<hbm>>
      tpu.enqueue_indirect_dma source(%dma_start3A_101 : memref<10000x16xf32, #tpu.memory_space<hbm>>) target(%arg13 : memref<80x16xf32, #tpu.memory_space<vmem>>) offsets(%dma_start3A_98 : memref<80xi32, #tpu.memory_space<vmem>>) semaphore(%arg18 : memref<!tpu.dma_semaphore, #tpu.memory_space<semaphore_mem>>)
      %dma_start3A_102 = arith.constant 1 : i32
      %dma_start3A_103 = arith.constant 0 : i32
      %dma_start3A_104 = tpu.memref_slice %arg10[%dma_start3A_102, %dma_start3A_103] : memref<25x80xi32, #tpu.memory_space<vmem>> -> memref<1x80xi32, #tpu.memory_space<vmem>>
      %dma_start3A_105 = tpu.memref_squeeze %dma_start3A_104 : memref<1x80xi32, #tpu.memory_space<vmem>> -> memref<80xi32, #tpu.memory_space<vmem>>
      %dma_start3A_106 = arith.constant 0 : i32
      %dma_start3A_107 = arith.constant 0 : i32
      %dma_start3A_108 = tpu.memref_slice %arg8[%dma_start3A_106, %dma_start3A_107] : memref<10000x80xf32, #tpu.memory_space<vmem_shared>> -> memref<10000x80xf32, #tpu.memory_space<vmem_shared>>
      tpu.enqueue_indirect_dma source(%arg15 : memref<80x80xf32, #tpu.memory_space<vmem>>) target(%dma_start3A_108 : memref<10000x80xf32, #tpu.memory_space<vmem_shared>>) offsets(%dma_start3A_105 : memref<80xi32, #tpu.memory_space<vmem>>) semaphore(%arg20 : memref<!tpu.dma_semaphore, #tpu.memory_space<semaphore_mem>>) {add = true}
      %scan3A_109 = arith.constant 0 : i32
      %scan3A_110 = arith.constant 0 : i32
      %scan3A_111 = arith.constant 11 : i32
      %scan3A_112 = arith.addi %scan3A_110, %scan3A_111 : i32
      %scan3A_113 = arith.constant 1 : i32
      scf.for %scan3A_160 = %scan3A_110 to %scan3A_112 step %scan3A_113  : i32 {
        %mul3A_161 = arith.constant 2 : i32
        %mul3A_162 = arith.muli %mul3A_161, %scan3A_160 : i32
        %add3A_163 = arith.constant 2 : i32
        %add3A_164 = arith.addi %mul3A_162, %add3A_163 : i32
        %dma_wait3A_165 = arith.constant 0 : i32
        %dma_wait3A_166 = tpu.memref_slice %arg9[%add3A_164, %dma_wait3A_165] : memref<25x80xi32, #tpu.memory_space<vmem>> -> memref<1x80xi32, #tpu.memory_space<vmem>>
        %dma_wait3A_167 = tpu.memref_squeeze %dma_wait3A_166 : memref<1x80xi32, #tpu.memory_space<vmem>> -> memref<80xi32, #tpu.memory_space<vmem>>
        %dma_wait3A_168 = arith.constant 0 : i32
        %dma_wait3A_169 = arith.constant 0 : i32
        %dma_wait3A_170 = tpu.memref_slice %arg2[%dma_wait3A_168, %dma_wait3A_169] : memref<10000x80xf32, #tpu.memory_space<hbm>> -> memref<10000x80xf32, #tpu.memory_space<hbm>>
        tpu.wait_indirect_dma semaphore(%arg16 : memref<!tpu.dma_semaphore, #tpu.memory_space<semaphore_mem>>) src(%dma_wait3A_170 : memref<10000x80xf32, #tpu.memory_space<hbm>>) dst(%arg11 : memref<80x80xf32, #tpu.memory_space<vmem>>)
        %add3A_171 = arith.constant 1 : i32
        %add3A_172 = arith.addi %add3A_164, %add3A_171 : i32
        %dma_start3A_173 = arith.constant 0 : i32
        %dma_start3A_174 = tpu.memref_slice %arg9[%add3A_172, %dma_start3A_173] : memref<25x80xi32, #tpu.memory_space<vmem>> -> memref<1x80xi32, #tpu.memory_space<vmem>>
        %dma_start3A_175 = tpu.memref_squeeze %dma_start3A_174 : memref<1x80xi32, #tpu.memory_space<vmem>> -> memref<80xi32, #tpu.memory_space<vmem>>
        %dma_start3A_176 = arith.constant 0 : i32
        %dma_start3A_177 = arith.constant 0 : i32
        %dma_start3A_178 = tpu.memref_slice %arg2[%dma_start3A_176, %dma_start3A_177] : memref<10000x80xf32, #tpu.memory_space<hbm>> -> memref<10000x80xf32, #tpu.memory_space<hbm>>
        tpu.enqueue_indirect_dma source(%dma_start3A_178 : memref<10000x80xf32, #tpu.memory_space<hbm>>) target(%arg12 : memref<80x80xf32, #tpu.memory_space<vmem>>) offsets(%dma_start3A_175 : memref<80xi32, #tpu.memory_space<vmem>>) semaphore(%arg17 : memref<!tpu.dma_semaphore, #tpu.memory_space<semaphore_mem>>)
        %sub3A = arith.constant 2 : i32
        %sub3A_179 = arith.subi %add3A_164, %sub3A : i32
        %dma_wait3A_180 = arith.constant 0 : i32
        %dma_wait3A_181 = tpu.memref_slice %arg10[%sub3A_179, %dma_wait3A_180] : memref<25x80xi32, #tpu.memory_space<vmem>> -> memref<1x80xi32, #tpu.memory_space<vmem>>
        %dma_wait3A_182 = tpu.memref_squeeze %dma_wait3A_181 : memref<1x80xi32, #tpu.memory_space<vmem>> -> memref<80xi32, #tpu.memory_space<vmem>>
        %dma_wait3A_183 = arith.constant 0 : i32
        %dma_wait3A_184 = arith.constant 0 : i32
        %dma_wait3A_185 = tpu.memref_slice %arg8[%dma_wait3A_183, %dma_wait3A_184] : memref<10000x80xf32, #tpu.memory_space<vmem_shared>> -> memref<10000x80xf32, #tpu.memory_space<vmem_shared>>
        tpu.wait_indirect_dma semaphore(%arg19 : memref<!tpu.dma_semaphore, #tpu.memory_space<semaphore_mem>>) src(%arg14 : memref<80x80xf32, #tpu.memory_space<vmem>>) dst(%dma_wait3A_185 : memref<10000x80xf32, #tpu.memory_space<vmem_shared>>)
        %dma_wait3A_186 = arith.constant 0 : i32
        %dma_wait3A_187 = tpu.memref_slice %arg10[%add3A_164, %dma_wait3A_186] : memref<25x80xi32, #tpu.memory_space<vmem>> -> memref<1x80xi32, #tpu.memory_space<vmem>>
        %dma_wait3A_188 = tpu.memref_squeeze %dma_wait3A_187 : memref<1x80xi32, #tpu.memory_space<vmem>> -> memref<80xi32, #tpu.memory_space<vmem>>
        %dma_wait3A_189 = arith.constant 0 : i32
        %dma_wait3A_190 = arith.constant 0 : i32
        %dma_wait3A_191 = tpu.memref_slice %arg3[%dma_wait3A_189, %dma_wait3A_190] : memref<10000x16xf32, #tpu.memory_space<hbm>> -> memref<10000x16xf32, #tpu.memory_space<hbm>>
        tpu.wait_indirect_dma semaphore(%arg18 : memref<!tpu.dma_semaphore, #tpu.memory_space<semaphore_mem>>) src(%dma_wait3A_191 : memref<10000x16xf32, #tpu.memory_space<hbm>>) dst(%arg13 : memref<80x16xf32, #tpu.memory_space<vmem>>)
        %parallel_loop3A_192 = arith.constant 0 : i32
        %parallel_loop3A_193 = arith.constant 80 : i32
        %parallel_loop3A_194 = arith.constant 1 : i32
        scf.for %parallel_loop3A_260 = %parallel_loop3A_192 to %parallel_loop3A_193 step %parallel_loop3A_194  : i32 {
          %parallel_loop3A_261 = arith.index_cast %parallel_loop3A_260 : i32 to index
          %parallel_loop3A_262 = arith.constant 0 : index
          %parallel_loop3A_263 = tpu.vector_load %arg11[%parallel_loop3A_261, %parallel_loop3A_262] {strides = array<i32>} : memref<80x80xf32, #tpu.memory_space<vmem>>, vector<1x16xf32>,
          %parallel_loop3A_264 = vector.shape_cast %parallel_loop3A_263 : vector<1x16xf32> to vector<16xf32>
          %parallel_loop3A_265 = arith.index_cast %parallel_loop3A_260 : i32 to index
          %parallel_loop3A_266 = arith.constant 0 : index
          %parallel_loop3A_267 = tpu.vector_load %arg13[%parallel_loop3A_265, %parallel_loop3A_266] {strides = array<i32>} : memref<80x16xf32, #tpu.memory_space<vmem>>, vector<1x16xf32>,
          %parallel_loop3A_268 = vector.shape_cast %parallel_loop3A_267 : vector<1x16xf32> to vector<16xf32>
          %parallel_loop3A_269 = arith.addf %parallel_loop3A_264, %parallel_loop3A_268 : vector<16xf32>
          %parallel_loop3A_270 = arith.constant 0.000000e+00 : f32
          %parallel_loop3A_271 = vector.broadcast %parallel_loop3A_270 : f32 to vector<16xf32>
          %parallel_loop3A_272 = arith.cmpf oge, %parallel_loop3A_269, %parallel_loop3A_271 : vector<16xf32>
          %parallel_loop3A_273 = arith.constant 2.000000e-01 : f32
          %parallel_loop3A_274 = vector.broadcast %parallel_loop3A_273 : f32 to vector<16xf32>
          %parallel_loop3A_275 = arith.mulf %parallel_loop3A_269, %parallel_loop3A_274 : vector<16xf32>
          %parallel_loop3A_276 = arith.select %parallel_loop3A_272, %parallel_loop3A_269, %parallel_loop3A_275 : vector<16xi1>, vector<16xf32>
          %parallel_loop3A_277 = math.exp %parallel_loop3A_276 : vector<16xf32>
          %parallel_loop3A_278 = arith.index_cast %parallel_loop3A_260 : i32 to index
          %parallel_loop3A_279 = arith.constant 0 : index
          %parallel_loop3A_280 = tpu.vector_load %arg14[%parallel_loop3A_278, %parallel_loop3A_279] {strides = array<i32>} : memref<80x80xf32, #tpu.memory_space<vmem>>, vector<1x16xf32>,
          %parallel_loop3A_281 = vector.shape_cast %parallel_loop3A_280 : vector<1x16xf32> to vector<16xf32>
          %parallel_loop3A_282 = vector.shape_cast %parallel_loop3A_277 : vector<16xf32> to vector<1x16xf32>
          tpu.vector_store %arg14[%parallel_loop3A_278, %parallel_loop3A_279], %parallel_loop3A_282 {strides = array<i32>} : memref<80x80xf32, #tpu.memory_space<vmem>>, vector<1x16xf32>,
          %parallel_loop3A_283 = arith.constant 0 : i32
          %parallel_loop3A_284 = vector.broadcast %parallel_loop3A_283 : i32 to vector<16x1xi32>
          %parallel_loop3A_285 = vector.shape_cast %parallel_loop3A_284 : vector<16x1xi32> to vector<16xi32>
          %parallel_loop3A_286 = tpu.dynamic_gather %parallel_loop3A_277[%parallel_loop3A_285] in [0] : vector<16xf32>, vector<16xi32> -> vector<16xf32>
          %parallel_loop3A_287 = arith.index_cast %parallel_loop3A_260 : i32 to index
          %parallel_loop3A_288 = arith.constant 16 : index
          %parallel_loop3A_289 = tpu.vector_load %arg11[%parallel_loop3A_287, %parallel_loop3A_288] {strides = array<i32>} : memref<80x80xf32, #tpu.memory_space<vmem>>, vector<1x16xf32>,
          %parallel_loop3A_290 = vector.shape_cast %parallel_loop3A_289 : vector<1x16xf32> to vector<16xf32>
          %parallel_loop3A_291 = arith.mulf %parallel_loop3A_290, %parallel_loop3A_286 : vector<16xf32>
          %parallel_loop3A_292 = arith.index_cast %parallel_loop3A_260 : i32 to index
          %parallel_loop3A_293 = arith.constant 16 : index
          %parallel_loop3A_294 = tpu.vector_load %arg14[%parallel_loop3A_292, %parallel_loop3A_293] {strides = array<i32>} : memref<80x80xf32, #tpu.memory_space<vmem>>, vector<1x16xf32>,
          %parallel_loop3A_295 = vector.shape_cast %parallel_loop3A_294 : vector<1x16xf32> to vector<16xf32>
          %parallel_loop3A_296 = vector.shape_cast %parallel_loop3A_291 : vector<16xf32> to vector<1x16xf32>
          tpu.vector_store %arg14[%parallel_loop3A_292, %parallel_loop3A_293], %parallel_loop3A_296 {strides = array<i32>} : memref<80x80xf32, #tpu.memory_space<vmem>>, vector<1x16xf32>,
          %parallel_loop3A_297 = arith.constant 0 : i32
          %parallel_loop3A_298 = vector.broadcast %parallel_loop3A_297 : i32 to vector<16x1xi32>
          %parallel_loop3A_299 = vector.shape_cast %parallel_loop3A_298 : vector<16x1xi32> to vector<16xi32>
          %parallel_loop3A_300 = tpu.dynamic_gather %parallel_loop3A_277[%parallel_loop3A_299] in [0] : vector<16xf32>, vector<16xi32> -> vector<16xf32>
          %parallel_loop3A_301 = arith.index_cast %parallel_loop3A_260 : i32 to index
          %parallel_loop3A_302 = arith.constant 32 : index
          %parallel_loop3A_303 = tpu.vector_load %arg11[%parallel_loop3A_301, %parallel_loop3A_302] {strides = array<i32>} : memref<80x80xf32, #tpu.memory_space<vmem>>, vector<1x16xf32>,
          %parallel_loop3A_304 = vector.shape_cast %parallel_loop3A_303 : vector<1x16xf32> to vector<16xf32>
          %parallel_loop3A_305 = arith.mulf %parallel_loop3A_304, %parallel_loop3A_300 : vector<16xf32>
          %parallel_loop3A_306 = arith.index_cast %parallel_loop3A_260 : i32 to index
          %parallel_loop3A_307 = arith.constant 32 : index
          %parallel_loop3A_308 = tpu.vector_load %arg14[%parallel_loop3A_306, %parallel_loop3A_307] {strides = array<i32>} : memref<80x80xf32, #tpu.memory_space<vmem>>, vector<1x16xf32>,
          %parallel_loop3A_309 = vector.shape_cast %parallel_loop3A_308 : vector<1x16xf32> to vector<16xf32>
          %parallel_loop3A_310 = vector.shape_cast %parallel_loop3A_305 : vector<16xf32> to vector<1x16xf32>
          tpu.vector_store %arg14[%parallel_loop3A_306, %parallel_loop3A_307], %parallel_loop3A_310 {strides = array<i32>} : memref<80x80xf32, #tpu.memory_space<vmem>>, vector<1x16xf32>,
          %parallel_loop3A_311 = arith.constant 0 : i32
          %parallel_loop3A_312 = vector.broadcast %parallel_loop3A_311 : i32 to vector<16x1xi32>
          %parallel_loop3A_313 = vector.shape_cast %parallel_loop3A_312 : vector<16x1xi32> to vector<16xi32>
          %parallel_loop3A_314 = tpu.dynamic_gather %parallel_loop3A_277[%parallel_loop3A_313] in [0] : vector<16xf32>, vector<16xi32> -> vector<16xf32>
          %parallel_loop3A_315 = arith.index_cast %parallel_loop3A_260 : i32 to index
          %parallel_loop3A_316 = arith.constant 48 : index
          %parallel_loop3A_317 = tpu.vector_load %arg11[%parallel_loop3A_315, %parallel_loop3A_316] {strides = array<i32>} : memref<80x80xf32, #tpu.memory_space<vmem>>, vector<1x16xf32>,
          %parallel_loop3A_318 = vector.shape_cast %parallel_loop3A_317 : vector<1x16xf32> to vector<16xf32>
          %parallel_loop3A_319 = arith.mulf %parallel_loop3A_318, %parallel_loop3A_314 : vector<16xf32>
          %parallel_loop3A_320 = arith.index_cast %parallel_loop3A_260 : i32 to index
          %parallel_loop3A_321 = arith.constant 48 : index
          %parallel_loop3A_322 = tpu.vector_load %arg14[%parallel_loop3A_320, %parallel_loop3A_321] {strides = array<i32>} : memref<80x80xf32, #tpu.memory_space<vmem>>, vector<1x16xf32>,
          %parallel_loop3A_323 = vector.shape_cast %parallel_loop3A_322 : vector<1x16xf32> to vector<16xf32>
          %parallel_loop3A_324 = vector.shape_cast %parallel_loop3A_319 : vector<16xf32> to vector<1x16xf32>
          tpu.vector_store %arg14[%parallel_loop3A_320, %parallel_loop3A_321], %parallel_loop3A_324 {strides = array<i32>} : memref<80x80xf32, #tpu.memory_space<vmem>>, vector<1x16xf32>,
          %parallel_loop3A_325 = arith.constant 0 : i32
          %parallel_loop3A_326 = vector.broadcast %parallel_loop3A_325 : i32 to vector<16x1xi32>
          %parallel_loop3A_327 = vector.shape_cast %parallel_loop3A_326 : vector<16x1xi32> to vector<16xi32>
          %parallel_loop3A_328 = tpu.dynamic_gather %parallel_loop3A_277[%parallel_loop3A_327] in [0] : vector<16xf32>, vector<16xi32> -> vector<16xf32>
          %parallel_loop3A_329 = arith.index_cast %parallel_loop3A_260 : i32 to index
          %parallel_loop3A_330 = arith.constant 64 : index
          %parallel_loop3A_331 = tpu.vector_load %arg11[%parallel_loop3A_329, %parallel_loop3A_330] {strides = array<i32>} : memref<80x80xf32, #tpu.memory_space<vmem>>, vector<1x16xf32>,
          %parallel_loop3A_332 = vector.shape_cast %parallel_loop3A_331 : vector<1x16xf32> to vector<16xf32>
          %parallel_loop3A_333 = arith.mulf %parallel_loop3A_332, %parallel_loop3A_328 : vector<16xf32>
          %parallel_loop3A_334 = arith.index_cast %parallel_loop3A_260 : i32 to index
          %parallel_loop3A_335 = arith.constant 64 : index
          %parallel_loop3A_336 = tpu.vector_load %arg14[%parallel_loop3A_334, %parallel_loop3A_335] {strides = array<i32>} : memref<80x80xf32, #tpu.memory_space<vmem>>, vector<1x16xf32>,
          %parallel_loop3A_337 = vector.shape_cast %parallel_loop3A_336 : vector<1x16xf32> to vector<16xf32>
          %parallel_loop3A_338 = vector.shape_cast %parallel_loop3A_333 : vector<16xf32> to vector<1x16xf32>
          tpu.vector_store %arg14[%parallel_loop3A_334, %parallel_loop3A_335], %parallel_loop3A_338 {strides = array<i32>} : memref<80x80xf32, #tpu.memory_space<vmem>>, vector<1x16xf32>,
        } {sc.loop_unroll_factor = 1 : i64, sc.parallel_access}
        %add3A_195 = arith.constant 1 : i32
        %add3A_196 = arith.addi %add3A_164, %add3A_195 : i32
        %dma_start3A_197 = arith.constant 0 : i32
        %dma_start3A_198 = tpu.memref_slice %arg10[%add3A_196, %dma_start3A_197] : memref<25x80xi32, #tpu.memory_space<vmem>> -> memref<1x80xi32, #tpu.memory_space<vmem>>
        %dma_start3A_199 = tpu.memref_squeeze %dma_start3A_198 : memref<1x80xi32, #tpu.memory_space<vmem>> -> memref<80xi32, #tpu.memory_space<vmem>>
        %dma_start3A_200 = arith.constant 0 : i32
        %dma_start3A_201 = arith.constant 0 : i32
        %dma_start3A_202 = tpu.memref_slice %arg3[%dma_start3A_200, %dma_start3A_201] : memref<10000x16xf32, #tpu.memory_space<hbm>> -> memref<10000x16xf32, #tpu.memory_space<hbm>>
        tpu.enqueue_indirect_dma source(%dma_start3A_202 : memref<10000x16xf32, #tpu.memory_space<hbm>>) target(%arg13 : memref<80x16xf32, #tpu.memory_space<vmem>>) offsets(%dma_start3A_199 : memref<80xi32, #tpu.memory_space<vmem>>) semaphore(%arg18 : memref<!tpu.dma_semaphore, #tpu.memory_space<semaphore_mem>>)
        %dma_start3A_203 = arith.constant 0 : i32
        %dma_start3A_204 = tpu.memref_slice %arg10[%add3A_164, %dma_start3A_203] : memref<25x80xi32, #tpu.memory_space<vmem>> -> memref<1x80xi32, #tpu.memory_space<vmem>>
        %dma_start3A_205 = tpu.memref_squeeze %dma_start3A_204 : memref<1x80xi32, #tpu.memory_space<vmem>> -> memref<80xi32, #tpu.memory_space<vmem>>
        %dma_start3A_206 = arith.constant 0 : i32
        %dma_start3A_207 = arith.constant 0 : i32
        %dma_start3A_208 = tpu.memref_slice %arg8[%dma_start3A_206, %dma_start3A_207] : memref<10000x80xf32, #tpu.memory_space<vmem_shared>> -> memref<10000x80xf32, #tpu.memory_space<vmem_shared>>
        tpu.enqueue_indirect_dma source(%arg14 : memref<80x80xf32, #tpu.memory_space<vmem>>) target(%dma_start3A_208 : memref<10000x80xf32, #tpu.memory_space<vmem_shared>>) offsets(%dma_start3A_205 : memref<80xi32, #tpu.memory_space<vmem>>) semaphore(%arg19 : memref<!tpu.dma_semaphore, #tpu.memory_space<semaphore_mem>>) {add = true}
        %add3A_209 = arith.constant 1 : i32
        %add3A_210 = arith.addi %add3A_164, %add3A_209 : i32
        %dma_wait3A_211 = arith.constant 0 : i32
        %dma_wait3A_212 = tpu.memref_slice %arg9[%add3A_210, %dma_wait3A_211] : memref<25x80xi32, #tpu.memory_space<vmem>> -> memref<1x80xi32, #tpu.memory_space<vmem>>
        %dma_wait3A_213 = tpu.memref_squeeze %dma_wait3A_212 : memref<1x80xi32, #tpu.memory_space<vmem>> -> memref<80xi32, #tpu.memory_space<vmem>>
        %dma_wait3A_214 = arith.constant 0 : i32
        %dma_wait3A_215 = arith.constant 0 : i32
        %dma_wait3A_216 = tpu.memref_slice %arg2[%dma_wait3A_214, %dma_wait3A_215] : memref<10000x80xf32, #tpu.memory_space<hbm>> -> memref<10000x80xf32, #tpu.memory_space<hbm>>
        tpu.wait_indirect_dma semaphore(%arg17 : memref<!tpu.dma_semaphore, #tpu.memory_space<semaphore_mem>>) src(%dma_wait3A_216 : memref<10000x80xf32, #tpu.memory_space<hbm>>) dst(%arg12 : memref<80x80xf32, #tpu.memory_space<vmem>>)
        %add3A_217 = arith.constant 2 : i32
        %add3A_218 = arith.addi %add3A_164, %add3A_217 : i32
        %dma_start3A_219 = arith.constant 0 : i32
        %dma_start3A_220 = tpu.memref_slice %arg9[%add3A_218, %dma_start3A_219] : memref<25x80xi32, #tpu.memory_space<vmem>> -> memref<1x80xi32, #tpu.memory_space<vmem>>
        %dma_start3A_221 = tpu.memref_squeeze %dma_start3A_220 : memref<1x80xi32, #tpu.memory_space<vmem>> -> memref<80xi32, #tpu.memory_space<vmem>>
        %dma_start3A_222 = arith.constant 0 : i32
        %dma_start3A_223 = arith.constant 0 : i32
        %dma_start3A_224 = tpu.memref_slice %arg2[%dma_start3A_222, %dma_start3A_223] : memref<10000x80xf32, #tpu.memory_space<hbm>> -> memref<10000x80xf32, #tpu.memory_space<hbm>>
        tpu.enqueue_indirect_dma source(%dma_start3A_224 : memref<10000x80xf32, #tpu.memory_space<hbm>>) target(%arg11 : memref<80x80xf32, #tpu.memory_space<vmem>>) offsets(%dma_start3A_221 : memref<80xi32, #tpu.memory_space<vmem>>) semaphore(%arg16 : memref<!tpu.dma_semaphore, #tpu.memory_space<semaphore_mem>>)
        %sub3A_225 = arith.constant 1 : i32
        %sub3A_226 = arith.subi %add3A_164, %sub3A_225 : i32
        %dma_wait3A_227 = arith.constant 0 : i32
        %dma_wait3A_228 = tpu.memref_slice %arg10[%sub3A_226, %dma_wait3A_227] : memref<25x80xi32, #tpu.memory_space<vmem>> -> memref<1x80xi32, #tpu.memory_space<vmem>>
        %dma_wait3A_229 = tpu.memref_squeeze %dma_wait3A_228 : memref<1x80xi32, #tpu.memory_space<vmem>> -> memref<80xi32, #tpu.memory_space<vmem>>
        %dma_wait3A_230 = arith.constant 0 : i32
        %dma_wait3A_231 = arith.constant 0 : i32
        %dma_wait3A_232 = tpu.memref_slice %arg8[%dma_wait3A_230, %dma_wait3A_231] : memref<10000x80xf32, #tpu.memory_space<vmem_shared>> -> memref<10000x80xf32, #tpu.memory_space<vmem_shared>>
        tpu.wait_indirect_dma semaphore(%arg20 : memref<!tpu.dma_semaphore, #tpu.memory_space<semaphore_mem>>) src(%arg15 : memref<80x80xf32, #tpu.memory_space<vmem>>) dst(%dma_wait3A_232 : memref<10000x80xf32, #tpu.memory_space<vmem_shared>>)
        %add3A_233 = arith.constant 1 : i32
        %add3A_234 = arith.addi %add3A_164, %add3A_233 : i32
        %dma_wait3A_235 = arith.constant 0 : i32
        %dma_wait3A_236 = tpu.memref_slice %arg10[%add3A_234, %dma_wait3A_235] : memref<25x80xi32, #tpu.memory_space<vmem>> -> memref<1x80xi32, #tpu.memory_space<vmem>>
        %dma_wait3A_237 = tpu.memref_squeeze %dma_wait3A_236 : memref<1x80xi32, #tpu.memory_space<vmem>> -> memref<80xi32, #tpu.memory_space<vmem>>
        %dma_wait3A_238 = arith.constant 0 : i32
        %dma_wait3A_239 = arith.constant 0 : i32
        %dma_wait3A_240 = tpu.memref_slice %arg3[%dma_wait3A_238, %dma_wait3A_239] : memref<10000x16xf32, #tpu.memory_space<hbm>> -> memref<10000x16xf32, #tpu.memory_space<hbm>>
        tpu.wait_indirect_dma semaphore(%arg18 : memref<!tpu.dma_semaphore, #tpu.memory_space<semaphore_mem>>) src(%dma_wait3A_240 : memref<10000x16xf32, #tpu.memory_space<hbm>>) dst(%arg13 : memref<80x16xf32, #tpu.memory_space<vmem>>)
        %parallel_loop3A_241 = arith.constant 0 : i32
        %parallel_loop3A_242 = arith.constant 80 : i32
        %parallel_loop3A_243 = arith.constant 1 : i32
        scf.for %parallel_loop3A_260 = %parallel_loop3A_241 to %parallel_loop3A_242 step %parallel_loop3A_243  : i32 {
          %parallel_loop3A_261 = arith.index_cast %parallel_loop3A_260 : i32 to index
          %parallel_loop3A_262 = arith.constant 0 : index
          %parallel_loop3A_263 = tpu.vector_load %arg12[%parallel_loop3A_261, %parallel_loop3A_262] {strides = array<i32>} : memref<80x80xf32, #tpu.memory_space<vmem>>, vector<1x16xf32>,
          %parallel_loop3A_264 = vector.shape_cast %parallel_loop3A_263 : vector<1x16xf32> to vector<16xf32>
          %parallel_loop3A_265 = arith.index_cast %parallel_loop3A_260 : i32 to index
          %parallel_loop3A_266 = arith.constant 0 : index
          %parallel_loop3A_267 = tpu.vector_load %arg13[%parallel_loop3A_265, %parallel_loop3A_266] {strides = array<i32>} : memref<80x16xf32, #tpu.memory_space<vmem>>, vector<1x16xf32>,
          %parallel_loop3A_268 = vector.shape_cast %parallel_loop3A_267 : vector<1x16xf32> to vector<16xf32>
          %parallel_loop3A_269 = arith.addf %parallel_loop3A_264, %parallel_loop3A_268 : vector<16xf32>
          %parallel_loop3A_270 = arith.constant 0.000000e+00 : f32
          %parallel_loop3A_271 = vector.broadcast %parallel_loop3A_270 : f32 to vector<16xf32>
          %parallel_loop3A_272 = arith.cmpf oge, %parallel_loop3A_269, %parallel_loop3A_271 : vector<16xf32>
          %parallel_loop3A_273 = arith.constant 2.000000e-01 : f32
          %parallel_loop3A_274 = vector.broadcast %parallel_loop3A_273 : f32 to vector<16xf32>
          %parallel_loop3A_275 = arith.mulf %parallel_loop3A_269, %parallel_loop3A_274 : vector<16xf32>
          %parallel_loop3A_276 = arith.select %parallel_loop3A_272, %parallel_loop3A_269, %parallel_loop3A_275 : vector<16xi1>, vector<16xf32>
          %parallel_loop3A_277 = math.exp %parallel_loop3A_276 : vector<16xf32>
          %parallel_loop3A_278 = arith.index_cast %parallel_loop3A_260 : i32 to index
          %parallel_loop3A_279 = arith.constant 0 : index
          %parallel_loop3A_280 = tpu.vector_load %arg15[%parallel_loop3A_278, %parallel_loop3A_279] {strides = array<i32>} : memref<80x80xf32, #tpu.memory_space<vmem>>, vector<1x16xf32>,
          %parallel_loop3A_281 = vector.shape_cast %parallel_loop3A_280 : vector<1x16xf32> to vector<16xf32>
          %parallel_loop3A_282 = vector.shape_cast %parallel_loop3A_277 : vector<16xf32> to vector<1x16xf32>
          tpu.vector_store %arg15[%parallel_loop3A_278, %parallel_loop3A_279], %parallel_loop3A_282 {strides = array<i32>} : memref<80x80xf32, #tpu.memory_space<vmem>>, vector<1x16xf32>,
          %parallel_loop3A_283 = arith.constant 0 : i32
          %parallel_loop3A_284 = vector.broadcast %parallel_loop3A_283 : i32 to vector<16x1xi32>
          %parallel_loop3A_285 = vector.shape_cast %parallel_loop3A_284 : vector<16x1xi32> to vector<16xi32>
          %parallel_loop3A_286 = tpu.dynamic_gather %parallel_loop3A_277[%parallel_loop3A_285] in [0] : vector<16xf32>, vector<16xi32> -> vector<16xf32>
          %parallel_loop3A_287 = arith.index_cast %parallel_loop3A_260 : i32 to index
          %parallel_loop3A_288 = arith.constant 16 : index
          %parallel_loop3A_289 = tpu.vector_load %arg12[%parallel_loop3A_287, %parallel_loop3A_288] {strides = array<i32>} : memref<80x80xf32, #tpu.memory_space<vmem>>, vector<1x16xf32>,
          %parallel_loop3A_290 = vector.shape_cast %parallel_loop3A_289 : vector<1x16xf32> to vector<16xf32>
          %parallel_loop3A_291 = arith.mulf %parallel_loop3A_290, %parallel_loop3A_286 : vector<16xf32>
          %parallel_loop3A_292 = arith.index_cast %parallel_loop3A_260 : i32 to index
          %parallel_loop3A_293 = arith.constant 16 : index
          %parallel_loop3A_294 = tpu.vector_load %arg15[%parallel_loop3A_292, %parallel_loop3A_293] {strides = array<i32>} : memref<80x80xf32, #tpu.memory_space<vmem>>, vector<1x16xf32>,
          %parallel_loop3A_295 = vector.shape_cast %parallel_loop3A_294 : vector<1x16xf32> to vector<16xf32>
          %parallel_loop3A_296 = vector.shape_cast %parallel_loop3A_291 : vector<16xf32> to vector<1x16xf32>
          tpu.vector_store %arg15[%parallel_loop3A_292, %parallel_loop3A_293], %parallel_loop3A_296 {strides = array<i32>} : memref<80x80xf32, #tpu.memory_space<vmem>>, vector<1x16xf32>,
          %parallel_loop3A_297 = arith.constant 0 : i32
          %parallel_loop3A_298 = vector.broadcast %parallel_loop3A_297 : i32 to vector<16x1xi32>
          %parallel_loop3A_299 = vector.shape_cast %parallel_loop3A_298 : vector<16x1xi32> to vector<16xi32>
          %parallel_loop3A_300 = tpu.dynamic_gather %parallel_loop3A_277[%parallel_loop3A_299] in [0] : vector<16xf32>, vector<16xi32> -> vector<16xf32>
          %parallel_loop3A_301 = arith.index_cast %parallel_loop3A_260 : i32 to index
          %parallel_loop3A_302 = arith.constant 32 : index
          %parallel_loop3A_303 = tpu.vector_load %arg12[%parallel_loop3A_301, %parallel_loop3A_302] {strides = array<i32>} : memref<80x80xf32, #tpu.memory_space<vmem>>, vector<1x16xf32>,
          %parallel_loop3A_304 = vector.shape_cast %parallel_loop3A_303 : vector<1x16xf32> to vector<16xf32>
          %parallel_loop3A_305 = arith.mulf %parallel_loop3A_304, %parallel_loop3A_300 : vector<16xf32>
          %parallel_loop3A_306 = arith.index_cast %parallel_loop3A_260 : i32 to index
          %parallel_loop3A_307 = arith.constant 32 : index
          %parallel_loop3A_308 = tpu.vector_load %arg15[%parallel_loop3A_306, %parallel_loop3A_307] {strides = array<i32>} : memref<80x80xf32, #tpu.memory_space<vmem>>, vector<1x16xf32>,
          %parallel_loop3A_309 = vector.shape_cast %parallel_loop3A_308 : vector<1x16xf32> to vector<16xf32>
          %parallel_loop3A_310 = vector.shape_cast %parallel_loop3A_305 : vector<16xf32> to vector<1x16xf32>
          tpu.vector_store %arg15[%parallel_loop3A_306, %parallel_loop3A_307], %parallel_loop3A_310 {strides = array<i32>} : memref<80x80xf32, #tpu.memory_space<vmem>>, vector<1x16xf32>,
          %parallel_loop3A_311 = arith.constant 0 : i32
          %parallel_loop3A_312 = vector.broadcast %parallel_loop3A_311 : i32 to vector<16x1xi32>
          %parallel_loop3A_313 = vector.shape_cast %parallel_loop3A_312 : vector<16x1xi32> to vector<16xi32>
          %parallel_loop3A_314 = tpu.dynamic_gather %parallel_loop3A_277[%parallel_loop3A_313] in [0] : vector<16xf32>, vector<16xi32> -> vector<16xf32>
          %parallel_loop3A_315 = arith.index_cast %parallel_loop3A_260 : i32 to index
          %parallel_loop3A_316 = arith.constant 48 : index
          %parallel_loop3A_317 = tpu.vector_load %arg12[%parallel_loop3A_315, %parallel_loop3A_316] {strides = array<i32>} : memref<80x80xf32, #tpu.memory_space<vmem>>, vector<1x16xf32>,
          %parallel_loop3A_318 = vector.shape_cast %parallel_loop3A_317 : vector<1x16xf32> to vector<16xf32>
          %parallel_loop3A_319 = arith.mulf %parallel_loop3A_318, %parallel_loop3A_314 : vector<16xf32>
          %parallel_loop3A_320 = arith.index_cast %parallel_loop3A_260 : i32 to index
          %parallel_loop3A_321 = arith.constant 48 : index
          %parallel_loop3A_322 = tpu.vector_load %arg15[%parallel_loop3A_320, %parallel_loop3A_321] {strides = array<i32>} : memref<80x80xf32, #tpu.memory_space<vmem>>, vector<1x16xf32>,
          %parallel_loop3A_323 = vector.shape_cast %parallel_loop3A_322 : vector<1x16xf32> to vector<16xf32>
          %parallel_loop3A_324 = vector.shape_cast %parallel_loop3A_319 : vector<16xf32> to vector<1x16xf32>
          tpu.vector_store %arg15[%parallel_loop3A_320, %parallel_loop3A_321], %parallel_loop3A_324 {strides = array<i32>} : memref<80x80xf32, #tpu.memory_space<vmem>>, vector<1x16xf32>,
          %parallel_loop3A_325 = arith.constant 0 : i32
          %parallel_loop3A_326 = vector.broadcast %parallel_loop3A_325 : i32 to vector<16x1xi32>
          %parallel_loop3A_327 = vector.shape_cast %parallel_loop3A_326 : vector<16x1xi32> to vector<16xi32>
          %parallel_loop3A_328 = tpu.dynamic_gather %parallel_loop3A_277[%parallel_loop3A_327] in [0] : vector<16xf32>, vector<16xi32> -> vector<16xf32>
          %parallel_loop3A_329 = arith.index_cast %parallel_loop3A_260 : i32 to index
          %parallel_loop3A_330 = arith.constant 64 : index
          %parallel_loop3A_331 = tpu.vector_load %arg12[%parallel_loop3A_329, %parallel_loop3A_330] {strides = array<i32>} : memref<80x80xf32, #tpu.memory_space<vmem>>, vector<1x16xf32>,
          %parallel_loop3A_332 = vector.shape_cast %parallel_loop3A_331 : vector<1x16xf32> to vector<16xf32>
          %parallel_loop3A_333 = arith.mulf %parallel_loop3A_332, %parallel_loop3A_328 : vector<16xf32>
          %parallel_loop3A_334 = arith.index_cast %parallel_loop3A_260 : i32 to index
          %parallel_loop3A_335 = arith.constant 64 : index
          %parallel_loop3A_336 = tpu.vector_load %arg15[%parallel_loop3A_334, %parallel_loop3A_335] {strides = array<i32>} : memref<80x80xf32, #tpu.memory_space<vmem>>, vector<1x16xf32>,
          %parallel_loop3A_337 = vector.shape_cast %parallel_loop3A_336 : vector<1x16xf32> to vector<16xf32>
          %parallel_loop3A_338 = vector.shape_cast %parallel_loop3A_333 : vector<16xf32> to vector<1x16xf32>
          tpu.vector_store %arg15[%parallel_loop3A_334, %parallel_loop3A_335], %parallel_loop3A_338 {strides = array<i32>} : memref<80x80xf32, #tpu.memory_space<vmem>>, vector<1x16xf32>,
        } {sc.loop_unroll_factor = 1 : i64, sc.parallel_access}
        %add3A_244 = arith.constant 2 : i32
        %add3A_245 = arith.addi %add3A_164, %add3A_244 : i32
        %dma_start3A_246 = arith.constant 0 : i32
        %dma_start3A_247 = tpu.memref_slice %arg10[%add3A_245, %dma_start3A_246] : memref<25x80xi32, #tpu.memory_space<vmem>> -> memref<1x80xi32, #tpu.memory_space<vmem>>
        %dma_start3A_248 = tpu.memref_squeeze %dma_start3A_247 : memref<1x80xi32, #tpu.memory_space<vmem>> -> memref<80xi32, #tpu.memory_space<vmem>>
        %dma_start3A_249 = arith.constant 0 : i32
        %dma_start3A_250 = arith.constant 0 : i32
        %dma_start3A_251 = tpu.memref_slice %arg3[%dma_start3A_249, %dma_start3A_250] : memref<10000x16xf32, #tpu.memory_space<hbm>> -> memref<10000x16xf32, #tpu.memory_space<hbm>>
        tpu.enqueue_indirect_dma source(%dma_start3A_251 : memref<10000x16xf32, #tpu.memory_space<hbm>>) target(%arg13 : memref<80x16xf32, #tpu.memory_space<vmem>>) offsets(%dma_start3A_248 : memref<80xi32, #tpu.memory_space<vmem>>) semaphore(%arg18 : memref<!tpu.dma_semaphore, #tpu.memory_space<semaphore_mem>>)
        %add3A_252 = arith.constant 1 : i32
        %add3A_253 = arith.addi %add3A_164, %add3A_252 : i32
        %dma_start3A_254 = arith.constant 0 : i32
        %dma_start3A_255 = tpu.memref_slice %arg10[%add3A_253, %dma_start3A_254] : memref<25x80xi32, #tpu.memory_space<vmem>> -> memref<1x80xi32, #tpu.memory_space<vmem>>
        %dma_start3A_256 = tpu.memref_squeeze %dma_start3A_255 : memref<1x80xi32, #tpu.memory_space<vmem>> -> memref<80xi32, #tpu.memory_space<vmem>>
        %dma_start3A_257 = arith.constant 0 : i32
        %dma_start3A_258 = arith.constant 0 : i32
        %dma_start3A_259 = tpu.memref_slice %arg8[%dma_start3A_257, %dma_start3A_258] : memref<10000x80xf32, #tpu.memory_space<vmem_shared>> -> memref<10000x80xf32, #tpu.memory_space<vmem_shared>>
        tpu.enqueue_indirect_dma source(%arg15 : memref<80x80xf32, #tpu.memory_space<vmem>>) target(%dma_start3A_259 : memref<10000x80xf32, #tpu.memory_space<vmem_shared>>) offsets(%dma_start3A_256 : memref<80xi32, #tpu.memory_space<vmem>>) semaphore(%arg20 : memref<!tpu.dma_semaphore, #tpu.memory_space<semaphore_mem>>) {add = true}
      }
      %scan3A_114 = arith.constant 11 : i32
      %dma_wait3A_115 = arith.constant 24 : i32
      %dma_wait3A_116 = arith.constant 0 : i32
      %dma_wait3A_117 = tpu.memref_slice %arg9[%dma_wait3A_115, %dma_wait3A_116] : memref<25x80xi32, #tpu.memory_space<vmem>> -> memref<1x80xi32, #tpu.memory_space<vmem>>
      %dma_wait3A_118 = tpu.memref_squeeze %dma_wait3A_117 : memref<1x80xi32, #tpu.memory_space<vmem>> -> memref<80xi32, #tpu.memory_space<vmem>>
      %dma_wait3A_119 = arith.constant 0 : i32
      %dma_wait3A_120 = arith.constant 0 : i32
      %dma_wait3A_121 = tpu.memref_slice %arg2[%dma_wait3A_119, %dma_wait3A_120] : memref<10000x80xf32, #tpu.memory_space<hbm>> -> memref<10000x80xf32, #tpu.memory_space<hbm>>
      tpu.wait_indirect_dma semaphore(%arg16 : memref<!tpu.dma_semaphore, #tpu.memory_space<semaphore_mem>>) src(%dma_wait3A_121 : memref<10000x80xf32, #tpu.memory_space<hbm>>) dst(%arg11 : memref<80x80xf32, #tpu.memory_space<vmem>>)
      %dma_wait3A_122 = arith.constant 22 : i32
      %dma_wait3A_123 = arith.constant 0 : i32
      %dma_wait3A_124 = tpu.memref_slice %arg10[%dma_wait3A_122, %dma_wait3A_123] : memref<25x80xi32, #tpu.memory_space<vmem>> -> memref<1x80xi32, #tpu.memory_space<vmem>>
      %dma_wait3A_125 = tpu.memref_squeeze %dma_wait3A_124 : memref<1x80xi32, #tpu.memory_space<vmem>> -> memref<80xi32, #tpu.memory_space<vmem>>
      %dma_wait3A_126 = arith.constant 0 : i32
      %dma_wait3A_127 = arith.constant 0 : i32
      %dma_wait3A_128 = tpu.memref_slice %arg8[%dma_wait3A_126, %dma_wait3A_127] : memref<10000x80xf32, #tpu.memory_space<vmem_shared>> -> memref<10000x80xf32, #tpu.memory_space<vmem_shared>>
      tpu.wait_indirect_dma semaphore(%arg19 : memref<!tpu.dma_semaphore, #tpu.memory_space<semaphore_mem>>) src(%arg14 : memref<80x80xf32, #tpu.memory_space<vmem>>) dst(%dma_wait3A_128 : memref<10000x80xf32, #tpu.memory_space<vmem_shared>>)
      %dma_wait3A_129 = arith.constant 24 : i32
      %dma_wait3A_130 = arith.constant 0 : i32
      %dma_wait3A_131 = tpu.memref_slice %arg10[%dma_wait3A_129, %dma_wait3A_130] : memref<25x80xi32, #tpu.memory_space<vmem>> -> memref<1x80xi32, #tpu.memory_space<vmem>>
      %dma_wait3A_132 = tpu.memref_squeeze %dma_wait3A_131 : memref<1x80xi32, #tpu.memory_space<vmem>> -> memref<80xi32, #tpu.memory_space<vmem>>
      %dma_wait3A_133 = arith.constant 0 : i32
      %dma_wait3A_134 = arith.constant 0 : i32
      %dma_wait3A_135 = tpu.memref_slice %arg3[%dma_wait3A_133, %dma_wait3A_134] : memref<10000x16xf32, #tpu.memory_space<hbm>> -> memref<10000x16xf32, #tpu.memory_space<hbm>>
      tpu.wait_indirect_dma semaphore(%arg18 : memref<!tpu.dma_semaphore, #tpu.memory_space<semaphore_mem>>) src(%dma_wait3A_135 : memref<10000x16xf32, #tpu.memory_space<hbm>>) dst(%arg13 : memref<80x16xf32, #tpu.memory_space<vmem>>)
      %parallel_loop3A_136 = arith.constant 0 : i32
      %parallel_loop3A_137 = arith.constant 80 : i32
      %parallel_loop3A_138 = arith.constant 1 : i32
      scf.for %parallel_loop3A_160 = %parallel_loop3A_136 to %parallel_loop3A_137 step %parallel_loop3A_138  : i32 {
        %parallel_loop3A_161 = arith.index_cast %parallel_loop3A_160 : i32 to index
        %parallel_loop3A_162 = arith.constant 0 : index
        %parallel_loop3A_163 = tpu.vector_load %arg11[%parallel_loop3A_161, %parallel_loop3A_162] {strides = array<i32>} : memref<80x80xf32, #tpu.memory_space<vmem>>, vector<1x16xf32>,
        %parallel_loop3A_164 = vector.shape_cast %parallel_loop3A_163 : vector<1x16xf32> to vector<16xf32>
        %parallel_loop3A_165 = arith.index_cast %parallel_loop3A_160 : i32 to index
        %parallel_loop3A_166 = arith.constant 0 : index
        %parallel_loop3A_167 = tpu.vector_load %arg13[%parallel_loop3A_165, %parallel_loop3A_166] {strides = array<i32>} : memref<80x16xf32, #tpu.memory_space<vmem>>, vector<1x16xf32>,
        %parallel_loop3A_168 = vector.shape_cast %parallel_loop3A_167 : vector<1x16xf32> to vector<16xf32>
        %parallel_loop3A_169 = arith.addf %parallel_loop3A_164, %parallel_loop3A_168 : vector<16xf32>
        %parallel_loop3A_170 = arith.constant 0.000000e+00 : f32
        %parallel_loop3A_171 = vector.broadcast %parallel_loop3A_170 : f32 to vector<16xf32>
        %parallel_loop3A_172 = arith.cmpf oge, %parallel_loop3A_169, %parallel_loop3A_171 : vector<16xf32>
        %parallel_loop3A_173 = arith.constant 2.000000e-01 : f32
        %parallel_loop3A_174 = vector.broadcast %parallel_loop3A_173 : f32 to vector<16xf32>
        %parallel_loop3A_175 = arith.mulf %parallel_loop3A_169, %parallel_loop3A_174 : vector<16xf32>
        %parallel_loop3A_176 = arith.select %parallel_loop3A_172, %parallel_loop3A_169, %parallel_loop3A_175 : vector<16xi1>, vector<16xf32>
        %parallel_loop3A_177 = math.exp %parallel_loop3A_176 : vector<16xf32>
        %parallel_loop3A_178 = arith.index_cast %parallel_loop3A_160 : i32 to index
        %parallel_loop3A_179 = arith.constant 0 : index
        %parallel_loop3A_180 = tpu.vector_load %arg14[%parallel_loop3A_178, %parallel_loop3A_179] {strides = array<i32>} : memref<80x80xf32, #tpu.memory_space<vmem>>, vector<1x16xf32>,
        %parallel_loop3A_181 = vector.shape_cast %parallel_loop3A_180 : vector<1x16xf32> to vector<16xf32>
        %parallel_loop3A_182 = vector.shape_cast %parallel_loop3A_177 : vector<16xf32> to vector<1x16xf32>
        tpu.vector_store %arg14[%parallel_loop3A_178, %parallel_loop3A_179], %parallel_loop3A_182 {strides = array<i32>} : memref<80x80xf32, #tpu.memory_space<vmem>>, vector<1x16xf32>,
        %parallel_loop3A_183 = arith.constant 0 : i32
        %parallel_loop3A_184 = vector.broadcast %parallel_loop3A_183 : i32 to vector<16x1xi32>
        %parallel_loop3A_185 = vector.shape_cast %parallel_loop3A_184 : vector<16x1xi32> to vector<16xi32>
        %parallel_loop3A_186 = tpu.dynamic_gather %parallel_loop3A_177[%parallel_loop3A_185] in [0] : vector<16xf32>, vector<16xi32> -> vector<16xf32>
        %parallel_loop3A_187 = arith.index_cast %parallel_loop3A_160 : i32 to index
        %parallel_loop3A_188 = arith.constant 16 : index
        %parallel_loop3A_189 = tpu.vector_load %arg11[%parallel_loop3A_187, %parallel_loop3A_188] {strides = array<i32>} : memref<80x80xf32, #tpu.memory_space<vmem>>, vector<1x16xf32>,
        %parallel_loop3A_190 = vector.shape_cast %parallel_loop3A_189 : vector<1x16xf32> to vector<16xf32>
        %parallel_loop3A_191 = arith.mulf %parallel_loop3A_190, %parallel_loop3A_186 : vector<16xf32>
        %parallel_loop3A_192 = arith.index_cast %parallel_loop3A_160 : i32 to index
        %parallel_loop3A_193 = arith.constant 16 : index
        %parallel_loop3A_194 = tpu.vector_load %arg14[%parallel_loop3A_192, %parallel_loop3A_193] {strides = array<i32>} : memref<80x80xf32, #tpu.memory_space<vmem>>, vector<1x16xf32>,
        %parallel_loop3A_195 = vector.shape_cast %parallel_loop3A_194 : vector<1x16xf32> to vector<16xf32>
        %parallel_loop3A_196 = vector.shape_cast %parallel_loop3A_191 : vector<16xf32> to vector<1x16xf32>
        tpu.vector_store %arg14[%parallel_loop3A_192, %parallel_loop3A_193], %parallel_loop3A_196 {strides = array<i32>} : memref<80x80xf32, #tpu.memory_space<vmem>>, vector<1x16xf32>,
        %parallel_loop3A_197 = arith.constant 0 : i32
        %parallel_loop3A_198 = vector.broadcast %parallel_loop3A_197 : i32 to vector<16x1xi32>
        %parallel_loop3A_199 = vector.shape_cast %parallel_loop3A_198 : vector<16x1xi32> to vector<16xi32>
        %parallel_loop3A_200 = tpu.dynamic_gather %parallel_loop3A_177[%parallel_loop3A_199] in [0] : vector<16xf32>, vector<16xi32> -> vector<16xf32>
        %parallel_loop3A_201 = arith.index_cast %parallel_loop3A_160 : i32 to index
        %parallel_loop3A_202 = arith.constant 32 : index
        %parallel_loop3A_203 = tpu.vector_load %arg11[%parallel_loop3A_201, %parallel_loop3A_202] {strides = array<i32>} : memref<80x80xf32, #tpu.memory_space<vmem>>, vector<1x16xf32>,
        %parallel_loop3A_204 = vector.shape_cast %parallel_loop3A_203 : vector<1x16xf32> to vector<16xf32>
        %parallel_loop3A_205 = arith.mulf %parallel_loop3A_204, %parallel_loop3A_200 : vector<16xf32>
        %parallel_loop3A_206 = arith.index_cast %parallel_loop3A_160 : i32 to index
        %parallel_loop3A_207 = arith.constant 32 : index
        %parallel_loop3A_208 = tpu.vector_load %arg14[%parallel_loop3A_206, %parallel_loop3A_207] {strides = array<i32>} : memref<80x80xf32, #tpu.memory_space<vmem>>, vector<1x16xf32>,
        %parallel_loop3A_209 = vector.shape_cast %parallel_loop3A_208 : vector<1x16xf32> to vector<16xf32>
        %parallel_loop3A_210 = vector.shape_cast %parallel_loop3A_205 : vector<16xf32> to vector<1x16xf32>
        tpu.vector_store %arg14[%parallel_loop3A_206, %parallel_loop3A_207], %parallel_loop3A_210 {strides = array<i32>} : memref<80x80xf32, #tpu.memory_space<vmem>>, vector<1x16xf32>,
        %parallel_loop3A_211 = arith.constant 0 : i32
        %parallel_loop3A_212 = vector.broadcast %parallel_loop3A_211 : i32 to vector<16x1xi32>
        %parallel_loop3A_213 = vector.shape_cast %parallel_loop3A_212 : vector<16x1xi32> to vector<16xi32>
        %parallel_loop3A_214 = tpu.dynamic_gather %parallel_loop3A_177[%parallel_loop3A_213] in [0] : vector<16xf32>, vector<16xi32> -> vector<16xf32>
        %parallel_loop3A_215 = arith.index_cast %parallel_loop3A_160 : i32 to index
        %parallel_loop3A_216 = arith.constant 48 : index
        %parallel_loop3A_217 = tpu.vector_load %arg11[%parallel_loop3A_215, %parallel_loop3A_216] {strides = array<i32>} : memref<80x80xf32, #tpu.memory_space<vmem>>, vector<1x16xf32>,
        %parallel_loop3A_218 = vector.shape_cast %parallel_loop3A_217 : vector<1x16xf32> to vector<16xf32>
        %parallel_loop3A_219 = arith.mulf %parallel_loop3A_218, %parallel_loop3A_214 : vector<16xf32>
        %parallel_loop3A_220 = arith.index_cast %parallel_loop3A_160 : i32 to index
        %parallel_loop3A_221 = arith.constant 48 : index
        %parallel_loop3A_222 = tpu.vector_load %arg14[%parallel_loop3A_220, %parallel_loop3A_221] {strides = array<i32>} : memref<80x80xf32, #tpu.memory_space<vmem>>, vector<1x16xf32>,
        %parallel_loop3A_223 = vector.shape_cast %parallel_loop3A_222 : vector<1x16xf32> to vector<16xf32>
        %parallel_loop3A_224 = vector.shape_cast %parallel_loop3A_219 : vector<16xf32> to vector<1x16xf32>
        tpu.vector_store %arg14[%parallel_loop3A_220, %parallel_loop3A_221], %parallel_loop3A_224 {strides = array<i32>} : memref<80x80xf32, #tpu.memory_space<vmem>>, vector<1x16xf32>,
        %parallel_loop3A_225 = arith.constant 0 : i32
        %parallel_loop3A_226 = vector.broadcast %parallel_loop3A_225 : i32 to vector<16x1xi32>
        %parallel_loop3A_227 = vector.shape_cast %parallel_loop3A_226 : vector<16x1xi32> to vector<16xi32>
        %parallel_loop3A_228 = tpu.dynamic_gather %parallel_loop3A_177[%parallel_loop3A_227] in [0] : vector<16xf32>, vector<16xi32> -> vector<16xf32>
        %parallel_loop3A_229 = arith.index_cast %parallel_loop3A_160 : i32 to index
        %parallel_loop3A_230 = arith.constant 64 : index
        %parallel_loop3A_231 = tpu.vector_load %arg11[%parallel_loop3A_229, %parallel_loop3A_230] {strides = array<i32>} : memref<80x80xf32, #tpu.memory_space<vmem>>, vector<1x16xf32>,
        %parallel_loop3A_232 = vector.shape_cast %parallel_loop3A_231 : vector<1x16xf32> to vector<16xf32>
        %parallel_loop3A_233 = arith.mulf %parallel_loop3A_232, %parallel_loop3A_228 : vector<16xf32>
        %parallel_loop3A_234 = arith.index_cast %parallel_loop3A_160 : i32 to index
        %parallel_loop3A_235 = arith.constant 64 : index
        %parallel_loop3A_236 = tpu.vector_load %arg14[%parallel_loop3A_234, %parallel_loop3A_235] {strides = array<i32>} : memref<80x80xf32, #tpu.memory_space<vmem>>, vector<1x16xf32>,
        %parallel_loop3A_237 = vector.shape_cast %parallel_loop3A_236 : vector<1x16xf32> to vector<16xf32>
        %parallel_loop3A_238 = vector.shape_cast %parallel_loop3A_233 : vector<16xf32> to vector<1x16xf32>
        tpu.vector_store %arg14[%parallel_loop3A_234, %parallel_loop3A_235], %parallel_loop3A_238 {strides = array<i32>} : memref<80x80xf32, #tpu.memory_space<vmem>>, vector<1x16xf32>,
      } {sc.loop_unroll_factor = 1 : i64, sc.parallel_access}
      %dma_start3A_139 = arith.constant 24 : i32
      %dma_start3A_140 = arith.constant 0 : i32
      %dma_start3A_141 = tpu.memref_slice %arg10[%dma_start3A_139, %dma_start3A_140] : memref<25x80xi32, #tpu.memory_space<vmem>> -> memref<1x80xi32, #tpu.memory_space<vmem>>
      %dma_start3A_142 = tpu.memref_squeeze %dma_start3A_141 : memref<1x80xi32, #tpu.memory_space<vmem>> -> memref<80xi32, #tpu.memory_space<vmem>>
      %dma_start3A_143 = arith.constant 0 : i32
      %dma_start3A_144 = arith.constant 0 : i32
      %dma_start3A_145 = tpu.memref_slice %arg8[%dma_start3A_143, %dma_start3A_144] : memref<10000x80xf32, #tpu.memory_space<vmem_shared>> -> memref<10000x80xf32, #tpu.memory_space<vmem_shared>>
      tpu.enqueue_indirect_dma source(%arg14 : memref<80x80xf32, #tpu.memory_space<vmem>>) target(%dma_start3A_145 : memref<10000x80xf32, #tpu.memory_space<vmem_shared>>) offsets(%dma_start3A_142 : memref<80xi32, #tpu.memory_space<vmem>>) semaphore(%arg19 : memref<!tpu.dma_semaphore, #tpu.memory_space<semaphore_mem>>) {add = true}
      %dma_wait3A_146 = arith.constant 24 : i32
      %dma_wait3A_147 = arith.constant 0 : i32
      %dma_wait3A_148 = tpu.memref_slice %arg10[%dma_wait3A_146, %dma_wait3A_147] : memref<25x80xi32, #tpu.memory_space<vmem>> -> memref<1x80xi32, #tpu.memory_space<vmem>>
      %dma_wait3A_149 = tpu.memref_squeeze %dma_wait3A_148 : memref<1x80xi32, #tpu.memory_space<vmem>> -> memref<80xi32, #tpu.memory_space<vmem>>
      %dma_wait3A_150 = arith.constant 0 : i32
      %dma_wait3A_151 = arith.constant 0 : i32
      %dma_wait3A_152 = tpu.memref_slice %arg8[%dma_wait3A_150, %dma_wait3A_151] : memref<10000x80xf32, #tpu.memory_space<vmem_shared>> -> memref<10000x80xf32, #tpu.memory_space<vmem_shared>>
      tpu.wait_indirect_dma semaphore(%arg19 : memref<!tpu.dma_semaphore, #tpu.memory_space<semaphore_mem>>) src(%arg14 : memref<80x80xf32, #tpu.memory_space<vmem>>) dst(%dma_wait3A_152 : memref<10000x80xf32, #tpu.memory_space<vmem_shared>>)
      %dma_wait3A_153 = arith.constant 23 : i32
      %dma_wait3A_154 = arith.constant 0 : i32
      %dma_wait3A_155 = tpu.memref_slice %arg10[%dma_wait3A_153, %dma_wait3A_154] : memref<25x80xi32, #tpu.memory_space<vmem>> -> memref<1x80xi32, #tpu.memory_space<vmem>>
      %dma_wait3A_156 = tpu.memref_squeeze %dma_wait3A_155 : memref<1x80xi32, #tpu.memory_space<vmem>> -> memref<80xi32, #tpu.memory_space<vmem>>
      %dma_wait3A_157 = arith.constant 0 : i32
      %dma_wait3A_158 = arith.constant 0 : i32
      %dma_wait3A_159 = tpu.memref_slice %arg8[%dma_wait3A_157, %dma_wait3A_158] : memref<10000x80xf32, #tpu.memory_space<vmem_shared>> -> memref<10000x80xf32, #tpu.memory_space<vmem_shared>>
      tpu.wait_indirect_dma semaphore(%arg20 : memref<!tpu.dma_semaphore, #tpu.memory_space<semaphore_mem>>) src(%arg15 : memref<80x80xf32, #tpu.memory_space<vmem>>) dst(%dma_wait3A_159 : memref<10000x80xf32, #tpu.memory_space<vmem_shared>>)
    }
    %scan3A_9 = arith.constant 5 : i32
    %barrier3A_10 = arith.constant 0 : index
    tpu.barrier barrier_id(%barrier3A_10)
    %mul3A_11 = arith.constant 625 : i32
    %mul3A_12 = arith.muli %arg1, %mul3A_11 : i32
    %mul3A_13 = arith.constant 625 : i32
    %mul3A_14 = arith.muli %arg1, %mul3A_13 : i32
    "tpu.region"() ({
      %run_scoped3A = tpu.sem_alloc : memref<!tpu.dma_semaphore, #tpu.memory_space<semaphore_mem>>
      %dma_start3A = arith.constant 0 : i32
      %dma_start3A_15 = tpu.memref_slice %arg7[%arg0, %mul3A_14, %dma_start3A] : memref<2x10000x80xf32, #tpu.memory_space<hbm>> -> memref<1x625x80xf32, #tpu.memory_space<hbm>>
      %dma_start3A_16 = tpu.memref_squeeze %dma_start3A_15 : memref<1x625x80xf32, #tpu.memory_space<hbm>> -> memref<625x80xf32, #tpu.memory_space<hbm>>
      %dma_start3A_17 = arith.constant 0 : i32
      %dma_start3A_18 = tpu.memref_slice %arg8[%mul3A_12, %dma_start3A_17] : memref<10000x80xf32, #tpu.memory_space<vmem_shared>> -> memref<625x80xf32, #tpu.memory_space<vmem_shared>>
      tpu.enqueue_dma source(%dma_start3A_18 : memref<625x80xf32, #tpu.memory_space<vmem_shared>>) target(%dma_start3A_16 : memref<625x80xf32, #tpu.memory_space<hbm>>) target_semaphore(%run_scoped3A : memref<!tpu.dma_semaphore, #tpu.memory_space<semaphore_mem>>)
      %dma_wait3A = arith.constant 0 : i32
      %dma_wait3A_19 = tpu.memref_slice %arg7[%arg0, %mul3A_14, %dma_wait3A] : memref<2x10000x80xf32, #tpu.memory_space<hbm>> -> memref<1x625x80xf32, #tpu.memory_space<hbm>>
      %dma_wait3A_20 = tpu.memref_squeeze %dma_wait3A_19 : memref<1x625x80xf32, #tpu.memory_space<hbm>> -> memref<625x80xf32, #tpu.memory_space<hbm>>
      %dma_wait3A_21 = arith.constant 0 : i32
      %dma_wait3A_22 = tpu.memref_slice %arg8[%mul3A_12, %dma_wait3A_21] : memref<10000x80xf32, #tpu.memory_space<vmem_shared>> -> memref<625x80xf32, #tpu.memory_space<vmem_shared>>
      tpu.wait_dma2 semaphore(%run_scoped3A : memref<!tpu.dma_semaphore, #tpu.memory_space<semaphore_mem>>) src(%dma_wait3A_22 : memref<625x80xf32, #tpu.memory_space<vmem_shared>>) dst(%dma_wait3A_20 : memref<625x80xf32, #tpu.memory_space<hbm>>)
      tpu.yield
    }) : () -> ()
    return
  }
}

#map = affine_map<(d0, d1) -> (0, 0)>
module attributes {stable_mosaic.version = 14 : i64} {
  func.func @k(%arg0: i32, %arg1: i32, %arg2: memref<128x80xi32, #tpu.memory_space<hbm>>, %arg3: memref<1000x16xf32, #tpu.memory_space<hbm>>, %arg4: memref<10240x16xf32, #tpu.memory_space<hbm>>, %arg5: memref<4x80xi32, #tpu.memory_space<vmem>>, %arg6: memref<80x16xf32, #tpu.memory_space<vmem>>, %arg7: memref<!tpu.dma_semaphore, #tpu.memory_space<semaphore_mem>>) attributes {dimension_semantics = [#tpu.dimension_semantics<core_parallel>, #tpu.dimension_semantics<subcore_parallel>], iteration_bounds = array<i64: 2, 16>, scalar_prefetch = 0 : i64, scratch_operands = 3 : i64, tpu.core_type = #tpu.core_type<sc_vector_subcore>, window_params = [{transform_indices = #map}, {transform_indices = #map}, {transform_indices = #map}]} {
    %mul3A = arith.constant 16 : i32
    %mul3A_0 = arith.muli %arg0, %mul3A : i32
    %add3A = arith.addi %mul3A_0, %arg1 : i32
    %mul3A_1 = arith.constant 4 : i32
    %mul3A_2 = arith.muli %add3A, %mul3A_1 : i32
    "tpu.region"() ({
      %run_scoped3A = tpu.sem_alloc : memref<!tpu.dma_semaphore, #tpu.memory_space<semaphore_mem>>
      %dma_start3A_73 = arith.constant 0 : i32
      %dma_start3A_74 = tpu.memref_slice %arg2[%mul3A_2, %dma_start3A_73] : memref<128x80xi32, #tpu.memory_space<hbm>> -> memref<4x80xi32, #tpu.memory_space<hbm>>
      %dma_start3A_75 = arith.constant 0 : i32
      %dma_start3A_76 = tpu.memref_slice %arg2[%mul3A_2, %dma_start3A_75] : memref<128x80xi32, #tpu.memory_space<hbm>> -> memref<4x80xi32, #tpu.memory_space<hbm>>
      tpu.enqueue_dma source(%dma_start3A_76 : memref<4x80xi32, #tpu.memory_space<hbm>>) target(%arg5 : memref<4x80xi32, #tpu.memory_space<vmem>>) target_semaphore(%run_scoped3A : memref<!tpu.dma_semaphore, #tpu.memory_space<semaphore_mem>>)
      %dma_wait3A_77 = arith.constant 0 : i32
      %dma_wait3A_78 = tpu.memref_slice %arg2[%mul3A_2, %dma_wait3A_77] : memref<128x80xi32, #tpu.memory_space<hbm>> -> memref<4x80xi32, #tpu.memory_space<hbm>>
      %dma_wait3A_79 = arith.constant 0 : i32
      %dma_wait3A_80 = tpu.memref_slice %arg2[%mul3A_2, %dma_wait3A_79] : memref<128x80xi32, #tpu.memory_space<hbm>> -> memref<4x80xi32, #tpu.memory_space<hbm>>
      tpu.wait_dma2 semaphore(%run_scoped3A : memref<!tpu.dma_semaphore, #tpu.memory_space<semaphore_mem>>) src(%dma_wait3A_80 : memref<4x80xi32, #tpu.memory_space<hbm>>) dst(%arg5 : memref<4x80xi32, #tpu.memory_space<vmem>>)
      tpu.yield
    }) : () -> ()
    %dma_start3A = arith.constant 0 : i32
    %dma_start3A_3 = arith.constant 0 : i32
    %dma_start3A_4 = tpu.memref_slice %arg5[%dma_start3A, %dma_start3A_3] : memref<4x80xi32, #tpu.memory_space<vmem>> -> memref<1x80xi32, #tpu.memory_space<vmem>>
    %dma_start3A_5 = tpu.memref_squeeze %dma_start3A_4 : memref<1x80xi32, #tpu.memory_space<vmem>> -> memref<80xi32, #tpu.memory_space<vmem>>
    %dma_start3A_6 = arith.constant 0 : i32
    %dma_start3A_7 = arith.constant 0 : i32
    %dma_start3A_8 = tpu.memref_slice %arg3[%dma_start3A_6, %dma_start3A_7] : memref<1000x16xf32, #tpu.memory_space<hbm>> -> memref<1000x16xf32, #tpu.memory_space<hbm>>
    tpu.enqueue_indirect_dma source(%dma_start3A_8 : memref<1000x16xf32, #tpu.memory_space<hbm>>) target(%arg6 : memref<80x16xf32, #tpu.memory_space<vmem>>) offsets(%dma_start3A_5 : memref<80xi32, #tpu.memory_space<vmem>>) semaphore(%arg7 : memref<!tpu.dma_semaphore, #tpu.memory_space<semaphore_mem>>)
    %dma_wait3A = arith.constant 0 : i32
    %dma_wait3A_9 = arith.constant 0 : i32
    %dma_wait3A_10 = tpu.memref_slice %arg5[%dma_wait3A, %dma_wait3A_9] : memref<4x80xi32, #tpu.memory_space<vmem>> -> memref<1x80xi32, #tpu.memory_space<vmem>>
    %dma_wait3A_11 = tpu.memref_squeeze %dma_wait3A_10 : memref<1x80xi32, #tpu.memory_space<vmem>> -> memref<80xi32, #tpu.memory_space<vmem>>
    %dma_wait3A_12 = arith.constant 0 : i32
    %dma_wait3A_13 = arith.constant 0 : i32
    %dma_wait3A_14 = tpu.memref_slice %arg3[%dma_wait3A_12, %dma_wait3A_13] : memref<1000x16xf32, #tpu.memory_space<hbm>> -> memref<1000x16xf32, #tpu.memory_space<hbm>>
    tpu.wait_indirect_dma semaphore(%arg7 : memref<!tpu.dma_semaphore, #tpu.memory_space<semaphore_mem>>) src(%dma_wait3A_14 : memref<1000x16xf32, #tpu.memory_space<hbm>>) dst(%arg6 : memref<80x16xf32, #tpu.memory_space<vmem>>)
    %mul3A_15 = arith.constant 320 : i32
    %mul3A_16 = arith.muli %add3A, %mul3A_15 : i32
    %add3A_17 = arith.constant 0 : i32
    %add3A_18 = arith.addi %mul3A_16, %add3A_17 : i32
    "tpu.region"() ({
      %run_scoped3A = tpu.sem_alloc : memref<!tpu.dma_semaphore, #tpu.memory_space<semaphore_mem>>
      %dma_start3A_73 = arith.constant 0 : i32
      %dma_start3A_74 = tpu.memref_slice %arg4[%add3A_18, %dma_start3A_73] : memref<10240x16xf32, #tpu.memory_space<hbm>> -> memref<80x16xf32, #tpu.memory_space<hbm>>
      %dma_start3A_75 = arith.constant 0 : i32
      %dma_start3A_76 = tpu.memref_slice %arg4[%add3A_18, %dma_start3A_75] : memref<10240x16xf32, #tpu.memory_space<hbm>> -> memref<80x16xf32, #tpu.memory_space<hbm>>
      tpu.enqueue_dma source(%arg6 : memref<80x16xf32, #tpu.memory_space<vmem>>) target(%dma_start3A_76 : memref<80x16xf32, #tpu.memory_space<hbm>>) target_semaphore(%run_scoped3A : memref<!tpu.dma_semaphore, #tpu.memory_space<semaphore_mem>>)
      %dma_wait3A_77 = arith.constant 0 : i32
      %dma_wait3A_78 = tpu.memref_slice %arg4[%add3A_18, %dma_wait3A_77] : memref<10240x16xf32, #tpu.memory_space<hbm>> -> memref<80x16xf32, #tpu.memory_space<hbm>>
      %dma_wait3A_79 = arith.constant 0 : i32
      %dma_wait3A_80 = tpu.memref_slice %arg4[%add3A_18, %dma_wait3A_79] : memref<10240x16xf32, #tpu.memory_space<hbm>> -> memref<80x16xf32, #tpu.memory_space<hbm>>
      tpu.wait_dma2 semaphore(%run_scoped3A : memref<!tpu.dma_semaphore, #tpu.memory_space<semaphore_mem>>) src(%arg6 : memref<80x16xf32, #tpu.memory_space<vmem>>) dst(%dma_wait3A_80 : memref<80x16xf32, #tpu.memory_space<hbm>>)
      tpu.yield
    }) : () -> ()
    %dma_start3A_19 = arith.constant 1 : i32
    %dma_start3A_20 = arith.constant 0 : i32
    %dma_start3A_21 = tpu.memref_slice %arg5[%dma_start3A_19, %dma_start3A_20] : memref<4x80xi32, #tpu.memory_space<vmem>> -> memref<1x80xi32, #tpu.memory_space<vmem>>
    %dma_start3A_22 = tpu.memref_squeeze %dma_start3A_21 : memref<1x80xi32, #tpu.memory_space<vmem>> -> memref<80xi32, #tpu.memory_space<vmem>>
    %dma_start3A_23 = arith.constant 0 : i32
    %dma_start3A_24 = arith.constant 0 : i32
    %dma_start3A_25 = tpu.memref_slice %arg3[%dma_start3A_23, %dma_start3A_24] : memref<1000x16xf32, #tpu.memory_space<hbm>> -> memref<1000x16xf32, #tpu.memory_space<hbm>>
    tpu.enqueue_indirect_dma source(%dma_start3A_25 : memref<1000x16xf32, #tpu.memory_space<hbm>>) target(%arg6 : memref<80x16xf32, #tpu.memory_space<vmem>>) offsets(%dma_start3A_22 : memref<80xi32, #tpu.memory_space<vmem>>) semaphore(%arg7 : memref<!tpu.dma_semaphore, #tpu.memory_space<semaphore_mem>>)
    %dma_wait3A_26 = arith.constant 1 : i32
    %dma_wait3A_27 = arith.constant 0 : i32
    %dma_wait3A_28 = tpu.memref_slice %arg5[%dma_wait3A_26, %dma_wait3A_27] : memref<4x80xi32, #tpu.memory_space<vmem>> -> memref<1x80xi32, #tpu.memory_space<vmem>>
    %dma_wait3A_29 = tpu.memref_squeeze %dma_wait3A_28 : memref<1x80xi32, #tpu.memory_space<vmem>> -> memref<80xi32, #tpu.memory_space<vmem>>
    %dma_wait3A_30 = arith.constant 0 : i32
    %dma_wait3A_31 = arith.constant 0 : i32
    %dma_wait3A_32 = tpu.memref_slice %arg3[%dma_wait3A_30, %dma_wait3A_31] : memref<1000x16xf32, #tpu.memory_space<hbm>> -> memref<1000x16xf32, #tpu.memory_space<hbm>>
    tpu.wait_indirect_dma semaphore(%arg7 : memref<!tpu.dma_semaphore, #tpu.memory_space<semaphore_mem>>) src(%dma_wait3A_32 : memref<1000x16xf32, #tpu.memory_space<hbm>>) dst(%arg6 : memref<80x16xf32, #tpu.memory_space<vmem>>)
    %mul3A_33 = arith.constant 320 : i32
    %mul3A_34 = arith.muli %add3A, %mul3A_33 : i32
    %add3A_35 = arith.constant 80 : i32
    %add3A_36 = arith.addi %mul3A_34, %add3A_35 : i32
    "tpu.region"() ({
      %run_scoped3A = tpu.sem_alloc : memref<!tpu.dma_semaphore, #tpu.memory_space<semaphore_mem>>
      %dma_start3A_73 = arith.constant 0 : i32
      %dma_start3A_74 = tpu.memref_slice %arg4[%add3A_36, %dma_start3A_73] : memref<10240x16xf32, #tpu.memory_space<hbm>> -> memref<80x16xf32, #tpu.memory_space<hbm>>
      %dma_start3A_75 = arith.constant 0 : i32
      %dma_start3A_76 = tpu.memref_slice %arg4[%add3A_36, %dma_start3A_75] : memref<10240x16xf32, #tpu.memory_space<hbm>> -> memref<80x16xf32, #tpu.memory_space<hbm>>
      tpu.enqueue_dma source(%arg6 : memref<80x16xf32, #tpu.memory_space<vmem>>) target(%dma_start3A_76 : memref<80x16xf32, #tpu.memory_space<hbm>>) target_semaphore(%run_scoped3A : memref<!tpu.dma_semaphore, #tpu.memory_space<semaphore_mem>>)
      %dma_wait3A_77 = arith.constant 0 : i32
      %dma_wait3A_78 = tpu.memref_slice %arg4[%add3A_36, %dma_wait3A_77] : memref<10240x16xf32, #tpu.memory_space<hbm>> -> memref<80x16xf32, #tpu.memory_space<hbm>>
      %dma_wait3A_79 = arith.constant 0 : i32
      %dma_wait3A_80 = tpu.memref_slice %arg4[%add3A_36, %dma_wait3A_79] : memref<10240x16xf32, #tpu.memory_space<hbm>> -> memref<80x16xf32, #tpu.memory_space<hbm>>
      tpu.wait_dma2 semaphore(%run_scoped3A : memref<!tpu.dma_semaphore, #tpu.memory_space<semaphore_mem>>) src(%arg6 : memref<80x16xf32, #tpu.memory_space<vmem>>) dst(%dma_wait3A_80 : memref<80x16xf32, #tpu.memory_space<hbm>>)
      tpu.yield
    }) : () -> ()
    %dma_start3A_37 = arith.constant 2 : i32
    %dma_start3A_38 = arith.constant 0 : i32
    %dma_start3A_39 = tpu.memref_slice %arg5[%dma_start3A_37, %dma_start3A_38] : memref<4x80xi32, #tpu.memory_space<vmem>> -> memref<1x80xi32, #tpu.memory_space<vmem>>
    %dma_start3A_40 = tpu.memref_squeeze %dma_start3A_39 : memref<1x80xi32, #tpu.memory_space<vmem>> -> memref<80xi32, #tpu.memory_space<vmem>>
    %dma_start3A_41 = arith.constant 0 : i32
    %dma_start3A_42 = arith.constant 0 : i32
    %dma_start3A_43 = tpu.memref_slice %arg3[%dma_start3A_41, %dma_start3A_42] : memref<1000x16xf32, #tpu.memory_space<hbm>> -> memref<1000x16xf32, #tpu.memory_space<hbm>>
    tpu.enqueue_indirect_dma source(%dma_start3A_43 : memref<1000x16xf32, #tpu.memory_space<hbm>>) target(%arg6 : memref<80x16xf32, #tpu.memory_space<vmem>>) offsets(%dma_start3A_40 : memref<80xi32, #tpu.memory_space<vmem>>) semaphore(%arg7 : memref<!tpu.dma_semaphore, #tpu.memory_space<semaphore_mem>>)
    %dma_wait3A_44 = arith.constant 2 : i32
    %dma_wait3A_45 = arith.constant 0 : i32
    %dma_wait3A_46 = tpu.memref_slice %arg5[%dma_wait3A_44, %dma_wait3A_45] : memref<4x80xi32, #tpu.memory_space<vmem>> -> memref<1x80xi32, #tpu.memory_space<vmem>>
    %dma_wait3A_47 = tpu.memref_squeeze %dma_wait3A_46 : memref<1x80xi32, #tpu.memory_space<vmem>> -> memref<80xi32, #tpu.memory_space<vmem>>
    %dma_wait3A_48 = arith.constant 0 : i32
    %dma_wait3A_49 = arith.constant 0 : i32
    %dma_wait3A_50 = tpu.memref_slice %arg3[%dma_wait3A_48, %dma_wait3A_49] : memref<1000x16xf32, #tpu.memory_space<hbm>> -> memref<1000x16xf32, #tpu.memory_space<hbm>>
    tpu.wait_indirect_dma semaphore(%arg7 : memref<!tpu.dma_semaphore, #tpu.memory_space<semaphore_mem>>) src(%dma_wait3A_50 : memref<1000x16xf32, #tpu.memory_space<hbm>>) dst(%arg6 : memref<80x16xf32, #tpu.memory_space<vmem>>)
    %mul3A_51 = arith.constant 320 : i32
    %mul3A_52 = arith.muli %add3A, %mul3A_51 : i32
    %add3A_53 = arith.constant 160 : i32
    %add3A_54 = arith.addi %mul3A_52, %add3A_53 : i32
    "tpu.region"() ({
      %run_scoped3A = tpu.sem_alloc : memref<!tpu.dma_semaphore, #tpu.memory_space<semaphore_mem>>
      %dma_start3A_73 = arith.constant 0 : i32
      %dma_start3A_74 = tpu.memref_slice %arg4[%add3A_54, %dma_start3A_73] : memref<10240x16xf32, #tpu.memory_space<hbm>> -> memref<80x16xf32, #tpu.memory_space<hbm>>
      %dma_start3A_75 = arith.constant 0 : i32
      %dma_start3A_76 = tpu.memref_slice %arg4[%add3A_54, %dma_start3A_75] : memref<10240x16xf32, #tpu.memory_space<hbm>> -> memref<80x16xf32, #tpu.memory_space<hbm>>
      tpu.enqueue_dma source(%arg6 : memref<80x16xf32, #tpu.memory_space<vmem>>) target(%dma_start3A_76 : memref<80x16xf32, #tpu.memory_space<hbm>>) target_semaphore(%run_scoped3A : memref<!tpu.dma_semaphore, #tpu.memory_space<semaphore_mem>>)
      %dma_wait3A_77 = arith.constant 0 : i32
      %dma_wait3A_78 = tpu.memref_slice %arg4[%add3A_54, %dma_wait3A_77] : memref<10240x16xf32, #tpu.memory_space<hbm>> -> memref<80x16xf32, #tpu.memory_space<hbm>>
      %dma_wait3A_79 = arith.constant 0 : i32
      %dma_wait3A_80 = tpu.memref_slice %arg4[%add3A_54, %dma_wait3A_79] : memref<10240x16xf32, #tpu.memory_space<hbm>> -> memref<80x16xf32, #tpu.memory_space<hbm>>
      tpu.wait_dma2 semaphore(%run_scoped3A : memref<!tpu.dma_semaphore, #tpu.memory_space<semaphore_mem>>) src(%arg6 : memref<80x16xf32, #tpu.memory_space<vmem>>) dst(%dma_wait3A_80 : memref<80x16xf32, #tpu.memory_space<hbm>>)
      tpu.yield
    }) : () -> ()
    %dma_start3A_55 = arith.constant 3 : i32
    %dma_start3A_56 = arith.constant 0 : i32
    %dma_start3A_57 = tpu.memref_slice %arg5[%dma_start3A_55, %dma_start3A_56] : memref<4x80xi32, #tpu.memory_space<vmem>> -> memref<1x80xi32, #tpu.memory_space<vmem>>
    %dma_start3A_58 = tpu.memref_squeeze %dma_start3A_57 : memref<1x80xi32, #tpu.memory_space<vmem>> -> memref<80xi32, #tpu.memory_space<vmem>>
    %dma_start3A_59 = arith.constant 0 : i32
    %dma_start3A_60 = arith.constant 0 : i32
    %dma_start3A_61 = tpu.memref_slice %arg3[%dma_start3A_59, %dma_start3A_60] : memref<1000x16xf32, #tpu.memory_space<hbm>> -> memref<1000x16xf32, #tpu.memory_space<hbm>>
    tpu.enqueue_indirect_dma source(%dma_start3A_61 : memref<1000x16xf32, #tpu.memory_space<hbm>>) target(%arg6 : memref<80x16xf32, #tpu.memory_space<vmem>>) offsets(%dma_start3A_58 : memref<80xi32, #tpu.memory_space<vmem>>) semaphore(%arg7 : memref<!tpu.dma_semaphore, #tpu.memory_space<semaphore_mem>>)
    %dma_wait3A_62 = arith.constant 3 : i32
    %dma_wait3A_63 = arith.constant 0 : i32
    %dma_wait3A_64 = tpu.memref_slice %arg5[%dma_wait3A_62, %dma_wait3A_63] : memref<4x80xi32, #tpu.memory_space<vmem>> -> memref<1x80xi32, #tpu.memory_space<vmem>>
    %dma_wait3A_65 = tpu.memref_squeeze %dma_wait3A_64 : memref<1x80xi32, #tpu.memory_space<vmem>> -> memref<80xi32, #tpu.memory_space<vmem>>
    %dma_wait3A_66 = arith.constant 0 : i32
    %dma_wait3A_67 = arith.constant 0 : i32
    %dma_wait3A_68 = tpu.memref_slice %arg3[%dma_wait3A_66, %dma_wait3A_67] : memref<1000x16xf32, #tpu.memory_space<hbm>> -> memref<1000x16xf32, #tpu.memory_space<hbm>>
    tpu.wait_indirect_dma semaphore(%arg7 : memref<!tpu.dma_semaphore, #tpu.memory_space<semaphore_mem>>) src(%dma_wait3A_68 : memref<1000x16xf32, #tpu.memory_space<hbm>>) dst(%arg6 : memref<80x16xf32, #tpu.memory_space<vmem>>)
    %mul3A_69 = arith.constant 320 : i32
    %mul3A_70 = arith.muli %add3A, %mul3A_69 : i32
    %add3A_71 = arith.constant 240 : i32
    %add3A_72 = arith.addi %mul3A_70, %add3A_71 : i32
    "tpu.region"() ({
      %run_scoped3A = tpu.sem_alloc : memref<!tpu.dma_semaphore, #tpu.memory_space<semaphore_mem>>
      %dma_start3A_73 = arith.constant 0 : i32
      %dma_start3A_74 = tpu.memref_slice %arg4[%add3A_72, %dma_start3A_73] : memref<10240x16xf32, #tpu.memory_space<hbm>> -> memref<80x16xf32, #tpu.memory_space<hbm>>
      %dma_start3A_75 = arith.constant 0 : i32
      %dma_start3A_76 = tpu.memref_slice %arg4[%add3A_72, %dma_start3A_75] : memref<10240x16xf32, #tpu.memory_space<hbm>> -> memref<80x16xf32, #tpu.memory_space<hbm>>
      tpu.enqueue_dma source(%arg6 : memref<80x16xf32, #tpu.memory_space<vmem>>) target(%dma_start3A_76 : memref<80x16xf32, #tpu.memory_space<hbm>>) target_semaphore(%run_scoped3A : memref<!tpu.dma_semaphore, #tpu.memory_space<semaphore_mem>>)
      %dma_wait3A_77 = arith.constant 0 : i32
      %dma_wait3A_78 = tpu.memref_slice %arg4[%add3A_72, %dma_wait3A_77] : memref<10240x16xf32, #tpu.memory_space<hbm>> -> memref<80x16xf32, #tpu.memory_space<hbm>>
      %dma_wait3A_79 = arith.constant 0 : i32
      %dma_wait3A_80 = tpu.memref_slice %arg4[%add3A_72, %dma_wait3A_79] : memref<10240x16xf32, #tpu.memory_space<hbm>> -> memref<80x16xf32, #tpu.memory_space<hbm>>
      tpu.wait_dma2 semaphore(%run_scoped3A : memref<!tpu.dma_semaphore, #tpu.memory_space<semaphore_mem>>) src(%arg6 : memref<80x16xf32, #tpu.memory_space<vmem>>) dst(%dma_wait3A_80 : memref<80x16xf32, #tpu.memory_space<hbm>>)
      tpu.yield
    }) : () -> ()
    return
  }
}

#map = affine_map<(d0, d1) -> (0, 0)>
#map1 = affine_map<(d0, d1) -> (0, 0, 0)>
module attributes {stable_mosaic.version = 14 : i64} {
  func.func @k(%arg0: i32, %arg1: i32, %arg2: memref<10000x144xf32, #tpu.memory_space<hbm>>, %arg3: memref<10000x16xf32, #tpu.memory_space<hbm>>, %arg4: memref<6400x50xi32, #tpu.memory_space<hbm>>, %arg5: memref<6400x50xi32, #tpu.memory_space<hbm>>, %arg6: memref<625x144xf32, #tpu.memory_space<hbm>>, %arg7: memref<2x10000x144xf32, #tpu.memory_space<hbm>>, %arg8: memref<10000x144xf32, #tpu.memory_space<vmem_shared>>, %arg9: memref<25x50xi32, #tpu.memory_space<vmem>>, %arg10: memref<25x50xi32, #tpu.memory_space<vmem>>, %arg11: memref<50x144xf32, #tpu.memory_space<vmem>>, %arg12: memref<50x144xf32, #tpu.memory_space<vmem>>, %arg13: memref<50x16xf32, #tpu.memory_space<vmem>>, %arg14: memref<50x144xf32, #tpu.memory_space<vmem>>, %arg15: memref<50x144xf32, #tpu.memory_space<vmem>>, %arg16: memref<!tpu.dma_semaphore, #tpu.memory_space<semaphore_mem>>, %arg17: memref<!tpu.dma_semaphore, #tpu.memory_space<semaphore_mem>>, %arg18: memref<!tpu.dma_semaphore, #tpu.memory_space<semaphore_mem>>, %arg19: memref<!tpu.dma_semaphore, #tpu.memory_space<semaphore_mem>>, %arg20: memref<!tpu.dma_semaphore, #tpu.memory_space<semaphore_mem>>) attributes {dimension_semantics = [#tpu.dimension_semantics<core_parallel>, #tpu.dimension_semantics<subcore_parallel>], iteration_bounds = array<i64: 2, 16>, scalar_prefetch = 0 : i64, scratch_operands = 13 : i64, tpu.core_type = #tpu.core_type<sc_vector_subcore>, window_params = [{transform_indices = #map}, {transform_indices = #map}, {transform_indices = #map}, {transform_indices = #map}, {transform_indices = #map}, {transform_indices = #map1}]} {
    %mul3A = arith.constant 16 : i32
    %mul3A_0 = arith.muli %arg0, %mul3A : i32
    %add3A = arith.addi %mul3A_0, %arg1 : i32
    %mul3A_1 = arith.constant 625 : i32
    %mul3A_2 = arith.muli %arg1, %mul3A_1 : i32
    "tpu.region"() ({
      %run_scoped3A = tpu.sem_alloc : memref<!tpu.dma_semaphore, #tpu.memory_space<semaphore_mem>>
      %dma_start3A = arith.constant 0 : i32
      %dma_start3A_15 = tpu.memref_slice %arg8[%mul3A_2, %dma_start3A] : memref<10000x144xf32, #tpu.memory_space<vmem_shared>> -> memref<625x144xf32, #tpu.memory_space<vmem_shared>>
      tpu.enqueue_dma source(%arg6 : memref<625x144xf32, #tpu.memory_space<hbm>>) target(%dma_start3A_15 : memref<625x144xf32, #tpu.memory_space<vmem_shared>>) target_semaphore(%run_scoped3A : memref<!tpu.dma_semaphore, #tpu.memory_space<semaphore_mem>>)
      %dma_wait3A = arith.constant 0 : i32
      %dma_wait3A_16 = tpu.memref_slice %arg8[%mul3A_2, %dma_wait3A] : memref<10000x144xf32, #tpu.memory_space<vmem_shared>> -> memref<625x144xf32, #tpu.memory_space<vmem_shared>>
      tpu.wait_dma2 semaphore(%run_scoped3A : memref<!tpu.dma_semaphore, #tpu.memory_space<semaphore_mem>>) src(%arg6 : memref<625x144xf32, #tpu.memory_space<hbm>>) dst(%dma_wait3A_16 : memref<625x144xf32, #tpu.memory_space<vmem_shared>>)
      tpu.yield
    }) : () -> ()
    %barrier3A = arith.constant 0 : index
    tpu.barrier barrier_id(%barrier3A)
    %mul3A_3 = arith.constant 200 : i32
    %mul3A_4 = arith.muli %add3A, %mul3A_3 : i32
    %scan3A = arith.constant 0 : i32
    %scan3A_5 = arith.constant 0 : i32
    %scan3A_6 = arith.constant 8 : i32
    %scan3A_7 = arith.addi %scan3A_5, %scan3A_6 : i32
    %scan3A_8 = arith.constant 1 : i32
    scf.for %scan3A_15 = %scan3A_5 to %scan3A_7 step %scan3A_8  : i32 {
      %mul3A_16 = arith.constant 25 : i32
      %mul3A_17 = arith.muli %scan3A_15, %mul3A_16 : i32
      %add3A_18 = arith.addi %mul3A_4, %mul3A_17 : i32
      "tpu.region"() ({
        %run_scoped3A = tpu.sem_alloc : memref<!tpu.dma_semaphore, #tpu.memory_space<semaphore_mem>>
        %dma_start3A_160 = arith.constant 0 : i32
        %dma_start3A_161 = tpu.memref_slice %arg4[%add3A_18, %dma_start3A_160] : memref<6400x50xi32, #tpu.memory_space<hbm>> -> memref<25x50xi32, #tpu.memory_space<hbm>>
        %dma_start3A_162 = arith.constant 0 : i32
        %dma_start3A_163 = tpu.memref_slice %arg4[%add3A_18, %dma_start3A_162] : memref<6400x50xi32, #tpu.memory_space<hbm>> -> memref<25x50xi32, #tpu.memory_space<hbm>>
        tpu.enqueue_dma source(%dma_start3A_163 : memref<25x50xi32, #tpu.memory_space<hbm>>) target(%arg9 : memref<25x50xi32, #tpu.memory_space<vmem>>) target_semaphore(%run_scoped3A : memref<!tpu.dma_semaphore, #tpu.memory_space<semaphore_mem>>)
        %dma_wait3A_164 = arith.constant 0 : i32
        %dma_wait3A_165 = tpu.memref_slice %arg4[%add3A_18, %dma_wait3A_164] : memref<6400x50xi32, #tpu.memory_space<hbm>> -> memref<25x50xi32, #tpu.memory_space<hbm>>
        %dma_wait3A_166 = arith.constant 0 : i32
        %dma_wait3A_167 = tpu.memref_slice %arg4[%add3A_18, %dma_wait3A_166] : memref<6400x50xi32, #tpu.memory_space<hbm>> -> memref<25x50xi32, #tpu.memory_space<hbm>>
        tpu.wait_dma2 semaphore(%run_scoped3A : memref<!tpu.dma_semaphore, #tpu.memory_space<semaphore_mem>>) src(%dma_wait3A_167 : memref<25x50xi32, #tpu.memory_space<hbm>>) dst(%arg9 : memref<25x50xi32, #tpu.memory_space<vmem>>)
        tpu.yield
      }) : () -> ()
      %mul3A_19 = arith.constant 25 : i32
      %mul3A_20 = arith.muli %scan3A_15, %mul3A_19 : i32
      %add3A_21 = arith.addi %mul3A_4, %mul3A_20 : i32
      "tpu.region"() ({
        %run_scoped3A = tpu.sem_alloc : memref<!tpu.dma_semaphore, #tpu.memory_space<semaphore_mem>>
        %dma_start3A_160 = arith.constant 0 : i32
        %dma_start3A_161 = tpu.memref_slice %arg5[%add3A_21, %dma_start3A_160] : memref<6400x50xi32, #tpu.memory_space<hbm>> -> memref<25x50xi32, #tpu.memory_space<hbm>>
        %dma_start3A_162 = arith.constant 0 : i32
        %dma_start3A_163 = tpu.memref_slice %arg5[%add3A_21, %dma_start3A_162] : memref<6400x50xi32, #tpu.memory_space<hbm>> -> memref<25x50xi32, #tpu.memory_space<hbm>>
        tpu.enqueue_dma source(%dma_start3A_163 : memref<25x50xi32, #tpu.memory_space<hbm>>) target(%arg10 : memref<25x50xi32, #tpu.memory_space<vmem>>) target_semaphore(%run_scoped3A : memref<!tpu.dma_semaphore, #tpu.memory_space<semaphore_mem>>)
        %dma_wait3A_164 = arith.constant 0 : i32
        %dma_wait3A_165 = tpu.memref_slice %arg5[%add3A_21, %dma_wait3A_164] : memref<6400x50xi32, #tpu.memory_space<hbm>> -> memref<25x50xi32, #tpu.memory_space<hbm>>
        %dma_wait3A_166 = arith.constant 0 : i32
        %dma_wait3A_167 = tpu.memref_slice %arg5[%add3A_21, %dma_wait3A_166] : memref<6400x50xi32, #tpu.memory_space<hbm>> -> memref<25x50xi32, #tpu.memory_space<hbm>>
        tpu.wait_dma2 semaphore(%run_scoped3A : memref<!tpu.dma_semaphore, #tpu.memory_space<semaphore_mem>>) src(%dma_wait3A_167 : memref<25x50xi32, #tpu.memory_space<hbm>>) dst(%arg10 : memref<25x50xi32, #tpu.memory_space<vmem>>)
        tpu.yield
      }) : () -> ()
      %dma_start3A = arith.constant 0 : i32
      %dma_start3A_22 = arith.constant 0 : i32
      %dma_start3A_23 = tpu.memref_slice %arg9[%dma_start3A, %dma_start3A_22] : memref<25x50xi32, #tpu.memory_space<vmem>> -> memref<1x50xi32, #tpu.memory_space<vmem>>
      %dma_start3A_24 = tpu.memref_squeeze %dma_start3A_23 : memref<1x50xi32, #tpu.memory_space<vmem>> -> memref<50xi32, #tpu.memory_space<vmem>>
      %dma_start3A_25 = arith.constant 0 : i32
      %dma_start3A_26 = arith.constant 0 : i32
      %dma_start3A_27 = tpu.memref_slice %arg2[%dma_start3A_25, %dma_start3A_26] : memref<10000x144xf32, #tpu.memory_space<hbm>> -> memref<10000x144xf32, #tpu.memory_space<hbm>>
      tpu.enqueue_indirect_dma source(%dma_start3A_27 : memref<10000x144xf32, #tpu.memory_space<hbm>>) target(%arg11 : memref<50x144xf32, #tpu.memory_space<vmem>>) offsets(%dma_start3A_24 : memref<50xi32, #tpu.memory_space<vmem>>) semaphore(%arg16 : memref<!tpu.dma_semaphore, #tpu.memory_space<semaphore_mem>>)
      %dma_start3A_28 = arith.constant 0 : i32
      %dma_start3A_29 = arith.constant 0 : i32
      %dma_start3A_30 = tpu.memref_slice %arg10[%dma_start3A_28, %dma_start3A_29] : memref<25x50xi32, #tpu.memory_space<vmem>> -> memref<1x50xi32, #tpu.memory_space<vmem>>
      %dma_start3A_31 = tpu.memref_squeeze %dma_start3A_30 : memref<1x50xi32, #tpu.memory_space<vmem>> -> memref<50xi32, #tpu.memory_space<vmem>>
      %dma_start3A_32 = arith.constant 0 : i32
      %dma_start3A_33 = arith.constant 0 : i32
      %dma_start3A_34 = tpu.memref_slice %arg3[%dma_start3A_32, %dma_start3A_33] : memref<10000x16xf32, #tpu.memory_space<hbm>> -> memref<10000x16xf32, #tpu.memory_space<hbm>>
      tpu.enqueue_indirect_dma source(%dma_start3A_34 : memref<10000x16xf32, #tpu.memory_space<hbm>>) target(%arg13 : memref<50x16xf32, #tpu.memory_space<vmem>>) offsets(%dma_start3A_31 : memref<50xi32, #tpu.memory_space<vmem>>) semaphore(%arg18 : memref<!tpu.dma_semaphore, #tpu.memory_space<semaphore_mem>>)
      %dma_wait3A = arith.constant 0 : i32
      %dma_wait3A_35 = arith.constant 0 : i32
      %dma_wait3A_36 = tpu.memref_slice %arg9[%dma_wait3A, %dma_wait3A_35] : memref<25x50xi32, #tpu.memory_space<vmem>> -> memref<1x50xi32, #tpu.memory_space<vmem>>
      %dma_wait3A_37 = tpu.memref_squeeze %dma_wait3A_36 : memref<1x50xi32, #tpu.memory_space<vmem>> -> memref<50xi32, #tpu.memory_space<vmem>>
      %dma_wait3A_38 = arith.constant 0 : i32
      %dma_wait3A_39 = arith.constant 0 : i32
      %dma_wait3A_40 = tpu.memref_slice %arg2[%dma_wait3A_38, %dma_wait3A_39] : memref<10000x144xf32, #tpu.memory_space<hbm>> -> memref<10000x144xf32, #tpu.memory_space<hbm>>
      tpu.wait_indirect_dma semaphore(%arg16 : memref<!tpu.dma_semaphore, #tpu.memory_space<semaphore_mem>>) src(%dma_wait3A_40 : memref<10000x144xf32, #tpu.memory_space<hbm>>) dst(%arg11 : memref<50x144xf32, #tpu.memory_space<vmem>>)
      %dma_start3A_41 = arith.constant 1 : i32
      %dma_start3A_42 = arith.constant 0 : i32
      %dma_start3A_43 = tpu.memref_slice %arg9[%dma_start3A_41, %dma_start3A_42] : memref<25x50xi32, #tpu.memory_space<vmem>> -> memref<1x50xi32, #tpu.memory_space<vmem>>
      %dma_start3A_44 = tpu.memref_squeeze %dma_start3A_43 : memref<1x50xi32, #tpu.memory_space<vmem>> -> memref<50xi32, #tpu.memory_space<vmem>>
      %dma_start3A_45 = arith.constant 0 : i32
      %dma_start3A_46 = arith.constant 0 : i32
      %dma_start3A_47 = tpu.memref_slice %arg2[%dma_start3A_45, %dma_start3A_46] : memref<10000x144xf32, #tpu.memory_space<hbm>> -> memref<10000x144xf32, #tpu.memory_space<hbm>>
      tpu.enqueue_indirect_dma source(%dma_start3A_47 : memref<10000x144xf32, #tpu.memory_space<hbm>>) target(%arg12 : memref<50x144xf32, #tpu.memory_space<vmem>>) offsets(%dma_start3A_44 : memref<50xi32, #tpu.memory_space<vmem>>) semaphore(%arg17 : memref<!tpu.dma_semaphore, #tpu.memory_space<semaphore_mem>>)
      %dma_wait3A_48 = arith.constant 0 : i32
      %dma_wait3A_49 = arith.constant 0 : i32
      %dma_wait3A_50 = tpu.memref_slice %arg10[%dma_wait3A_48, %dma_wait3A_49] : memref<25x50xi32, #tpu.memory_space<vmem>> -> memref<1x50xi32, #tpu.memory_space<vmem>>
      %dma_wait3A_51 = tpu.memref_squeeze %dma_wait3A_50 : memref<1x50xi32, #tpu.memory_space<vmem>> -> memref<50xi32, #tpu.memory_space<vmem>>
      %dma_wait3A_52 = arith.constant 0 : i32
      %dma_wait3A_53 = arith.constant 0 : i32
      %dma_wait3A_54 = tpu.memref_slice %arg3[%dma_wait3A_52, %dma_wait3A_53] : memref<10000x16xf32, #tpu.memory_space<hbm>> -> memref<10000x16xf32, #tpu.memory_space<hbm>>
      tpu.wait_indirect_dma semaphore(%arg18 : memref<!tpu.dma_semaphore, #tpu.memory_space<semaphore_mem>>) src(%dma_wait3A_54 : memref<10000x16xf32, #tpu.memory_space<hbm>>) dst(%arg13 : memref<50x16xf32, #tpu.memory_space<vmem>>)
      %parallel_loop3A = arith.constant 0 : i32
      %parallel_loop3A_55 = arith.constant 50 : i32
      %parallel_loop3A_56 = arith.constant 1 : i32
      scf.for %parallel_loop3A_160 = %parallel_loop3A to %parallel_loop3A_55 step %parallel_loop3A_56  : i32 {
        %parallel_loop3A_161 = arith.index_cast %parallel_loop3A_160 : i32 to index
        %parallel_loop3A_162 = arith.constant 0 : index
        %parallel_loop3A_163 = tpu.vector_load %arg11[%parallel_loop3A_161, %parallel_loop3A_162] {strides = array<i32>} : memref<50x144xf32, #tpu.memory_space<vmem>>, vector<1x16xf32>,
        %parallel_loop3A_164 = vector.shape_cast %parallel_loop3A_163 : vector<1x16xf32> to vector<16xf32>
        %parallel_loop3A_165 = arith.index_cast %parallel_loop3A_160 : i32 to index
        %parallel_loop3A_166 = arith.constant 0 : index
        %parallel_loop3A_167 = tpu.vector_load %arg13[%parallel_loop3A_165, %parallel_loop3A_166] {strides = array<i32>} : memref<50x16xf32, #tpu.memory_space<vmem>>, vector<1x16xf32>,
        %parallel_loop3A_168 = vector.shape_cast %parallel_loop3A_167 : vector<1x16xf32> to vector<16xf32>
        %parallel_loop3A_169 = arith.addf %parallel_loop3A_164, %parallel_loop3A_168 : vector<16xf32>
        %parallel_loop3A_170 = arith.constant 0.000000e+00 : f32
        %parallel_loop3A_171 = vector.broadcast %parallel_loop3A_170 : f32 to vector<16xf32>
        %parallel_loop3A_172 = arith.cmpf oge, %parallel_loop3A_169, %parallel_loop3A_171 : vector<16xf32>
        %parallel_loop3A_173 = arith.constant 2.000000e-01 : f32
        %parallel_loop3A_174 = vector.broadcast %parallel_loop3A_173 : f32 to vector<16xf32>
        %parallel_loop3A_175 = arith.mulf %parallel_loop3A_169, %parallel_loop3A_174 : vector<16xf32>
        %parallel_loop3A_176 = arith.select %parallel_loop3A_172, %parallel_loop3A_169, %parallel_loop3A_175 : vector<16xi1>, vector<16xf32>
        %parallel_loop3A_177 = math.exp %parallel_loop3A_176 : vector<16xf32>
        %parallel_loop3A_178 = arith.index_cast %parallel_loop3A_160 : i32 to index
        %parallel_loop3A_179 = arith.constant 0 : index
        %parallel_loop3A_180 = tpu.vector_load %arg14[%parallel_loop3A_178, %parallel_loop3A_179] {strides = array<i32>} : memref<50x144xf32, #tpu.memory_space<vmem>>, vector<1x16xf32>,
        %parallel_loop3A_181 = vector.shape_cast %parallel_loop3A_180 : vector<1x16xf32> to vector<16xf32>
        %parallel_loop3A_182 = vector.shape_cast %parallel_loop3A_177 : vector<16xf32> to vector<1x16xf32>
        tpu.vector_store %arg14[%parallel_loop3A_178, %parallel_loop3A_179], %parallel_loop3A_182 {strides = array<i32>} : memref<50x144xf32, #tpu.memory_space<vmem>>, vector<1x16xf32>,
        %parallel_loop3A_183 = arith.constant 0 : i32
        %parallel_loop3A_184 = vector.broadcast %parallel_loop3A_183 : i32 to vector<16x1xi32>
        %parallel_loop3A_185 = vector.shape_cast %parallel_loop3A_184 : vector<16x1xi32> to vector<16xi32>
        %parallel_loop3A_186 = tpu.dynamic_gather %parallel_loop3A_177[%parallel_loop3A_185] in [0] : vector<16xf32>, vector<16xi32> -> vector<16xf32>
        %parallel_loop3A_187 = arith.index_cast %parallel_loop3A_160 : i32 to index
        %parallel_loop3A_188 = arith.constant 16 : index
        %parallel_loop3A_189 = tpu.vector_load %arg11[%parallel_loop3A_187, %parallel_loop3A_188] {strides = array<i32>} : memref<50x144xf32, #tpu.memory_space<vmem>>, vector<1x16xf32>,
        %parallel_loop3A_190 = vector.shape_cast %parallel_loop3A_189 : vector<1x16xf32> to vector<16xf32>
        %parallel_loop3A_191 = arith.mulf %parallel_loop3A_190, %parallel_loop3A_186 : vector<16xf32>
        %parallel_loop3A_192 = arith.index_cast %parallel_loop3A_160 : i32 to index
        %parallel_loop3A_193 = arith.constant 16 : index
        %parallel_loop3A_194 = tpu.vector_load %arg14[%parallel_loop3A_192, %parallel_loop3A_193] {strides = array<i32>} : memref<50x144xf32, #tpu.memory_space<vmem>>, vector<1x16xf32>,
        %parallel_loop3A_195 = vector.shape_cast %parallel_loop3A_194 : vector<1x16xf32> to vector<16xf32>
        %parallel_loop3A_196 = vector.shape_cast %parallel_loop3A_191 : vector<16xf32> to vector<1x16xf32>
        tpu.vector_store %arg14[%parallel_loop3A_192, %parallel_loop3A_193], %parallel_loop3A_196 {strides = array<i32>} : memref<50x144xf32, #tpu.memory_space<vmem>>, vector<1x16xf32>,
        %parallel_loop3A_197 = arith.constant 1 : i32
        %parallel_loop3A_198 = vector.broadcast %parallel_loop3A_197 : i32 to vector<16x1xi32>
        %parallel_loop3A_199 = vector.shape_cast %parallel_loop3A_198 : vector<16x1xi32> to vector<16xi32>
        %parallel_loop3A_200 = tpu.dynamic_gather %parallel_loop3A_177[%parallel_loop3A_199] in [0] : vector<16xf32>, vector<16xi32> -> vector<16xf32>
        %parallel_loop3A_201 = arith.index_cast %parallel_loop3A_160 : i32 to index
        %parallel_loop3A_202 = arith.constant 32 : index
        %parallel_loop3A_203 = tpu.vector_load %arg11[%parallel_loop3A_201, %parallel_loop3A_202] {strides = array<i32>} : memref<50x144xf32, #tpu.memory_space<vmem>>, vector<1x16xf32>,
        %parallel_loop3A_204 = vector.shape_cast %parallel_loop3A_203 : vector<1x16xf32> to vector<16xf32>
        %parallel_loop3A_205 = arith.mulf %parallel_loop3A_204, %parallel_loop3A_200 : vector<16xf32>
        %parallel_loop3A_206 = arith.index_cast %parallel_loop3A_160 : i32 to index
        %parallel_loop3A_207 = arith.constant 32 : index
        %parallel_loop3A_208 = tpu.vector_load %arg14[%parallel_loop3A_206, %parallel_loop3A_207] {strides = array<i32>} : memref<50x144xf32, #tpu.memory_space<vmem>>, vector<1x16xf32>,
        %parallel_loop3A_209 = vector.shape_cast %parallel_loop3A_208 : vector<1x16xf32> to vector<16xf32>
        %parallel_loop3A_210 = vector.shape_cast %parallel_loop3A_205 : vector<16xf32> to vector<1x16xf32>
        tpu.vector_store %arg14[%parallel_loop3A_206, %parallel_loop3A_207], %parallel_loop3A_210 {strides = array<i32>} : memref<50x144xf32, #tpu.memory_space<vmem>>, vector<1x16xf32>,
        %parallel_loop3A_211 = arith.constant 2 : i32
        %parallel_loop3A_212 = vector.broadcast %parallel_loop3A_211 : i32 to vector<16x1xi32>
        %parallel_loop3A_213 = vector.shape_cast %parallel_loop3A_212 : vector<16x1xi32> to vector<16xi32>
        %parallel_loop3A_214 = tpu.dynamic_gather %parallel_loop3A_177[%parallel_loop3A_213] in [0] : vector<16xf32>, vector<16xi32> -> vector<16xf32>
        %parallel_loop3A_215 = arith.index_cast %parallel_loop3A_160 : i32 to index
        %parallel_loop3A_216 = arith.constant 48 : index
        %parallel_loop3A_217 = tpu.vector_load %arg11[%parallel_loop3A_215, %parallel_loop3A_216] {strides = array<i32>} : memref<50x144xf32, #tpu.memory_space<vmem>>, vector<1x16xf32>,
        %parallel_loop3A_218 = vector.shape_cast %parallel_loop3A_217 : vector<1x16xf32> to vector<16xf32>
        %parallel_loop3A_219 = arith.mulf %parallel_loop3A_218, %parallel_loop3A_214 : vector<16xf32>
        %parallel_loop3A_220 = arith.index_cast %parallel_loop3A_160 : i32 to index
        %parallel_loop3A_221 = arith.constant 48 : index
        %parallel_loop3A_222 = tpu.vector_load %arg14[%parallel_loop3A_220, %parallel_loop3A_221] {strides = array<i32>} : memref<50x144xf32, #tpu.memory_space<vmem>>, vector<1x16xf32>,
        %parallel_loop3A_223 = vector.shape_cast %parallel_loop3A_222 : vector<1x16xf32> to vector<16xf32>
        %parallel_loop3A_224 = vector.shape_cast %parallel_loop3A_219 : vector<16xf32> to vector<1x16xf32>
        tpu.vector_store %arg14[%parallel_loop3A_220, %parallel_loop3A_221], %parallel_loop3A_224 {strides = array<i32>} : memref<50x144xf32, #tpu.memory_space<vmem>>, vector<1x16xf32>,
        %parallel_loop3A_225 = arith.constant 3 : i32
        %parallel_loop3A_226 = vector.broadcast %parallel_loop3A_225 : i32 to vector<16x1xi32>
        %parallel_loop3A_227 = vector.shape_cast %parallel_loop3A_226 : vector<16x1xi32> to vector<16xi32>
        %parallel_loop3A_228 = tpu.dynamic_gather %parallel_loop3A_177[%parallel_loop3A_227] in [0] : vector<16xf32>, vector<16xi32> -> vector<16xf32>
        %parallel_loop3A_229 = arith.index_cast %parallel_loop3A_160 : i32 to index
        %parallel_loop3A_230 = arith.constant 64 : index
        %parallel_loop3A_231 = tpu.vector_load %arg11[%parallel_loop3A_229, %parallel_loop3A_230] {strides = array<i32>} : memref<50x144xf32, #tpu.memory_space<vmem>>, vector<1x16xf32>,
        %parallel_loop3A_232 = vector.shape_cast %parallel_loop3A_231 : vector<1x16xf32> to vector<16xf32>
        %parallel_loop3A_233 = arith.mulf %parallel_loop3A_232, %parallel_loop3A_228 : vector<16xf32>
        %parallel_loop3A_234 = arith.index_cast %parallel_loop3A_160 : i32 to index
        %parallel_loop3A_235 = arith.constant 64 : index
        %parallel_loop3A_236 = tpu.vector_load %arg14[%parallel_loop3A_234, %parallel_loop3A_235] {strides = array<i32>} : memref<50x144xf32, #tpu.memory_space<vmem>>, vector<1x16xf32>,
        %parallel_loop3A_237 = vector.shape_cast %parallel_loop3A_236 : vector<1x16xf32> to vector<16xf32>
        %parallel_loop3A_238 = vector.shape_cast %parallel_loop3A_233 : vector<16xf32> to vector<1x16xf32>
        tpu.vector_store %arg14[%parallel_loop3A_234, %parallel_loop3A_235], %parallel_loop3A_238 {strides = array<i32>} : memref<50x144xf32, #tpu.memory_space<vmem>>, vector<1x16xf32>,
        %parallel_loop3A_239 = arith.constant 4 : i32
        %parallel_loop3A_240 = vector.broadcast %parallel_loop3A_239 : i32 to vector<16x1xi32>
        %parallel_loop3A_241 = vector.shape_cast %parallel_loop3A_240 : vector<16x1xi32> to vector<16xi32>
        %parallel_loop3A_242 = tpu.dynamic_gather %parallel_loop3A_177[%parallel_loop3A_241] in [0] : vector<16xf32>, vector<16xi32> -> vector<16xf32>
        %parallel_loop3A_243 = arith.index_cast %parallel_loop3A_160 : i32 to index
        %parallel_loop3A_244 = arith.constant 80 : index
        %parallel_loop3A_245 = tpu.vector_load %arg11[%parallel_loop3A_243, %parallel_loop3A_244] {strides = array<i32>} : memref<50x144xf32, #tpu.memory_space<vmem>>, vector<1x16xf32>,
        %parallel_loop3A_246 = vector.shape_cast %parallel_loop3A_245 : vector<1x16xf32> to vector<16xf32>
        %parallel_loop3A_247 = arith.mulf %parallel_loop3A_246, %parallel_loop3A_242 : vector<16xf32>
        %parallel_loop3A_248 = arith.index_cast %parallel_loop3A_160 : i32 to index
        %parallel_loop3A_249 = arith.constant 80 : index
        %parallel_loop3A_250 = tpu.vector_load %arg14[%parallel_loop3A_248, %parallel_loop3A_249] {strides = array<i32>} : memref<50x144xf32, #tpu.memory_space<vmem>>, vector<1x16xf32>,
        %parallel_loop3A_251 = vector.shape_cast %parallel_loop3A_250 : vector<1x16xf32> to vector<16xf32>
        %parallel_loop3A_252 = vector.shape_cast %parallel_loop3A_247 : vector<16xf32> to vector<1x16xf32>
        tpu.vector_store %arg14[%parallel_loop3A_248, %parallel_loop3A_249], %parallel_loop3A_252 {strides = array<i32>} : memref<50x144xf32, #tpu.memory_space<vmem>>, vector<1x16xf32>,
        %parallel_loop3A_253 = arith.constant 5 : i32
        %parallel_loop3A_254 = vector.broadcast %parallel_loop3A_253 : i32 to vector<16x1xi32>
        %parallel_loop3A_255 = vector.shape_cast %parallel_loop3A_254 : vector<16x1xi32> to vector<16xi32>
        %parallel_loop3A_256 = tpu.dynamic_gather %parallel_loop3A_177[%parallel_loop3A_255] in [0] : vector<16xf32>, vector<16xi32> -> vector<16xf32>
        %parallel_loop3A_257 = arith.index_cast %parallel_loop3A_160 : i32 to index
        %parallel_loop3A_258 = arith.constant 96 : index
        %parallel_loop3A_259 = tpu.vector_load %arg11[%parallel_loop3A_257, %parallel_loop3A_258] {strides = array<i32>} : memref<50x144xf32, #tpu.memory_space<vmem>>, vector<1x16xf32>,
        %parallel_loop3A_260 = vector.shape_cast %parallel_loop3A_259 : vector<1x16xf32> to vector<16xf32>
        %parallel_loop3A_261 = arith.mulf %parallel_loop3A_260, %parallel_loop3A_256 : vector<16xf32>
        %parallel_loop3A_262 = arith.index_cast %parallel_loop3A_160 : i32 to index
        %parallel_loop3A_263 = arith.constant 96 : index
        %parallel_loop3A_264 = tpu.vector_load %arg14[%parallel_loop3A_262, %parallel_loop3A_263] {strides = array<i32>} : memref<50x144xf32, #tpu.memory_space<vmem>>, vector<1x16xf32>,
        %parallel_loop3A_265 = vector.shape_cast %parallel_loop3A_264 : vector<1x16xf32> to vector<16xf32>
        %parallel_loop3A_266 = vector.shape_cast %parallel_loop3A_261 : vector<16xf32> to vector<1x16xf32>
        tpu.vector_store %arg14[%parallel_loop3A_262, %parallel_loop3A_263], %parallel_loop3A_266 {strides = array<i32>} : memref<50x144xf32, #tpu.memory_space<vmem>>, vector<1x16xf32>,
        %parallel_loop3A_267 = arith.constant 6 : i32
        %parallel_loop3A_268 = vector.broadcast %parallel_loop3A_267 : i32 to vector<16x1xi32>
        %parallel_loop3A_269 = vector.shape_cast %parallel_loop3A_268 : vector<16x1xi32> to vector<16xi32>
        %parallel_loop3A_270 = tpu.dynamic_gather %parallel_loop3A_177[%parallel_loop3A_269] in [0] : vector<16xf32>, vector<16xi32> -> vector<16xf32>
        %parallel_loop3A_271 = arith.index_cast %parallel_loop3A_160 : i32 to index
        %parallel_loop3A_272 = arith.constant 112 : index
        %parallel_loop3A_273 = tpu.vector_load %arg11[%parallel_loop3A_271, %parallel_loop3A_272] {strides = array<i32>} : memref<50x144xf32, #tpu.memory_space<vmem>>, vector<1x16xf32>,
        %parallel_loop3A_274 = vector.shape_cast %parallel_loop3A_273 : vector<1x16xf32> to vector<16xf32>
        %parallel_loop3A_275 = arith.mulf %parallel_loop3A_274, %parallel_loop3A_270 : vector<16xf32>
        %parallel_loop3A_276 = arith.index_cast %parallel_loop3A_160 : i32 to index
        %parallel_loop3A_277 = arith.constant 112 : index
        %parallel_loop3A_278 = tpu.vector_load %arg14[%parallel_loop3A_276, %parallel_loop3A_277] {strides = array<i32>} : memref<50x144xf32, #tpu.memory_space<vmem>>, vector<1x16xf32>,
        %parallel_loop3A_279 = vector.shape_cast %parallel_loop3A_278 : vector<1x16xf32> to vector<16xf32>
        %parallel_loop3A_280 = vector.shape_cast %parallel_loop3A_275 : vector<16xf32> to vector<1x16xf32>
        tpu.vector_store %arg14[%parallel_loop3A_276, %parallel_loop3A_277], %parallel_loop3A_280 {strides = array<i32>} : memref<50x144xf32, #tpu.memory_space<vmem>>, vector<1x16xf32>,
        %parallel_loop3A_281 = arith.constant 7 : i32
        %parallel_loop3A_282 = vector.broadcast %parallel_loop3A_281 : i32 to vector<16x1xi32>
        %parallel_loop3A_283 = vector.shape_cast %parallel_loop3A_282 : vector<16x1xi32> to vector<16xi32>
        %parallel_loop3A_284 = tpu.dynamic_gather %parallel_loop3A_177[%parallel_loop3A_283] in [0] : vector<16xf32>, vector<16xi32> -> vector<16xf32>
        %parallel_loop3A_285 = arith.index_cast %parallel_loop3A_160 : i32 to index
        %parallel_loop3A_286 = arith.constant 128 : index
        %parallel_loop3A_287 = tpu.vector_load %arg11[%parallel_loop3A_285, %parallel_loop3A_286] {strides = array<i32>} : memref<50x144xf32, #tpu.memory_space<vmem>>, vector<1x16xf32>,
        %parallel_loop3A_288 = vector.shape_cast %parallel_loop3A_287 : vector<1x16xf32> to vector<16xf32>
        %parallel_loop3A_289 = arith.mulf %parallel_loop3A_288, %parallel_loop3A_284 : vector<16xf32>
        %parallel_loop3A_290 = arith.index_cast %parallel_loop3A_160 : i32 to index
        %parallel_loop3A_291 = arith.constant 128 : index
        %parallel_loop3A_292 = tpu.vector_load %arg14[%parallel_loop3A_290, %parallel_loop3A_291] {strides = array<i32>} : memref<50x144xf32, #tpu.memory_space<vmem>>, vector<1x16xf32>,
        %parallel_loop3A_293 = vector.shape_cast %parallel_loop3A_292 : vector<1x16xf32> to vector<16xf32>
        %parallel_loop3A_294 = vector.shape_cast %parallel_loop3A_289 : vector<16xf32> to vector<1x16xf32>
        tpu.vector_store %arg14[%parallel_loop3A_290, %parallel_loop3A_291], %parallel_loop3A_294 {strides = array<i32>} : memref<50x144xf32, #tpu.memory_space<vmem>>, vector<1x16xf32>,
      } {sc.loop_unroll_factor = 1 : i64, sc.parallel_access}
      %dma_start3A_57 = arith.constant 1 : i32
      %dma_start3A_58 = arith.constant 0 : i32
      %dma_start3A_59 = tpu.memref_slice %arg10[%dma_start3A_57, %dma_start3A_58] : memref<25x50xi32, #tpu.memory_space<vmem>> -> memref<1x50xi32, #tpu.memory_space<vmem>>
      %dma_start3A_60 = tpu.memref_squeeze %dma_start3A_59 : memref<1x50xi32, #tpu.memory_space<vmem>> -> memref<50xi32, #tpu.memory_space<vmem>>
      %dma_start3A_61 = arith.constant 0 : i32
      %dma_start3A_62 = arith.constant 0 : i32
      %dma_start3A_63 = tpu.memref_slice %arg3[%dma_start3A_61, %dma_start3A_62] : memref<10000x16xf32, #tpu.memory_space<hbm>> -> memref<10000x16xf32, #tpu.memory_space<hbm>>
      tpu.enqueue_indirect_dma source(%dma_start3A_63 : memref<10000x16xf32, #tpu.memory_space<hbm>>) target(%arg13 : memref<50x16xf32, #tpu.memory_space<vmem>>) offsets(%dma_start3A_60 : memref<50xi32, #tpu.memory_space<vmem>>) semaphore(%arg18 : memref<!tpu.dma_semaphore, #tpu.memory_space<semaphore_mem>>)
      %dma_start3A_64 = arith.constant 0 : i32
      %dma_start3A_65 = arith.constant 0 : i32
      %dma_start3A_66 = tpu.memref_slice %arg10[%dma_start3A_64, %dma_start3A_65] : memref<25x50xi32, #tpu.memory_space<vmem>> -> memref<1x50xi32, #tpu.memory_space<vmem>>
      %dma_start3A_67 = tpu.memref_squeeze %dma_start3A_66 : memref<1x50xi32, #tpu.memory_space<vmem>> -> memref<50xi32, #tpu.memory_space<vmem>>
      %dma_start3A_68 = arith.constant 0 : i32
      %dma_start3A_69 = arith.constant 0 : i32
      %dma_start3A_70 = tpu.memref_slice %arg8[%dma_start3A_68, %dma_start3A_69] : memref<10000x144xf32, #tpu.memory_space<vmem_shared>> -> memref<10000x144xf32, #tpu.memory_space<vmem_shared>>
      tpu.enqueue_indirect_dma source(%arg14 : memref<50x144xf32, #tpu.memory_space<vmem>>) target(%dma_start3A_70 : memref<10000x144xf32, #tpu.memory_space<vmem_shared>>) offsets(%dma_start3A_67 : memref<50xi32, #tpu.memory_space<vmem>>) semaphore(%arg19 : memref<!tpu.dma_semaphore, #tpu.memory_space<semaphore_mem>>) {add = true}
      %dma_wait3A_71 = arith.constant 1 : i32
      %dma_wait3A_72 = arith.constant 0 : i32
      %dma_wait3A_73 = tpu.memref_slice %arg9[%dma_wait3A_71, %dma_wait3A_72] : memref<25x50xi32, #tpu.memory_space<vmem>> -> memref<1x50xi32, #tpu.memory_space<vmem>>
      %dma_wait3A_74 = tpu.memref_squeeze %dma_wait3A_73 : memref<1x50xi32, #tpu.memory_space<vmem>> -> memref<50xi32, #tpu.memory_space<vmem>>
      %dma_wait3A_75 = arith.constant 0 : i32
      %dma_wait3A_76 = arith.constant 0 : i32
      %dma_wait3A_77 = tpu.memref_slice %arg2[%dma_wait3A_75, %dma_wait3A_76] : memref<10000x144xf32, #tpu.memory_space<hbm>> -> memref<10000x144xf32, #tpu.memory_space<hbm>>
      tpu.wait_indirect_dma semaphore(%arg17 : memref<!tpu.dma_semaphore, #tpu.memory_space<semaphore_mem>>) src(%dma_wait3A_77 : memref<10000x144xf32, #tpu.memory_space<hbm>>) dst(%arg12 : memref<50x144xf32, #tpu.memory_space<vmem>>)
      %dma_start3A_78 = arith.constant 2 : i32
      %dma_start3A_79 = arith.constant 0 : i32
      %dma_start3A_80 = tpu.memref_slice %arg9[%dma_start3A_78, %dma_start3A_79] : memref<25x50xi32, #tpu.memory_space<vmem>> -> memref<1x50xi32, #tpu.memory_space<vmem>>
      %dma_start3A_81 = tpu.memref_squeeze %dma_start3A_80 : memref<1x50xi32, #tpu.memory_space<vmem>> -> memref<50xi32, #tpu.memory_space<vmem>>
      %dma_start3A_82 = arith.constant 0 : i32
      %dma_start3A_83 = arith.constant 0 : i32
      %dma_start3A_84 = tpu.memref_slice %arg2[%dma_start3A_82, %dma_start3A_83] : memref<10000x144xf32, #tpu.memory_space<hbm>> -> memref<10000x144xf32, #tpu.memory_space<hbm>>
      tpu.enqueue_indirect_dma source(%dma_start3A_84 : memref<10000x144xf32, #tpu.memory_space<hbm>>) target(%arg11 : memref<50x144xf32, #tpu.memory_space<vmem>>) offsets(%dma_start3A_81 : memref<50xi32, #tpu.memory_space<vmem>>) semaphore(%arg16 : memref<!tpu.dma_semaphore, #tpu.memory_space<semaphore_mem>>)
      %dma_wait3A_85 = arith.constant 1 : i32
      %dma_wait3A_86 = arith.constant 0 : i32
      %dma_wait3A_87 = tpu.memref_slice %arg10[%dma_wait3A_85, %dma_wait3A_86] : memref<25x50xi32, #tpu.memory_space<vmem>> -> memref<1x50xi32, #tpu.memory_space<vmem>>
      %dma_wait3A_88 = tpu.memref_squeeze %dma_wait3A_87 : memref<1x50xi32, #tpu.memory_space<vmem>> -> memref<50xi32, #tpu.memory_space<vmem>>
      %dma_wait3A_89 = arith.constant 0 : i32
      %dma_wait3A_90 = arith.constant 0 : i32
      %dma_wait3A_91 = tpu.memref_slice %arg3[%dma_wait3A_89, %dma_wait3A_90] : memref<10000x16xf32, #tpu.memory_space<hbm>> -> memref<10000x16xf32, #tpu.memory_space<hbm>>
      tpu.wait_indirect_dma semaphore(%arg18 : memref<!tpu.dma_semaphore, #tpu.memory_space<semaphore_mem>>) src(%dma_wait3A_91 : memref<10000x16xf32, #tpu.memory_space<hbm>>) dst(%arg13 : memref<50x16xf32, #tpu.memory_space<vmem>>)
      %parallel_loop3A_92 = arith.constant 0 : i32
      %parallel_loop3A_93 = arith.constant 50 : i32
      %parallel_loop3A_94 = arith.constant 1 : i32
      scf.for %parallel_loop3A_160 = %parallel_loop3A_92 to %parallel_loop3A_93 step %parallel_loop3A_94  : i32 {
        %parallel_loop3A_161 = arith.index_cast %parallel_loop3A_160 : i32 to index
        %parallel_loop3A_162 = arith.constant 0 : index
        %parallel_loop3A_163 = tpu.vector_load %arg12[%parallel_loop3A_161, %parallel_loop3A_162] {strides = array<i32>} : memref<50x144xf32, #tpu.memory_space<vmem>>, vector<1x16xf32>,
        %parallel_loop3A_164 = vector.shape_cast %parallel_loop3A_163 : vector<1x16xf32> to vector<16xf32>
        %parallel_loop3A_165 = arith.index_cast %parallel_loop3A_160 : i32 to index
        %parallel_loop3A_166 = arith.constant 0 : index
        %parallel_loop3A_167 = tpu.vector_load %arg13[%parallel_loop3A_165, %parallel_loop3A_166] {strides = array<i32>} : memref<50x16xf32, #tpu.memory_space<vmem>>, vector<1x16xf32>,
        %parallel_loop3A_168 = vector.shape_cast %parallel_loop3A_167 : vector<1x16xf32> to vector<16xf32>
        %parallel_loop3A_169 = arith.addf %parallel_loop3A_164, %parallel_loop3A_168 : vector<16xf32>
        %parallel_loop3A_170 = arith.constant 0.000000e+00 : f32
        %parallel_loop3A_171 = vector.broadcast %parallel_loop3A_170 : f32 to vector<16xf32>
        %parallel_loop3A_172 = arith.cmpf oge, %parallel_loop3A_169, %parallel_loop3A_171 : vector<16xf32>
        %parallel_loop3A_173 = arith.constant 2.000000e-01 : f32
        %parallel_loop3A_174 = vector.broadcast %parallel_loop3A_173 : f32 to vector<16xf32>
        %parallel_loop3A_175 = arith.mulf %parallel_loop3A_169, %parallel_loop3A_174 : vector<16xf32>
        %parallel_loop3A_176 = arith.select %parallel_loop3A_172, %parallel_loop3A_169, %parallel_loop3A_175 : vector<16xi1>, vector<16xf32>
        %parallel_loop3A_177 = math.exp %parallel_loop3A_176 : vector<16xf32>
        %parallel_loop3A_178 = arith.index_cast %parallel_loop3A_160 : i32 to index
        %parallel_loop3A_179 = arith.constant 0 : index
        %parallel_loop3A_180 = tpu.vector_load %arg15[%parallel_loop3A_178, %parallel_loop3A_179] {strides = array<i32>} : memref<50x144xf32, #tpu.memory_space<vmem>>, vector<1x16xf32>,
        %parallel_loop3A_181 = vector.shape_cast %parallel_loop3A_180 : vector<1x16xf32> to vector<16xf32>
        %parallel_loop3A_182 = vector.shape_cast %parallel_loop3A_177 : vector<16xf32> to vector<1x16xf32>
        tpu.vector_store %arg15[%parallel_loop3A_178, %parallel_loop3A_179], %parallel_loop3A_182 {strides = array<i32>} : memref<50x144xf32, #tpu.memory_space<vmem>>, vector<1x16xf32>,
        %parallel_loop3A_183 = arith.constant 0 : i32
        %parallel_loop3A_184 = vector.broadcast %parallel_loop3A_183 : i32 to vector<16x1xi32>
        %parallel_loop3A_185 = vector.shape_cast %parallel_loop3A_184 : vector<16x1xi32> to vector<16xi32>
        %parallel_loop3A_186 = tpu.dynamic_gather %parallel_loop3A_177[%parallel_loop3A_185] in [0] : vector<16xf32>, vector<16xi32> -> vector<16xf32>
        %parallel_loop3A_187 = arith.index_cast %parallel_loop3A_160 : i32 to index
        %parallel_loop3A_188 = arith.constant 16 : index
        %parallel_loop3A_189 = tpu.vector_load %arg12[%parallel_loop3A_187, %parallel_loop3A_188] {strides = array<i32>} : memref<50x144xf32, #tpu.memory_space<vmem>>, vector<1x16xf32>,
        %parallel_loop3A_190 = vector.shape_cast %parallel_loop3A_189 : vector<1x16xf32> to vector<16xf32>
        %parallel_loop3A_191 = arith.mulf %parallel_loop3A_190, %parallel_loop3A_186 : vector<16xf32>
        %parallel_loop3A_192 = arith.index_cast %parallel_loop3A_160 : i32 to index
        %parallel_loop3A_193 = arith.constant 16 : index
        %parallel_loop3A_194 = tpu.vector_load %arg15[%parallel_loop3A_192, %parallel_loop3A_193] {strides = array<i32>} : memref<50x144xf32, #tpu.memory_space<vmem>>, vector<1x16xf32>,
        %parallel_loop3A_195 = vector.shape_cast %parallel_loop3A_194 : vector<1x16xf32> to vector<16xf32>
        %parallel_loop3A_196 = vector.shape_cast %parallel_loop3A_191 : vector<16xf32> to vector<1x16xf32>
        tpu.vector_store %arg15[%parallel_loop3A_192, %parallel_loop3A_193], %parallel_loop3A_196 {strides = array<i32>} : memref<50x144xf32, #tpu.memory_space<vmem>>, vector<1x16xf32>,
        %parallel_loop3A_197 = arith.constant 1 : i32
        %parallel_loop3A_198 = vector.broadcast %parallel_loop3A_197 : i32 to vector<16x1xi32>
        %parallel_loop3A_199 = vector.shape_cast %parallel_loop3A_198 : vector<16x1xi32> to vector<16xi32>
        %parallel_loop3A_200 = tpu.dynamic_gather %parallel_loop3A_177[%parallel_loop3A_199] in [0] : vector<16xf32>, vector<16xi32> -> vector<16xf32>
        %parallel_loop3A_201 = arith.index_cast %parallel_loop3A_160 : i32 to index
        %parallel_loop3A_202 = arith.constant 32 : index
        %parallel_loop3A_203 = tpu.vector_load %arg12[%parallel_loop3A_201, %parallel_loop3A_202] {strides = array<i32>} : memref<50x144xf32, #tpu.memory_space<vmem>>, vector<1x16xf32>,
        %parallel_loop3A_204 = vector.shape_cast %parallel_loop3A_203 : vector<1x16xf32> to vector<16xf32>
        %parallel_loop3A_205 = arith.mulf %parallel_loop3A_204, %parallel_loop3A_200 : vector<16xf32>
        %parallel_loop3A_206 = arith.index_cast %parallel_loop3A_160 : i32 to index
        %parallel_loop3A_207 = arith.constant 32 : index
        %parallel_loop3A_208 = tpu.vector_load %arg15[%parallel_loop3A_206, %parallel_loop3A_207] {strides = array<i32>} : memref<50x144xf32, #tpu.memory_space<vmem>>, vector<1x16xf32>,
        %parallel_loop3A_209 = vector.shape_cast %parallel_loop3A_208 : vector<1x16xf32> to vector<16xf32>
        %parallel_loop3A_210 = vector.shape_cast %parallel_loop3A_205 : vector<16xf32> to vector<1x16xf32>
        tpu.vector_store %arg15[%parallel_loop3A_206, %parallel_loop3A_207], %parallel_loop3A_210 {strides = array<i32>} : memref<50x144xf32, #tpu.memory_space<vmem>>, vector<1x16xf32>,
        %parallel_loop3A_211 = arith.constant 2 : i32
        %parallel_loop3A_212 = vector.broadcast %parallel_loop3A_211 : i32 to vector<16x1xi32>
        %parallel_loop3A_213 = vector.shape_cast %parallel_loop3A_212 : vector<16x1xi32> to vector<16xi32>
        %parallel_loop3A_214 = tpu.dynamic_gather %parallel_loop3A_177[%parallel_loop3A_213] in [0] : vector<16xf32>, vector<16xi32> -> vector<16xf32>
        %parallel_loop3A_215 = arith.index_cast %parallel_loop3A_160 : i32 to index
        %parallel_loop3A_216 = arith.constant 48 : index
        %parallel_loop3A_217 = tpu.vector_load %arg12[%parallel_loop3A_215, %parallel_loop3A_216] {strides = array<i32>} : memref<50x144xf32, #tpu.memory_space<vmem>>, vector<1x16xf32>,
        %parallel_loop3A_218 = vector.shape_cast %parallel_loop3A_217 : vector<1x16xf32> to vector<16xf32>
        %parallel_loop3A_219 = arith.mulf %parallel_loop3A_218, %parallel_loop3A_214 : vector<16xf32>
        %parallel_loop3A_220 = arith.index_cast %parallel_loop3A_160 : i32 to index
        %parallel_loop3A_221 = arith.constant 48 : index
        %parallel_loop3A_222 = tpu.vector_load %arg15[%parallel_loop3A_220, %parallel_loop3A_221] {strides = array<i32>} : memref<50x144xf32, #tpu.memory_space<vmem>>, vector<1x16xf32>,
        %parallel_loop3A_223 = vector.shape_cast %parallel_loop3A_222 : vector<1x16xf32> to vector<16xf32>
        %parallel_loop3A_224 = vector.shape_cast %parallel_loop3A_219 : vector<16xf32> to vector<1x16xf32>
        tpu.vector_store %arg15[%parallel_loop3A_220, %parallel_loop3A_221], %parallel_loop3A_224 {strides = array<i32>} : memref<50x144xf32, #tpu.memory_space<vmem>>, vector<1x16xf32>,
        %parallel_loop3A_225 = arith.constant 3 : i32
        %parallel_loop3A_226 = vector.broadcast %parallel_loop3A_225 : i32 to vector<16x1xi32>
        %parallel_loop3A_227 = vector.shape_cast %parallel_loop3A_226 : vector<16x1xi32> to vector<16xi32>
        %parallel_loop3A_228 = tpu.dynamic_gather %parallel_loop3A_177[%parallel_loop3A_227] in [0] : vector<16xf32>, vector<16xi32> -> vector<16xf32>
        %parallel_loop3A_229 = arith.index_cast %parallel_loop3A_160 : i32 to index
        %parallel_loop3A_230 = arith.constant 64 : index
        %parallel_loop3A_231 = tpu.vector_load %arg12[%parallel_loop3A_229, %parallel_loop3A_230] {strides = array<i32>} : memref<50x144xf32, #tpu.memory_space<vmem>>, vector<1x16xf32>,
        %parallel_loop3A_232 = vector.shape_cast %parallel_loop3A_231 : vector<1x16xf32> to vector<16xf32>
        %parallel_loop3A_233 = arith.mulf %parallel_loop3A_232, %parallel_loop3A_228 : vector<16xf32>
        %parallel_loop3A_234 = arith.index_cast %parallel_loop3A_160 : i32 to index
        %parallel_loop3A_235 = arith.constant 64 : index
        %parallel_loop3A_236 = tpu.vector_load %arg15[%parallel_loop3A_234, %parallel_loop3A_235] {strides = array<i32>} : memref<50x144xf32, #tpu.memory_space<vmem>>, vector<1x16xf32>,
        %parallel_loop3A_237 = vector.shape_cast %parallel_loop3A_236 : vector<1x16xf32> to vector<16xf32>
        %parallel_loop3A_238 = vector.shape_cast %parallel_loop3A_233 : vector<16xf32> to vector<1x16xf32>
        tpu.vector_store %arg15[%parallel_loop3A_234, %parallel_loop3A_235], %parallel_loop3A_238 {strides = array<i32>} : memref<50x144xf32, #tpu.memory_space<vmem>>, vector<1x16xf32>,
        %parallel_loop3A_239 = arith.constant 4 : i32
        %parallel_loop3A_240 = vector.broadcast %parallel_loop3A_239 : i32 to vector<16x1xi32>
        %parallel_loop3A_241 = vector.shape_cast %parallel_loop3A_240 : vector<16x1xi32> to vector<16xi32>
        %parallel_loop3A_242 = tpu.dynamic_gather %parallel_loop3A_177[%parallel_loop3A_241] in [0] : vector<16xf32>, vector<16xi32> -> vector<16xf32>
        %parallel_loop3A_243 = arith.index_cast %parallel_loop3A_160 : i32 to index
        %parallel_loop3A_244 = arith.constant 80 : index
        %parallel_loop3A_245 = tpu.vector_load %arg12[%parallel_loop3A_243, %parallel_loop3A_244] {strides = array<i32>} : memref<50x144xf32, #tpu.memory_space<vmem>>, vector<1x16xf32>,
        %parallel_loop3A_246 = vector.shape_cast %parallel_loop3A_245 : vector<1x16xf32> to vector<16xf32>
        %parallel_loop3A_247 = arith.mulf %parallel_loop3A_246, %parallel_loop3A_242 : vector<16xf32>
        %parallel_loop3A_248 = arith.index_cast %parallel_loop3A_160 : i32 to index
        %parallel_loop3A_249 = arith.constant 80 : index
        %parallel_loop3A_250 = tpu.vector_load %arg15[%parallel_loop3A_248, %parallel_loop3A_249] {strides = array<i32>} : memref<50x144xf32, #tpu.memory_space<vmem>>, vector<1x16xf32>,
        %parallel_loop3A_251 = vector.shape_cast %parallel_loop3A_250 : vector<1x16xf32> to vector<16xf32>
        %parallel_loop3A_252 = vector.shape_cast %parallel_loop3A_247 : vector<16xf32> to vector<1x16xf32>
        tpu.vector_store %arg15[%parallel_loop3A_248, %parallel_loop3A_249], %parallel_loop3A_252 {strides = array<i32>} : memref<50x144xf32, #tpu.memory_space<vmem>>, vector<1x16xf32>,
        %parallel_loop3A_253 = arith.constant 5 : i32
        %parallel_loop3A_254 = vector.broadcast %parallel_loop3A_253 : i32 to vector<16x1xi32>
        %parallel_loop3A_255 = vector.shape_cast %parallel_loop3A_254 : vector<16x1xi32> to vector<16xi32>
        %parallel_loop3A_256 = tpu.dynamic_gather %parallel_loop3A_177[%parallel_loop3A_255] in [0] : vector<16xf32>, vector<16xi32> -> vector<16xf32>
        %parallel_loop3A_257 = arith.index_cast %parallel_loop3A_160 : i32 to index
        %parallel_loop3A_258 = arith.constant 96 : index
        %parallel_loop3A_259 = tpu.vector_load %arg12[%parallel_loop3A_257, %parallel_loop3A_258] {strides = array<i32>} : memref<50x144xf32, #tpu.memory_space<vmem>>, vector<1x16xf32>,
        %parallel_loop3A_260 = vector.shape_cast %parallel_loop3A_259 : vector<1x16xf32> to vector<16xf32>
        %parallel_loop3A_261 = arith.mulf %parallel_loop3A_260, %parallel_loop3A_256 : vector<16xf32>
        %parallel_loop3A_262 = arith.index_cast %parallel_loop3A_160 : i32 to index
        %parallel_loop3A_263 = arith.constant 96 : index
        %parallel_loop3A_264 = tpu.vector_load %arg15[%parallel_loop3A_262, %parallel_loop3A_263] {strides = array<i32>} : memref<50x144xf32, #tpu.memory_space<vmem>>, vector<1x16xf32>,
        %parallel_loop3A_265 = vector.shape_cast %parallel_loop3A_264 : vector<1x16xf32> to vector<16xf32>
        %parallel_loop3A_266 = vector.shape_cast %parallel_loop3A_261 : vector<16xf32> to vector<1x16xf32>
        tpu.vector_store %arg15[%parallel_loop3A_262, %parallel_loop3A_263], %parallel_loop3A_266 {strides = array<i32>} : memref<50x144xf32, #tpu.memory_space<vmem>>, vector<1x16xf32>,
        %parallel_loop3A_267 = arith.constant 6 : i32
        %parallel_loop3A_268 = vector.broadcast %parallel_loop3A_267 : i32 to vector<16x1xi32>
        %parallel_loop3A_269 = vector.shape_cast %parallel_loop3A_268 : vector<16x1xi32> to vector<16xi32>
        %parallel_loop3A_270 = tpu.dynamic_gather %parallel_loop3A_177[%parallel_loop3A_269] in [0] : vector<16xf32>, vector<16xi32> -> vector<16xf32>
        %parallel_loop3A_271 = arith.index_cast %parallel_loop3A_160 : i32 to index
        %parallel_loop3A_272 = arith.constant 112 : index
        %parallel_loop3A_273 = tpu.vector_load %arg12[%parallel_loop3A_271, %parallel_loop3A_272] {strides = array<i32>} : memref<50x144xf32, #tpu.memory_space<vmem>>, vector<1x16xf32>,
        %parallel_loop3A_274 = vector.shape_cast %parallel_loop3A_273 : vector<1x16xf32> to vector<16xf32>
        %parallel_loop3A_275 = arith.mulf %parallel_loop3A_274, %parallel_loop3A_270 : vector<16xf32>
        %parallel_loop3A_276 = arith.index_cast %parallel_loop3A_160 : i32 to index
        %parallel_loop3A_277 = arith.constant 112 : index
        %parallel_loop3A_278 = tpu.vector_load %arg15[%parallel_loop3A_276, %parallel_loop3A_277] {strides = array<i32>} : memref<50x144xf32, #tpu.memory_space<vmem>>, vector<1x16xf32>,
        %parallel_loop3A_279 = vector.shape_cast %parallel_loop3A_278 : vector<1x16xf32> to vector<16xf32>
        %parallel_loop3A_280 = vector.shape_cast %parallel_loop3A_275 : vector<16xf32> to vector<1x16xf32>
        tpu.vector_store %arg15[%parallel_loop3A_276, %parallel_loop3A_277], %parallel_loop3A_280 {strides = array<i32>} : memref<50x144xf32, #tpu.memory_space<vmem>>, vector<1x16xf32>,
        %parallel_loop3A_281 = arith.constant 7 : i32
        %parallel_loop3A_282 = vector.broadcast %parallel_loop3A_281 : i32 to vector<16x1xi32>
        %parallel_loop3A_283 = vector.shape_cast %parallel_loop3A_282 : vector<16x1xi32> to vector<16xi32>
        %parallel_loop3A_284 = tpu.dynamic_gather %parallel_loop3A_177[%parallel_loop3A_283] in [0] : vector<16xf32>, vector<16xi32> -> vector<16xf32>
        %parallel_loop3A_285 = arith.index_cast %parallel_loop3A_160 : i32 to index
        %parallel_loop3A_286 = arith.constant 128 : index
        %parallel_loop3A_287 = tpu.vector_load %arg12[%parallel_loop3A_285, %parallel_loop3A_286] {strides = array<i32>} : memref<50x144xf32, #tpu.memory_space<vmem>>, vector<1x16xf32>,
        %parallel_loop3A_288 = vector.shape_cast %parallel_loop3A_287 : vector<1x16xf32> to vector<16xf32>
        %parallel_loop3A_289 = arith.mulf %parallel_loop3A_288, %parallel_loop3A_284 : vector<16xf32>
        %parallel_loop3A_290 = arith.index_cast %parallel_loop3A_160 : i32 to index
        %parallel_loop3A_291 = arith.constant 128 : index
        %parallel_loop3A_292 = tpu.vector_load %arg15[%parallel_loop3A_290, %parallel_loop3A_291] {strides = array<i32>} : memref<50x144xf32, #tpu.memory_space<vmem>>, vector<1x16xf32>,
        %parallel_loop3A_293 = vector.shape_cast %parallel_loop3A_292 : vector<1x16xf32> to vector<16xf32>
        %parallel_loop3A_294 = vector.shape_cast %parallel_loop3A_289 : vector<16xf32> to vector<1x16xf32>
        tpu.vector_store %arg15[%parallel_loop3A_290, %parallel_loop3A_291], %parallel_loop3A_294 {strides = array<i32>} : memref<50x144xf32, #tpu.memory_space<vmem>>, vector<1x16xf32>,
      } {sc.loop_unroll_factor = 1 : i64, sc.parallel_access}
      %dma_start3A_95 = arith.constant 2 : i32
      %dma_start3A_96 = arith.constant 0 : i32
      %dma_start3A_97 = tpu.memref_slice %arg10[%dma_start3A_95, %dma_start3A_96] : memref<25x50xi32, #tpu.memory_space<vmem>> -> memref<1x50xi32, #tpu.memory_space<vmem>>
      %dma_start3A_98 = tpu.memref_squeeze %dma_start3A_97 : memref<1x50xi32, #tpu.memory_space<vmem>> -> memref<50xi32, #tpu.memory_space<vmem>>
      %dma_start3A_99 = arith.constant 0 : i32
      %dma_start3A_100 = arith.constant 0 : i32
      %dma_start3A_101 = tpu.memref_slice %arg3[%dma_start3A_99, %dma_start3A_100] : memref<10000x16xf32, #tpu.memory_space<hbm>> -> memref<10000x16xf32, #tpu.memory_space<hbm>>
      tpu.enqueue_indirect_dma source(%dma_start3A_101 : memref<10000x16xf32, #tpu.memory_space<hbm>>) target(%arg13 : memref<50x16xf32, #tpu.memory_space<vmem>>) offsets(%dma_start3A_98 : memref<50xi32, #tpu.memory_space<vmem>>) semaphore(%arg18 : memref<!tpu.dma_semaphore, #tpu.memory_space<semaphore_mem>>)
      %dma_start3A_102 = arith.constant 1 : i32
      %dma_start3A_103 = arith.constant 0 : i32
      %dma_start3A_104 = tpu.memref_slice %arg10[%dma_start3A_102, %dma_start3A_103] : memref<25x50xi32, #tpu.memory_space<vmem>> -> memref<1x50xi32, #tpu.memory_space<vmem>>
      %dma_start3A_105 = tpu.memref_squeeze %dma_start3A_104 : memref<1x50xi32, #tpu.memory_space<vmem>> -> memref<50xi32, #tpu.memory_space<vmem>>
      %dma_start3A_106 = arith.constant 0 : i32
      %dma_start3A_107 = arith.constant 0 : i32
      %dma_start3A_108 = tpu.memref_slice %arg8[%dma_start3A_106, %dma_start3A_107] : memref<10000x144xf32, #tpu.memory_space<vmem_shared>> -> memref<10000x144xf32, #tpu.memory_space<vmem_shared>>
      tpu.enqueue_indirect_dma source(%arg15 : memref<50x144xf32, #tpu.memory_space<vmem>>) target(%dma_start3A_108 : memref<10000x144xf32, #tpu.memory_space<vmem_shared>>) offsets(%dma_start3A_105 : memref<50xi32, #tpu.memory_space<vmem>>) semaphore(%arg20 : memref<!tpu.dma_semaphore, #tpu.memory_space<semaphore_mem>>) {add = true}
      %scan3A_109 = arith.constant 0 : i32
      %scan3A_110 = arith.constant 0 : i32
      %scan3A_111 = arith.constant 11 : i32
      %scan3A_112 = arith.addi %scan3A_110, %scan3A_111 : i32
      %scan3A_113 = arith.constant 1 : i32
      scf.for %scan3A_160 = %scan3A_110 to %scan3A_112 step %scan3A_113  : i32 {
        %mul3A_161 = arith.constant 2 : i32
        %mul3A_162 = arith.muli %mul3A_161, %scan3A_160 : i32
        %add3A_163 = arith.constant 2 : i32
        %add3A_164 = arith.addi %mul3A_162, %add3A_163 : i32
        %dma_wait3A_165 = arith.constant 0 : i32
        %dma_wait3A_166 = tpu.memref_slice %arg9[%add3A_164, %dma_wait3A_165] : memref<25x50xi32, #tpu.memory_space<vmem>> -> memref<1x50xi32, #tpu.memory_space<vmem>>
        %dma_wait3A_167 = tpu.memref_squeeze %dma_wait3A_166 : memref<1x50xi32, #tpu.memory_space<vmem>> -> memref<50xi32, #tpu.memory_space<vmem>>
        %dma_wait3A_168 = arith.constant 0 : i32
        %dma_wait3A_169 = arith.constant 0 : i32
        %dma_wait3A_170 = tpu.memref_slice %arg2[%dma_wait3A_168, %dma_wait3A_169] : memref<10000x144xf32, #tpu.memory_space<hbm>> -> memref<10000x144xf32, #tpu.memory_space<hbm>>
        tpu.wait_indirect_dma semaphore(%arg16 : memref<!tpu.dma_semaphore, #tpu.memory_space<semaphore_mem>>) src(%dma_wait3A_170 : memref<10000x144xf32, #tpu.memory_space<hbm>>) dst(%arg11 : memref<50x144xf32, #tpu.memory_space<vmem>>)
        %add3A_171 = arith.constant 1 : i32
        %add3A_172 = arith.addi %add3A_164, %add3A_171 : i32
        %dma_start3A_173 = arith.constant 0 : i32
        %dma_start3A_174 = tpu.memref_slice %arg9[%add3A_172, %dma_start3A_173] : memref<25x50xi32, #tpu.memory_space<vmem>> -> memref<1x50xi32, #tpu.memory_space<vmem>>
        %dma_start3A_175 = tpu.memref_squeeze %dma_start3A_174 : memref<1x50xi32, #tpu.memory_space<vmem>> -> memref<50xi32, #tpu.memory_space<vmem>>
        %dma_start3A_176 = arith.constant 0 : i32
        %dma_start3A_177 = arith.constant 0 : i32
        %dma_start3A_178 = tpu.memref_slice %arg2[%dma_start3A_176, %dma_start3A_177] : memref<10000x144xf32, #tpu.memory_space<hbm>> -> memref<10000x144xf32, #tpu.memory_space<hbm>>
        tpu.enqueue_indirect_dma source(%dma_start3A_178 : memref<10000x144xf32, #tpu.memory_space<hbm>>) target(%arg12 : memref<50x144xf32, #tpu.memory_space<vmem>>) offsets(%dma_start3A_175 : memref<50xi32, #tpu.memory_space<vmem>>) semaphore(%arg17 : memref<!tpu.dma_semaphore, #tpu.memory_space<semaphore_mem>>)
        %sub3A = arith.constant 2 : i32
        %sub3A_179 = arith.subi %add3A_164, %sub3A : i32
        %dma_wait3A_180 = arith.constant 0 : i32
        %dma_wait3A_181 = tpu.memref_slice %arg10[%sub3A_179, %dma_wait3A_180] : memref<25x50xi32, #tpu.memory_space<vmem>> -> memref<1x50xi32, #tpu.memory_space<vmem>>
        %dma_wait3A_182 = tpu.memref_squeeze %dma_wait3A_181 : memref<1x50xi32, #tpu.memory_space<vmem>> -> memref<50xi32, #tpu.memory_space<vmem>>
        %dma_wait3A_183 = arith.constant 0 : i32
        %dma_wait3A_184 = arith.constant 0 : i32
        %dma_wait3A_185 = tpu.memref_slice %arg8[%dma_wait3A_183, %dma_wait3A_184] : memref<10000x144xf32, #tpu.memory_space<vmem_shared>> -> memref<10000x144xf32, #tpu.memory_space<vmem_shared>>
        tpu.wait_indirect_dma semaphore(%arg19 : memref<!tpu.dma_semaphore, #tpu.memory_space<semaphore_mem>>) src(%arg14 : memref<50x144xf32, #tpu.memory_space<vmem>>) dst(%dma_wait3A_185 : memref<10000x144xf32, #tpu.memory_space<vmem_shared>>)
        %dma_wait3A_186 = arith.constant 0 : i32
        %dma_wait3A_187 = tpu.memref_slice %arg10[%add3A_164, %dma_wait3A_186] : memref<25x50xi32, #tpu.memory_space<vmem>> -> memref<1x50xi32, #tpu.memory_space<vmem>>
        %dma_wait3A_188 = tpu.memref_squeeze %dma_wait3A_187 : memref<1x50xi32, #tpu.memory_space<vmem>> -> memref<50xi32, #tpu.memory_space<vmem>>
        %dma_wait3A_189 = arith.constant 0 : i32
        %dma_wait3A_190 = arith.constant 0 : i32
        %dma_wait3A_191 = tpu.memref_slice %arg3[%dma_wait3A_189, %dma_wait3A_190] : memref<10000x16xf32, #tpu.memory_space<hbm>> -> memref<10000x16xf32, #tpu.memory_space<hbm>>
        tpu.wait_indirect_dma semaphore(%arg18 : memref<!tpu.dma_semaphore, #tpu.memory_space<semaphore_mem>>) src(%dma_wait3A_191 : memref<10000x16xf32, #tpu.memory_space<hbm>>) dst(%arg13 : memref<50x16xf32, #tpu.memory_space<vmem>>)
        %parallel_loop3A_192 = arith.constant 0 : i32
        %parallel_loop3A_193 = arith.constant 50 : i32
        %parallel_loop3A_194 = arith.constant 1 : i32
        scf.for %parallel_loop3A_260 = %parallel_loop3A_192 to %parallel_loop3A_193 step %parallel_loop3A_194  : i32 {
          %parallel_loop3A_261 = arith.index_cast %parallel_loop3A_260 : i32 to index
          %parallel_loop3A_262 = arith.constant 0 : index
          %parallel_loop3A_263 = tpu.vector_load %arg11[%parallel_loop3A_261, %parallel_loop3A_262] {strides = array<i32>} : memref<50x144xf32, #tpu.memory_space<vmem>>, vector<1x16xf32>,
          %parallel_loop3A_264 = vector.shape_cast %parallel_loop3A_263 : vector<1x16xf32> to vector<16xf32>
          %parallel_loop3A_265 = arith.index_cast %parallel_loop3A_260 : i32 to index
          %parallel_loop3A_266 = arith.constant 0 : index
          %parallel_loop3A_267 = tpu.vector_load %arg13[%parallel_loop3A_265, %parallel_loop3A_266] {strides = array<i32>} : memref<50x16xf32, #tpu.memory_space<vmem>>, vector<1x16xf32>,
          %parallel_loop3A_268 = vector.shape_cast %parallel_loop3A_267 : vector<1x16xf32> to vector<16xf32>
          %parallel_loop3A_269 = arith.addf %parallel_loop3A_264, %parallel_loop3A_268 : vector<16xf32>
          %parallel_loop3A_270 = arith.constant 0.000000e+00 : f32
          %parallel_loop3A_271 = vector.broadcast %parallel_loop3A_270 : f32 to vector<16xf32>
          %parallel_loop3A_272 = arith.cmpf oge, %parallel_loop3A_269, %parallel_loop3A_271 : vector<16xf32>
          %parallel_loop3A_273 = arith.constant 2.000000e-01 : f32
          %parallel_loop3A_274 = vector.broadcast %parallel_loop3A_273 : f32 to vector<16xf32>
          %parallel_loop3A_275 = arith.mulf %parallel_loop3A_269, %parallel_loop3A_274 : vector<16xf32>
          %parallel_loop3A_276 = arith.select %parallel_loop3A_272, %parallel_loop3A_269, %parallel_loop3A_275 : vector<16xi1>, vector<16xf32>
          %parallel_loop3A_277 = math.exp %parallel_loop3A_276 : vector<16xf32>
          %parallel_loop3A_278 = arith.index_cast %parallel_loop3A_260 : i32 to index
          %parallel_loop3A_279 = arith.constant 0 : index
          %parallel_loop3A_280 = tpu.vector_load %arg14[%parallel_loop3A_278, %parallel_loop3A_279] {strides = array<i32>} : memref<50x144xf32, #tpu.memory_space<vmem>>, vector<1x16xf32>,
          %parallel_loop3A_281 = vector.shape_cast %parallel_loop3A_280 : vector<1x16xf32> to vector<16xf32>
          %parallel_loop3A_282 = vector.shape_cast %parallel_loop3A_277 : vector<16xf32> to vector<1x16xf32>
          tpu.vector_store %arg14[%parallel_loop3A_278, %parallel_loop3A_279], %parallel_loop3A_282 {strides = array<i32>} : memref<50x144xf32, #tpu.memory_space<vmem>>, vector<1x16xf32>,
          %parallel_loop3A_283 = arith.constant 0 : i32
          %parallel_loop3A_284 = vector.broadcast %parallel_loop3A_283 : i32 to vector<16x1xi32>
          %parallel_loop3A_285 = vector.shape_cast %parallel_loop3A_284 : vector<16x1xi32> to vector<16xi32>
          %parallel_loop3A_286 = tpu.dynamic_gather %parallel_loop3A_277[%parallel_loop3A_285] in [0] : vector<16xf32>, vector<16xi32> -> vector<16xf32>
          %parallel_loop3A_287 = arith.index_cast %parallel_loop3A_260 : i32 to index
          %parallel_loop3A_288 = arith.constant 16 : index
          %parallel_loop3A_289 = tpu.vector_load %arg11[%parallel_loop3A_287, %parallel_loop3A_288] {strides = array<i32>} : memref<50x144xf32, #tpu.memory_space<vmem>>, vector<1x16xf32>,
          %parallel_loop3A_290 = vector.shape_cast %parallel_loop3A_289 : vector<1x16xf32> to vector<16xf32>
          %parallel_loop3A_291 = arith.mulf %parallel_loop3A_290, %parallel_loop3A_286 : vector<16xf32>
          %parallel_loop3A_292 = arith.index_cast %parallel_loop3A_260 : i32 to index
          %parallel_loop3A_293 = arith.constant 16 : index
          %parallel_loop3A_294 = tpu.vector_load %arg14[%parallel_loop3A_292, %parallel_loop3A_293] {strides = array<i32>} : memref<50x144xf32, #tpu.memory_space<vmem>>, vector<1x16xf32>,
          %parallel_loop3A_295 = vector.shape_cast %parallel_loop3A_294 : vector<1x16xf32> to vector<16xf32>
          %parallel_loop3A_296 = vector.shape_cast %parallel_loop3A_291 : vector<16xf32> to vector<1x16xf32>
          tpu.vector_store %arg14[%parallel_loop3A_292, %parallel_loop3A_293], %parallel_loop3A_296 {strides = array<i32>} : memref<50x144xf32, #tpu.memory_space<vmem>>, vector<1x16xf32>,
          %parallel_loop3A_297 = arith.constant 1 : i32
          %parallel_loop3A_298 = vector.broadcast %parallel_loop3A_297 : i32 to vector<16x1xi32>
          %parallel_loop3A_299 = vector.shape_cast %parallel_loop3A_298 : vector<16x1xi32> to vector<16xi32>
          %parallel_loop3A_300 = tpu.dynamic_gather %parallel_loop3A_277[%parallel_loop3A_299] in [0] : vector<16xf32>, vector<16xi32> -> vector<16xf32>
          %parallel_loop3A_301 = arith.index_cast %parallel_loop3A_260 : i32 to index
          %parallel_loop3A_302 = arith.constant 32 : index
          %parallel_loop3A_303 = tpu.vector_load %arg11[%parallel_loop3A_301, %parallel_loop3A_302] {strides = array<i32>} : memref<50x144xf32, #tpu.memory_space<vmem>>, vector<1x16xf32>,
          %parallel_loop3A_304 = vector.shape_cast %parallel_loop3A_303 : vector<1x16xf32> to vector<16xf32>
          %parallel_loop3A_305 = arith.mulf %parallel_loop3A_304, %parallel_loop3A_300 : vector<16xf32>
          %parallel_loop3A_306 = arith.index_cast %parallel_loop3A_260 : i32 to index
          %parallel_loop3A_307 = arith.constant 32 : index
          %parallel_loop3A_308 = tpu.vector_load %arg14[%parallel_loop3A_306, %parallel_loop3A_307] {strides = array<i32>} : memref<50x144xf32, #tpu.memory_space<vmem>>, vector<1x16xf32>,
          %parallel_loop3A_309 = vector.shape_cast %parallel_loop3A_308 : vector<1x16xf32> to vector<16xf32>
          %parallel_loop3A_310 = vector.shape_cast %parallel_loop3A_305 : vector<16xf32> to vector<1x16xf32>
          tpu.vector_store %arg14[%parallel_loop3A_306, %parallel_loop3A_307], %parallel_loop3A_310 {strides = array<i32>} : memref<50x144xf32, #tpu.memory_space<vmem>>, vector<1x16xf32>,
          %parallel_loop3A_311 = arith.constant 2 : i32
          %parallel_loop3A_312 = vector.broadcast %parallel_loop3A_311 : i32 to vector<16x1xi32>
          %parallel_loop3A_313 = vector.shape_cast %parallel_loop3A_312 : vector<16x1xi32> to vector<16xi32>
          %parallel_loop3A_314 = tpu.dynamic_gather %parallel_loop3A_277[%parallel_loop3A_313] in [0] : vector<16xf32>, vector<16xi32> -> vector<16xf32>
          %parallel_loop3A_315 = arith.index_cast %parallel_loop3A_260 : i32 to index
          %parallel_loop3A_316 = arith.constant 48 : index
          %parallel_loop3A_317 = tpu.vector_load %arg11[%parallel_loop3A_315, %parallel_loop3A_316] {strides = array<i32>} : memref<50x144xf32, #tpu.memory_space<vmem>>, vector<1x16xf32>,
          %parallel_loop3A_318 = vector.shape_cast %parallel_loop3A_317 : vector<1x16xf32> to vector<16xf32>
          %parallel_loop3A_319 = arith.mulf %parallel_loop3A_318, %parallel_loop3A_314 : vector<16xf32>
          %parallel_loop3A_320 = arith.index_cast %parallel_loop3A_260 : i32 to index
          %parallel_loop3A_321 = arith.constant 48 : index
          %parallel_loop3A_322 = tpu.vector_load %arg14[%parallel_loop3A_320, %parallel_loop3A_321] {strides = array<i32>} : memref<50x144xf32, #tpu.memory_space<vmem>>, vector<1x16xf32>,
          %parallel_loop3A_323 = vector.shape_cast %parallel_loop3A_322 : vector<1x16xf32> to vector<16xf32>
          %parallel_loop3A_324 = vector.shape_cast %parallel_loop3A_319 : vector<16xf32> to vector<1x16xf32>
          tpu.vector_store %arg14[%parallel_loop3A_320, %parallel_loop3A_321], %parallel_loop3A_324 {strides = array<i32>} : memref<50x144xf32, #tpu.memory_space<vmem>>, vector<1x16xf32>,
          %parallel_loop3A_325 = arith.constant 3 : i32
          %parallel_loop3A_326 = vector.broadcast %parallel_loop3A_325 : i32 to vector<16x1xi32>
          %parallel_loop3A_327 = vector.shape_cast %parallel_loop3A_326 : vector<16x1xi32> to vector<16xi32>
          %parallel_loop3A_328 = tpu.dynamic_gather %parallel_loop3A_277[%parallel_loop3A_327] in [0] : vector<16xf32>, vector<16xi32> -> vector<16xf32>
          %parallel_loop3A_329 = arith.index_cast %parallel_loop3A_260 : i32 to index
          %parallel_loop3A_330 = arith.constant 64 : index
          %parallel_loop3A_331 = tpu.vector_load %arg11[%parallel_loop3A_329, %parallel_loop3A_330] {strides = array<i32>} : memref<50x144xf32, #tpu.memory_space<vmem>>, vector<1x16xf32>,
          %parallel_loop3A_332 = vector.shape_cast %parallel_loop3A_331 : vector<1x16xf32> to vector<16xf32>
          %parallel_loop3A_333 = arith.mulf %parallel_loop3A_332, %parallel_loop3A_328 : vector<16xf32>
          %parallel_loop3A_334 = arith.index_cast %parallel_loop3A_260 : i32 to index
          %parallel_loop3A_335 = arith.constant 64 : index
          %parallel_loop3A_336 = tpu.vector_load %arg14[%parallel_loop3A_334, %parallel_loop3A_335] {strides = array<i32>} : memref<50x144xf32, #tpu.memory_space<vmem>>, vector<1x16xf32>,
          %parallel_loop3A_337 = vector.shape_cast %parallel_loop3A_336 : vector<1x16xf32> to vector<16xf32>
          %parallel_loop3A_338 = vector.shape_cast %parallel_loop3A_333 : vector<16xf32> to vector<1x16xf32>
          tpu.vector_store %arg14[%parallel_loop3A_334, %parallel_loop3A_335], %parallel_loop3A_338 {strides = array<i32>} : memref<50x144xf32, #tpu.memory_space<vmem>>, vector<1x16xf32>,
          %parallel_loop3A_339 = arith.constant 4 : i32
          %parallel_loop3A_340 = vector.broadcast %parallel_loop3A_339 : i32 to vector<16x1xi32>
          %parallel_loop3A_341 = vector.shape_cast %parallel_loop3A_340 : vector<16x1xi32> to vector<16xi32>
          %parallel_loop3A_342 = tpu.dynamic_gather %parallel_loop3A_277[%parallel_loop3A_341] in [0] : vector<16xf32>, vector<16xi32> -> vector<16xf32>
          %parallel_loop3A_343 = arith.index_cast %parallel_loop3A_260 : i32 to index
          %parallel_loop3A_344 = arith.constant 80 : index
          %parallel_loop3A_345 = tpu.vector_load %arg11[%parallel_loop3A_343, %parallel_loop3A_344] {strides = array<i32>} : memref<50x144xf32, #tpu.memory_space<vmem>>, vector<1x16xf32>,
          %parallel_loop3A_346 = vector.shape_cast %parallel_loop3A_345 : vector<1x16xf32> to vector<16xf32>
          %parallel_loop3A_347 = arith.mulf %parallel_loop3A_346, %parallel_loop3A_342 : vector<16xf32>
          %parallel_loop3A_348 = arith.index_cast %parallel_loop3A_260 : i32 to index
          %parallel_loop3A_349 = arith.constant 80 : index
          %parallel_loop3A_350 = tpu.vector_load %arg14[%parallel_loop3A_348, %parallel_loop3A_349] {strides = array<i32>} : memref<50x144xf32, #tpu.memory_space<vmem>>, vector<1x16xf32>,
          %parallel_loop3A_351 = vector.shape_cast %parallel_loop3A_350 : vector<1x16xf32> to vector<16xf32>
          %parallel_loop3A_352 = vector.shape_cast %parallel_loop3A_347 : vector<16xf32> to vector<1x16xf32>
          tpu.vector_store %arg14[%parallel_loop3A_348, %parallel_loop3A_349], %parallel_loop3A_352 {strides = array<i32>} : memref<50x144xf32, #tpu.memory_space<vmem>>, vector<1x16xf32>,
          %parallel_loop3A_353 = arith.constant 5 : i32
          %parallel_loop3A_354 = vector.broadcast %parallel_loop3A_353 : i32 to vector<16x1xi32>
          %parallel_loop3A_355 = vector.shape_cast %parallel_loop3A_354 : vector<16x1xi32> to vector<16xi32>
          %parallel_loop3A_356 = tpu.dynamic_gather %parallel_loop3A_277[%parallel_loop3A_355] in [0] : vector<16xf32>, vector<16xi32> -> vector<16xf32>
          %parallel_loop3A_357 = arith.index_cast %parallel_loop3A_260 : i32 to index
          %parallel_loop3A_358 = arith.constant 96 : index
          %parallel_loop3A_359 = tpu.vector_load %arg11[%parallel_loop3A_357, %parallel_loop3A_358] {strides = array<i32>} : memref<50x144xf32, #tpu.memory_space<vmem>>, vector<1x16xf32>,
          %parallel_loop3A_360 = vector.shape_cast %parallel_loop3A_359 : vector<1x16xf32> to vector<16xf32>
          %parallel_loop3A_361 = arith.mulf %parallel_loop3A_360, %parallel_loop3A_356 : vector<16xf32>
          %parallel_loop3A_362 = arith.index_cast %parallel_loop3A_260 : i32 to index
          %parallel_loop3A_363 = arith.constant 96 : index
          %parallel_loop3A_364 = tpu.vector_load %arg14[%parallel_loop3A_362, %parallel_loop3A_363] {strides = array<i32>} : memref<50x144xf32, #tpu.memory_space<vmem>>, vector<1x16xf32>,
          %parallel_loop3A_365 = vector.shape_cast %parallel_loop3A_364 : vector<1x16xf32> to vector<16xf32>
          %parallel_loop3A_366 = vector.shape_cast %parallel_loop3A_361 : vector<16xf32> to vector<1x16xf32>
          tpu.vector_store %arg14[%parallel_loop3A_362, %parallel_loop3A_363], %parallel_loop3A_366 {strides = array<i32>} : memref<50x144xf32, #tpu.memory_space<vmem>>, vector<1x16xf32>,
          %parallel_loop3A_367 = arith.constant 6 : i32
          %parallel_loop3A_368 = vector.broadcast %parallel_loop3A_367 : i32 to vector<16x1xi32>
          %parallel_loop3A_369 = vector.shape_cast %parallel_loop3A_368 : vector<16x1xi32> to vector<16xi32>
          %parallel_loop3A_370 = tpu.dynamic_gather %parallel_loop3A_277[%parallel_loop3A_369] in [0] : vector<16xf32>, vector<16xi32> -> vector<16xf32>
          %parallel_loop3A_371 = arith.index_cast %parallel_loop3A_260 : i32 to index
          %parallel_loop3A_372 = arith.constant 112 : index
          %parallel_loop3A_373 = tpu.vector_load %arg11[%parallel_loop3A_371, %parallel_loop3A_372] {strides = array<i32>} : memref<50x144xf32, #tpu.memory_space<vmem>>, vector<1x16xf32>,
          %parallel_loop3A_374 = vector.shape_cast %parallel_loop3A_373 : vector<1x16xf32> to vector<16xf32>
          %parallel_loop3A_375 = arith.mulf %parallel_loop3A_374, %parallel_loop3A_370 : vector<16xf32>
          %parallel_loop3A_376 = arith.index_cast %parallel_loop3A_260 : i32 to index
          %parallel_loop3A_377 = arith.constant 112 : index
          %parallel_loop3A_378 = tpu.vector_load %arg14[%parallel_loop3A_376, %parallel_loop3A_377] {strides = array<i32>} : memref<50x144xf32, #tpu.memory_space<vmem>>, vector<1x16xf32>,
          %parallel_loop3A_379 = vector.shape_cast %parallel_loop3A_378 : vector<1x16xf32> to vector<16xf32>
          %parallel_loop3A_380 = vector.shape_cast %parallel_loop3A_375 : vector<16xf32> to vector<1x16xf32>
          tpu.vector_store %arg14[%parallel_loop3A_376, %parallel_loop3A_377], %parallel_loop3A_380 {strides = array<i32>} : memref<50x144xf32, #tpu.memory_space<vmem>>, vector<1x16xf32>,
          %parallel_loop3A_381 = arith.constant 7 : i32
          %parallel_loop3A_382 = vector.broadcast %parallel_loop3A_381 : i32 to vector<16x1xi32>
          %parallel_loop3A_383 = vector.shape_cast %parallel_loop3A_382 : vector<16x1xi32> to vector<16xi32>
          %parallel_loop3A_384 = tpu.dynamic_gather %parallel_loop3A_277[%parallel_loop3A_383] in [0] : vector<16xf32>, vector<16xi32> -> vector<16xf32>
          %parallel_loop3A_385 = arith.index_cast %parallel_loop3A_260 : i32 to index
          %parallel_loop3A_386 = arith.constant 128 : index
          %parallel_loop3A_387 = tpu.vector_load %arg11[%parallel_loop3A_385, %parallel_loop3A_386] {strides = array<i32>} : memref<50x144xf32, #tpu.memory_space<vmem>>, vector<1x16xf32>,
          %parallel_loop3A_388 = vector.shape_cast %parallel_loop3A_387 : vector<1x16xf32> to vector<16xf32>
          %parallel_loop3A_389 = arith.mulf %parallel_loop3A_388, %parallel_loop3A_384 : vector<16xf32>
          %parallel_loop3A_390 = arith.index_cast %parallel_loop3A_260 : i32 to index
          %parallel_loop3A_391 = arith.constant 128 : index
          %parallel_loop3A_392 = tpu.vector_load %arg14[%parallel_loop3A_390, %parallel_loop3A_391] {strides = array<i32>} : memref<50x144xf32, #tpu.memory_space<vmem>>, vector<1x16xf32>,
          %parallel_loop3A_393 = vector.shape_cast %parallel_loop3A_392 : vector<1x16xf32> to vector<16xf32>
          %parallel_loop3A_394 = vector.shape_cast %parallel_loop3A_389 : vector<16xf32> to vector<1x16xf32>
          tpu.vector_store %arg14[%parallel_loop3A_390, %parallel_loop3A_391], %parallel_loop3A_394 {strides = array<i32>} : memref<50x144xf32, #tpu.memory_space<vmem>>, vector<1x16xf32>,
        } {sc.loop_unroll_factor = 1 : i64, sc.parallel_access}
        %add3A_195 = arith.constant 1 : i32
        %add3A_196 = arith.addi %add3A_164, %add3A_195 : i32
        %dma_start3A_197 = arith.constant 0 : i32
        %dma_start3A_198 = tpu.memref_slice %arg10[%add3A_196, %dma_start3A_197] : memref<25x50xi32, #tpu.memory_space<vmem>> -> memref<1x50xi32, #tpu.memory_space<vmem>>
        %dma_start3A_199 = tpu.memref_squeeze %dma_start3A_198 : memref<1x50xi32, #tpu.memory_space<vmem>> -> memref<50xi32, #tpu.memory_space<vmem>>
        %dma_start3A_200 = arith.constant 0 : i32
        %dma_start3A_201 = arith.constant 0 : i32
        %dma_start3A_202 = tpu.memref_slice %arg3[%dma_start3A_200, %dma_start3A_201] : memref<10000x16xf32, #tpu.memory_space<hbm>> -> memref<10000x16xf32, #tpu.memory_space<hbm>>
        tpu.enqueue_indirect_dma source(%dma_start3A_202 : memref<10000x16xf32, #tpu.memory_space<hbm>>) target(%arg13 : memref<50x16xf32, #tpu.memory_space<vmem>>) offsets(%dma_start3A_199 : memref<50xi32, #tpu.memory_space<vmem>>) semaphore(%arg18 : memref<!tpu.dma_semaphore, #tpu.memory_space<semaphore_mem>>)
        %dma_start3A_203 = arith.constant 0 : i32
        %dma_start3A_204 = tpu.memref_slice %arg10[%add3A_164, %dma_start3A_203] : memref<25x50xi32, #tpu.memory_space<vmem>> -> memref<1x50xi32, #tpu.memory_space<vmem>>
        %dma_start3A_205 = tpu.memref_squeeze %dma_start3A_204 : memref<1x50xi32, #tpu.memory_space<vmem>> -> memref<50xi32, #tpu.memory_space<vmem>>
        %dma_start3A_206 = arith.constant 0 : i32
        %dma_start3A_207 = arith.constant 0 : i32
        %dma_start3A_208 = tpu.memref_slice %arg8[%dma_start3A_206, %dma_start3A_207] : memref<10000x144xf32, #tpu.memory_space<vmem_shared>> -> memref<10000x144xf32, #tpu.memory_space<vmem_shared>>
        tpu.enqueue_indirect_dma source(%arg14 : memref<50x144xf32, #tpu.memory_space<vmem>>) target(%dma_start3A_208 : memref<10000x144xf32, #tpu.memory_space<vmem_shared>>) offsets(%dma_start3A_205 : memref<50xi32, #tpu.memory_space<vmem>>) semaphore(%arg19 : memref<!tpu.dma_semaphore, #tpu.memory_space<semaphore_mem>>) {add = true}
        %add3A_209 = arith.constant 1 : i32
        %add3A_210 = arith.addi %add3A_164, %add3A_209 : i32
        %dma_wait3A_211 = arith.constant 0 : i32
        %dma_wait3A_212 = tpu.memref_slice %arg9[%add3A_210, %dma_wait3A_211] : memref<25x50xi32, #tpu.memory_space<vmem>> -> memref<1x50xi32, #tpu.memory_space<vmem>>
        %dma_wait3A_213 = tpu.memref_squeeze %dma_wait3A_212 : memref<1x50xi32, #tpu.memory_space<vmem>> -> memref<50xi32, #tpu.memory_space<vmem>>
        %dma_wait3A_214 = arith.constant 0 : i32
        %dma_wait3A_215 = arith.constant 0 : i32
        %dma_wait3A_216 = tpu.memref_slice %arg2[%dma_wait3A_214, %dma_wait3A_215] : memref<10000x144xf32, #tpu.memory_space<hbm>> -> memref<10000x144xf32, #tpu.memory_space<hbm>>
        tpu.wait_indirect_dma semaphore(%arg17 : memref<!tpu.dma_semaphore, #tpu.memory_space<semaphore_mem>>) src(%dma_wait3A_216 : memref<10000x144xf32, #tpu.memory_space<hbm>>) dst(%arg12 : memref<50x144xf32, #tpu.memory_space<vmem>>)
        %add3A_217 = arith.constant 2 : i32
        %add3A_218 = arith.addi %add3A_164, %add3A_217 : i32
        %dma_start3A_219 = arith.constant 0 : i32
        %dma_start3A_220 = tpu.memref_slice %arg9[%add3A_218, %dma_start3A_219] : memref<25x50xi32, #tpu.memory_space<vmem>> -> memref<1x50xi32, #tpu.memory_space<vmem>>
        %dma_start3A_221 = tpu.memref_squeeze %dma_start3A_220 : memref<1x50xi32, #tpu.memory_space<vmem>> -> memref<50xi32, #tpu.memory_space<vmem>>
        %dma_start3A_222 = arith.constant 0 : i32
        %dma_start3A_223 = arith.constant 0 : i32
        %dma_start3A_224 = tpu.memref_slice %arg2[%dma_start3A_222, %dma_start3A_223] : memref<10000x144xf32, #tpu.memory_space<hbm>> -> memref<10000x144xf32, #tpu.memory_space<hbm>>
        tpu.enqueue_indirect_dma source(%dma_start3A_224 : memref<10000x144xf32, #tpu.memory_space<hbm>>) target(%arg11 : memref<50x144xf32, #tpu.memory_space<vmem>>) offsets(%dma_start3A_221 : memref<50xi32, #tpu.memory_space<vmem>>) semaphore(%arg16 : memref<!tpu.dma_semaphore, #tpu.memory_space<semaphore_mem>>)
        %sub3A_225 = arith.constant 1 : i32
        %sub3A_226 = arith.subi %add3A_164, %sub3A_225 : i32
        %dma_wait3A_227 = arith.constant 0 : i32
        %dma_wait3A_228 = tpu.memref_slice %arg10[%sub3A_226, %dma_wait3A_227] : memref<25x50xi32, #tpu.memory_space<vmem>> -> memref<1x50xi32, #tpu.memory_space<vmem>>
        %dma_wait3A_229 = tpu.memref_squeeze %dma_wait3A_228 : memref<1x50xi32, #tpu.memory_space<vmem>> -> memref<50xi32, #tpu.memory_space<vmem>>
        %dma_wait3A_230 = arith.constant 0 : i32
        %dma_wait3A_231 = arith.constant 0 : i32
        %dma_wait3A_232 = tpu.memref_slice %arg8[%dma_wait3A_230, %dma_wait3A_231] : memref<10000x144xf32, #tpu.memory_space<vmem_shared>> -> memref<10000x144xf32, #tpu.memory_space<vmem_shared>>
        tpu.wait_indirect_dma semaphore(%arg20 : memref<!tpu.dma_semaphore, #tpu.memory_space<semaphore_mem>>) src(%arg15 : memref<50x144xf32, #tpu.memory_space<vmem>>) dst(%dma_wait3A_232 : memref<10000x144xf32, #tpu.memory_space<vmem_shared>>)
        %add3A_233 = arith.constant 1 : i32
        %add3A_234 = arith.addi %add3A_164, %add3A_233 : i32
        %dma_wait3A_235 = arith.constant 0 : i32
        %dma_wait3A_236 = tpu.memref_slice %arg10[%add3A_234, %dma_wait3A_235] : memref<25x50xi32, #tpu.memory_space<vmem>> -> memref<1x50xi32, #tpu.memory_space<vmem>>
        %dma_wait3A_237 = tpu.memref_squeeze %dma_wait3A_236 : memref<1x50xi32, #tpu.memory_space<vmem>> -> memref<50xi32, #tpu.memory_space<vmem>>
        %dma_wait3A_238 = arith.constant 0 : i32
        %dma_wait3A_239 = arith.constant 0 : i32
        %dma_wait3A_240 = tpu.memref_slice %arg3[%dma_wait3A_238, %dma_wait3A_239] : memref<10000x16xf32, #tpu.memory_space<hbm>> -> memref<10000x16xf32, #tpu.memory_space<hbm>>
        tpu.wait_indirect_dma semaphore(%arg18 : memref<!tpu.dma_semaphore, #tpu.memory_space<semaphore_mem>>) src(%dma_wait3A_240 : memref<10000x16xf32, #tpu.memory_space<hbm>>) dst(%arg13 : memref<50x16xf32, #tpu.memory_space<vmem>>)
        %parallel_loop3A_241 = arith.constant 0 : i32
        %parallel_loop3A_242 = arith.constant 50 : i32
        %parallel_loop3A_243 = arith.constant 1 : i32
        scf.for %parallel_loop3A_260 = %parallel_loop3A_241 to %parallel_loop3A_242 step %parallel_loop3A_243  : i32 {
          %parallel_loop3A_261 = arith.index_cast %parallel_loop3A_260 : i32 to index
          %parallel_loop3A_262 = arith.constant 0 : index
          %parallel_loop3A_263 = tpu.vector_load %arg12[%parallel_loop3A_261, %parallel_loop3A_262] {strides = array<i32>} : memref<50x144xf32, #tpu.memory_space<vmem>>, vector<1x16xf32>,
          %parallel_loop3A_264 = vector.shape_cast %parallel_loop3A_263 : vector<1x16xf32> to vector<16xf32>
          %parallel_loop3A_265 = arith.index_cast %parallel_loop3A_260 : i32 to index
          %parallel_loop3A_266 = arith.constant 0 : index
          %parallel_loop3A_267 = tpu.vector_load %arg13[%parallel_loop3A_265, %parallel_loop3A_266] {strides = array<i32>} : memref<50x16xf32, #tpu.memory_space<vmem>>, vector<1x16xf32>,
          %parallel_loop3A_268 = vector.shape_cast %parallel_loop3A_267 : vector<1x16xf32> to vector<16xf32>
          %parallel_loop3A_269 = arith.addf %parallel_loop3A_264, %parallel_loop3A_268 : vector<16xf32>
          %parallel_loop3A_270 = arith.constant 0.000000e+00 : f32
          %parallel_loop3A_271 = vector.broadcast %parallel_loop3A_270 : f32 to vector<16xf32>
          %parallel_loop3A_272 = arith.cmpf oge, %parallel_loop3A_269, %parallel_loop3A_271 : vector<16xf32>
          %parallel_loop3A_273 = arith.constant 2.000000e-01 : f32
          %parallel_loop3A_274 = vector.broadcast %parallel_loop3A_273 : f32 to vector<16xf32>
          %parallel_loop3A_275 = arith.mulf %parallel_loop3A_269, %parallel_loop3A_274 : vector<16xf32>
          %parallel_loop3A_276 = arith.select %parallel_loop3A_272, %parallel_loop3A_269, %parallel_loop3A_275 : vector<16xi1>, vector<16xf32>
          %parallel_loop3A_277 = math.exp %parallel_loop3A_276 : vector<16xf32>
          %parallel_loop3A_278 = arith.index_cast %parallel_loop3A_260 : i32 to index
          %parallel_loop3A_279 = arith.constant 0 : index
          %parallel_loop3A_280 = tpu.vector_load %arg15[%parallel_loop3A_278, %parallel_loop3A_279] {strides = array<i32>} : memref<50x144xf32, #tpu.memory_space<vmem>>, vector<1x16xf32>,
          %parallel_loop3A_281 = vector.shape_cast %parallel_loop3A_280 : vector<1x16xf32> to vector<16xf32>
          %parallel_loop3A_282 = vector.shape_cast %parallel_loop3A_277 : vector<16xf32> to vector<1x16xf32>
          tpu.vector_store %arg15[%parallel_loop3A_278, %parallel_loop3A_279], %parallel_loop3A_282 {strides = array<i32>} : memref<50x144xf32, #tpu.memory_space<vmem>>, vector<1x16xf32>,
          %parallel_loop3A_283 = arith.constant 0 : i32
          %parallel_loop3A_284 = vector.broadcast %parallel_loop3A_283 : i32 to vector<16x1xi32>
          %parallel_loop3A_285 = vector.shape_cast %parallel_loop3A_284 : vector<16x1xi32> to vector<16xi32>
          %parallel_loop3A_286 = tpu.dynamic_gather %parallel_loop3A_277[%parallel_loop3A_285] in [0] : vector<16xf32>, vector<16xi32> -> vector<16xf32>
          %parallel_loop3A_287 = arith.index_cast %parallel_loop3A_260 : i32 to index
          %parallel_loop3A_288 = arith.constant 16 : index
          %parallel_loop3A_289 = tpu.vector_load %arg12[%parallel_loop3A_287, %parallel_loop3A_288] {strides = array<i32>} : memref<50x144xf32, #tpu.memory_space<vmem>>, vector<1x16xf32>,
          %parallel_loop3A_290 = vector.shape_cast %parallel_loop3A_289 : vector<1x16xf32> to vector<16xf32>
          %parallel_loop3A_291 = arith.mulf %parallel_loop3A_290, %parallel_loop3A_286 : vector<16xf32>
          %parallel_loop3A_292 = arith.index_cast %parallel_loop3A_260 : i32 to index
          %parallel_loop3A_293 = arith.constant 16 : index
          %parallel_loop3A_294 = tpu.vector_load %arg15[%parallel_loop3A_292, %parallel_loop3A_293] {strides = array<i32>} : memref<50x144xf32, #tpu.memory_space<vmem>>, vector<1x16xf32>,
          %parallel_loop3A_295 = vector.shape_cast %parallel_loop3A_294 : vector<1x16xf32> to vector<16xf32>
          %parallel_loop3A_296 = vector.shape_cast %parallel_loop3A_291 : vector<16xf32> to vector<1x16xf32>
          tpu.vector_store %arg15[%parallel_loop3A_292, %parallel_loop3A_293], %parallel_loop3A_296 {strides = array<i32>} : memref<50x144xf32, #tpu.memory_space<vmem>>, vector<1x16xf32>,
          %parallel_loop3A_297 = arith.constant 1 : i32
          %parallel_loop3A_298 = vector.broadcast %parallel_loop3A_297 : i32 to vector<16x1xi32>
          %parallel_loop3A_299 = vector.shape_cast %parallel_loop3A_298 : vector<16x1xi32> to vector<16xi32>
          %parallel_loop3A_300 = tpu.dynamic_gather %parallel_loop3A_277[%parallel_loop3A_299] in [0] : vector<16xf32>, vector<16xi32> -> vector<16xf32>
          %parallel_loop3A_301 = arith.index_cast %parallel_loop3A_260 : i32 to index
          %parallel_loop3A_302 = arith.constant 32 : index
          %parallel_loop3A_303 = tpu.vector_load %arg12[%parallel_loop3A_301, %parallel_loop3A_302] {strides = array<i32>} : memref<50x144xf32, #tpu.memory_space<vmem>>, vector<1x16xf32>,
          %parallel_loop3A_304 = vector.shape_cast %parallel_loop3A_303 : vector<1x16xf32> to vector<16xf32>
          %parallel_loop3A_305 = arith.mulf %parallel_loop3A_304, %parallel_loop3A_300 : vector<16xf32>
          %parallel_loop3A_306 = arith.index_cast %parallel_loop3A_260 : i32 to index
          %parallel_loop3A_307 = arith.constant 32 : index
          %parallel_loop3A_308 = tpu.vector_load %arg15[%parallel_loop3A_306, %parallel_loop3A_307] {strides = array<i32>} : memref<50x144xf32, #tpu.memory_space<vmem>>, vector<1x16xf32>,
          %parallel_loop3A_309 = vector.shape_cast %parallel_loop3A_308 : vector<1x16xf32> to vector<16xf32>
          %parallel_loop3A_310 = vector.shape_cast %parallel_loop3A_305 : vector<16xf32> to vector<1x16xf32>
          tpu.vector_store %arg15[%parallel_loop3A_306, %parallel_loop3A_307], %parallel_loop3A_310 {strides = array<i32>} : memref<50x144xf32, #tpu.memory_space<vmem>>, vector<1x16xf32>,
          %parallel_loop3A_311 = arith.constant 2 : i32
          %parallel_loop3A_312 = vector.broadcast %parallel_loop3A_311 : i32 to vector<16x1xi32>
          %parallel_loop3A_313 = vector.shape_cast %parallel_loop3A_312 : vector<16x1xi32> to vector<16xi32>
          %parallel_loop3A_314 = tpu.dynamic_gather %parallel_loop3A_277[%parallel_loop3A_313] in [0] : vector<16xf32>, vector<16xi32> -> vector<16xf32>
          %parallel_loop3A_315 = arith.index_cast %parallel_loop3A_260 : i32 to index
          %parallel_loop3A_316 = arith.constant 48 : index
          %parallel_loop3A_317 = tpu.vector_load %arg12[%parallel_loop3A_315, %parallel_loop3A_316] {strides = array<i32>} : memref<50x144xf32, #tpu.memory_space<vmem>>, vector<1x16xf32>,
          %parallel_loop3A_318 = vector.shape_cast %parallel_loop3A_317 : vector<1x16xf32> to vector<16xf32>
          %parallel_loop3A_319 = arith.mulf %parallel_loop3A_318, %parallel_loop3A_314 : vector<16xf32>
          %parallel_loop3A_320 = arith.index_cast %parallel_loop3A_260 : i32 to index
          %parallel_loop3A_321 = arith.constant 48 : index
          %parallel_loop3A_322 = tpu.vector_load %arg15[%parallel_loop3A_320, %parallel_loop3A_321] {strides = array<i32>} : memref<50x144xf32, #tpu.memory_space<vmem>>, vector<1x16xf32>,
          %parallel_loop3A_323 = vector.shape_cast %parallel_loop3A_322 : vector<1x16xf32> to vector<16xf32>
          %parallel_loop3A_324 = vector.shape_cast %parallel_loop3A_319 : vector<16xf32> to vector<1x16xf32>
          tpu.vector_store %arg15[%parallel_loop3A_320, %parallel_loop3A_321], %parallel_loop3A_324 {strides = array<i32>} : memref<50x144xf32, #tpu.memory_space<vmem>>, vector<1x16xf32>,
          %parallel_loop3A_325 = arith.constant 3 : i32
          %parallel_loop3A_326 = vector.broadcast %parallel_loop3A_325 : i32 to vector<16x1xi32>
          %parallel_loop3A_327 = vector.shape_cast %parallel_loop3A_326 : vector<16x1xi32> to vector<16xi32>
          %parallel_loop3A_328 = tpu.dynamic_gather %parallel_loop3A_277[%parallel_loop3A_327] in [0] : vector<16xf32>, vector<16xi32> -> vector<16xf32>
          %parallel_loop3A_329 = arith.index_cast %parallel_loop3A_260 : i32 to index
          %parallel_loop3A_330 = arith.constant 64 : index
          %parallel_loop3A_331 = tpu.vector_load %arg12[%parallel_loop3A_329, %parallel_loop3A_330] {strides = array<i32>} : memref<50x144xf32, #tpu.memory_space<vmem>>, vector<1x16xf32>,
          %parallel_loop3A_332 = vector.shape_cast %parallel_loop3A_331 : vector<1x16xf32> to vector<16xf32>
          %parallel_loop3A_333 = arith.mulf %parallel_loop3A_332, %parallel_loop3A_328 : vector<16xf32>
          %parallel_loop3A_334 = arith.index_cast %parallel_loop3A_260 : i32 to index
          %parallel_loop3A_335 = arith.constant 64 : index
          %parallel_loop3A_336 = tpu.vector_load %arg15[%parallel_loop3A_334, %parallel_loop3A_335] {strides = array<i32>} : memref<50x144xf32, #tpu.memory_space<vmem>>, vector<1x16xf32>,
          %parallel_loop3A_337 = vector.shape_cast %parallel_loop3A_336 : vector<1x16xf32> to vector<16xf32>
          %parallel_loop3A_338 = vector.shape_cast %parallel_loop3A_333 : vector<16xf32> to vector<1x16xf32>
          tpu.vector_store %arg15[%parallel_loop3A_334, %parallel_loop3A_335], %parallel_loop3A_338 {strides = array<i32>} : memref<50x144xf32, #tpu.memory_space<vmem>>, vector<1x16xf32>,
          %parallel_loop3A_339 = arith.constant 4 : i32
          %parallel_loop3A_340 = vector.broadcast %parallel_loop3A_339 : i32 to vector<16x1xi32>
          %parallel_loop3A_341 = vector.shape_cast %parallel_loop3A_340 : vector<16x1xi32> to vector<16xi32>
          %parallel_loop3A_342 = tpu.dynamic_gather %parallel_loop3A_277[%parallel_loop3A_341] in [0] : vector<16xf32>, vector<16xi32> -> vector<16xf32>
          %parallel_loop3A_343 = arith.index_cast %parallel_loop3A_260 : i32 to index
          %parallel_loop3A_344 = arith.constant 80 : index
          %parallel_loop3A_345 = tpu.vector_load %arg12[%parallel_loop3A_343, %parallel_loop3A_344] {strides = array<i32>} : memref<50x144xf32, #tpu.memory_space<vmem>>, vector<1x16xf32>,
          %parallel_loop3A_346 = vector.shape_cast %parallel_loop3A_345 : vector<1x16xf32> to vector<16xf32>
          %parallel_loop3A_347 = arith.mulf %parallel_loop3A_346, %parallel_loop3A_342 : vector<16xf32>
          %parallel_loop3A_348 = arith.index_cast %parallel_loop3A_260 : i32 to index
          %parallel_loop3A_349 = arith.constant 80 : index
          %parallel_loop3A_350 = tpu.vector_load %arg15[%parallel_loop3A_348, %parallel_loop3A_349] {strides = array<i32>} : memref<50x144xf32, #tpu.memory_space<vmem>>, vector<1x16xf32>,
          %parallel_loop3A_351 = vector.shape_cast %parallel_loop3A_350 : vector<1x16xf32> to vector<16xf32>
          %parallel_loop3A_352 = vector.shape_cast %parallel_loop3A_347 : vector<16xf32> to vector<1x16xf32>
          tpu.vector_store %arg15[%parallel_loop3A_348, %parallel_loop3A_349], %parallel_loop3A_352 {strides = array<i32>} : memref<50x144xf32, #tpu.memory_space<vmem>>, vector<1x16xf32>,
          %parallel_loop3A_353 = arith.constant 5 : i32
          %parallel_loop3A_354 = vector.broadcast %parallel_loop3A_353 : i32 to vector<16x1xi32>
          %parallel_loop3A_355 = vector.shape_cast %parallel_loop3A_354 : vector<16x1xi32> to vector<16xi32>
          %parallel_loop3A_356 = tpu.dynamic_gather %parallel_loop3A_277[%parallel_loop3A_355] in [0] : vector<16xf32>, vector<16xi32> -> vector<16xf32>
          %parallel_loop3A_357 = arith.index_cast %parallel_loop3A_260 : i32 to index
          %parallel_loop3A_358 = arith.constant 96 : index
          %parallel_loop3A_359 = tpu.vector_load %arg12[%parallel_loop3A_357, %parallel_loop3A_358] {strides = array<i32>} : memref<50x144xf32, #tpu.memory_space<vmem>>, vector<1x16xf32>,
          %parallel_loop3A_360 = vector.shape_cast %parallel_loop3A_359 : vector<1x16xf32> to vector<16xf32>
          %parallel_loop3A_361 = arith.mulf %parallel_loop3A_360, %parallel_loop3A_356 : vector<16xf32>
          %parallel_loop3A_362 = arith.index_cast %parallel_loop3A_260 : i32 to index
          %parallel_loop3A_363 = arith.constant 96 : index
          %parallel_loop3A_364 = tpu.vector_load %arg15[%parallel_loop3A_362, %parallel_loop3A_363] {strides = array<i32>} : memref<50x144xf32, #tpu.memory_space<vmem>>, vector<1x16xf32>,
          %parallel_loop3A_365 = vector.shape_cast %parallel_loop3A_364 : vector<1x16xf32> to vector<16xf32>
          %parallel_loop3A_366 = vector.shape_cast %parallel_loop3A_361 : vector<16xf32> to vector<1x16xf32>
          tpu.vector_store %arg15[%parallel_loop3A_362, %parallel_loop3A_363], %parallel_loop3A_366 {strides = array<i32>} : memref<50x144xf32, #tpu.memory_space<vmem>>, vector<1x16xf32>,
          %parallel_loop3A_367 = arith.constant 6 : i32
          %parallel_loop3A_368 = vector.broadcast %parallel_loop3A_367 : i32 to vector<16x1xi32>
          %parallel_loop3A_369 = vector.shape_cast %parallel_loop3A_368 : vector<16x1xi32> to vector<16xi32>
          %parallel_loop3A_370 = tpu.dynamic_gather %parallel_loop3A_277[%parallel_loop3A_369] in [0] : vector<16xf32>, vector<16xi32> -> vector<16xf32>
          %parallel_loop3A_371 = arith.index_cast %parallel_loop3A_260 : i32 to index
          %parallel_loop3A_372 = arith.constant 112 : index
          %parallel_loop3A_373 = tpu.vector_load %arg12[%parallel_loop3A_371, %parallel_loop3A_372] {strides = array<i32>} : memref<50x144xf32, #tpu.memory_space<vmem>>, vector<1x16xf32>,
          %parallel_loop3A_374 = vector.shape_cast %parallel_loop3A_373 : vector<1x16xf32> to vector<16xf32>
          %parallel_loop3A_375 = arith.mulf %parallel_loop3A_374, %parallel_loop3A_370 : vector<16xf32>
          %parallel_loop3A_376 = arith.index_cast %parallel_loop3A_260 : i32 to index
          %parallel_loop3A_377 = arith.constant 112 : index
          %parallel_loop3A_378 = tpu.vector_load %arg15[%parallel_loop3A_376, %parallel_loop3A_377] {strides = array<i32>} : memref<50x144xf32, #tpu.memory_space<vmem>>, vector<1x16xf32>,
          %parallel_loop3A_379 = vector.shape_cast %parallel_loop3A_378 : vector<1x16xf32> to vector<16xf32>
          %parallel_loop3A_380 = vector.shape_cast %parallel_loop3A_375 : vector<16xf32> to vector<1x16xf32>
          tpu.vector_store %arg15[%parallel_loop3A_376, %parallel_loop3A_377], %parallel_loop3A_380 {strides = array<i32>} : memref<50x144xf32, #tpu.memory_space<vmem>>, vector<1x16xf32>,
          %parallel_loop3A_381 = arith.constant 7 : i32
          %parallel_loop3A_382 = vector.broadcast %parallel_loop3A_381 : i32 to vector<16x1xi32>
          %parallel_loop3A_383 = vector.shape_cast %parallel_loop3A_382 : vector<16x1xi32> to vector<16xi32>
          %parallel_loop3A_384 = tpu.dynamic_gather %parallel_loop3A_277[%parallel_loop3A_383] in [0] : vector<16xf32>, vector<16xi32> -> vector<16xf32>
          %parallel_loop3A_385 = arith.index_cast %parallel_loop3A_260 : i32 to index
          %parallel_loop3A_386 = arith.constant 128 : index
          %parallel_loop3A_387 = tpu.vector_load %arg12[%parallel_loop3A_385, %parallel_loop3A_386] {strides = array<i32>} : memref<50x144xf32, #tpu.memory_space<vmem>>, vector<1x16xf32>,
          %parallel_loop3A_388 = vector.shape_cast %parallel_loop3A_387 : vector<1x16xf32> to vector<16xf32>
          %parallel_loop3A_389 = arith.mulf %parallel_loop3A_388, %parallel_loop3A_384 : vector<16xf32>
          %parallel_loop3A_390 = arith.index_cast %parallel_loop3A_260 : i32 to index
          %parallel_loop3A_391 = arith.constant 128 : index
          %parallel_loop3A_392 = tpu.vector_load %arg15[%parallel_loop3A_390, %parallel_loop3A_391] {strides = array<i32>} : memref<50x144xf32, #tpu.memory_space<vmem>>, vector<1x16xf32>,
          %parallel_loop3A_393 = vector.shape_cast %parallel_loop3A_392 : vector<1x16xf32> to vector<16xf32>
          %parallel_loop3A_394 = vector.shape_cast %parallel_loop3A_389 : vector<16xf32> to vector<1x16xf32>
          tpu.vector_store %arg15[%parallel_loop3A_390, %parallel_loop3A_391], %parallel_loop3A_394 {strides = array<i32>} : memref<50x144xf32, #tpu.memory_space<vmem>>, vector<1x16xf32>,
        } {sc.loop_unroll_factor = 1 : i64, sc.parallel_access}
        %add3A_244 = arith.constant 2 : i32
        %add3A_245 = arith.addi %add3A_164, %add3A_244 : i32
        %dma_start3A_246 = arith.constant 0 : i32
        %dma_start3A_247 = tpu.memref_slice %arg10[%add3A_245, %dma_start3A_246] : memref<25x50xi32, #tpu.memory_space<vmem>> -> memref<1x50xi32, #tpu.memory_space<vmem>>
        %dma_start3A_248 = tpu.memref_squeeze %dma_start3A_247 : memref<1x50xi32, #tpu.memory_space<vmem>> -> memref<50xi32, #tpu.memory_space<vmem>>
        %dma_start3A_249 = arith.constant 0 : i32
        %dma_start3A_250 = arith.constant 0 : i32
        %dma_start3A_251 = tpu.memref_slice %arg3[%dma_start3A_249, %dma_start3A_250] : memref<10000x16xf32, #tpu.memory_space<hbm>> -> memref<10000x16xf32, #tpu.memory_space<hbm>>
        tpu.enqueue_indirect_dma source(%dma_start3A_251 : memref<10000x16xf32, #tpu.memory_space<hbm>>) target(%arg13 : memref<50x16xf32, #tpu.memory_space<vmem>>) offsets(%dma_start3A_248 : memref<50xi32, #tpu.memory_space<vmem>>) semaphore(%arg18 : memref<!tpu.dma_semaphore, #tpu.memory_space<semaphore_mem>>)
        %add3A_252 = arith.constant 1 : i32
        %add3A_253 = arith.addi %add3A_164, %add3A_252 : i32
        %dma_start3A_254 = arith.constant 0 : i32
        %dma_start3A_255 = tpu.memref_slice %arg10[%add3A_253, %dma_start3A_254] : memref<25x50xi32, #tpu.memory_space<vmem>> -> memref<1x50xi32, #tpu.memory_space<vmem>>
        %dma_start3A_256 = tpu.memref_squeeze %dma_start3A_255 : memref<1x50xi32, #tpu.memory_space<vmem>> -> memref<50xi32, #tpu.memory_space<vmem>>
        %dma_start3A_257 = arith.constant 0 : i32
        %dma_start3A_258 = arith.constant 0 : i32
        %dma_start3A_259 = tpu.memref_slice %arg8[%dma_start3A_257, %dma_start3A_258] : memref<10000x144xf32, #tpu.memory_space<vmem_shared>> -> memref<10000x144xf32, #tpu.memory_space<vmem_shared>>
        tpu.enqueue_indirect_dma source(%arg15 : memref<50x144xf32, #tpu.memory_space<vmem>>) target(%dma_start3A_259 : memref<10000x144xf32, #tpu.memory_space<vmem_shared>>) offsets(%dma_start3A_256 : memref<50xi32, #tpu.memory_space<vmem>>) semaphore(%arg20 : memref<!tpu.dma_semaphore, #tpu.memory_space<semaphore_mem>>) {add = true}
      }
      %scan3A_114 = arith.constant 11 : i32
      %dma_wait3A_115 = arith.constant 24 : i32
      %dma_wait3A_116 = arith.constant 0 : i32
      %dma_wait3A_117 = tpu.memref_slice %arg9[%dma_wait3A_115, %dma_wait3A_116] : memref<25x50xi32, #tpu.memory_space<vmem>> -> memref<1x50xi32, #tpu.memory_space<vmem>>
      %dma_wait3A_118 = tpu.memref_squeeze %dma_wait3A_117 : memref<1x50xi32, #tpu.memory_space<vmem>> -> memref<50xi32, #tpu.memory_space<vmem>>
      %dma_wait3A_119 = arith.constant 0 : i32
      %dma_wait3A_120 = arith.constant 0 : i32
      %dma_wait3A_121 = tpu.memref_slice %arg2[%dma_wait3A_119, %dma_wait3A_120] : memref<10000x144xf32, #tpu.memory_space<hbm>> -> memref<10000x144xf32, #tpu.memory_space<hbm>>
      tpu.wait_indirect_dma semaphore(%arg16 : memref<!tpu.dma_semaphore, #tpu.memory_space<semaphore_mem>>) src(%dma_wait3A_121 : memref<10000x144xf32, #tpu.memory_space<hbm>>) dst(%arg11 : memref<50x144xf32, #tpu.memory_space<vmem>>)
      %dma_wait3A_122 = arith.constant 22 : i32
      %dma_wait3A_123 = arith.constant 0 : i32
      %dma_wait3A_124 = tpu.memref_slice %arg10[%dma_wait3A_122, %dma_wait3A_123] : memref<25x50xi32, #tpu.memory_space<vmem>> -> memref<1x50xi32, #tpu.memory_space<vmem>>
      %dma_wait3A_125 = tpu.memref_squeeze %dma_wait3A_124 : memref<1x50xi32, #tpu.memory_space<vmem>> -> memref<50xi32, #tpu.memory_space<vmem>>
      %dma_wait3A_126 = arith.constant 0 : i32
      %dma_wait3A_127 = arith.constant 0 : i32
      %dma_wait3A_128 = tpu.memref_slice %arg8[%dma_wait3A_126, %dma_wait3A_127] : memref<10000x144xf32, #tpu.memory_space<vmem_shared>> -> memref<10000x144xf32, #tpu.memory_space<vmem_shared>>
      tpu.wait_indirect_dma semaphore(%arg19 : memref<!tpu.dma_semaphore, #tpu.memory_space<semaphore_mem>>) src(%arg14 : memref<50x144xf32, #tpu.memory_space<vmem>>) dst(%dma_wait3A_128 : memref<10000x144xf32, #tpu.memory_space<vmem_shared>>)
      %dma_wait3A_129 = arith.constant 24 : i32
      %dma_wait3A_130 = arith.constant 0 : i32
      %dma_wait3A_131 = tpu.memref_slice %arg10[%dma_wait3A_129, %dma_wait3A_130] : memref<25x50xi32, #tpu.memory_space<vmem>> -> memref<1x50xi32, #tpu.memory_space<vmem>>
      %dma_wait3A_132 = tpu.memref_squeeze %dma_wait3A_131 : memref<1x50xi32, #tpu.memory_space<vmem>> -> memref<50xi32, #tpu.memory_space<vmem>>
      %dma_wait3A_133 = arith.constant 0 : i32
      %dma_wait3A_134 = arith.constant 0 : i32
      %dma_wait3A_135 = tpu.memref_slice %arg3[%dma_wait3A_133, %dma_wait3A_134] : memref<10000x16xf32, #tpu.memory_space<hbm>> -> memref<10000x16xf32, #tpu.memory_space<hbm>>
      tpu.wait_indirect_dma semaphore(%arg18 : memref<!tpu.dma_semaphore, #tpu.memory_space<semaphore_mem>>) src(%dma_wait3A_135 : memref<10000x16xf32, #tpu.memory_space<hbm>>) dst(%arg13 : memref<50x16xf32, #tpu.memory_space<vmem>>)
      %parallel_loop3A_136 = arith.constant 0 : i32
      %parallel_loop3A_137 = arith.constant 50 : i32
      %parallel_loop3A_138 = arith.constant 1 : i32
      scf.for %parallel_loop3A_160 = %parallel_loop3A_136 to %parallel_loop3A_137 step %parallel_loop3A_138  : i32 {
        %parallel_loop3A_161 = arith.index_cast %parallel_loop3A_160 : i32 to index
        %parallel_loop3A_162 = arith.constant 0 : index
        %parallel_loop3A_163 = tpu.vector_load %arg11[%parallel_loop3A_161, %parallel_loop3A_162] {strides = array<i32>} : memref<50x144xf32, #tpu.memory_space<vmem>>, vector<1x16xf32>,
        %parallel_loop3A_164 = vector.shape_cast %parallel_loop3A_163 : vector<1x16xf32> to vector<16xf32>
        %parallel_loop3A_165 = arith.index_cast %parallel_loop3A_160 : i32 to index
        %parallel_loop3A_166 = arith.constant 0 : index
        %parallel_loop3A_167 = tpu.vector_load %arg13[%parallel_loop3A_165, %parallel_loop3A_166] {strides = array<i32>} : memref<50x16xf32, #tpu.memory_space<vmem>>, vector<1x16xf32>,
        %parallel_loop3A_168 = vector.shape_cast %parallel_loop3A_167 : vector<1x16xf32> to vector<16xf32>
        %parallel_loop3A_169 = arith.addf %parallel_loop3A_164, %parallel_loop3A_168 : vector<16xf32>
        %parallel_loop3A_170 = arith.constant 0.000000e+00 : f32
        %parallel_loop3A_171 = vector.broadcast %parallel_loop3A_170 : f32 to vector<16xf32>
        %parallel_loop3A_172 = arith.cmpf oge, %parallel_loop3A_169, %parallel_loop3A_171 : vector<16xf32>
        %parallel_loop3A_173 = arith.constant 2.000000e-01 : f32
        %parallel_loop3A_174 = vector.broadcast %parallel_loop3A_173 : f32 to vector<16xf32>
        %parallel_loop3A_175 = arith.mulf %parallel_loop3A_169, %parallel_loop3A_174 : vector<16xf32>
        %parallel_loop3A_176 = arith.select %parallel_loop3A_172, %parallel_loop3A_169, %parallel_loop3A_175 : vector<16xi1>, vector<16xf32>
        %parallel_loop3A_177 = math.exp %parallel_loop3A_176 : vector<16xf32>
        %parallel_loop3A_178 = arith.index_cast %parallel_loop3A_160 : i32 to index
        %parallel_loop3A_179 = arith.constant 0 : index
        %parallel_loop3A_180 = tpu.vector_load %arg14[%parallel_loop3A_178, %parallel_loop3A_179] {strides = array<i32>} : memref<50x144xf32, #tpu.memory_space<vmem>>, vector<1x16xf32>,
        %parallel_loop3A_181 = vector.shape_cast %parallel_loop3A_180 : vector<1x16xf32> to vector<16xf32>
        %parallel_loop3A_182 = vector.shape_cast %parallel_loop3A_177 : vector<16xf32> to vector<1x16xf32>
        tpu.vector_store %arg14[%parallel_loop3A_178, %parallel_loop3A_179], %parallel_loop3A_182 {strides = array<i32>} : memref<50x144xf32, #tpu.memory_space<vmem>>, vector<1x16xf32>,
        %parallel_loop3A_183 = arith.constant 0 : i32
        %parallel_loop3A_184 = vector.broadcast %parallel_loop3A_183 : i32 to vector<16x1xi32>
        %parallel_loop3A_185 = vector.shape_cast %parallel_loop3A_184 : vector<16x1xi32> to vector<16xi32>
        %parallel_loop3A_186 = tpu.dynamic_gather %parallel_loop3A_177[%parallel_loop3A_185] in [0] : vector<16xf32>, vector<16xi32> -> vector<16xf32>
        %parallel_loop3A_187 = arith.index_cast %parallel_loop3A_160 : i32 to index
        %parallel_loop3A_188 = arith.constant 16 : index
        %parallel_loop3A_189 = tpu.vector_load %arg11[%parallel_loop3A_187, %parallel_loop3A_188] {strides = array<i32>} : memref<50x144xf32, #tpu.memory_space<vmem>>, vector<1x16xf32>,
        %parallel_loop3A_190 = vector.shape_cast %parallel_loop3A_189 : vector<1x16xf32> to vector<16xf32>
        %parallel_loop3A_191 = arith.mulf %parallel_loop3A_190, %parallel_loop3A_186 : vector<16xf32>
        %parallel_loop3A_192 = arith.index_cast %parallel_loop3A_160 : i32 to index
        %parallel_loop3A_193 = arith.constant 16 : index
        %parallel_loop3A_194 = tpu.vector_load %arg14[%parallel_loop3A_192, %parallel_loop3A_193] {strides = array<i32>} : memref<50x144xf32, #tpu.memory_space<vmem>>, vector<1x16xf32>,
        %parallel_loop3A_195 = vector.shape_cast %parallel_loop3A_194 : vector<1x16xf32> to vector<16xf32>
        %parallel_loop3A_196 = vector.shape_cast %parallel_loop3A_191 : vector<16xf32> to vector<1x16xf32>
        tpu.vector_store %arg14[%parallel_loop3A_192, %parallel_loop3A_193], %parallel_loop3A_196 {strides = array<i32>} : memref<50x144xf32, #tpu.memory_space<vmem>>, vector<1x16xf32>,
        %parallel_loop3A_197 = arith.constant 1 : i32
        %parallel_loop3A_198 = vector.broadcast %parallel_loop3A_197 : i32 to vector<16x1xi32>
        %parallel_loop3A_199 = vector.shape_cast %parallel_loop3A_198 : vector<16x1xi32> to vector<16xi32>
        %parallel_loop3A_200 = tpu.dynamic_gather %parallel_loop3A_177[%parallel_loop3A_199] in [0] : vector<16xf32>, vector<16xi32> -> vector<16xf32>
        %parallel_loop3A_201 = arith.index_cast %parallel_loop3A_160 : i32 to index
        %parallel_loop3A_202 = arith.constant 32 : index
        %parallel_loop3A_203 = tpu.vector_load %arg11[%parallel_loop3A_201, %parallel_loop3A_202] {strides = array<i32>} : memref<50x144xf32, #tpu.memory_space<vmem>>, vector<1x16xf32>,
        %parallel_loop3A_204 = vector.shape_cast %parallel_loop3A_203 : vector<1x16xf32> to vector<16xf32>
        %parallel_loop3A_205 = arith.mulf %parallel_loop3A_204, %parallel_loop3A_200 : vector<16xf32>
        %parallel_loop3A_206 = arith.index_cast %parallel_loop3A_160 : i32 to index
        %parallel_loop3A_207 = arith.constant 32 : index
        %parallel_loop3A_208 = tpu.vector_load %arg14[%parallel_loop3A_206, %parallel_loop3A_207] {strides = array<i32>} : memref<50x144xf32, #tpu.memory_space<vmem>>, vector<1x16xf32>,
        %parallel_loop3A_209 = vector.shape_cast %parallel_loop3A_208 : vector<1x16xf32> to vector<16xf32>
        %parallel_loop3A_210 = vector.shape_cast %parallel_loop3A_205 : vector<16xf32> to vector<1x16xf32>
        tpu.vector_store %arg14[%parallel_loop3A_206, %parallel_loop3A_207], %parallel_loop3A_210 {strides = array<i32>} : memref<50x144xf32, #tpu.memory_space<vmem>>, vector<1x16xf32>,
        %parallel_loop3A_211 = arith.constant 2 : i32
        %parallel_loop3A_212 = vector.broadcast %parallel_loop3A_211 : i32 to vector<16x1xi32>
        %parallel_loop3A_213 = vector.shape_cast %parallel_loop3A_212 : vector<16x1xi32> to vector<16xi32>
        %parallel_loop3A_214 = tpu.dynamic_gather %parallel_loop3A_177[%parallel_loop3A_213] in [0] : vector<16xf32>, vector<16xi32> -> vector<16xf32>
        %parallel_loop3A_215 = arith.index_cast %parallel_loop3A_160 : i32 to index
        %parallel_loop3A_216 = arith.constant 48 : index
        %parallel_loop3A_217 = tpu.vector_load %arg11[%parallel_loop3A_215, %parallel_loop3A_216] {strides = array<i32>} : memref<50x144xf32, #tpu.memory_space<vmem>>, vector<1x16xf32>,
        %parallel_loop3A_218 = vector.shape_cast %parallel_loop3A_217 : vector<1x16xf32> to vector<16xf32>
        %parallel_loop3A_219 = arith.mulf %parallel_loop3A_218, %parallel_loop3A_214 : vector<16xf32>
        %parallel_loop3A_220 = arith.index_cast %parallel_loop3A_160 : i32 to index
        %parallel_loop3A_221 = arith.constant 48 : index
        %parallel_loop3A_222 = tpu.vector_load %arg14[%parallel_loop3A_220, %parallel_loop3A_221] {strides = array<i32>} : memref<50x144xf32, #tpu.memory_space<vmem>>, vector<1x16xf32>,
        %parallel_loop3A_223 = vector.shape_cast %parallel_loop3A_222 : vector<1x16xf32> to vector<16xf32>
        %parallel_loop3A_224 = vector.shape_cast %parallel_loop3A_219 : vector<16xf32> to vector<1x16xf32>
        tpu.vector_store %arg14[%parallel_loop3A_220, %parallel_loop3A_221], %parallel_loop3A_224 {strides = array<i32>} : memref<50x144xf32, #tpu.memory_space<vmem>>, vector<1x16xf32>,
        %parallel_loop3A_225 = arith.constant 3 : i32
        %parallel_loop3A_226 = vector.broadcast %parallel_loop3A_225 : i32 to vector<16x1xi32>
        %parallel_loop3A_227 = vector.shape_cast %parallel_loop3A_226 : vector<16x1xi32> to vector<16xi32>
        %parallel_loop3A_228 = tpu.dynamic_gather %parallel_loop3A_177[%parallel_loop3A_227] in [0] : vector<16xf32>, vector<16xi32> -> vector<16xf32>
        %parallel_loop3A_229 = arith.index_cast %parallel_loop3A_160 : i32 to index
        %parallel_loop3A_230 = arith.constant 64 : index
        %parallel_loop3A_231 = tpu.vector_load %arg11[%parallel_loop3A_229, %parallel_loop3A_230] {strides = array<i32>} : memref<50x144xf32, #tpu.memory_space<vmem>>, vector<1x16xf32>,
        %parallel_loop3A_232 = vector.shape_cast %parallel_loop3A_231 : vector<1x16xf32> to vector<16xf32>
        %parallel_loop3A_233 = arith.mulf %parallel_loop3A_232, %parallel_loop3A_228 : vector<16xf32>
        %parallel_loop3A_234 = arith.index_cast %parallel_loop3A_160 : i32 to index
        %parallel_loop3A_235 = arith.constant 64 : index
        %parallel_loop3A_236 = tpu.vector_load %arg14[%parallel_loop3A_234, %parallel_loop3A_235] {strides = array<i32>} : memref<50x144xf32, #tpu.memory_space<vmem>>, vector<1x16xf32>,
        %parallel_loop3A_237 = vector.shape_cast %parallel_loop3A_236 : vector<1x16xf32> to vector<16xf32>
        %parallel_loop3A_238 = vector.shape_cast %parallel_loop3A_233 : vector<16xf32> to vector<1x16xf32>
        tpu.vector_store %arg14[%parallel_loop3A_234, %parallel_loop3A_235], %parallel_loop3A_238 {strides = array<i32>} : memref<50x144xf32, #tpu.memory_space<vmem>>, vector<1x16xf32>,
        %parallel_loop3A_239 = arith.constant 4 : i32
        %parallel_loop3A_240 = vector.broadcast %parallel_loop3A_239 : i32 to vector<16x1xi32>
        %parallel_loop3A_241 = vector.shape_cast %parallel_loop3A_240 : vector<16x1xi32> to vector<16xi32>
        %parallel_loop3A_242 = tpu.dynamic_gather %parallel_loop3A_177[%parallel_loop3A_241] in [0] : vector<16xf32>, vector<16xi32> -> vector<16xf32>
        %parallel_loop3A_243 = arith.index_cast %parallel_loop3A_160 : i32 to index
        %parallel_loop3A_244 = arith.constant 80 : index
        %parallel_loop3A_245 = tpu.vector_load %arg11[%parallel_loop3A_243, %parallel_loop3A_244] {strides = array<i32>} : memref<50x144xf32, #tpu.memory_space<vmem>>, vector<1x16xf32>,
        %parallel_loop3A_246 = vector.shape_cast %parallel_loop3A_245 : vector<1x16xf32> to vector<16xf32>
        %parallel_loop3A_247 = arith.mulf %parallel_loop3A_246, %parallel_loop3A_242 : vector<16xf32>
        %parallel_loop3A_248 = arith.index_cast %parallel_loop3A_160 : i32 to index
        %parallel_loop3A_249 = arith.constant 80 : index
        %parallel_loop3A_250 = tpu.vector_load %arg14[%parallel_loop3A_248, %parallel_loop3A_249] {strides = array<i32>} : memref<50x144xf32, #tpu.memory_space<vmem>>, vector<1x16xf32>,
        %parallel_loop3A_251 = vector.shape_cast %parallel_loop3A_250 : vector<1x16xf32> to vector<16xf32>
        %parallel_loop3A_252 = vector.shape_cast %parallel_loop3A_247 : vector<16xf32> to vector<1x16xf32>
        tpu.vector_store %arg14[%parallel_loop3A_248, %parallel_loop3A_249], %parallel_loop3A_252 {strides = array<i32>} : memref<50x144xf32, #tpu.memory_space<vmem>>, vector<1x16xf32>,
        %parallel_loop3A_253 = arith.constant 5 : i32
        %parallel_loop3A_254 = vector.broadcast %parallel_loop3A_253 : i32 to vector<16x1xi32>
        %parallel_loop3A_255 = vector.shape_cast %parallel_loop3A_254 : vector<16x1xi32> to vector<16xi32>
        %parallel_loop3A_256 = tpu.dynamic_gather %parallel_loop3A_177[%parallel_loop3A_255] in [0] : vector<16xf32>, vector<16xi32> -> vector<16xf32>
        %parallel_loop3A_257 = arith.index_cast %parallel_loop3A_160 : i32 to index
        %parallel_loop3A_258 = arith.constant 96 : index
        %parallel_loop3A_259 = tpu.vector_load %arg11[%parallel_loop3A_257, %parallel_loop3A_258] {strides = array<i32>} : memref<50x144xf32, #tpu.memory_space<vmem>>, vector<1x16xf32>,
        %parallel_loop3A_260 = vector.shape_cast %parallel_loop3A_259 : vector<1x16xf32> to vector<16xf32>
        %parallel_loop3A_261 = arith.mulf %parallel_loop3A_260, %parallel_loop3A_256 : vector<16xf32>
        %parallel_loop3A_262 = arith.index_cast %parallel_loop3A_160 : i32 to index
        %parallel_loop3A_263 = arith.constant 96 : index
        %parallel_loop3A_264 = tpu.vector_load %arg14[%parallel_loop3A_262, %parallel_loop3A_263] {strides = array<i32>} : memref<50x144xf32, #tpu.memory_space<vmem>>, vector<1x16xf32>,
        %parallel_loop3A_265 = vector.shape_cast %parallel_loop3A_264 : vector<1x16xf32> to vector<16xf32>
        %parallel_loop3A_266 = vector.shape_cast %parallel_loop3A_261 : vector<16xf32> to vector<1x16xf32>
        tpu.vector_store %arg14[%parallel_loop3A_262, %parallel_loop3A_263], %parallel_loop3A_266 {strides = array<i32>} : memref<50x144xf32, #tpu.memory_space<vmem>>, vector<1x16xf32>,
        %parallel_loop3A_267 = arith.constant 6 : i32
        %parallel_loop3A_268 = vector.broadcast %parallel_loop3A_267 : i32 to vector<16x1xi32>
        %parallel_loop3A_269 = vector.shape_cast %parallel_loop3A_268 : vector<16x1xi32> to vector<16xi32>
        %parallel_loop3A_270 = tpu.dynamic_gather %parallel_loop3A_177[%parallel_loop3A_269] in [0] : vector<16xf32>, vector<16xi32> -> vector<16xf32>
        %parallel_loop3A_271 = arith.index_cast %parallel_loop3A_160 : i32 to index
        %parallel_loop3A_272 = arith.constant 112 : index
        %parallel_loop3A_273 = tpu.vector_load %arg11[%parallel_loop3A_271, %parallel_loop3A_272] {strides = array<i32>} : memref<50x144xf32, #tpu.memory_space<vmem>>, vector<1x16xf32>,
        %parallel_loop3A_274 = vector.shape_cast %parallel_loop3A_273 : vector<1x16xf32> to vector<16xf32>
        %parallel_loop3A_275 = arith.mulf %parallel_loop3A_274, %parallel_loop3A_270 : vector<16xf32>
        %parallel_loop3A_276 = arith.index_cast %parallel_loop3A_160 : i32 to index
        %parallel_loop3A_277 = arith.constant 112 : index
        %parallel_loop3A_278 = tpu.vector_load %arg14[%parallel_loop3A_276, %parallel_loop3A_277] {strides = array<i32>} : memref<50x144xf32, #tpu.memory_space<vmem>>, vector<1x16xf32>,
        %parallel_loop3A_279 = vector.shape_cast %parallel_loop3A_278 : vector<1x16xf32> to vector<16xf32>
        %parallel_loop3A_280 = vector.shape_cast %parallel_loop3A_275 : vector<16xf32> to vector<1x16xf32>
        tpu.vector_store %arg14[%parallel_loop3A_276, %parallel_loop3A_277], %parallel_loop3A_280 {strides = array<i32>} : memref<50x144xf32, #tpu.memory_space<vmem>>, vector<1x16xf32>,
        %parallel_loop3A_281 = arith.constant 7 : i32
        %parallel_loop3A_282 = vector.broadcast %parallel_loop3A_281 : i32 to vector<16x1xi32>
        %parallel_loop3A_283 = vector.shape_cast %parallel_loop3A_282 : vector<16x1xi32> to vector<16xi32>
        %parallel_loop3A_284 = tpu.dynamic_gather %parallel_loop3A_177[%parallel_loop3A_283] in [0] : vector<16xf32>, vector<16xi32> -> vector<16xf32>
        %parallel_loop3A_285 = arith.index_cast %parallel_loop3A_160 : i32 to index
        %parallel_loop3A_286 = arith.constant 128 : index
        %parallel_loop3A_287 = tpu.vector_load %arg11[%parallel_loop3A_285, %parallel_loop3A_286] {strides = array<i32>} : memref<50x144xf32, #tpu.memory_space<vmem>>, vector<1x16xf32>,
        %parallel_loop3A_288 = vector.shape_cast %parallel_loop3A_287 : vector<1x16xf32> to vector<16xf32>
        %parallel_loop3A_289 = arith.mulf %parallel_loop3A_288, %parallel_loop3A_284 : vector<16xf32>
        %parallel_loop3A_290 = arith.index_cast %parallel_loop3A_160 : i32 to index
        %parallel_loop3A_291 = arith.constant 128 : index
        %parallel_loop3A_292 = tpu.vector_load %arg14[%parallel_loop3A_290, %parallel_loop3A_291] {strides = array<i32>} : memref<50x144xf32, #tpu.memory_space<vmem>>, vector<1x16xf32>,
        %parallel_loop3A_293 = vector.shape_cast %parallel_loop3A_292 : vector<1x16xf32> to vector<16xf32>
        %parallel_loop3A_294 = vector.shape_cast %parallel_loop3A_289 : vector<16xf32> to vector<1x16xf32>
        tpu.vector_store %arg14[%parallel_loop3A_290, %parallel_loop3A_291], %parallel_loop3A_294 {strides = array<i32>} : memref<50x144xf32, #tpu.memory_space<vmem>>, vector<1x16xf32>,
      } {sc.loop_unroll_factor = 1 : i64, sc.parallel_access}
      %dma_start3A_139 = arith.constant 24 : i32
      %dma_start3A_140 = arith.constant 0 : i32
      %dma_start3A_141 = tpu.memref_slice %arg10[%dma_start3A_139, %dma_start3A_140] : memref<25x50xi32, #tpu.memory_space<vmem>> -> memref<1x50xi32, #tpu.memory_space<vmem>>
      %dma_start3A_142 = tpu.memref_squeeze %dma_start3A_141 : memref<1x50xi32, #tpu.memory_space<vmem>> -> memref<50xi32, #tpu.memory_space<vmem>>
      %dma_start3A_143 = arith.constant 0 : i32
      %dma_start3A_144 = arith.constant 0 : i32
      %dma_start3A_145 = tpu.memref_slice %arg8[%dma_start3A_143, %dma_start3A_144] : memref<10000x144xf32, #tpu.memory_space<vmem_shared>> -> memref<10000x144xf32, #tpu.memory_space<vmem_shared>>
      tpu.enqueue_indirect_dma source(%arg14 : memref<50x144xf32, #tpu.memory_space<vmem>>) target(%dma_start3A_145 : memref<10000x144xf32, #tpu.memory_space<vmem_shared>>) offsets(%dma_start3A_142 : memref<50xi32, #tpu.memory_space<vmem>>) semaphore(%arg19 : memref<!tpu.dma_semaphore, #tpu.memory_space<semaphore_mem>>) {add = true}
      %dma_wait3A_146 = arith.constant 24 : i32
      %dma_wait3A_147 = arith.constant 0 : i32
      %dma_wait3A_148 = tpu.memref_slice %arg10[%dma_wait3A_146, %dma_wait3A_147] : memref<25x50xi32, #tpu.memory_space<vmem>> -> memref<1x50xi32, #tpu.memory_space<vmem>>
      %dma_wait3A_149 = tpu.memref_squeeze %dma_wait3A_148 : memref<1x50xi32, #tpu.memory_space<vmem>> -> memref<50xi32, #tpu.memory_space<vmem>>
      %dma_wait3A_150 = arith.constant 0 : i32
      %dma_wait3A_151 = arith.constant 0 : i32
      %dma_wait3A_152 = tpu.memref_slice %arg8[%dma_wait3A_150, %dma_wait3A_151] : memref<10000x144xf32, #tpu.memory_space<vmem_shared>> -> memref<10000x144xf32, #tpu.memory_space<vmem_shared>>
      tpu.wait_indirect_dma semaphore(%arg19 : memref<!tpu.dma_semaphore, #tpu.memory_space<semaphore_mem>>) src(%arg14 : memref<50x144xf32, #tpu.memory_space<vmem>>) dst(%dma_wait3A_152 : memref<10000x144xf32, #tpu.memory_space<vmem_shared>>)
      %dma_wait3A_153 = arith.constant 23 : i32
      %dma_wait3A_154 = arith.constant 0 : i32
      %dma_wait3A_155 = tpu.memref_slice %arg10[%dma_wait3A_153, %dma_wait3A_154] : memref<25x50xi32, #tpu.memory_space<vmem>> -> memref<1x50xi32, #tpu.memory_space<vmem>>
      %dma_wait3A_156 = tpu.memref_squeeze %dma_wait3A_155 : memref<1x50xi32, #tpu.memory_space<vmem>> -> memref<50xi32, #tpu.memory_space<vmem>>
      %dma_wait3A_157 = arith.constant 0 : i32
      %dma_wait3A_158 = arith.constant 0 : i32
      %dma_wait3A_159 = tpu.memref_slice %arg8[%dma_wait3A_157, %dma_wait3A_158] : memref<10000x144xf32, #tpu.memory_space<vmem_shared>> -> memref<10000x144xf32, #tpu.memory_space<vmem_shared>>
      tpu.wait_indirect_dma semaphore(%arg20 : memref<!tpu.dma_semaphore, #tpu.memory_space<semaphore_mem>>) src(%arg15 : memref<50x144xf32, #tpu.memory_space<vmem>>) dst(%dma_wait3A_159 : memref<10000x144xf32, #tpu.memory_space<vmem_shared>>)
    }
    %scan3A_9 = arith.constant 8 : i32
    %barrier3A_10 = arith.constant 0 : index
    tpu.barrier barrier_id(%barrier3A_10)
    %mul3A_11 = arith.constant 625 : i32
    %mul3A_12 = arith.muli %arg1, %mul3A_11 : i32
    %mul3A_13 = arith.constant 625 : i32
    %mul3A_14 = arith.muli %arg1, %mul3A_13 : i32
    "tpu.region"() ({
      %run_scoped3A = tpu.sem_alloc : memref<!tpu.dma_semaphore, #tpu.memory_space<semaphore_mem>>
      %dma_start3A = arith.constant 0 : i32
      %dma_start3A_15 = tpu.memref_slice %arg7[%arg0, %mul3A_14, %dma_start3A] : memref<2x10000x144xf32, #tpu.memory_space<hbm>> -> memref<1x625x144xf32, #tpu.memory_space<hbm>>
      %dma_start3A_16 = tpu.memref_squeeze %dma_start3A_15 : memref<1x625x144xf32, #tpu.memory_space<hbm>> -> memref<625x144xf32, #tpu.memory_space<hbm>>
      %dma_start3A_17 = arith.constant 0 : i32
      %dma_start3A_18 = tpu.memref_slice %arg8[%mul3A_12, %dma_start3A_17] : memref<10000x144xf32, #tpu.memory_space<vmem_shared>> -> memref<625x144xf32, #tpu.memory_space<vmem_shared>>
      tpu.enqueue_dma source(%dma_start3A_18 : memref<625x144xf32, #tpu.memory_space<vmem_shared>>) target(%dma_start3A_16 : memref<625x144xf32, #tpu.memory_space<hbm>>) target_semaphore(%run_scoped3A : memref<!tpu.dma_semaphore, #tpu.memory_space<semaphore_mem>>)
      %dma_wait3A = arith.constant 0 : i32
      %dma_wait3A_19 = tpu.memref_slice %arg7[%arg0, %mul3A_14, %dma_wait3A] : memref<2x10000x144xf32, #tpu.memory_space<hbm>> -> memref<1x625x144xf32, #tpu.memory_space<hbm>>
      %dma_wait3A_20 = tpu.memref_squeeze %dma_wait3A_19 : memref<1x625x144xf32, #tpu.memory_space<hbm>> -> memref<625x144xf32, #tpu.memory_space<hbm>>
      %dma_wait3A_21 = arith.constant 0 : i32
      %dma_wait3A_22 = tpu.memref_slice %arg8[%mul3A_12, %dma_wait3A_21] : memref<10000x144xf32, #tpu.memory_space<vmem_shared>> -> memref<625x144xf32, #tpu.memory_space<vmem_shared>>
      tpu.wait_dma2 semaphore(%run_scoped3A : memref<!tpu.dma_semaphore, #tpu.memory_space<semaphore_mem>>) src(%dma_wait3A_22 : memref<625x144xf32, #tpu.memory_space<vmem_shared>>) dst(%dma_wait3A_20 : memref<625x144xf32, #tpu.memory_space<hbm>>)
      tpu.yield
    }) : () -> ()
    return
  }
}

module attributes {stable_mosaic.version = 14 : i64} {
  func.func @_tc1_kernel(%arg0: i32, %arg1: memref<2000x128xf32, #tpu.memory_space<vmem>>, %arg2: memref<2000x16xf32, #tpu.memory_space<vmem>>, %arg3: memref<128x128xf32, #tpu.memory_space<vmem>>, %arg4: memref<16x128xf32, #tpu.memory_space<vmem>>, %arg5: memref<128x144xf32, #tpu.memory_space<vmem>>, %arg6: memref<128x16xf32, #tpu.memory_space<vmem>>, %arg7: memref<2000x144xf32, #tpu.memory_space<vmem>>, %arg8: memref<2000x16xf32, #tpu.memory_space<vmem>>) attributes {dimension_semantics = [#tpu.dimension_semantics<arbitrary>], iteration_bounds = array<i64: 5>, scalar_prefetch = 0 : i64, scratch_operands = 0 : i64, tpu.core_type = #tpu.core_type<tc>, window_params = [{transform_indices = @transform_0, window_bounds = array<i64: 2000, 128>}, {transform_indices = @transform_1, window_bounds = array<i64: 2000, 16>}, {pipeline_mode = #tpu.pipeline_mode<synchronous>, transform_indices = @transform_2, window_bounds = array<i64: 128, 128>}, {pipeline_mode = #tpu.pipeline_mode<synchronous>, transform_indices = @transform_3, window_bounds = array<i64: 16, 128>}, {pipeline_mode = #tpu.pipeline_mode<synchronous>, transform_indices = @transform_4, window_bounds = array<i64: 128, 144>}, {pipeline_mode = #tpu.pipeline_mode<synchronous>, transform_indices = @transform_5, window_bounds = array<i64: 128, 16>}, {transform_indices = @transform_6, window_bounds = array<i64: 2000, 144>}, {transform_indices = @transform_7, window_bounds = array<i64: 2000, 16>}]} {
    %get3A = arith.constant 0 : index
    %get3A_0 = arith.constant 0 : index
    %get3A_1 = vector.load %arg1[%get3A, %get3A_0] : memref<2000x128xf32, #tpu.memory_space<vmem>>, vector<2000x128xf32>
    %get3A_2 = arith.constant 0 : index
    %get3A_3 = arith.constant 0 : index
    %get3A_4 = vector.load %arg3[%get3A_2, %get3A_3] : memref<128x128xf32, #tpu.memory_space<vmem>>, vector<128x128xf32>
    %dot_general3A = arith.constant dense<0.000000e+00> : vector<2000x128xf32>
    %dot_general3A_5 = tpu.matmul %get3A_1, %get3A_4, %dot_general3A {dimension_numbers = #tpu.dot_dimension_numbers<[1], [0], [0], [1], [0, 0, 1, 1], [], []>, transpose_lhs_hint = false} : vector<2000x128xf32>, vector<128x128xf32>, vector<2000x128xf32> -> vector<2000x128xf32>
    %get3A_6 = arith.constant 0 : index
    %get3A_7 = arith.constant 0 : index
    %get3A_8 = vector.load %arg2[%get3A_6, %get3A_7] : memref<2000x16xf32, #tpu.memory_space<vmem>>, vector<2000x16xf32>
    %get3A_9 = arith.constant 0 : index
    %get3A_10 = arith.constant 0 : index
    %get3A_11 = vector.load %arg4[%get3A_9, %get3A_10] : memref<16x128xf32, #tpu.memory_space<vmem>>, vector<16x128xf32>
    %dot_general3A_12 = arith.constant dense<0.000000e+00> : vector<2000x128xf32>
    %dot_general3A_13 = tpu.matmul %get3A_8, %get3A_11, %dot_general3A_12 {dimension_numbers = #tpu.dot_dimension_numbers<[1], [0], [0], [1], [0, 0, 1, 1], [], []>, transpose_lhs_hint = false} : vector<2000x16xf32>, vector<16x128xf32>, vector<2000x128xf32> -> vector<2000x128xf32>
    %add3A = arith.addf %dot_general3A_5, %dot_general3A_13 : vector<2000x128xf32>
    %get3A_14 = arith.constant 0 : index
    %get3A_15 = arith.constant 0 : index
    %get3A_16 = vector.load %arg5[%get3A_14, %get3A_15] : memref<128x144xf32, #tpu.memory_space<vmem>>, vector<128x144xf32>
    %dot_general3A_17 = arith.constant dense<0.000000e+00> : vector<2000x144xf32>
    %dot_general3A_18 = tpu.matmul %add3A, %get3A_16, %dot_general3A_17 {dimension_numbers = #tpu.dot_dimension_numbers<[1], [0], [0], [1], [0, 0, 1, 1], [], []>, transpose_lhs_hint = false} : vector<2000x128xf32>, vector<128x144xf32>, vector<2000x144xf32> -> vector<2000x144xf32>
    %swap3A = arith.constant 0 : index
    %swap3A_19 = arith.constant 0 : index
    %swap3A_20 = vector.load %arg7[%swap3A, %swap3A_19] : memref<2000x144xf32, #tpu.memory_space<vmem>>, vector<2000x144xf32>
    tpu.vector_store %arg7[%swap3A, %swap3A_19], %dot_general3A_18 {strides = array<i32>} : memref<2000x144xf32, #tpu.memory_space<vmem>>, vector<2000x144xf32>,
    %get3A_21 = arith.constant 0 : index
    %get3A_22 = arith.constant 0 : index
    %get3A_23 = vector.load %arg6[%get3A_21, %get3A_22] : memref<128x16xf32, #tpu.memory_space<vmem>>, vector<128x16xf32>
    %dot_general3A_24 = arith.constant dense<0.000000e+00> : vector<2000x16xf32>
    %dot_general3A_25 = tpu.matmul %add3A, %get3A_23, %dot_general3A_24 {dimension_numbers = #tpu.dot_dimension_numbers<[1], [0], [0], [1], [0, 0, 1, 1], [], []>, transpose_lhs_hint = false} : vector<2000x128xf32>, vector<128x16xf32>, vector<2000x16xf32> -> vector<2000x16xf32>
    %swap3A_26 = arith.constant 0 : index
    %swap3A_27 = arith.constant 0 : index
    %swap3A_28 = vector.load %arg8[%swap3A_26, %swap3A_27] : memref<2000x16xf32, #tpu.memory_space<vmem>>, vector<2000x16xf32>
    tpu.vector_store %arg8[%swap3A_26, %swap3A_27], %dot_general3A_25 {strides = array<i32>} : memref<2000x16xf32, #tpu.memory_space<vmem>>, vector<2000x16xf32>,
    return
  }
  func.func @transform_0(%arg0: i32) -> (i32, i32) {
    %c0_i32 = arith.constant 0 : i32
    %c0_i32_0 = arith.constant 0 : i32
    return %arg0, %c0_i32 : i32, i32
  }
  func.func @transform_1(%arg0: i32) -> (i32, i32) {
    %c0_i32 = arith.constant 0 : i32
    %c0_i32_0 = arith.constant 0 : i32
    return %arg0, %c0_i32 : i32, i32
  }
  func.func @transform_2(%arg0: i32) -> (i32, i32) {
    %c0_i32 = arith.constant 0 : i32
    %c0_i32_0 = arith.constant 0 : i32
    %c0_i32_1 = arith.constant 0 : i32
    return %c0_i32, %c0_i32_0 : i32, i32
  }
  func.func @transform_3(%arg0: i32) -> (i32, i32) {
    %c0_i32 = arith.constant 0 : i32
    %c0_i32_0 = arith.constant 0 : i32
    %c0_i32_1 = arith.constant 0 : i32
    return %c0_i32, %c0_i32_0 : i32, i32
  }
  func.func @transform_4(%arg0: i32) -> (i32, i32) {
    %c0_i32 = arith.constant 0 : i32
    %c0_i32_0 = arith.constant 0 : i32
    %c0_i32_1 = arith.constant 0 : i32
    return %c0_i32, %c0_i32_0 : i32, i32
  }
  func.func @transform_5(%arg0: i32) -> (i32, i32) {
    %c0_i32 = arith.constant 0 : i32
    %c0_i32_0 = arith.constant 0 : i32
    %c0_i32_1 = arith.constant 0 : i32
    return %c0_i32, %c0_i32_0 : i32, i32
  }
  func.func @transform_6(%arg0: i32) -> (i32, i32) {
    %c0_i32 = arith.constant 0 : i32
    %c0_i32_0 = arith.constant 0 : i32
    return %arg0, %c0_i32 : i32, i32
  }
  func.func @transform_7(%arg0: i32) -> (i32, i32) {
    %c0_i32 = arith.constant 0 : i32
    %c0_i32_0 = arith.constant 0 : i32
    return %arg0, %c0_i32 : i32, i32
  }
}

module attributes {stable_mosaic.version = 14 : i64} {
  func.func @_tc2_kernel(%arg0: i32, %arg1: memref<2x2000x144xf32, #tpu.memory_space<vmem>>, %arg2: memref<144x128xf32, #tpu.memory_space<vmem>>, %arg3: memref<144x128xf32, #tpu.memory_space<vmem>>, %arg4: memref<1x128xf32, #tpu.memory_space<vmem>>, %arg5: memref<128x64xf32, #tpu.memory_space<vmem>>, %arg6: memref<64x80xf32, #tpu.memory_space<vmem>>, %arg7: memref<64x16xf32, #tpu.memory_space<vmem>>, %arg8: memref<2000x80xf32, #tpu.memory_space<vmem>>, %arg9: memref<2000x16xf32, #tpu.memory_space<vmem>>) attributes {dimension_semantics = [#tpu.dimension_semantics<arbitrary>], iteration_bounds = array<i64: 5>, scalar_prefetch = 0 : i64, scratch_operands = 0 : i64, tpu.core_type = #tpu.core_type<tc>, window_params = [{transform_indices = @transform_0, window_bounds = array<i64: 2, 2000, 144>}, {pipeline_mode = #tpu.pipeline_mode<synchronous>, transform_indices = @transform_1, window_bounds = array<i64: 144, 128>}, {pipeline_mode = #tpu.pipeline_mode<synchronous>, transform_indices = @transform_2, window_bounds = array<i64: 144, 128>}, {pipeline_mode = #tpu.pipeline_mode<synchronous>, transform_indices = @transform_3, window_bounds = array<i64: 1, 128>}, {pipeline_mode = #tpu.pipeline_mode<synchronous>, transform_indices = @transform_4, window_bounds = array<i64: 128, 64>}, {pipeline_mode = #tpu.pipeline_mode<synchronous>, transform_indices = @transform_5, window_bounds = array<i64: 64, 80>}, {pipeline_mode = #tpu.pipeline_mode<synchronous>, transform_indices = @transform_6, window_bounds = array<i64: 64, 16>}, {transform_indices = @transform_7, window_bounds = array<i64: 2000, 80>}, {transform_indices = @transform_8, window_bounds = array<i64: 2000, 16>}]} {
    %get3A = arith.constant 0 : index
    %get3A_0 = arith.constant 0 : index
    %get3A_1 = arith.constant 0 : index
    %get3A_2 = vector.load %arg1[%get3A, %get3A_0, %get3A_1] : memref<2x2000x144xf32, #tpu.memory_space<vmem>>, vector<1x2000x144xf32>
    %get3A_3 = vector.shape_cast %get3A_2 : vector<1x2000x144xf32> to vector<2000x144xf32>
    %get3A_4 = arith.constant 1 : index
    %get3A_5 = arith.constant 0 : index
    %get3A_6 = arith.constant 0 : index
    %get3A_7 = vector.load %arg1[%get3A_4, %get3A_5, %get3A_6] : memref<2x2000x144xf32, #tpu.memory_space<vmem>>, vector<1x2000x144xf32>
    %get3A_8 = vector.shape_cast %get3A_7 : vector<1x2000x144xf32> to vector<2000x144xf32>
    %add3A = arith.addf %get3A_3, %get3A_8 : vector<2000x144xf32>
    %get3A_9 = arith.constant 0 : index
    %get3A_10 = arith.constant 0 : index
    %get3A_11 = vector.load %arg3[%get3A_9, %get3A_10] : memref<144x128xf32, #tpu.memory_space<vmem>>, vector<144x128xf32>
    %dot_general3A = arith.constant dense<0.000000e+00> : vector<2000x128xf32>
    %dot_general3A_12 = tpu.matmul %add3A, %get3A_11, %dot_general3A {dimension_numbers = #tpu.dot_dimension_numbers<[1], [0], [0], [1], [0, 0, 1, 1], [], []>, transpose_lhs_hint = false} : vector<2000x144xf32>, vector<144x128xf32>, vector<2000x128xf32> -> vector<2000x128xf32>
    %get3A_13 = arith.constant 0 : index
    %get3A_14 = arith.constant 0 : index
    %get3A_15 = vector.load %arg2[%get3A_13, %get3A_14] : memref<144x128xf32, #tpu.memory_space<vmem>>, vector<144x128xf32>
    %dot_general3A_16 = arith.constant dense<0.000000e+00> : vector<2000x128xf32>
    %dot_general3A_17 = tpu.matmul %add3A, %get3A_15, %dot_general3A_16 {dimension_numbers = #tpu.dot_dimension_numbers<[1], [0], [0], [1], [0, 0, 1, 1], [], []>, transpose_lhs_hint = false} : vector<2000x144xf32>, vector<144x128xf32>, vector<2000x128xf32> -> vector<2000x128xf32>
    %add3A_18 = arith.constant 1.000000e-16 : f32
    %add3A_19 = vector.broadcast %add3A_18 : f32 to vector<2000x128xf32>
    %add3A_20 = arith.addf %dot_general3A_12, %add3A_19 : vector<2000x128xf32>
    %div3A = arith.divf %dot_general3A_17, %add3A_20 : vector<2000x128xf32>
    %get3A_21 = arith.constant 0 : index
    %get3A_22 = arith.constant 0 : index
    %get3A_23 = vector.load %arg4[%get3A_21, %get3A_22] : memref<1x128xf32, #tpu.memory_space<vmem>>, vector<1x128xf32>
    %add3A_24 = vector.broadcast %get3A_23 : vector<1x128xf32> to vector<2000x128xf32>
    %add3A_25 = arith.addf %div3A, %add3A_24 : vector<2000x128xf32>
    %max3A = arith.constant 0.000000e+00 : f32
    %max3A_26 = vector.broadcast %max3A : f32 to vector<2000x128xf32>
    %max3A_27 = arith.maximumf %add3A_25, %max3A_26 : vector<2000x128xf32>
    %get3A_28 = arith.constant 0 : index
    %get3A_29 = arith.constant 0 : index
    %get3A_30 = vector.load %arg5[%get3A_28, %get3A_29] : memref<128x64xf32, #tpu.memory_space<vmem>>, vector<128x64xf32>
    %dot_general3A_31 = arith.constant dense<0.000000e+00> : vector<2000x64xf32>
    %dot_general3A_32 = tpu.matmul %max3A_27, %get3A_30, %dot_general3A_31 {dimension_numbers = #tpu.dot_dimension_numbers<[1], [0], [0], [1], [0, 0, 1, 1], [], []>, transpose_lhs_hint = false} : vector<2000x128xf32>, vector<128x64xf32>, vector<2000x64xf32> -> vector<2000x64xf32>
    %get3A_33 = arith.constant 0 : index
    %get3A_34 = arith.constant 0 : index
    %get3A_35 = vector.load %arg6[%get3A_33, %get3A_34] : memref<64x80xf32, #tpu.memory_space<vmem>>, vector<64x80xf32>
    %dot_general3A_36 = arith.constant dense<0.000000e+00> : vector<2000x80xf32>
    %dot_general3A_37 = tpu.matmul %dot_general3A_32, %get3A_35, %dot_general3A_36 {dimension_numbers = #tpu.dot_dimension_numbers<[1], [0], [0], [1], [0, 0, 1, 1], [], []>, transpose_lhs_hint = false} : vector<2000x64xf32>, vector<64x80xf32>, vector<2000x80xf32> -> vector<2000x80xf32>
    %swap3A = arith.constant 0 : index
    %swap3A_38 = arith.constant 0 : index
    %swap3A_39 = vector.load %arg8[%swap3A, %swap3A_38] : memref<2000x80xf32, #tpu.memory_space<vmem>>, vector<2000x80xf32>
    tpu.vector_store %arg8[%swap3A, %swap3A_38], %dot_general3A_37 {strides = array<i32>} : memref<2000x80xf32, #tpu.memory_space<vmem>>, vector<2000x80xf32>,
    %get3A_40 = arith.constant 0 : index
    %get3A_41 = arith.constant 0 : index
    %get3A_42 = vector.load %arg7[%get3A_40, %get3A_41] : memref<64x16xf32, #tpu.memory_space<vmem>>, vector<64x16xf32>
    %dot_general3A_43 = arith.constant dense<0.000000e+00> : vector<2000x16xf32>
    %dot_general3A_44 = tpu.matmul %dot_general3A_32, %get3A_42, %dot_general3A_43 {dimension_numbers = #tpu.dot_dimension_numbers<[1], [0], [0], [1], [0, 0, 1, 1], [], []>, transpose_lhs_hint = false} : vector<2000x64xf32>, vector<64x16xf32>, vector<2000x16xf32> -> vector<2000x16xf32>
    %swap3A_45 = arith.constant 0 : index
    %swap3A_46 = arith.constant 0 : index
    %swap3A_47 = vector.load %arg9[%swap3A_45, %swap3A_46] : memref<2000x16xf32, #tpu.memory_space<vmem>>, vector<2000x16xf32>
    tpu.vector_store %arg9[%swap3A_45, %swap3A_46], %dot_general3A_44 {strides = array<i32>} : memref<2000x16xf32, #tpu.memory_space<vmem>>, vector<2000x16xf32>,
    return
  }
  func.func @transform_0(%arg0: i32) -> (i32, i32, i32) {
    %c0_i32 = arith.constant 0 : i32
    %c0_i32_0 = arith.constant 0 : i32
    %c0_i32_1 = arith.constant 0 : i32
    return %c0_i32, %arg0, %c0_i32_0 : i32, i32, i32
  }
  func.func @transform_1(%arg0: i32) -> (i32, i32) {
    %c0_i32 = arith.constant 0 : i32
    %c0_i32_0 = arith.constant 0 : i32
    %c0_i32_1 = arith.constant 0 : i32
    return %c0_i32, %c0_i32_0 : i32, i32
  }
  func.func @transform_2(%arg0: i32) -> (i32, i32) {
    %c0_i32 = arith.constant 0 : i32
    %c0_i32_0 = arith.constant 0 : i32
    %c0_i32_1 = arith.constant 0 : i32
    return %c0_i32, %c0_i32_0 : i32, i32
  }
  func.func @transform_3(%arg0: i32) -> (i32, i32) {
    %c0_i32 = arith.constant 0 : i32
    %c0_i32_0 = arith.constant 0 : i32
    %c0_i32_1 = arith.constant 0 : i32
    return %c0_i32, %c0_i32_0 : i32, i32
  }
  func.func @transform_4(%arg0: i32) -> (i32, i32) {
    %c0_i32 = arith.constant 0 : i32
    %c0_i32_0 = arith.constant 0 : i32
    %c0_i32_1 = arith.constant 0 : i32
    return %c0_i32, %c0_i32_0 : i32, i32
  }
  func.func @transform_5(%arg0: i32) -> (i32, i32) {
    %c0_i32 = arith.constant 0 : i32
    %c0_i32_0 = arith.constant 0 : i32
    %c0_i32_1 = arith.constant 0 : i32
    return %c0_i32, %c0_i32_0 : i32, i32
  }
  func.func @transform_6(%arg0: i32) -> (i32, i32) {
    %c0_i32 = arith.constant 0 : i32
    %c0_i32_0 = arith.constant 0 : i32
    %c0_i32_1 = arith.constant 0 : i32
    return %c0_i32, %c0_i32_0 : i32, i32
  }
  func.func @transform_7(%arg0: i32) -> (i32, i32) {
    %c0_i32 = arith.constant 0 : i32
    %c0_i32_0 = arith.constant 0 : i32
    return %arg0, %c0_i32 : i32, i32
  }
  func.func @transform_8(%arg0: i32) -> (i32, i32) {
    %c0_i32 = arith.constant 0 : i32
    %c0_i32_0 = arith.constant 0 : i32
    return %arg0, %c0_i32 : i32, i32
  }
}

module attributes {stable_mosaic.version = 14 : i64} {
  func.func @_tc3_kernel(%arg0: i32, %arg1: memref<2x2000x80xf32, #tpu.memory_space<vmem>>, %arg2: memref<80x64xf32, #tpu.memory_space<vmem>>, %arg3: memref<80x64xf32, #tpu.memory_space<vmem>>, %arg4: memref<1x64xf32, #tpu.memory_space<vmem>>, %arg5: memref<2000x64xf32, #tpu.memory_space<vmem>>) attributes {dimension_semantics = [#tpu.dimension_semantics<arbitrary>], iteration_bounds = array<i64: 5>, scalar_prefetch = 0 : i64, scratch_operands = 0 : i64, tpu.core_type = #tpu.core_type<tc>, window_params = [{transform_indices = @transform_0, window_bounds = array<i64: 2, 2000, 80>}, {pipeline_mode = #tpu.pipeline_mode<synchronous>, transform_indices = @transform_1, window_bounds = array<i64: 80, 64>}, {pipeline_mode = #tpu.pipeline_mode<synchronous>, transform_indices = @transform_2, window_bounds = array<i64: 80, 64>}, {pipeline_mode = #tpu.pipeline_mode<synchronous>, transform_indices = @transform_3, window_bounds = array<i64: 1, 64>}, {transform_indices = @transform_4, window_bounds = array<i64: 2000, 64>}]} {
    %get3A = arith.constant 0 : index
    %get3A_0 = arith.constant 0 : index
    %get3A_1 = arith.constant 0 : index
    %get3A_2 = vector.load %arg1[%get3A, %get3A_0, %get3A_1] : memref<2x2000x80xf32, #tpu.memory_space<vmem>>, vector<1x2000x80xf32>
    %get3A_3 = vector.shape_cast %get3A_2 : vector<1x2000x80xf32> to vector<2000x80xf32>
    %get3A_4 = arith.constant 1 : index
    %get3A_5 = arith.constant 0 : index
    %get3A_6 = arith.constant 0 : index
    %get3A_7 = vector.load %arg1[%get3A_4, %get3A_5, %get3A_6] : memref<2x2000x80xf32, #tpu.memory_space<vmem>>, vector<1x2000x80xf32>
    %get3A_8 = vector.shape_cast %get3A_7 : vector<1x2000x80xf32> to vector<2000x80xf32>
    %add3A = arith.addf %get3A_3, %get3A_8 : vector<2000x80xf32>
    %get3A_9 = arith.constant 0 : index
    %get3A_10 = arith.constant 0 : index
    %get3A_11 = vector.load %arg3[%get3A_9, %get3A_10] : memref<80x64xf32, #tpu.memory_space<vmem>>, vector<80x64xf32>
    %dot_general3A = arith.constant dense<0.000000e+00> : vector<2000x64xf32>
    %dot_general3A_12 = tpu.matmul %add3A, %get3A_11, %dot_general3A {dimension_numbers = #tpu.dot_dimension_numbers<[1], [0], [0], [1], [0, 0, 1, 1], [], []>, transpose_lhs_hint = false} : vector<2000x80xf32>, vector<80x64xf32>, vector<2000x64xf32> -> vector<2000x64xf32>
    %get3A_13 = arith.constant 0 : index
    %get3A_14 = arith.constant 0 : index
    %get3A_15 = vector.load %arg2[%get3A_13, %get3A_14] : memref<80x64xf32, #tpu.memory_space<vmem>>, vector<80x64xf32>
    %dot_general3A_16 = arith.constant dense<0.000000e+00> : vector<2000x64xf32>
    %dot_general3A_17 = tpu.matmul %add3A, %get3A_15, %dot_general3A_16 {dimension_numbers = #tpu.dot_dimension_numbers<[1], [0], [0], [1], [0, 0, 1, 1], [], []>, transpose_lhs_hint = false} : vector<2000x80xf32>, vector<80x64xf32>, vector<2000x64xf32> -> vector<2000x64xf32>
    %add3A_18 = arith.constant 1.000000e-16 : f32
    %add3A_19 = vector.broadcast %add3A_18 : f32 to vector<2000x64xf32>
    %add3A_20 = arith.addf %dot_general3A_12, %add3A_19 : vector<2000x64xf32>
    %div3A = arith.divf %dot_general3A_17, %add3A_20 : vector<2000x64xf32>
    %get3A_21 = arith.constant 0 : index
    %get3A_22 = arith.constant 0 : index
    %get3A_23 = vector.load %arg4[%get3A_21, %get3A_22] : memref<1x64xf32, #tpu.memory_space<vmem>>, vector<1x64xf32>
    %add3A_24 = vector.broadcast %get3A_23 : vector<1x64xf32> to vector<2000x64xf32>
    %add3A_25 = arith.addf %div3A, %add3A_24 : vector<2000x64xf32>
    %swap3A = arith.constant 0 : index
    %swap3A_26 = arith.constant 0 : index
    %swap3A_27 = vector.load %arg5[%swap3A, %swap3A_26] : memref<2000x64xf32, #tpu.memory_space<vmem>>, vector<2000x64xf32>
    tpu.vector_store %arg5[%swap3A, %swap3A_26], %add3A_25 {strides = array<i32>} : memref<2000x64xf32, #tpu.memory_space<vmem>>, vector<2000x64xf32>,
    return
  }
  func.func @transform_0(%arg0: i32) -> (i32, i32, i32) {
    %c0_i32 = arith.constant 0 : i32
    %c0_i32_0 = arith.constant 0 : i32
    %c0_i32_1 = arith.constant 0 : i32
    return %c0_i32, %arg0, %c0_i32_0 : i32, i32, i32
  }
  func.func @transform_1(%arg0: i32) -> (i32, i32) {
    %c0_i32 = arith.constant 0 : i32
    %c0_i32_0 = arith.constant 0 : i32
    %c0_i32_1 = arith.constant 0 : i32
    return %c0_i32, %c0_i32_0 : i32, i32
  }
  func.func @transform_2(%arg0: i32) -> (i32, i32) {
    %c0_i32 = arith.constant 0 : i32
    %c0_i32_0 = arith.constant 0 : i32
    %c0_i32_1 = arith.constant 0 : i32
    return %c0_i32, %c0_i32_0 : i32, i32
  }
  func.func @transform_3(%arg0: i32) -> (i32, i32) {
    %c0_i32 = arith.constant 0 : i32
    %c0_i32_0 = arith.constant 0 : i32
    %c0_i32_1 = arith.constant 0 : i32
    return %c0_i32, %c0_i32_0 : i32, i32
  }
  func.func @transform_4(%arg0: i32) -> (i32, i32) {
    %c0_i32 = arith.constant 0 : i32
    %c0_i32_0 = arith.constant 0 : i32
    return %arg0, %c0_i32 : i32, i32
  }
}

</mosaic_0001>

<sc_bundles>
// kernel: kernel.11.cloned.1.call-start
scs
__scs_entry_jumppad:
0x0: {  	(pc) =	sbr.rel $0x88, $3  }
0x1: {  	(tag) =	ssettag $0x0;
	lr =	simm.s32 $0x1  }
0x2: {  	[smem:$0x3F95] =	sst lr;
	_ =	strace $0xD0000000  }
0x3: {  	_ = 	snop  }
0x4: {  	_ = 	snop  }
0x5: {  	_ = 	snop  }
0x6: {  	_ = 	snop  }
0x7: {  	_ = 	snop  }
__scs_overlays_trampoline_lowered:
0x8: {  	[smem:$0x3FA4] =	sst s0  }
0x9: {  	[smem:$0x3FA5] =	sst s1  }
0xa: {  	[smem:$0x3FA6] =	sst s2  }
0xb: {  	[smem:$0x3FA7] =	sst s3  }
0xc: {  	[smem:$0x3FA8] =	sst s4  }
0xd: {  	[smem:$0x3FA9] =	sst s5  }
0xe: {  	[smem:$0x3FAA] =	sst s6  }
0xf: {  	[smem:$0x3FAB] =	sst s7  }
0x10: {  	[smem:$0x3FAC] =	sst s8  }
0x11: {  	[smem:$0x3FAD] =	sst s9;
	s0 =	simm.s32 @!p0 $0x0  }
0x12: {  	s1 =	sld [smem:$0x3F93];
	s0 =	simm.s32 @p0 $0x1  }
0x13: {  	[smem:$0x3FAE] =	sst s0;
	s0 =	simm.s32 @!p1 $0x0  }
0x14: {  	s2 =	sld [smem:$0x3F92];
	s0 =	simm.s32 @p1 $0x1  }
0x15: {  	[smem:$0x3FAF] =	sst s0;
	s0 =	simm.s32 @!p2 $0x0  }
0x16: {  	s3 =	sld [smem:$0x3FDB];
	s0 =	simm.s32 @p2 $0x1  }
0x17: {  	s4 =	simm.s32 $0x1BF5;
	[smem:$0x3FB1] =	sst s0  }
0x18: {  	s0 =	sld [smem:$0x3F94];
	_ =	swait.ge [sflag:s4], $0x0  }
0x19: {  	s7 =	sld [smem:$0x3F95]  }
0x1a: {  	s8 =	sadd.s32 $0xFFFFE003, lr  }
0x1b: {  	s9 =	sadd.s32 $0xFFFFFEF7, lr;
	s5 =	simm.s32 $0xFFFFFFFF;
	p2 =	slt.u32 s8, $0xFFFFF086  }
0x1c: {  	p1 =	slt.u32 s9, $0xF7A;
	s5 =	simm.s32 @!p2 $0x0  }
0x1d: {  	s5 =	simm.s32 @p1 $0x1;
	p0 =	seq.s32 s7, s2  }
0x1e: {  	s7 =	smul.u32 @!p0 $0xF7A, s2;
	p2 =	seq.s32 @!p0 s5, $0x0  }
0x1f: {  	s9 =	smul.u32 $0xF7A, s1;
	s8 =	simm.s32 @!p0 $0x1BF5;
	p2 =	por !p2, p0  }
0x20: {  	[sflag:s8] =	ssyncset.s32 @!p0 $0xFFFFF086;
	s6 =	sadd.s32 @!p0 s3, s7;
	s7 =	simm.s32 @!p0 $0x108  }
0x21: {  	s3 =	sadd.s32 s3, s9;
	s6 =	sadd.s32 @!p0 $0x88, s6;
	s7 =	simm.s32 @p2 $0x1082  }
0x22: {  	[simem:s7], [sflag:s8] =	dma.local @!p0 [hbm:s6], $0xF7A  }
0x23: {  	s9 =	sor.u32 $0xD0000000, s2;
	s6 =	simm.s32 $0x108;
	_ =	swait.ge @!p0 [sflag:s8], $0x0  }
0x24: {  	s3 =	sadd.s32 $0x88, s3;
	s6 =	simm.s32 @!p1 $0x1082;
	[sflag:s4] =	ssyncset.s32 $0xFFFFF086  }
0x25: {  	[simem:s6], [sflag:s4] =	dma.local [hbm:s3], $0xF7A  }
0x26: {  	[smem:$0x3F95] =	sst s1;
	(tag) =	ssettag s2;
	_ =	strace s9  }
0x27: {  	s1 =	sld [smem:$0x3FA5]  }
0x28: {  	s2 =	sld [smem:$0x3FA6]  }
0x29: {  	s4 =	sld [smem:$0x3FA8]  }
0x2a: {  	p0 =	seq.s32 s5, $0x0;
	s5 =	sld [smem:$0x3FA9]  }
0x2b: {  	s6 =	sld [smem:$0x3FAA]  }
0x2c: {  	s7 =	sld [smem:$0x3FAB]  }
0x2d: {  	s3 =	simm.s32 $0x108;
	s8 =	sld [smem:$0x3FAC]  }
0x2e: {  	s3 =	simm.s32 @!p0 $0x1082;
	s9 =	sld [smem:$0x3FAD]  }
0x2f: {  	lr =	sadd.s32 s0, s3;
	s0 =	sld [smem:$0x3FA4]  }
0x30: {  	s3 =	sld [smem:$0x3FA7]  }
0x31: {  	[smem:$0x3FB0] =	sst s10  }
0x32: {  	s10 =	sld [smem:$0x3FAE];
	_ =	sdelay $0x3  }
0x33: {  	p0 =	seq.s32 s10, $0x1;
	s10 =	sld [smem:$0x3FB0];
	_ =	sdelay $0x3  }
0x34: {  	[smem:$0x3FB0] =	sst s10  }
0x35: {  	s10 =	sld [smem:$0x3FAF];
	_ =	sdelay $0x3  }
0x36: {  	p1 =	seq.s32 s10, $0x1;
	s10 =	sld [smem:$0x3FB0];
	_ =	sdelay $0x3  }
0x37: {  	[smem:$0x3FB0] =	sst s10  }
0x38: {  	s10 =	sld [smem:$0x3FB1]  }
0x39: {  	_ = 	snop;
	(pc) =	sbr.ind lr, $3  }
0x3a: {  	_ = 	snop  }
0x3b: {  	_ = 	snop  }
0x3c: {  	p2 =	seq.s32 s10, $0x1;
	s10 =	sld [smem:$0x3FB0]  }
0x3d: {  	_ =	shalt  }
0x3e: {  	_ =	shalt  }
0x3f: {  	_ =	shalt  }
0x40: {  	_ =	shalt  }
0x41: {  	_ =	shalt  }
0x42: {  	_ =	shalt  }
0x43: {  	_ =	shalt  }
0x44: {  	_ =	shalt  }
0x45: {  	_ =	shalt  }
0x46: {  	_ =	shalt  }
0x47: {  	_ =	shalt  }
0x48: {  	_ =	shalt  }
0x49: {  	_ =	shalt  }
0x4a: {  	_ =	shalt  }
0x4b: {  	_ =	shalt  }
0x4c: {  	_ =	shalt  }
0x4d: {  	_ =	shalt  }
0x4e: {  	_ =	shalt  }
0x4f: {  	_ =	shalt  }
0x50: {  	_ =	shalt  }
0x51: {  	_ =	shalt  }
0x52: {  	_ =	shalt  }
0x53: {  	_ =	shalt  }
0x54: {  	_ =	shalt  }
0x55: {  	_ =	shalt  }
0x56: {  	_ =	shalt  }
0x57: {  	_ =	shalt  }
0x58: {  	_ =	shalt  }
0x59: {  	_ =	shalt  }
0x5a: {  	_ =	shalt  }
0x5b: {  	_ =	shalt  }
0x5c: {  	_ =	shalt  }
0x5d: {  	_ =	shalt  }
0x5e: {  	_ =	shalt  }
0x5f: {  	_ =	shalt  }
0x60: {  	_ =	shalt  }
0x61: {  	_ =	shalt  }
0x62: {  	_ =	shalt  }
0x63: {  	_ =	shalt  }
0x64: {  	_ =	shalt  }
0x65: {  	_ =	shalt  }
0x66: {  	_ =	shalt  }
0x67: {  	_ =	shalt  }
0x68: {  	_ =	shalt  }
0x69: {  	_ =	shalt  }
0x6a: {  	_ =	shalt  }
0x6b: {  	_ =	shalt  }
0x6c: {  	_ =	shalt  }
0x6d: {  	_ =	shalt  }
0x6e: {  	_ =	shalt  }
0x6f: {  	_ =	shalt  }
0x70: {  	_ =	shalt  }
0x71: {  	_ =	shalt  }
0x72: {  	_ =	shalt  }
0x73: {  	_ =	shalt  }
0x74: {  	_ =	shalt  }
0x75: {  	_ =	shalt  }
0x76: {  	_ =	shalt  }
0x77: {  	_ =	shalt  }
0x78: {  	_ =	shalt  }
0x79: {  	_ =	shalt  }
0x7a: {  	_ =	shalt  }
0x7b: {  	_ =	shalt  }
0x7c: {  	_ =	shalt  }
0x7d: {  	_ =	shalt  }
0x7e: {  	_ =	shalt  }
0x7f: {  	_ =	shalt  }
0x80: {  	_ =	shalt  }
0x81: {  	_ =	shalt  }
0x82: {  	_ =	shalt  }
0x83: {  	_ =	shalt  }
0x84: {  	_ =	shalt  }
0x85: {  	_ =	shalt  }
0x86: {  	_ =	shalt  }
0x87: {  	_ =	shalt  }
.Lfunc_end0:
.L_simem_size_0:
called_computation.1_lowered:
.L_overlay_start_0:
0x88: {  	s2 =	sld [smem:$0x3FD9]  }
0x89: {  	s3 =	sld [smem:$0x3FFE];
	_ =	sdelay $0x1  }
0x8a: {  	s1 =	srdreg.scid  }
0x8b: {  	s0 =	sand.u32 $0x1, s1  }
0x8c: {  	s17 =	sshll.u32 s0, $0xA;
	s2 =	sadd.s32 s3, s2  }
0x8d: {  	s2 =	sadd.s32 s2, s17  }
0x8e: {  	[smem:$0x3FBC] =	sst s2  }
0x8f: {  	_ = 	snop  }
0x90: {  	s2 =	sld [smem:$0x3FD0];
	(tm) =	ssettm $0x1  }
0x91: {  	s18 =	sld [smem:$0x3FFB];
	_ =	sdelay $0x3  }
0x92: {  	_ =	strace s18  }
0x93: {  	s3 =	sld [smem:$0x3FFC];
	_ =	sdelay $0x3  }
0x94: {  	_ =	strace s3  }
0x95: {  	s3 =	sld [smem:$0x3FFD];
	_ =	sdelay $0x3  }
0x96: {  	_ =	strace s3  }
0x97: {  	_ =	strace $0x8FFFFFFF  }
0x98: {  	s19 =	sld [smem:$0x3FDB];
	_ =	sdelay $0x1  }
0x99: {  	s4 =	simm.s32 $_scs_section_size  }
0x9a: {  	s5 =	simm.s32 $_size__tile_overlayer_lowered;
	s6 =	simm.s32 $_tile_overlayer_lowered  }
0x9b: {  	s22 =	simm.s32 $0x1BFF;
	s21 =	sshll.u32 s6, $0x1;
	s3 =	sadd.s32 s4, s19  }
0x9c: {  	s7 =	simm.s32 $0x0;
	s20 =	sshll.u32 s5, $0x1;
	s5 =	sadd.s32 s21, s3  }
0x9d: {  	[timem:s7], [sflag:s22] =	dma.local [hbm:s5], s20  }
0x9e: {  	_ =	swait.ge [sflag:s22], s20  }
0x9f: {  	s4 =	ssub.s32 $0x0, s20;
	[sflag:s22] =	ssyncset.done $0x0  }
0xa0: {  	[sflag:s22] =	ssyncadd.s32 s4;
	_ =	sdelay $0x1  }
0xa1: {  	s23 =	simm.s32 $0x1B8B  }
0xa2: {  	_ =	swait.ge [sflag:s23], $0x1  }
0xa3: {  	[sflag:s23] =	ssyncset.done $0x0  }
0xa4: {  	s25 =	simm.s32 $0x1B8E;
	s24 =	sld [smem:$0x3FFE];
	[sflag:s23] =	ssyncadd.s32 $0xFFFFFFFF  }
0xa5: {  	s26 =	simm.s32 $execute0_lowered;
	[smem:$0x3FD2] =	sst s25  }
0xa6: {  	s5 =	sshll.u32 s26, $0x1;
	_ =	strace $0x80000049;
	[dreg:$0x1] =	wrdreg $0xFFFFFFFF  }
0xa7: {  	s28 =	simm.s32 $_size_execute0_lowered;
	s3 =	sadd.s32 s3, s5;
	[dreg:$0x0] =	wrdreg $0x0  }
0xa8: {  	s5 =	sshll.u32 s28, $0x1;
	[dreg:$0x2] =	wrdreg s3  }
0xa9: {  	[dreg:$0x3] =	wrdreg s5  }
0xaa: {  	[dreg:$0x4] =	wrdreg $0xC0  }
0xab: {  	_ =	task [dreg:s7], $0x5FFFF  }
0xac: {  	[dreg:$0x1] =	wrdreg $0xFFFFFFFF  }
0xad: {  	[dreg:$0x0] =	wrdreg $0x60  }
0xae: {  	[dreg:$0x2] =	wrdreg s24  }
0xaf: {  	[dreg:$0x3] =	wrdreg s2  }
0xb0: {  	[dreg:$0x4] =	wrdreg $0x0  }
0xb1: {  	[dreg:$0x5] =	wrdreg $0x9  }
0xb2: {  	_ =	task.clear_ibuf [dreg:s7], $0x6FFFF;
	_ =	strace $0x90000049  }
0xb3: {  	s29 =	simm.s32 $0x9;
	_ =	strace $0x8000004B  }
0xb4: {  	_ =	swait.ge [sflag:s29], $0x1  }
0xb5: {  	[sflag:s29] =	ssyncadd.s32 $0xFFFFFFFF  }
0xb6: {  	_ =	strace $0x9000004B  }
0xb7: {  	_ =	sfence  }
0xb8: {  	s30 =	sld [smem:$0x0];
	_ =	sdelay $0x2  }
0xb9: {  	s31 =	sshll.u32 s1, $0xD;
	s1 =	sshrl.u32 s1, $0x2  }
0xba: {  	s3 =	sand.u32 $0x4000, s31;
	s1 =	sadd.s32 s1, s30  }
0xbb: {  	s0 =	sor.u32 s3, s0;
	s1 =	sshll.u32 s1, $0x11  }
0xbc: {  	s0 =	sor.u32 s1, s0  }
0xbd: {  	s0 =	sadd.s32 $0x8F2B, s0  }
0xbe: {  	[sflag:s0] =	ssyncadd.remote.s32 $0x1  }
0xbf: {  	_ =	sfence.sel $0xFFFF  }
0xc0: {  	[dreg:$0x0] =	wrdreg $0xFFFFFFFF;
	(pc) =	sbr.abs _section_cstart, $3  }
0xc1: {  	[dreg:$0x1] =	wrdreg $0xFFFFFFFF  }
0xc2: {  	_ =	task.clear_ibuf [dreg:s7], $0x2FFFF;
	_ =	strace $0x9FFFFFFF  }
0xc3: {  	(tm) =	ssettm $0x7FFFFFFF  }
tec
execute0_lowered:
.L_overlay_start_1:
0x0: {  	(tag) =	ssettag $0x1  }
0x1: {  	s0 =	rddreg [dreg:$0x0]  }
0x2: {  	s3 =	rddreg [dreg:$0x2]  }
0x3: {  	s1 =	srdreg.scid;
	s10 =	stileid.u32;
	s11 =	simm.s32 $0x0  }
0x4: {  	s14 =	simm.s32 $0x6;
	s15 =	simm.s32 $0x15F90;
	s16 =	simm.s32 $0x16508  }
0x5: {  	s17 =	simm.s32 $0x32;
	s18 =	simm.s32 $0x16A80;
	s19 =	simm.s32 $0x1  }
0x6: {  	s21 =	simm.s32 $0x186A0;
	s22 =	simm.s32 $0x3;
	s23 =	simm.s32 $0x16540  }
0x7: {  	s29 =	simm.s32 $0x1A2C0;
	s30 =	simm.s32 $0x1C200;
	s31 =	simm.s32 $0x4  }
0x8: {  	s1 =	sand.u32 $0x1, s1;
	s2 =	smul.u32 $0x15F90, s10;
	[smem:$0x7FF] =	sst s11  }
0x9: {  	s5 =	sadd.s32 $0x76400, s0;
	s6 =	sadd.s32 $0x3800, s0;
	s7 =	sadd.s32 $0x1D200, s0  }
0xa: {  	s9 =	sadd.s32 $0x28200, s0;
	s26 =	sshll.u32 s10, $0x6;
	s4 =	smul.u32 $0x15F900, s1  }
0xb: {  	_ =	strace $0x8000004A;
	s8 =	ssub.s32 $0x2, s1;
	s1 =	sshll.u32 s1, $0x4  }
0xc: {  	[dreg:$0x5] =	wrdreg s9;
	s24 =	sshrl.u32 s8, $0x1;
	s1 =	sor.u32 s10, s1  }
0xd: {  	s4 =	sadd.s32 s2, s4;
	s25 =	ssub.s32 s8, s24;
	s2 =	sadd.s32 s2, s3  }
0xe: {  	s8 =	sor.u32 $0x1C06, s26;
	s10 =	smul.u32 $0xC8, s1;
	s24 =	simm.s32 $0x1A5E0  }
0xf: {  	s4 =	sshrl.u32 s4, $0x3;
	s28 =	smax.u32 s25, $0x1;
	[dreg:$0x6] =	wrdreg s8  }
0x10: {  	v0 =	vimm.s32 $0x0;
	v1 =	vimm.s32 $0x1;
	s0 =	sadd.s32 s4, s0;
	[dreg:$0x8] =	wrdreg s28;
	s4 =	sshrl.u32 s2, $0x3  }
0x11: {  	v2 =	vimm.s32 $0x2;
	v3 =	vimm.s32 $0x3;
	v4 =	vimm.s32 $0x4;
	s1 =	simm.s32 $0x16A48;
	s0 =	sadd.s32 $0xA2400, s0;
	[dreg:$0x9] =	wrdreg s4  }
0x12: {  	v5 =	vimm.s32 $0x5;
	v6 =	vimm.s32 $0x6;
	v7 =	vimm.s32 $0x7;
	s25 =	simm.s32 $0x2;
	[dreg:$0x7] =	wrdreg s0;
	s0 =	simm.s32 $0x5  }
.LBB2_1:
0x13: {  	[dreg:$0x4] =	wrdreg s11  }
0x14: {  	s2 =	rddreg [dreg:$0x5]  }
0x15: {  	[spmem:s4], [sflag:s8] =	dma.local [hbm:s2], $0x2BF2  }
0x16: {  	_ =	swait.ge [sflag:s14], $0x2BF2  }
0x17: {  	[sflag:s14] =	ssyncset.done $0x0  }
0x18: {  	[sflag:s14] =	ssyncadd.s32 $0xFFFFD40E  }
0x19: {  	s8 =	simm.s32 $0x0;
	[bflag:$0x0] =	sbarrier.arrive $0xFFFF  }
.LBB2_2:
0x1a: {  	s2 =	smul.u32 $0x19, s8;
	_ =	sdelay $0x1  }
0x1b: {  	s2 =	sadd.s32 s10, s2  }
0x1c: {  	s2 =	smul.u32 $0x7, s2  }
0x1d: {  	s4 =	rddreg [dreg:$0x1]  }
0x1e: {  	s9 =	simm.s32 $0x0;
	s4 =	sadd.s32 s4, s2  }
0x1f: {  	[tilespmem:s15], [sflag:$0x6] =	stream.linear.gather [hbm4b:s4+s9], $0x578, $0x38;
	[tilespmem:$0x1DE20] =	vst v63  }
0x20: {  	_ =	swait.ge [sflag:s14], $0x578  }
0x21: {  	[sflag:s14] =	ssyncset.done $0x0  }
0x22: {  	s2 =	sadd.s32 s7, s2;
	[sflag:s14] =	ssyncadd.s32 $0xFFFFFA88  }
0x23: {  	[tilespmem:s16], [sflag:$0x6] =	stream.linear.gather [hbm4b:s2+s9], $0x578, $0x38;
	[tilespmem:$0x1DE20] =	vst v63  }
0x24: {  	_ =	swait.ge [sflag:s14], $0x578  }
0x25: {  	[sflag:s14] =	ssyncset.done $0x0  }
0x26: {  	[sflag:s14] =	ssyncadd.s32 $0xFFFFFA88  }
0x27: {  	[tilespmem:s18], [sflag:$0x1] =	stream.indirect.gather [hbm4b:s5+s17], $0x90, s15, s17, $0xb8;
	[tilespmem:$0x1DE20] =	vst v63  }
0x28: {  	s20 =	simm.s32 $0x1A2C0  }
0x29: {  	[tilespmem:s20], [sflag:$0x3] =	stream.indirect.gather [hbm4b:s6+s17], $0x10, s16, s17, $0xb8;
	[tilespmem:$0x1DE20] =	vst v63  }
0x2a: {  	_ =	swait.ge [sflag:s19], $0x1C20  }
0x2b: {  	[sflag:s19] =	ssyncset.done $0x0  }
0x2c: {  	s26 =	simm.s32 $0x15FC8;
	[sflag:s19] =	ssyncadd.s32 $0xFFFFE3E0  }
0x2d: {  	[tilespmem:s21], [sflag:$0x2] =	stream.indirect.gather [hbm4b:s5+s17], $0x90, s26, s17, $0xb8;
	[tilespmem:$0x1DE20] =	vst v63  }
0x2e: {  	_ =	swait.ge [sflag:s22], $0x320  }
0x2f: {  	[sflag:s22] =	ssyncset.done $0x0  }
0x30: {  	[sflag:s22] =	ssyncadd.s32 $0xFFFFFCE0  }
0x31: {  	s2 =	simm.s32 $0x0;
	v8 =	vld [tilespmem:s20+$0x0]  }
0x32: {  	v9 =	vld [tilespmem:s2+$0x16A80]  }
0x33: {  	v24 =	vld [tilespmem:s2+$0x16A90]  }
0x34: {  	v26 =	vld [tilespmem:s2+$0x16AA0]  }
0x35: {  	v28 =	vld [tilespmem:s2+$0x16AB0]  }
0x36: {  	v30 =	vld [tilespmem:s2+$0x16AC0]  }
0x37: {  	v33 =	vld [tilespmem:s2+$0x16AD0];
	v8 =	vadd.f32 v8, v9  }
0x38: {  	v23 =	vld [tilespmem:s2+$0x16AE0]  }
0x39: {  	s28 =	simm.s32 $0x1A2D0;
	v22 =	vld [tilespmem:s2+$0x16AF0];
	v9 =	vmul.f32 $2.000000030e-01, v8  }
0x3a: {  	s4 =	simm.s32 $0x90;
	v10 =	vld [tilespmem:s28+$0x0];
	vm0 =	vge.f32 v8, $0.0e+00  }
0x3b: {  	v8 =	vsel vm0, v8, v9;
	v9 =	vld [tilespmem:s4+$0x16A80]  }
0x3c: {  	v16 =	vld [tilespmem:s4+$0x16A90];
	v8 =	vmul.f32 $1.442695020e+00, v8  }
0x3d: {  	v15 =	vld [tilespmem:s4+$0x16AA0]  }
0x3e: {  	s11 =	simm.s32 $0x1A2E0;
	v12 =	vld [tilespmem:s4+$0x16AB0];
	(erf) = vpow2.f32 v8  }
0x3f: {  	s9 =	simm.s32 $0x120;
	v20 =	vld [tilespmem:s11+$0x0]  }
0x40: {  	v21 =	vld [tilespmem:s9+$0x16A80];
	v8 =	vadd.f32 v10, v9  }
0x41: {  	v13 =	vld [tilespmem:s4+$0x16AC0]  }
0x42: {  	v14 =	vld [tilespmem:s4+$0x16AD0];
	v10 =	vmul.f32 $2.000000030e-01, v8  }
0x43: {  	v11 =	vld [tilespmem:s4+$0x16AE0];
	vm14 =	vge.f32 v8, $0.0e+00  }
0x44: {  	v17 =	vld [tilespmem:s2+$0x16B00];
	v8 =	vsel vm14, v8, v10  }
0x45: {  	v19 =	vld [tilespmem:s9+$0x16AB0];
	v36 =	vadd.f32 v20, v21;
	v18 =	vmul.f32 $1.442695020e+00, v8  }
0x46: {  	v20 =	vld [tilespmem:s9+$0x16AE0]  }
0x47: {  	v21 =	vld [tilespmem:s9+$0x16AF0];
	v63 =	vmul.f32 $2.000000030e-01, v36;
	v29 =	vpop (erf);
	(erf) = vpow2.f32 v18  }
0x48: {  	v9 =	vld [tilespmem:s4+$0x16AF0];
	v25 =	vperm.xlane v29, v7;
	v31 =	vperm.xlane v29, v0  }
0x49: {  	v10 =	vld [tilespmem:s9+$0x16A90];
	v32 =	vperm.xlane v29, v1;
	v34 =	vperm.xlane v29, v2  }
0x4a: {  	v8 =	vld [tilespmem:s9+$0x16AA0];
	v37 =	vperm.xlane v29, v3;
	v38 =	vperm.xlane v29, v4  }
0x4b: {  	v18 =	vld [tilespmem:s9+$0x16AC0];
	v27 =	vperm.xlane v29, v5;
	v35 =	vmul.f32 v17, v25  }
0x4c: {  	[tilespmem:s2+$0x1A5E0] =	vst v29;
	v17 =	vld [tilespmem:s9+$0x16AD0];
	v25 =	vperm.xlane v29, v6;
	v39 =	vmul.f32 v24, v31  }
0x4d: {  	s12 =	simm.s32 $0x1A2F0;
	vm15 =	vge.f32 v36, $0.0e+00;
	v24 =	vld [tilespmem:s4+$0x16B00];
	v31 =	vmul.f32 v26, v32;
	v29 =	vmul.f32 v28, v34;
	[tilespmem:s2+$0x1A660] =	vst v35  }
0x4e: {  	s13 =	simm.s32 $0x900;
	s11 =	simm.s32 $0x1B0;
	v26 =	vld [tilespmem:s12+$0x0];
	v32 =	vsel vm15, v36, v63;
	v30 =	vmul.f32 v30, v37;
	v28 =	vmul.f32 v33, v38;
	[tilespmem:s2+$0x1A5F0] =	vst v39  }
.LBB2_3:
0x4f: {  	p0 =	sne.s32 s13, $0x6E40;
	v33 =	vld [tilespmem:s11+$0x16A80];
	v32 =	vmul.f32 $1.442695020e+00, v32;
	[tilespmem:s2+$0x1A600] =	vst v31;
	v27 =	vmul.f32 v23, v27;
	v34 =	vmovc v12;
	v12 =	vmovc v19;
	v35 =	vmov v13  }
0x50: {  	v25 =	vmul.f32 v22, v25;
	v13 =	vmov v18;
	v37 =	vmov v14;
	v31 =	vld [tilespmem:s11+$0x16A90];
	v36 =	vpop (erf);
	[tilespmem:s2+$0x1A610] =	vst v29  }
0x51: {  	v14 =	vmovc v17;
	v23 =	vmovc v11;
	v11 =	vmov v20;
	v38 =	vld [tilespmem:s11+$0x16AA0];
	(erf) = vpow2.f32 v32;
	v29 =	vperm.xlane v36, v7;
	[tilespmem:s2+$0x1A620] =	vst v30  }
0x52: {  	v22 =	vmovc v9;
	v30 =	vperm.xlane v36, v0;
	v32 =	vperm.xlane v36, v1;
	v9 =	vmov v21;
	v19 =	vld [tilespmem:s11+$0x16AB0];
	[tilespmem:s2+$0x1A630] =	vst v28  }
0x53: {  	v28 =	vperm.xlane v36, v2;
	v18 =	vld [tilespmem:s11+$0x16AC0];
	v21 =	vmul.f32 v24, v29;
	[tilespmem:s2+$0x1A640] =	vst v27  }
.Ltmp0:
0x54: {  	v39 =	vperm.xlane v36, v3;
	v40 =	vperm.xlane v36, v4;
	v33 =	vadd.f32 v26, v33;
	v17 =	vld [tilespmem:s11+$0x16AD0];
	[tilespmem:s2+$0x1A650] =	vst v25;
	s2 =	smov.u32 s4;
	s4 =	smov.u32 s9;
	(pc) =	sbr.rel @p0 .LBB2_3-.Ltmp0, $4  }
0x55: {  	v27 =	vperm.xlane v36, v5;
	v25 =	vperm.xlane v36, v6;
	s9 =	smov.u32 s11;
	v20 =	vld [tilespmem:s11+$0x16AE0];
	[tilespmem:s2+$0x1A660] =	vst v21  }
0x56: {  	v30 =	vmul.f32 v16, v30;
	v16 =	vmovc v10;
	v10 =	vmov v31;
	v41 =	vmul.f32 $2.000000030e-01, v33;
	v21 =	vld [tilespmem:s9+$0x16AF0];
	[tilespmem:s2+$0x1A5E0] =	vst v36  }
0x57: {  	s12 =	sadd.s32 $0x10, s12;
	v29 =	vmul.f32 v34, v28;
	v31 =	vmul.f32 v15, v32;
	v15 =	vmovc v8;
	vm0 =	vge.f32 v33, $0.0e+00;
	v8 =	vmovc v38;
	v24 =	vld [tilespmem:s4+$0x16B00]  }
0x58: {  	v28 =	vmul.f32 v37, v40;
	s11 =	sshra.s32 s13, $0x2;
	s13 =	sadd.s32 $0x240, s13;
	v26 =	vld [tilespmem:s12+$0x0];
	v32 =	vsel vm0, v33, v41;
	[tilespmem:s2+$0x1A5F0] =	vst v30;
	v30 =	vmul.f32 v35, v39  }
0x59: {  	v33 =	vld [tilespmem:s11+$0x16A80]  }
0x5a: {  	v32 =	vmul.f32 $1.442695020e+00, v32;
	[tilespmem:s2+$0x1A600] =	vst v31  }
0x5b: {  	v23 =	vmul.f32 v23, v27;
	[tilespmem:s2+$0x1A610] =	vst v29  }
0x5c: {  	v22 =	vmul.f32 v22, v25;
	v27 =	vpop (erf);
	[tilespmem:s2+$0x1A620] =	vst v30;
	(erf) = vpow2.f32 v32  }
0x5d: {  	[tilespmem:s2+$0x1A630] =	vst v28;
	v25 =	vperm.xlane v27, v7;
	v29 =	vperm.xlane v27, v0  }
0x5e: {  	v30 =	vperm.xlane v27, v1;
	v28 =	vperm.xlane v27, v2;
	[tilespmem:s2+$0x1A640] =	vst v23;
	v26 =	vadd.f32 v26, v33  }
0x5f: {  	v23 =	vperm.xlane v27, v3;
	[tilespmem:s2+$0x1A650] =	vst v22;
	v24 =	vmul.f32 v24, v25  }
0x60: {  	[tilespmem:s4+$0x1A5E0] =	vst v27;
	v16 =	vmul.f32 v16, v29;
	v22 =	vmul.f32 $2.000000030e-01, v26  }
0x61: {  	v25 =	vperm.xlane v27, v4;
	v15 =	vmul.f32 v15, v30;
	[tilespmem:s4+$0x1A660] =	vst v24;
	vm0 =	vge.f32 v26, $0.0e+00  }
0x62: {  	v12 =	vmul.f32 v12, v28;
	v24 =	vperm.xlane v27, v5;
	[tilespmem:s4+$0x1A5F0] =	vst v16;
	v22 =	vsel vm0, v26, v22  }
0x63: {  	v13 =	vmul.f32 v13, v23;
	[tilespmem:s4+$0x1A600] =	vst v15;
	v26 =	vld [tilespmem:s9+$0x16B00];
	v16 =	vmul.f32 $1.442695020e+00, v22  }
0x64: {  	v14 =	vmul.f32 v14, v25;
	[tilespmem:s4+$0x1A610] =	vst v12;
	v11 =	vmul.f32 v11, v24  }
0x65: {  	[tilespmem:s4+$0x1A620] =	vst v13;
	v22 =	vperm.xlane v27, v6;
	v15 =	vpop (erf);
	(erf) = vpow2.f32 v16  }
0x66: {  	[tilespmem:s4+$0x1A630] =	vst v14;
	v12 =	vperm.xlane v15, v7  }
0x67: {  	[tilespmem:s4+$0x1A640] =	vst v11;
	v9 =	vmul.f32 v9, v22;
	v13 =	vperm.xlane v15, v0  }
0x68: {  	v11 =	vperm.xlane v15, v1;
	[tilespmem:s9+$0x1A5E0] =	vst v15;
	v12 =	vmul.f32 v26, v12  }
0x69: {  	v16 =	vperm.xlane v15, v5;
	[tilespmem:s4+$0x1A650] =	vst v9;
	v10 =	vmul.f32 v10, v13  }
0x6a: {  	v9 =	vperm.xlane v15, v2;
	v8 =	vmul.f32 v8, v11;
	[tilespmem:s9+$0x1A660] =	vst v12  }
0x6b: {  	v13 =	vperm.xlane v15, v3;
	v16 =	vmul.f32 v20, v16;
	[tilespmem:s9+$0x1A5F0] =	vst v10  }
0x6c: {  	v14 =	vld [tilespmem:s11+$0x16B00];
	v11 =	vperm.xlane v15, v4;
	v9 =	vmul.f32 v19, v9;
	[tilespmem:s9+$0x1A600] =	vst v8  }
0x6d: {  	v15 =	vperm.xlane v15, v6;
	v12 =	vld [tilespmem:s11+$0x16A90];
	v13 =	vmul.f32 v18, v13;
	[tilespmem:s9+$0x1A640] =	vst v16  }
0x6e: {  	v8 =	vld [tilespmem:s11+$0x16AB0];
	v11 =	vmul.f32 v17, v11;
	[tilespmem:s9+$0x1A610] =	vst v9;
	v17 =	vpop (erf)  }
0x6f: {  	v10 =	vld [tilespmem:s11+$0x16AA0];
	v15 =	vmul.f32 v21, v15;
	[tilespmem:s9+$0x1A620] =	vst v13;
	v18 =	vperm.xlane v17, v7  }
0x70: {  	v9 =	vld [tilespmem:s11+$0x16AC0];
	[tilespmem:s9+$0x1A630] =	vst v11;
	v19 =	vperm.xlane v17, v0  }
0x71: {  	v13 =	vld [tilespmem:s11+$0x16AD0];
	[tilespmem:s9+$0x1A650] =	vst v15;
	v15 =	vperm.xlane v17, v2;
	v14 =	vmul.f32 v14, v18  }
0x72: {  	v11 =	vld [tilespmem:s11+$0x16AE0];
	[tilespmem:s11+$0x1A5E0] =	vst v17;
	v18 =	vperm.xlane v17, v1;
	v12 =	vmul.f32 v12, v19  }
0x73: {  	v16 =	vld [tilespmem:s11+$0x16AF0];
	v8 =	vmul.f32 v8, v15;
	[tilespmem:s11+$0x1A660] =	vst v14;
	v14 =	vperm.xlane v17, v3  }
0x74: {  	v10 =	vmul.f32 v10, v18;
	v18 =	vperm.xlane v17, v4;
	[tilespmem:s11+$0x1A5F0] =	vst v12  }
0x75: {  	v12 =	vperm.xlane v17, v5;
	[tilespmem:s11+$0x1A610] =	vst v8;
	v9 =	vmul.f32 v9, v14  }
0x76: {  	[tilespmem:s11+$0x1A600] =	vst v10;
	v10 =	vperm.xlane v17, v6;
	v13 =	vmul.f32 v13, v18  }
0x77: {  	v8 =	vmul.f32 v11, v12;
	[tilespmem:s11+$0x1A620] =	vst v9  }
0x78: {  	v9 =	vmul.f32 v16, v10;
	[tilespmem:s11+$0x1A630] =	vst v13  }
0x79: {  	[tilespmem:s11+$0x1A640] =	vst v8  }
0x7a: {  	s13 =	simm.s32 $0x1A2C0;
	[tilespmem:s11+$0x1A650] =	vst v9  }
0x7b: {  	[tilespmem:s13], [sflag:$0x3] =	stream.indirect.gather [hbm4b:s6+s17], $0x10, s23, s17, $0xb8;
	[tilespmem:$0x1DE20] =	vst v63  }
0x7c: {  	_ = 	snop  }
0x7d: {  	[spmem:s3] =	stream.indirect.scatter.add.f32 [tilespmem:s24], [sflag:$0x4], $0x90, s16, s17, $0xb8;
	[tilespmem:$0x1DE20] =	vst v63  }
0x7e: {  	_ =	swait.ge [sflag:s25], $0x1C20  }
0x7f: {  	[sflag:s25] =	ssyncset.done $0x0  }
0x80: {  	s20 =	simm.s32 $0x16000;
	[sflag:s25] =	ssyncadd.s32 $0xFFFFE3E0  }
0x81: {  	[tilespmem:s18], [sflag:$0x1] =	stream.indirect.gather [hbm4b:s5+s17], $0x90, s20, s17, $0xb8;
	[tilespmem:$0x1DE20] =	vst v63  }
0x82: {  	_ =	swait.ge [sflag:s22], $0x320  }
0x83: {  	[sflag:s22] =	ssyncset.done $0x0  }
0x84: {  	[sflag:s22] =	ssyncadd.s32 $0xFFFFFCE0  }
0x85: {  	s2 =	simm.s32 $0x0;
	v8 =	vld [tilespmem:s13+$0x0]  }
0x86: {  	v9 =	vld [tilespmem:s2+$0x186A0]  }
0x87: {  	v24 =	vld [tilespmem:s2+$0x186B0]  }
0x88: {  	v26 =	vld [tilespmem:s2+$0x186C0]  }
0x89: {  	v28 =	vld [tilespmem:s2+$0x186D0]  }
0x8a: {  	v30 =	vld [tilespmem:s2+$0x186E0]  }
0x8b: {  	v61 =	vld [tilespmem:s2+$0x186F0];
	v8 =	vadd.f32 v8, v9  }
0x8c: {  	v23 =	vld [tilespmem:s2+$0x18700]  }
0x8d: {  	s26 =	simm.s32 $0x1A2D0;
	v22 =	vld [tilespmem:s2+$0x18710];
	v9 =	vmul.f32 $2.000000030e-01, v8  }
0x8e: {  	s4 =	simm.s32 $0x90;
	v10 =	vld [tilespmem:s26+$0x0];
	vm13 =	vge.f32 v8, $0.0e+00  }
0x8f: {  	v8 =	vsel vm13, v8, v9;
	v9 =	vld [tilespmem:s4+$0x186A0]  }
0x90: {  	v16 =	vld [tilespmem:s4+$0x186B0];
	v8 =	vmul.f32 $1.442695020e+00, v8  }
0x91: {  	v15 =	vld [tilespmem:s4+$0x186C0]  }
0x92: {  	s28 =	simm.s32 $0x1A2E0;
	v12 =	vld [tilespmem:s4+$0x186D0];
	(erf) = vpow2.f32 v8  }
0x93: {  	s9 =	simm.s32 $0x120;
	v20 =	vld [tilespmem:s28+$0x0]  }
0x94: {  	v21 =	vld [tilespmem:s9+$0x186A0];
	v8 =	vadd.f32 v10, v9  }
0x95: {  	v13 =	vld [tilespmem:s4+$0x186E0]  }
0x96: {  	v14 =	vld [tilespmem:s4+$0x186F0];
	v10 =	vmul.f32 $2.000000030e-01, v8  }
0x97: {  	v11 =	vld [tilespmem:s4+$0x18700];
	vm14 =	vge.f32 v8, $0.0e+00  }
0x98: {  	v17 =	vld [tilespmem:s2+$0x18720];
	v8 =	vsel vm14, v8, v10  }
0x99: {  	v19 =	vld [tilespmem:s9+$0x186D0];
	v36 =	vadd.f32 v20, v21;
	v18 =	vmul.f32 $1.442695020e+00, v8  }
0x9a: {  	v20 =	vld [tilespmem:s9+$0x18700]  }
0x9b: {  	v21 =	vld [tilespmem:s9+$0x18710];
	v63 =	vmul.f32 $2.000000030e-01, v36;
	v29 =	vpop (erf);
	(erf) = vpow2.f32 v18  }
0x9c: {  	v9 =	vld [tilespmem:s4+$0x18710];
	v25 =	vperm.xlane v29, v7;
	v31 =	vperm.xlane v29, v0  }
0x9d: {  	v10 =	vld [tilespmem:s9+$0x186B0];
	v62 =	vperm.xlane v29, v1;
	v34 =	vperm.xlane v29, v2  }
0x9e: {  	v8 =	vld [tilespmem:s9+$0x186C0];
	v37 =	vperm.xlane v29, v3;
	v38 =	vperm.xlane v29, v4  }
0x9f: {  	v18 =	vld [tilespmem:s9+$0x186E0];
	v27 =	vperm.xlane v29, v5;
	v35 =	vmul.f32 v17, v25  }
0xa0: {  	[tilespmem:s2+$0x1C200] =	vst v29;
	v17 =	vld [tilespmem:s9+$0x186F0];
	v25 =	vperm.xlane v29, v6;
	v39 =	vmul.f32 v24, v31  }
0xa1: {  	s12 =	simm.s32 $0x1A2F0;
	vm15 =	vge.f32 v36, $0.0e+00;
	v24 =	vld [tilespmem:s4+$0x18720];
	v31 =	vmul.f32 v26, v62;
	v29 =	vmul.f32 v28, v34;
	[tilespmem:s2+$0x1C280] =	vst v35  }
0xa2: {  	s11 =	simm.s32 $0x1B0;
	s13 =	simm.s32 $0x900;
	v32 =	vsel vm15, v36, v63;
	v26 =	vld [tilespmem:s12+$0x0];
	v30 =	vmul.f32 v30, v37;
	v28 =	vmul.f32 v61, v38;
	[tilespmem:s2+$0x1C210] =	vst v39  }
.LBB2_5:
0xa3: {  	p0 =	sne.s32 s13, $0x6E40;
	v33 =	vld [tilespmem:s11+$0x186A0];
	v32 =	vmul.f32 $1.442695020e+00, v32;
	[tilespmem:s2+$0x1C220] =	vst v31;
	v27 =	vmul.f32 v23, v27;
	v34 =	vmovc v12;
	v12 =	vmovc v19;
	v35 =	vmov v13  }
0xa4: {  	v25 =	vmul.f32 v22, v25;
	v13 =	vmov v18;
	v37 =	vmov v14;
	v31 =	vld [tilespmem:s11+$0x186B0];
	v36 =	vpop (erf);
	[tilespmem:s2+$0x1C230] =	vst v29  }
0xa5: {  	v14 =	vmovc v17;
	v23 =	vmovc v11;
	v11 =	vmov v20;
	v38 =	vld [tilespmem:s11+$0x186C0];
	(erf) = vpow2.f32 v32;
	v29 =	vperm.xlane v36, v7;
	[tilespmem:s2+$0x1C240] =	vst v30  }
0xa6: {  	v22 =	vmovc v9;
	v30 =	vperm.xlane v36, v0;
	v32 =	vperm.xlane v36, v1;
	v9 =	vmov v21;
	v19 =	vld [tilespmem:s11+$0x186D0];
	[tilespmem:s2+$0x1C250] =	vst v28  }
0xa7: {  	v28 =	vperm.xlane v36, v2;
	v18 =	vld [tilespmem:s11+$0x186E0];
	v21 =	vmul.f32 v24, v29;
	[tilespmem:s2+$0x1C260] =	vst v27  }
.Ltmp1:
0xa8: {  	v39 =	vperm.xlane v36, v3;
	v40 =	vperm.xlane v36, v4;
	v33 =	vadd.f32 v26, v33;
	v17 =	vld [tilespmem:s11+$0x186F0];
	[tilespmem:s2+$0x1C270] =	vst v25;
	s2 =	smov.u32 s4;
	s4 =	smov.u32 s9;
	(pc) =	sbr.rel @p0 .LBB2_5-.Ltmp1, $4  }
0xa9: {  	v27 =	vperm.xlane v36, v5;
	v25 =	vperm.xlane v36, v6;
	s9 =	smov.u32 s11;
	v20 =	vld [tilespmem:s11+$0x18700];
	[tilespmem:s2+$0x1C280] =	vst v21  }
0xaa: {  	v30 =	vmul.f32 v16, v30;
	v16 =	vmovc v10;
	v10 =	vmov v31;
	v41 =	vmul.f32 $2.000000030e-01, v33;
	v21 =	vld [tilespmem:s9+$0x18710];
	[tilespmem:s2+$0x1C200] =	vst v36  }
0xab: {  	s12 =	sadd.s32 $0x10, s12;
	v29 =	vmul.f32 v34, v28;
	v31 =	vmul.f32 v15, v32;
	v15 =	vmovc v8;
	vm0 =	vge.f32 v33, $0.0e+00;
	v8 =	vmovc v38;
	v24 =	vld [tilespmem:s4+$0x18720]  }
0xac: {  	v28 =	vmul.f32 v37, v40;
	s11 =	sshra.s32 s13, $0x2;
	s13 =	sadd.s32 $0x240, s13;
	v26 =	vld [tilespmem:s12+$0x0];
	v32 =	vsel vm0, v33, v41;
	[tilespmem:s2+$0x1C210] =	vst v30;
	v30 =	vmul.f32 v35, v39  }
0xad: {  	v33 =	vld [tilespmem:s11+$0x186A0]  }
0xae: {  	v32 =	vmul.f32 $1.442695020e+00, v32;
	[tilespmem:s2+$0x1C220] =	vst v31  }
0xaf: {  	v23 =	vmul.f32 v23, v27;
	[tilespmem:s2+$0x1C230] =	vst v29  }
0xb0: {  	v22 =	vmul.f32 v22, v25;
	v59 =	vpop (erf);
	[tilespmem:s2+$0x1C240] =	vst v30;
	(erf) = vpow2.f32 v32  }
0xb1: {  	[tilespmem:s2+$0x1C250] =	vst v28;
	v60 =	vperm.xlane v59, v7;
	v61 =	vperm.xlane v59, v0  }
0xb2: {  	v62 =	vperm.xlane v59, v1;
	v63 =	vperm.xlane v59, v2;
	[tilespmem:s2+$0x1C260] =	vst v23;
	v26 =	vadd.f32 v26, v33  }
0xb3: {  	v32 =	vperm.xlane v59, v3;
	[tilespmem:s2+$0x1C270] =	vst v22;
	v24 =	vmul.f32 v24, v60  }
0xb4: {  	[tilespmem:s4+$0x1C200] =	vst v59;
	v16 =	vmul.f32 v16, v61;
	v33 =	vmul.f32 $2.000000030e-01, v26  }
0xb5: {  	v34 =	vperm.xlane v59, v4;
	v15 =	vmul.f32 v15, v62;
	[tilespmem:s4+$0x1C280] =	vst v24;
	vm0 =	vge.f32 v26, $0.0e+00  }
0xb6: {  	v35 =	vperm.xlane v59, v5;
	v12 =	vmul.f32 v12, v63;
	[tilespmem:s4+$0x1C210] =	vst v16;
	v22 =	vsel vm0, v26, v33  }
0xb7: {  	v36 =	vld [tilespmem:s9+$0x18720];
	v13 =	vmul.f32 v13, v32;
	[tilespmem:s4+$0x1C220] =	vst v15;
	v37 =	vmul.f32 $1.442695020e+00, v22  }
0xb8: {  	v38 =	vperm.xlane v59, v6;
	v14 =	vmul.f32 v14, v34;
	[tilespmem:s4+$0x1C230] =	vst v12  }
0xb9: {  	v11 =	vmul.f32 v11, v35;
	[tilespmem:s4+$0x1C240] =	vst v13;
	v39 =	vpop (erf);
	(erf) = vpow2.f32 v37  }
0xba: {  	v9 =	vmul.f32 v9, v38;
	[tilespmem:s4+$0x1C250] =	vst v14;
	v40 =	vperm.xlane v39, v7  }
0xbb: {  	[tilespmem:s4+$0x1C260] =	vst v11;
	v41 =	vperm.xlane v39, v0  }
0xbc: {  	[tilespmem:s4+$0x1C270] =	vst v9;
	v42 =	vperm.xlane v39, v1;
	v12 =	vmul.f32 v36, v40  }
0xbd: {  	v43 =	vperm.xlane v39, v2;
	[tilespmem:s9+$0x1C200] =	vst v39;
	v10 =	vmul.f32 v10, v41  }
0xbe: {  	v45 =	vperm.xlane v39, v3;
	v8 =	vmul.f32 v8, v42;
	[tilespmem:s9+$0x1C280] =	vst v12  }
0xbf: {  	v46 =	vperm.xlane v39, v4;
	v9 =	vmul.f32 v19, v43;
	[tilespmem:s9+$0x1C210] =	vst v10  }
0xc0: {  	v47 =	vld [tilespmem:s11+$0x18720];
	v49 =	vperm.xlane v39, v5;
	v13 =	vmul.f32 v18, v45;
	[tilespmem:s9+$0x1C220] =	vst v8  }
0xc1: {  	v44 =	vld [tilespmem:s11+$0x186B0];
	v15 =	vperm.xlane v39, v6;
	v11 =	vmul.f32 v17, v46;
	[tilespmem:s9+$0x1C230] =	vst v9  }
0xc2: {  	v48 =	vld [tilespmem:s11+$0x186C0];
	v16 =	vmul.f32 v20, v49;
	[tilespmem:s9+$0x1C240] =	vst v13;
	v50 =	vpop (erf)  }
0xc3: {  	v15 =	vmul.f32 v21, v15;
	v8 =	vld [tilespmem:s11+$0x186D0];
	[tilespmem:s9+$0x1C250] =	vst v11;
	v52 =	vperm.xlane v50, v7  }
0xc4: {  	v51 =	vld [tilespmem:s11+$0x186E0];
	[tilespmem:s9+$0x1C260] =	vst v16;
	v55 =	vperm.xlane v50, v0  }
0xc5: {  	v53 =	vld [tilespmem:s11+$0x186F0];
	[tilespmem:s9+$0x1C270] =	vst v15;
	v57 =	vperm.xlane v50, v1;
	v14 =	vmul.f32 v47, v52  }
0xc6: {  	v56 =	vld [tilespmem:s11+$0x18710];
	v58 =	vperm.xlane v50, v2;
	[tilespmem:s11+$0x1C200] =	vst v50;
	v12 =	vmul.f32 v44, v55  }
0xc7: {  	v54 =	vld [tilespmem:s11+$0x18700];
	v59 =	vperm.xlane v50, v3;
	v10 =	vmul.f32 v48, v57;
	[tilespmem:s11+$0x1C280] =	vst v14  }
0xc8: {  	v60 =	vperm.xlane v50, v4;
	v8 =	vmul.f32 v8, v58;
	[tilespmem:s11+$0x1C210] =	vst v12  }
0xc9: {  	v62 =	vperm.xlane v50, v6;
	v9 =	vmul.f32 v51, v59;
	[tilespmem:s11+$0x1C220] =	vst v10  }
0xca: {  	v61 =	vperm.xlane v50, v5;
	v13 =	vmul.f32 v53, v60;
	[tilespmem:s11+$0x1C230] =	vst v8  }
0xcb: {  	v63 =	vmul.f32 v56, v62;
	[tilespmem:s11+$0x1C240] =	vst v9  }
0xcc: {  	v8 =	vmul.f32 v54, v61;
	[tilespmem:s11+$0x1C250] =	vst v13  }
0xcd: {  	[tilespmem:s11+$0x1C270] =	vst v63  }
0xce: {  	s28 =	simm.s32 $0x16578;
	[tilespmem:s11+$0x1C260] =	vst v8  }
0xcf: {  	[tilespmem:s29], [sflag:$0x3] =	stream.indirect.gather [hbm4b:s6+s17], $0x10, s28, s17, $0xb8;
	[tilespmem:$0x1DE20] =	vst v63  }
0xd0: {  	s11 =	simm.s32 $0x0  }
0xd1: {  	[spmem:s3] =	stream.indirect.scatter.add.f32 [tilespmem:s30], [sflag:$0x5], $0x90, s23, s17, $0xb8;
	[tilespmem:$0x1DE20] =	vst v63  }
.LBB2_7:
0xd2: {  	_ =	swait.ge [sflag:s19], $0x1C20;
	s12 =	smul.u32 $0x70, s11  }
0xd3: {  	[sflag:s19] =	ssyncset.done $0x0  }
0xd4: {  	[sflag:s19] =	ssyncadd.s32 $0xFFFFE3E0;
	s2 =	sadd.s32 $0x16038, s12  }
0xd5: {  	[tilespmem:s21], [sflag:$0x2] =	stream.indirect.gather [hbm4b:s5+s17], $0x90, s2, s17, $0xb8;
	[tilespmem:$0x1DE20] =	vst v63  }
0xd6: {  	_ =	swait.ge [sflag:s31], $0x1C20  }
0xd7: {  	[sflag:s31] =	ssyncset.done $0x0  }
0xd8: {  	[sflag:s31] =	ssyncadd.s32 $0xFFFFE3E0  }
0xd9: {  	_ =	swait.ge [sflag:s22], $0x320  }
0xda: {  	[sflag:s22] =	ssyncset.done $0x0  }
0xdb: {  	s9 =	simm.s32 $0x1A2C0;
	[sflag:s22] =	ssyncadd.s32 $0xFFFFFCE0  }
0xdc: {  	s20 =	simm.s32 $0x0;
	v8 =	vld [tilespmem:s9+$0x0]  }
0xdd: {  	v9 =	vld [tilespmem:s20+$0x16A80]  }
0xde: {  	v24 =	vld [tilespmem:s20+$0x16A90]  }
0xdf: {  	v26 =	vld [tilespmem:s20+$0x16AA0]  }
0xe0: {  	v28 =	vld [tilespmem:s20+$0x16AB0]  }
0xe1: {  	v30 =	vld [tilespmem:s20+$0x16AC0]  }
0xe2: {  	v33 =	vld [tilespmem:s20+$0x16AD0];
	v8 =	vadd.f32 v8, v9  }
0xe3: {  	v23 =	vld [tilespmem:s20+$0x16AE0]  }
0xe4: {  	s13 =	simm.s32 $0x1A2D0;
	v22 =	vld [tilespmem:s20+$0x16AF0];
	v9 =	vmul.f32 $2.000000030e-01, v8  }
0xe5: {  	s4 =	simm.s32 $0x90;
	v10 =	vld [tilespmem:s13+$0x0];
	vm0 =	vge.f32 v8, $0.0e+00  }
0xe6: {  	v8 =	vsel vm0, v8, v9;
	v9 =	vld [tilespmem:s4+$0x16A80]  }
0xe7: {  	v16 =	vld [tilespmem:s4+$0x16A90];
	v8 =	vmul.f32 $1.442695020e+00, v8  }
0xe8: {  	v15 =	vld [tilespmem:s4+$0x16AA0]  }
0xe9: {  	s26 =	simm.s32 $0x1A2E0;
	v12 =	vld [tilespmem:s4+$0x16AB0];
	(erf) = vpow2.f32 v8  }
0xea: {  	s9 =	simm.s32 $0x120;
	v20 =	vld [tilespmem:s26+$0x0]  }
0xeb: {  	v21 =	vld [tilespmem:s9+$0x16A80];
	v8 =	vadd.f32 v10, v9  }
0xec: {  	v13 =	vld [tilespmem:s4+$0x16AC0]  }
0xed: {  	v14 =	vld [tilespmem:s4+$0x16AD0];
	v10 =	vmul.f32 $2.000000030e-01, v8  }
0xee: {  	v11 =	vld [tilespmem:s4+$0x16AE0];
	vm14 =	vge.f32 v8, $0.0e+00  }
0xef: {  	v17 =	vld [tilespmem:s20+$0x16B00];
	v8 =	vsel vm14, v8, v10  }
0xf0: {  	v19 =	vld [tilespmem:s9+$0x16AB0];
	v36 =	vadd.f32 v20, v21;
	v18 =	vmul.f32 $1.442695020e+00, v8  }
0xf1: {  	v20 =	vld [tilespmem:s9+$0x16AE0]  }
0xf2: {  	v21 =	vld [tilespmem:s9+$0x16AF0];
	v63 =	vmul.f32 $2.000000030e-01, v36;
	v29 =	vpop (erf);
	(erf) = vpow2.f32 v18  }
0xf3: {  	v9 =	vld [tilespmem:s4+$0x16AF0];
	v25 =	vperm.xlane v29, v7;
	v31 =	vperm.xlane v29, v0  }
0xf4: {  	v10 =	vld [tilespmem:s9+$0x16A90];
	v32 =	vperm.xlane v29, v1;
	v34 =	vperm.xlane v29, v2  }
0xf5: {  	v8 =	vld [tilespmem:s9+$0x16AA0];
	v37 =	vperm.xlane v29, v3;
	v38 =	vperm.xlane v29, v4  }
0xf6: {  	v18 =	vld [tilespmem:s9+$0x16AC0];
	v27 =	vperm.xlane v29, v5;
	v35 =	vmul.f32 v17, v25  }
0xf7: {  	[tilespmem:s20+$0x1A5E0] =	vst v29;
	v17 =	vld [tilespmem:s9+$0x16AD0];
	v25 =	vperm.xlane v29, v6;
	v39 =	vmul.f32 v24, v31  }
0xf8: {  	s26 =	simm.s32 $0x1A2F0;
	vm15 =	vge.f32 v36, $0.0e+00;
	v24 =	vld [tilespmem:s4+$0x16B00];
	v31 =	vmul.f32 v26, v32;
	v29 =	vmul.f32 v28, v34;
	[tilespmem:s20+$0x1A660] =	vst v35  }
0xf9: {  	s28 =	simm.s32 $0x900;
	s2 =	simm.s32 $0x1B0;
	s13 =	sadd.s32 $0xA8, s12;
	v26 =	vld [tilespmem:s26+$0x0];
	v32 =	vsel vm15, v36, v63;
	v30 =	vmul.f32 v30, v37;
	v28 =	vmul.f32 v33, v38;
	[tilespmem:s20+$0x1A5F0] =	vst v39  }
.LBB2_8:
0xfa: {  	p0 =	sne.s32 s28, $0x6E40;
	v33 =	vld [tilespmem:s2+$0x16A80];
	v32 =	vmul.f32 $1.442695020e+00, v32;
	[tilespmem:s20+$0x1A600] =	vst v31;
	v27 =	vmul.f32 v23, v27;
	v34 =	vmovc v12;
	v12 =	vmovc v19;
	v35 =	vmov v13  }
0xfb: {  	v25 =	vmul.f32 v22, v25;
	v13 =	vmov v18;
	v37 =	vmov v14;
	v31 =	vld [tilespmem:s2+$0x16A90];
	v36 =	vpop (erf);
	[tilespmem:s20+$0x1A610] =	vst v29  }
0xfc: {  	v14 =	vmovc v17;
	v23 =	vmovc v11;
	v11 =	vmov v20;
	v38 =	vld [tilespmem:s2+$0x16AA0];
	(erf) = vpow2.f32 v32;
	v29 =	vperm.xlane v36, v7;
	[tilespmem:s20+$0x1A620] =	vst v30  }
0xfd: {  	v22 =	vmovc v9;
	v30 =	vperm.xlane v36, v0;
	v32 =	vperm.xlane v36, v1;
	v9 =	vmov v21;
	v19 =	vld [tilespmem:s2+$0x16AB0];
	[tilespmem:s20+$0x1A630] =	vst v28  }
0xfe: {  	v28 =	vperm.xlane v36, v2;
	v18 =	vld [tilespmem:s2+$0x16AC0];
	v21 =	vmul.f32 v24, v29;
	[tilespmem:s20+$0x1A640] =	vst v27  }
.Ltmp2:
0xff: {  	v39 =	vperm.xlane v36, v3;
	v40 =	vperm.xlane v36, v4;
	v33 =	vadd.f32 v26, v33;
	v17 =	vld [tilespmem:s2+$0x16AD0];
	[tilespmem:s20+$0x1A650] =	vst v25;
	s20 =	smov.u32 s4;
	s4 =	smov.u32 s9;
	(pc) =	sbr.rel @p0 .LBB2_8-.Ltmp2, $4  }
0x100: {  	v27 =	vperm.xlane v36, v5;
	v25 =	vperm.xlane v36, v6;
	s9 =	smov.u32 s2;
	v20 =	vld [tilespmem:s2+$0x16AE0];
	[tilespmem:s20+$0x1A660] =	vst v21  }
0x101: {  	v30 =	vmul.f32 v16, v30;
	v16 =	vmovc v10;
	v10 =	vmov v31;
	v41 =	vmul.f32 $2.000000030e-01, v33;
	v21 =	vld [tilespmem:s9+$0x16AF0];
	[tilespmem:s20+$0x1A5E0] =	vst v36  }
0x102: {  	s26 =	sadd.s32 $0x10, s26;
	v29 =	vmul.f32 v34, v28;
	v31 =	vmul.f32 v15, v32;
	v15 =	vmovc v8;
	vm0 =	vge.f32 v33, $0.0e+00;
	v8 =	vmovc v38;
	v24 =	vld [tilespmem:s4+$0x16B00]  }
0x103: {  	v28 =	vmul.f32 v37, v40;
	s2 =	sshra.s32 s28, $0x2;
	s28 =	sadd.s32 $0x240, s28;
	v26 =	vld [tilespmem:s26+$0x0];
	v32 =	vsel vm0, v33, v41;
	[tilespmem:s20+$0x1A5F0] =	vst v30;
	v30 =	vmul.f32 v35, v39  }
0x104: {  	v33 =	vld [tilespmem:s2+$0x16A80]  }
0x105: {  	v32 =	vmul.f32 $1.442695020e+00, v32;
	[tilespmem:s20+$0x1A600] =	vst v31  }
0x106: {  	v23 =	vmul.f32 v23, v27;
	[tilespmem:s20+$0x1A610] =	vst v29  }
0x107: {  	v22 =	vmul.f32 v22, v25;
	v27 =	vpop (erf);
	[tilespmem:s20+$0x1A620] =	vst v30;
	(erf) = vpow2.f32 v32  }
0x108: {  	[tilespmem:s20+$0x1A630] =	vst v28;
	v25 =	vperm.xlane v27, v7;
	v29 =	vperm.xlane v27, v0  }
0x109: {  	v30 =	vperm.xlane v27, v1;
	v28 =	vperm.xlane v27, v2;
	[tilespmem:s20+$0x1A640] =	vst v23;
	v26 =	vadd.f32 v26, v33  }
0x10a: {  	v23 =	vperm.xlane v27, v3;
	[tilespmem:s20+$0x1A650] =	vst v22;
	v24 =	vmul.f32 v24, v25  }
0x10b: {  	[tilespmem:s4+$0x1A5E0] =	vst v27;
	v16 =	vmul.f32 v16, v29;
	v22 =	vmul.f32 $2.000000030e-01, v26  }
0x10c: {  	v25 =	vperm.xlane v27, v4;
	v15 =	vmul.f32 v15, v30;
	[tilespmem:s4+$0x1A660] =	vst v24;
	vm0 =	vge.f32 v26, $0.0e+00  }
0x10d: {  	v12 =	vmul.f32 v12, v28;
	v24 =	vperm.xlane v27, v5;
	[tilespmem:s4+$0x1A5F0] =	vst v16;
	v22 =	vsel vm0, v26, v22  }
0x10e: {  	v13 =	vmul.f32 v13, v23;
	[tilespmem:s4+$0x1A600] =	vst v15;
	v26 =	vld [tilespmem:s9+$0x16B00];
	v16 =	vmul.f32 $1.442695020e+00, v22  }
0x10f: {  	v14 =	vmul.f32 v14, v25;
	[tilespmem:s4+$0x1A610] =	vst v12;
	v11 =	vmul.f32 v11, v24  }
0x110: {  	[tilespmem:s4+$0x1A620] =	vst v13;
	v22 =	vperm.xlane v27, v6;
	v15 =	vpop (erf);
	(erf) = vpow2.f32 v16  }
0x111: {  	[tilespmem:s4+$0x1A630] =	vst v14;
	v12 =	vperm.xlane v15, v7  }
0x112: {  	[tilespmem:s4+$0x1A640] =	vst v11;
	v9 =	vmul.f32 v9, v22;
	v13 =	vperm.xlane v15, v0  }
0x113: {  	v11 =	vperm.xlane v15, v1;
	[tilespmem:s9+$0x1A5E0] =	vst v15;
	v12 =	vmul.f32 v26, v12  }
0x114: {  	v16 =	vperm.xlane v15, v5;
	[tilespmem:s4+$0x1A650] =	vst v9;
	v10 =	vmul.f32 v10, v13  }
0x115: {  	v9 =	vperm.xlane v15, v2;
	v8 =	vmul.f32 v8, v11;
	[tilespmem:s9+$0x1A660] =	vst v12  }
0x116: {  	v13 =	vperm.xlane v15, v3;
	v16 =	vmul.f32 v20, v16;
	[tilespmem:s9+$0x1A5F0] =	vst v10  }
0x117: {  	v14 =	vld [tilespmem:s2+$0x16B00];
	v11 =	vperm.xlane v15, v4;
	v9 =	vmul.f32 v19, v9;
	[tilespmem:s9+$0x1A600] =	vst v8  }
0x118: {  	v15 =	vperm.xlane v15, v6;
	v12 =	vld [tilespmem:s2+$0x16A90];
	v13 =	vmul.f32 v18, v13;
	[tilespmem:s9+$0x1A640] =	vst v16  }
0x119: {  	v8 =	vld [tilespmem:s2+$0x16AB0];
	v11 =	vmul.f32 v17, v11;
	[tilespmem:s9+$0x1A610] =	vst v9;
	v17 =	vpop (erf)  }
0x11a: {  	v10 =	vld [tilespmem:s2+$0x16AA0];
	v15 =	vmul.f32 v21, v15;
	[tilespmem:s9+$0x1A620] =	vst v13;
	v18 =	vperm.xlane v17, v7  }
0x11b: {  	v9 =	vld [tilespmem:s2+$0x16AC0];
	[tilespmem:s9+$0x1A630] =	vst v11;
	v19 =	vperm.xlane v17, v0  }
0x11c: {  	v13 =	vld [tilespmem:s2+$0x16AD0];
	[tilespmem:s9+$0x1A650] =	vst v15;
	v15 =	vperm.xlane v17, v2;
	v14 =	vmul.f32 v14, v18  }
0x11d: {  	v11 =	vld [tilespmem:s2+$0x16AE0];
	[tilespmem:s2+$0x1A5E0] =	vst v17;
	v18 =	vperm.xlane v17, v1;
	v12 =	vmul.f32 v12, v19  }
0x11e: {  	v16 =	vld [tilespmem:s2+$0x16AF0];
	v8 =	vmul.f32 v8, v15;
	[tilespmem:s2+$0x1A660] =	vst v14;
	v14 =	vperm.xlane v17, v3  }
0x11f: {  	v10 =	vmul.f32 v10, v18;
	v18 =	vperm.xlane v17, v4;
	[tilespmem:s2+$0x1A5F0] =	vst v12  }
0x120: {  	v12 =	vperm.xlane v17, v5;
	[tilespmem:s2+$0x1A610] =	vst v8;
	v9 =	vmul.f32 v9, v14  }
0x121: {  	[tilespmem:s2+$0x1A600] =	vst v10;
	v10 =	vperm.xlane v17, v6;
	v13 =	vmul.f32 v13, v18  }
0x122: {  	v8 =	vmul.f32 v11, v12;
	[tilespmem:s2+$0x1A620] =	vst v9  }
0x123: {  	s20 =	smul.u32 $0x1C0, s11;
	v9 =	vmul.f32 v16, v10;
	[tilespmem:s2+$0x1A630] =	vst v13  }
0x124: {  	[tilespmem:s2+$0x1A640] =	vst v8  }
0x125: {  	s4 =	sshra.s32 s20, $0x2;
	s9 =	sadd.s32 $0x16508, s13;
	s13 =	simm.s32 $0x1A2C0;
	[tilespmem:s2+$0x1A650] =	vst v9  }
0x126: {  	[tilespmem:s13], [sflag:$0x3] =	stream.indirect.gather [hbm4b:s6+s17], $0x10, s9, s17, $0xb8;
	[tilespmem:$0x1DE20] =	vst v63  }
0x127: {  	s4 =	sadd.s32 $0x16578, s4  }
0x128: {  	[spmem:s3] =	stream.indirect.scatter.add.f32 [tilespmem:s24], [sflag:$0x4], $0x90, s4, s17, $0xb8;
	[tilespmem:$0x1DE20] =	vst v63  }
0x129: {  	_ =	swait.ge [sflag:s25], $0x1C20  }
0x12a: {  	[sflag:s25] =	ssyncset.done $0x0  }
0x12b: {  	s26 =	sadd.s32 $0x16070, s12;
	[sflag:s25] =	ssyncadd.s32 $0xFFFFE3E0  }
0x12c: {  	[tilespmem:s18], [sflag:$0x1] =	stream.indirect.gather [hbm4b:s5+s17], $0x90, s26, s17, $0xb8;
	[tilespmem:$0x1DE20] =	vst v63  }
0x12d: {  	_ =	swait.ge [sflag:s0], $0x1C20  }
0x12e: {  	[sflag:s0] =	ssyncset.done $0x0  }
0x12f: {  	[sflag:s0] =	ssyncadd.s32 $0xFFFFE3E0  }
0x130: {  	_ =	swait.ge [sflag:s22], $0x320  }
0x131: {  	[sflag:s22] =	ssyncset.done $0x0  }
0x132: {  	[sflag:s22] =	ssyncadd.s32 $0xFFFFFCE0  }
0x133: {  	s20 =	simm.s32 $0x0;
	v8 =	vld [tilespmem:s13+$0x0]  }
0x134: {  	v9 =	vld [tilespmem:s20+$0x186A0]  }
0x135: {  	v24 =	vld [tilespmem:s20+$0x186B0]  }
0x136: {  	v26 =	vld [tilespmem:s20+$0x186C0]  }
0x137: {  	v28 =	vld [tilespmem:s20+$0x186D0]  }
0x138: {  	v30 =	vld [tilespmem:s20+$0x186E0]  }
0x139: {  	v61 =	vld [tilespmem:s20+$0x186F0];
	v8 =	vadd.f32 v8, v9  }
0x13a: {  	v23 =	vld [tilespmem:s20+$0x18700]  }
0x13b: {  	v22 =	vld [tilespmem:s20+$0x18710];
	s13 =	simm.s32 $0x1A2D0;
	v9 =	vmul.f32 $2.000000030e-01, v8  }
0x13c: {  	s4 =	simm.s32 $0x90;
	v10 =	vld [tilespmem:s13+$0x0];
	vm13 =	vge.f32 v8, $0.0e+00  }
0x13d: {  	v8 =	vsel vm13, v8, v9;
	v9 =	vld [tilespmem:s4+$0x186A0]  }
0x13e: {  	v16 =	vld [tilespmem:s4+$0x186B0];
	v8 =	vmul.f32 $1.442695020e+00, v8  }
0x13f: {  	v15 =	vld [tilespmem:s4+$0x186C0]  }
0x140: {  	s26 =	simm.s32 $0x1A2E0;
	v12 =	vld [tilespmem:s4+$0x186D0];
	(erf) = vpow2.f32 v8  }
0x141: {  	v20 =	vld [tilespmem:s26+$0x0];
	s13 =	simm.s32 $0x120  }
0x142: {  	v21 =	vld [tilespmem:s13+$0x186A0];
	v8 =	vadd.f32 v10, v9  }
0x143: {  	v13 =	vld [tilespmem:s4+$0x186E0]  }
0x144: {  	v14 =	vld [tilespmem:s4+$0x186F0];
	v10 =	vmul.f32 $2.000000030e-01, v8  }
0x145: {  	v11 =	vld [tilespmem:s4+$0x18700];
	vm14 =	vge.f32 v8, $0.0e+00  }
0x146: {  	v17 =	vld [tilespmem:s20+$0x18720];
	v8 =	vsel vm14, v8, v10  }
0x147: {  	v19 =	vld [tilespmem:s13+$0x186D0];
	v36 =	vadd.f32 v20, v21;
	v18 =	vmul.f32 $1.442695020e+00, v8  }
0x148: {  	v20 =	vld [tilespmem:s13+$0x18700]  }
0x149: {  	v21 =	vld [tilespmem:s13+$0x18710];
	v63 =	vmul.f32 $2.000000030e-01, v36;
	v29 =	vpop (erf);
	(erf) = vpow2.f32 v18  }
0x14a: {  	v9 =	vld [tilespmem:s4+$0x18710];
	v25 =	vperm.xlane v29, v7;
	v31 =	vperm.xlane v29, v0  }
0x14b: {  	v10 =	vld [tilespmem:s13+$0x186B0];
	v62 =	vperm.xlane v29, v1;
	v34 =	vperm.xlane v29, v2  }
0x14c: {  	v8 =	vld [tilespmem:s13+$0x186C0];
	v37 =	vperm.xlane v29, v3;
	v38 =	vperm.xlane v29, v4  }
0x14d: {  	v18 =	vld [tilespmem:s13+$0x186E0];
	v27 =	vperm.xlane v29, v5;
	v35 =	vmul.f32 v17, v25  }
0x14e: {  	[tilespmem:s20+$0x1C200] =	vst v29;
	v17 =	vld [tilespmem:s13+$0x186F0];
	v25 =	vperm.xlane v29, v6;
	v39 =	vmul.f32 v24, v31  }
0x14f: {  	s26 =	simm.s32 $0x1A2F0;
	vm15 =	vge.f32 v36, $0.0e+00;
	v24 =	vld [tilespmem:s4+$0x18720];
	v31 =	vmul.f32 v26, v62;
	v29 =	vmul.f32 v28, v34;
	[tilespmem:s20+$0x1C280] =	vst v35  }
0x150: {  	s12 =	sadd.s32 $0xE0, s12;
	s28 =	simm.s32 $0x900;
	s2 =	simm.s32 $0x1B0;
	v32 =	vsel vm15, v36, v63;
	v26 =	vld [tilespmem:s26+$0x0];
	v30 =	vmul.f32 v30, v37;
	v28 =	vmul.f32 v61, v38;
	[tilespmem:s20+$0x1C210] =	vst v39  }
.LBB2_10:
0x151: {  	p0 =	sne.s32 s28, $0x6E40;
	v33 =	vld [tilespmem:s2+$0x186A0];
	v32 =	vmul.f32 $1.442695020e+00, v32;
	[tilespmem:s20+$0x1C220] =	vst v31;
	v27 =	vmul.f32 v23, v27;
	v34 =	vmovc v12;
	v12 =	vmovc v19;
	v35 =	vmov v13  }
0x152: {  	v25 =	vmul.f32 v22, v25;
	v13 =	vmov v18;
	v37 =	vmov v14;
	v31 =	vld [tilespmem:s2+$0x186B0];
	v36 =	vpop (erf);
	[tilespmem:s20+$0x1C230] =	vst v29  }
0x153: {  	v14 =	vmovc v17;
	v23 =	vmovc v11;
	v11 =	vmov v20;
	v38 =	vld [tilespmem:s2+$0x186C0];
	(erf) = vpow2.f32 v32;
	v29 =	vperm.xlane v36, v7;
	[tilespmem:s20+$0x1C240] =	vst v30  }
0x154: {  	v22 =	vmovc v9;
	v30 =	vperm.xlane v36, v0;
	v32 =	vperm.xlane v36, v1;
	v9 =	vmov v21;
	v19 =	vld [tilespmem:s2+$0x186D0];
	[tilespmem:s20+$0x1C250] =	vst v28  }
0x155: {  	v28 =	vperm.xlane v36, v2;
	v18 =	vld [tilespmem:s2+$0x186E0];
	v21 =	vmul.f32 v24, v29;
	[tilespmem:s20+$0x1C260] =	vst v27  }
.Ltmp3:
0x156: {  	v39 =	vperm.xlane v36, v3;
	v40 =	vperm.xlane v36, v4;
	v33 =	vadd.f32 v26, v33;
	v17 =	vld [tilespmem:s2+$0x186F0];
	[tilespmem:s20+$0x1C270] =	vst v25;
	s20 =	smov.u32 s4;
	s4 =	smov.u32 s13;
	(pc) =	sbr.rel @p0 .LBB2_10-.Ltmp3, $4  }
0x157: {  	v27 =	vperm.xlane v36, v5;
	v25 =	vperm.xlane v36, v6;
	s13 =	smov.u32 s2;
	v20 =	vld [tilespmem:s2+$0x18700];
	[tilespmem:s20+$0x1C280] =	vst v21  }
0x158: {  	v30 =	vmul.f32 v16, v30;
	v16 =	vmovc v10;
	v10 =	vmov v31;
	v41 =	vmul.f32 $2.000000030e-01, v33;
	v21 =	vld [tilespmem:s13+$0x18710];
	[tilespmem:s20+$0x1C200] =	vst v36  }
0x159: {  	s26 =	sadd.s32 $0x10, s26;
	v29 =	vmul.f32 v34, v28;
	v31 =	vmul.f32 v15, v32;
	v15 =	vmovc v8;
	vm0 =	vge.f32 v33, $0.0e+00;
	v8 =	vmovc v38;
	v24 =	vld [tilespmem:s4+$0x18720]  }
0x15a: {  	v28 =	vmul.f32 v37, v40;
	s2 =	sshra.s32 s28, $0x2;
	s28 =	sadd.s32 $0x240, s28;
	v26 =	vld [tilespmem:s26+$0x0];
	v32 =	vsel vm0, v33, v41;
	[tilespmem:s20+$0x1C210] =	vst v30;
	v30 =	vmul.f32 v35, v39  }
0x15b: {  	v33 =	vld [tilespmem:s2+$0x186A0]  }
0x15c: {  	v32 =	vmul.f32 $1.442695020e+00, v32;
	[tilespmem:s20+$0x1C220] =	vst v31  }
0x15d: {  	v23 =	vmul.f32 v23, v27;
	[tilespmem:s20+$0x1C230] =	vst v29  }
0x15e: {  	v22 =	vmul.f32 v22, v25;
	v59 =	vpop (erf);
	[tilespmem:s20+$0x1C240] =	vst v30;
	(erf) = vpow2.f32 v32  }
0x15f: {  	[tilespmem:s20+$0x1C250] =	vst v28;
	v60 =	vperm.xlane v59, v7;
	v61 =	vperm.xlane v59, v0  }
0x160: {  	v62 =	vperm.xlane v59, v1;
	v63 =	vperm.xlane v59, v2;
	[tilespmem:s20+$0x1C260] =	vst v23;
	v26 =	vadd.f32 v26, v33  }
0x161: {  	v32 =	vperm.xlane v59, v3;
	[tilespmem:s20+$0x1C270] =	vst v22;
	v24 =	vmul.f32 v24, v60  }
0x162: {  	[tilespmem:s4+$0x1C200] =	vst v59;
	v16 =	vmul.f32 v16, v61;
	v33 =	vmul.f32 $2.000000030e-01, v26  }
0x163: {  	v34 =	vperm.xlane v59, v4;
	v15 =	vmul.f32 v15, v62;
	[tilespmem:s4+$0x1C280] =	vst v24;
	vm0 =	vge.f32 v26, $0.0e+00  }
0x164: {  	v35 =	vperm.xlane v59, v5;
	v12 =	vmul.f32 v12, v63;
	[tilespmem:s4+$0x1C210] =	vst v16;
	v22 =	vsel vm0, v26, v33  }
0x165: {  	v36 =	vld [tilespmem:s13+$0x18720];
	v13 =	vmul.f32 v13, v32;
	[tilespmem:s4+$0x1C220] =	vst v15;
	v37 =	vmul.f32 $1.442695020e+00, v22  }
0x166: {  	v38 =	vperm.xlane v59, v6;
	v14 =	vmul.f32 v14, v34;
	[tilespmem:s4+$0x1C230] =	vst v12  }
0x167: {  	v11 =	vmul.f32 v11, v35;
	[tilespmem:s4+$0x1C240] =	vst v13;
	v39 =	vpop (erf);
	(erf) = vpow2.f32 v37  }
0x168: {  	v9 =	vmul.f32 v9, v38;
	[tilespmem:s4+$0x1C250] =	vst v14;
	v40 =	vperm.xlane v39, v7  }
0x169: {  	[tilespmem:s4+$0x1C260] =	vst v11;
	v41 =	vperm.xlane v39, v0  }
0x16a: {  	[tilespmem:s4+$0x1C270] =	vst v9;
	v42 =	vperm.xlane v39, v1;
	v12 =	vmul.f32 v36, v40  }
0x16b: {  	v43 =	vperm.xlane v39, v2;
	[tilespmem:s13+$0x1C200] =	vst v39;
	v10 =	vmul.f32 v10, v41  }
0x16c: {  	v45 =	vperm.xlane v39, v3;
	v8 =	vmul.f32 v8, v42;
	[tilespmem:s13+$0x1C280] =	vst v12  }
0x16d: {  	v46 =	vperm.xlane v39, v4;
	v9 =	vmul.f32 v19, v43;
	[tilespmem:s13+$0x1C210] =	vst v10  }
0x16e: {  	v47 =	vld [tilespmem:s2+$0x18720];
	v49 =	vperm.xlane v39, v5;
	v13 =	vmul.f32 v18, v45;
	[tilespmem:s13+$0x1C220] =	vst v8  }
0x16f: {  	v44 =	vld [tilespmem:s2+$0x186B0];
	v15 =	vperm.xlane v39, v6;
	v11 =	vmul.f32 v17, v46;
	[tilespmem:s13+$0x1C230] =	vst v9  }
0x170: {  	v48 =	vld [tilespmem:s2+$0x186C0];
	v16 =	vmul.f32 v20, v49;
	[tilespmem:s13+$0x1C240] =	vst v13;
	v50 =	vpop (erf)  }
0x171: {  	v15 =	vmul.f32 v21, v15;
	v8 =	vld [tilespmem:s2+$0x186D0];
	[tilespmem:s13+$0x1C250] =	vst v11;
	v52 =	vperm.xlane v50, v7  }
0x172: {  	v51 =	vld [tilespmem:s2+$0x186E0];
	[tilespmem:s13+$0x1C260] =	vst v16;
	v55 =	vperm.xlane v50, v0  }
0x173: {  	v53 =	vld [tilespmem:s2+$0x186F0];
	[tilespmem:s13+$0x1C270] =	vst v15;
	v57 =	vperm.xlane v50, v1;
	v14 =	vmul.f32 v47, v52  }
0x174: {  	v56 =	vld [tilespmem:s2+$0x18710];
	v58 =	vperm.xlane v50, v2;
	[tilespmem:s2+$0x1C200] =	vst v50;
	v12 =	vmul.f32 v44, v55  }
0x175: {  	v54 =	vld [tilespmem:s2+$0x18700];
	v59 =	vperm.xlane v50, v3;
	v10 =	vmul.f32 v48, v57;
	[tilespmem:s2+$0x1C280] =	vst v14  }
0x176: {  	v60 =	vperm.xlane v50, v4;
	v8 =	vmul.f32 v8, v58;
	[tilespmem:s2+$0x1C210] =	vst v12  }
0x177: {  	v62 =	vperm.xlane v50, v6;
	v9 =	vmul.f32 v51, v59;
	[tilespmem:s2+$0x1C220] =	vst v10  }
0x178: {  	v61 =	vperm.xlane v50, v5;
	v13 =	vmul.f32 v53, v60;
	[tilespmem:s2+$0x1C230] =	vst v8  }
0x179: {  	s11 =	sadd.s32 $0x1, s11;
	v63 =	vmul.f32 v56, v62;
	[tilespmem:s2+$0x1C240] =	vst v9  }
0x17a: {  	p0 =	sne.s32 s11, $0xB;
	v8 =	vmul.f32 v54, v61;
	[tilespmem:s2+$0x1C250] =	vst v13  }
.Ltmp4:
0x17b: {  	[tilespmem:s2+$0x1C270] =	vst v63;
	(pc) =	sbr.rel @p0 .LBB2_7-.Ltmp4, $4  }
0x17c: {  	s28 =	sadd.s32 $0x16508, s12;
	[tilespmem:s2+$0x1C260] =	vst v8  }
0x17d: {  	[tilespmem:s29], [sflag:$0x3] =	stream.indirect.gather [hbm4b:s6+s17], $0x10, s28, s17, $0xb8;
	[tilespmem:$0x1DE20] =	vst v63  }
0x17e: {  	_ = 	snop  }
0x17f: {  	[spmem:s3] =	stream.indirect.scatter.add.f32 [tilespmem:s30], [sflag:$0x5], $0x90, s9, s17, $0xb8;
	[tilespmem:$0x1DE20] =	vst v63  }
0x180: {  	_ =	swait.ge [sflag:s19], $0x1C20  }
0x181: {  	[sflag:s19] =	ssyncset.done $0x0  }
0x182: {  	[sflag:s19] =	ssyncadd.s32 $0xFFFFE3E0  }
0x183: {  	_ =	swait.ge [sflag:s31], $0x1C20  }
0x184: {  	[sflag:s31] =	ssyncset.done $0x0  }
0x185: {  	[sflag:s31] =	ssyncadd.s32 $0xFFFFE3E0  }
0x186: {  	_ =	swait.ge [sflag:s22], $0x320  }
0x187: {  	[sflag:s22] =	ssyncset.done $0x0  }
0x188: {  	s2 =	simm.s32 $0x1A2C0;
	[sflag:s22] =	ssyncadd.s32 $0xFFFFFCE0  }
0x189: {  	s11 =	simm.s32 $0x0;
	v8 =	vld [tilespmem:s2+$0x0]  }
0x18a: {  	v9 =	vld [tilespmem:s11+$0x16A80]  }
0x18b: {  	v24 =	vld [tilespmem:s11+$0x16A90]  }
0x18c: {  	v26 =	vld [tilespmem:s11+$0x16AA0]  }
0x18d: {  	v28 =	vld [tilespmem:s11+$0x16AB0]  }
0x18e: {  	v30 =	vld [tilespmem:s11+$0x16AC0]  }
0x18f: {  	v33 =	vld [tilespmem:s11+$0x16AD0];
	v8 =	vadd.f32 v8, v9  }
0x190: {  	v23 =	vld [tilespmem:s11+$0x16AE0]  }
0x191: {  	s26 =	simm.s32 $0x1A2D0;
	v22 =	vld [tilespmem:s11+$0x16AF0];
	v9 =	vmul.f32 $2.000000030e-01, v8  }
0x192: {  	s4 =	simm.s32 $0x90;
	v10 =	vld [tilespmem:s26+$0x0];
	vm0 =	vge.f32 v8, $0.0e+00  }
0x193: {  	v8 =	vsel vm0, v8, v9;
	v9 =	vld [tilespmem:s4+$0x16A80]  }
0x194: {  	v16 =	vld [tilespmem:s4+$0x16A90];
	v8 =	vmul.f32 $1.442695020e+00, v8  }
0x195: {  	v15 =	vld [tilespmem:s4+$0x16AA0]  }
0x196: {  	s28 =	simm.s32 $0x1A2E0;
	v12 =	vld [tilespmem:s4+$0x16AB0];
	(erf) = vpow2.f32 v8  }
0x197: {  	s9 =	simm.s32 $0x120;
	v20 =	vld [tilespmem:s28+$0x0]  }
0x198: {  	v21 =	vld [tilespmem:s9+$0x16A80];
	v8 =	vadd.f32 v10, v9  }
0x199: {  	v13 =	vld [tilespmem:s4+$0x16AC0]  }
0x19a: {  	v14 =	vld [tilespmem:s4+$0x16AD0];
	v10 =	vmul.f32 $2.000000030e-01, v8  }
0x19b: {  	v11 =	vld [tilespmem:s4+$0x16AE0];
	vm14 =	vge.f32 v8, $0.0e+00  }
0x19c: {  	v17 =	vld [tilespmem:s11+$0x16B00];
	v8 =	vsel vm14, v8, v10  }
0x19d: {  	v19 =	vld [tilespmem:s9+$0x16AB0];
	v36 =	vadd.f32 v20, v21;
	v18 =	vmul.f32 $1.442695020e+00, v8  }
0x19e: {  	v20 =	vld [tilespmem:s9+$0x16AE0]  }
0x19f: {  	v21 =	vld [tilespmem:s9+$0x16AF0];
	v63 =	vmul.f32 $2.000000030e-01, v36;
	v29 =	vpop (erf);
	(erf) = vpow2.f32 v18  }
0x1a0: {  	v9 =	vld [tilespmem:s4+$0x16AF0];
	v25 =	vperm.xlane v29, v7;
	v31 =	vperm.xlane v29, v0  }
0x1a1: {  	v10 =	vld [tilespmem:s9+$0x16A90];
	v32 =	vperm.xlane v29, v1;
	v34 =	vperm.xlane v29, v2  }
0x1a2: {  	v8 =	vld [tilespmem:s9+$0x16AA0];
	v37 =	vperm.xlane v29, v3;
	v38 =	vperm.xlane v29, v4  }
0x1a3: {  	v18 =	vld [tilespmem:s9+$0x16AC0];
	v27 =	vperm.xlane v29, v5;
	v35 =	vmul.f32 v17, v25  }
0x1a4: {  	[tilespmem:s11+$0x1A5E0] =	vst v29;
	v17 =	vld [tilespmem:s9+$0x16AD0];
	v25 =	vperm.xlane v29, v6;
	v39 =	vmul.f32 v24, v31  }
0x1a5: {  	s12 =	simm.s32 $0x1A2F0;
	vm15 =	vge.f32 v36, $0.0e+00;
	v24 =	vld [tilespmem:s4+$0x16B00];
	v31 =	vmul.f32 v26, v32;
	v29 =	vmul.f32 v28, v34;
	[tilespmem:s11+$0x1A660] =	vst v35  }
0x1a6: {  	s13 =	simm.s32 $0x900;
	s2 =	simm.s32 $0x1B0;
	v26 =	vld [tilespmem:s12+$0x0];
	v32 =	vsel vm15, v36, v63;
	v30 =	vmul.f32 v30, v37;
	v28 =	vmul.f32 v33, v38;
	[tilespmem:s11+$0x1A5F0] =	vst v39  }
.LBB2_13:
0x1a7: {  	p0 =	sne.s32 s13, $0x6E40;
	v33 =	vld [tilespmem:s2+$0x16A80];
	v32 =	vmul.f32 $1.442695020e+00, v32;
	[tilespmem:s11+$0x1A600] =	vst v31;
	v27 =	vmul.f32 v23, v27;
	v34 =	vmovc v12;
	v12 =	vmovc v19;
	v35 =	vmov v13  }
0x1a8: {  	v25 =	vmul.f32 v22, v25;
	v13 =	vmov v18;
	v37 =	vmov v14;
	v31 =	vld [tilespmem:s2+$0x16A90];
	v36 =	vpop (erf);
	[tilespmem:s11+$0x1A610] =	vst v29  }
0x1a9: {  	v14 =	vmovc v17;
	v23 =	vmovc v11;
	v11 =	vmov v20;
	v38 =	vld [tilespmem:s2+$0x16AA0];
	(erf) = vpow2.f32 v32;
	v29 =	vperm.xlane v36, v7;
	[tilespmem:s11+$0x1A620] =	vst v30  }
0x1aa: {  	v22 =	vmovc v9;
	v30 =	vperm.xlane v36, v0;
	v32 =	vperm.xlane v36, v1;
	v9 =	vmov v21;
	v19 =	vld [tilespmem:s2+$0x16AB0];
	[tilespmem:s11+$0x1A630] =	vst v28  }
0x1ab: {  	v28 =	vperm.xlane v36, v2;
	v18 =	vld [tilespmem:s2+$0x16AC0];
	v21 =	vmul.f32 v24, v29;
	[tilespmem:s11+$0x1A640] =	vst v27  }
.Ltmp5:
0x1ac: {  	v39 =	vperm.xlane v36, v3;
	v40 =	vperm.xlane v36, v4;
	v33 =	vadd.f32 v26, v33;
	v17 =	vld [tilespmem:s2+$0x16AD0];
	[tilespmem:s11+$0x1A650] =	vst v25;
	s11 =	smov.u32 s4;
	s4 =	smov.u32 s9;
	(pc) =	sbr.rel @p0 .LBB2_13-.Ltmp5, $4  }
0x1ad: {  	v27 =	vperm.xlane v36, v5;
	v25 =	vperm.xlane v36, v6;
	s9 =	smov.u32 s2;
	v20 =	vld [tilespmem:s2+$0x16AE0];
	[tilespmem:s11+$0x1A660] =	vst v21  }
0x1ae: {  	v30 =	vmul.f32 v16, v30;
	v16 =	vmovc v10;
	v10 =	vmov v31;
	v41 =	vmul.f32 $2.000000030e-01, v33;
	v21 =	vld [tilespmem:s9+$0x16AF0];
	[tilespmem:s11+$0x1A5E0] =	vst v36  }
0x1af: {  	s12 =	sadd.s32 $0x10, s12;
	v29 =	vmul.f32 v34, v28;
	v31 =	vmul.f32 v15, v32;
	v15 =	vmovc v8;
	vm0 =	vge.f32 v33, $0.0e+00;
	v8 =	vmovc v38;
	v24 =	vld [tilespmem:s4+$0x16B00]  }
0x1b0: {  	v28 =	vmul.f32 v37, v40;
	s2 =	sshra.s32 s13, $0x2;
	s13 =	sadd.s32 $0x240, s13;
	v26 =	vld [tilespmem:s12+$0x0];
	v32 =	vsel vm0, v33, v41;
	[tilespmem:s11+$0x1A5F0] =	vst v30;
	v30 =	vmul.f32 v35, v39  }
0x1b1: {  	v33 =	vld [tilespmem:s2+$0x16A80]  }
0x1b2: {  	v32 =	vmul.f32 $1.442695020e+00, v32;
	[tilespmem:s11+$0x1A600] =	vst v31  }
0x1b3: {  	v23 =	vmul.f32 v23, v27;
	[tilespmem:s11+$0x1A610] =	vst v29  }
0x1b4: {  	v22 =	vmul.f32 v22, v25;
	v59 =	vpop (erf);
	[tilespmem:s11+$0x1A620] =	vst v30;
	(erf) = vpow2.f32 v32  }
0x1b5: {  	[tilespmem:s11+$0x1A630] =	vst v28;
	v60 =	vperm.xlane v59, v7;
	v61 =	vperm.xlane v59, v0  }
0x1b6: {  	v62 =	vperm.xlane v59, v1;
	v63 =	vperm.xlane v59, v2;
	[tilespmem:s11+$0x1A640] =	vst v23;
	v26 =	vadd.f32 v26, v33  }
0x1b7: {  	v32 =	vperm.xlane v59, v3;
	[tilespmem:s11+$0x1A650] =	vst v22;
	v24 =	vmul.f32 v24, v60  }
0x1b8: {  	[tilespmem:s4+$0x1A5E0] =	vst v59;
	v16 =	vmul.f32 v16, v61;
	v33 =	vmul.f32 $2.000000030e-01, v26  }
0x1b9: {  	v34 =	vperm.xlane v59, v4;
	v15 =	vmul.f32 v15, v62;
	[tilespmem:s4+$0x1A660] =	vst v24;
	vm0 =	vge.f32 v26, $0.0e+00  }
0x1ba: {  	v35 =	vperm.xlane v59, v5;
	v12 =	vmul.f32 v12, v63;
	[tilespmem:s4+$0x1A5F0] =	vst v16;
	v22 =	vsel vm0, v26, v33  }
0x1bb: {  	v36 =	vld [tilespmem:s9+$0x16B00];
	v13 =	vmul.f32 v13, v32;
	[tilespmem:s4+$0x1A600] =	vst v15;
	v37 =	vmul.f32 $1.442695020e+00, v22  }
0x1bc: {  	v38 =	vperm.xlane v59, v6;
	v14 =	vmul.f32 v14, v34;
	[tilespmem:s4+$0x1A610] =	vst v12  }
0x1bd: {  	v11 =	vmul.f32 v11, v35;
	[tilespmem:s4+$0x1A620] =	vst v13;
	v39 =	vpop (erf);
	(erf) = vpow2.f32 v37  }
0x1be: {  	v9 =	vmul.f32 v9, v38;
	[tilespmem:s4+$0x1A630] =	vst v14;
	v40 =	vperm.xlane v39, v7  }
0x1bf: {  	[tilespmem:s4+$0x1A640] =	vst v11;
	v41 =	vperm.xlane v39, v0  }
0x1c0: {  	[tilespmem:s4+$0x1A650] =	vst v9;
	v42 =	vperm.xlane v39, v1;
	v12 =	vmul.f32 v36, v40  }
0x1c1: {  	v43 =	vperm.xlane v39, v2;
	[tilespmem:s9+$0x1A5E0] =	vst v39;
	v10 =	vmul.f32 v10, v41  }
0x1c2: {  	v45 =	vperm.xlane v39, v3;
	v8 =	vmul.f32 v8, v42;
	[tilespmem:s9+$0x1A660] =	vst v12  }
0x1c3: {  	v46 =	vperm.xlane v39, v4;
	v9 =	vmul.f32 v19, v43;
	[tilespmem:s9+$0x1A5F0] =	vst v10  }
0x1c4: {  	v47 =	vld [tilespmem:s2+$0x16B00];
	v49 =	vperm.xlane v39, v5;
	v13 =	vmul.f32 v18, v45;
	[tilespmem:s9+$0x1A600] =	vst v8  }
0x1c5: {  	v44 =	vld [tilespmem:s2+$0x16A90];
	v15 =	vperm.xlane v39, v6;
	v11 =	vmul.f32 v17, v46;
	[tilespmem:s9+$0x1A610] =	vst v9  }
0x1c6: {  	v48 =	vld [tilespmem:s2+$0x16AA0];
	v16 =	vmul.f32 v20, v49;
	[tilespmem:s9+$0x1A620] =	vst v13;
	v50 =	vpop (erf)  }
0x1c7: {  	v15 =	vmul.f32 v21, v15;
	v8 =	vld [tilespmem:s2+$0x16AB0];
	[tilespmem:s9+$0x1A630] =	vst v11;
	v52 =	vperm.xlane v50, v7  }
0x1c8: {  	v51 =	vld [tilespmem:s2+$0x16AC0];
	[tilespmem:s9+$0x1A640] =	vst v16;
	v55 =	vperm.xlane v50, v0  }
0x1c9: {  	v53 =	vld [tilespmem:s2+$0x16AD0];
	[tilespmem:s9+$0x1A650] =	vst v15;
	v57 =	vperm.xlane v50, v1;
	v14 =	vmul.f32 v47, v52  }
0x1ca: {  	v56 =	vld [tilespmem:s2+$0x16AF0];
	v58 =	vperm.xlane v50, v2;
	[tilespmem:s2+$0x1A5E0] =	vst v50;
	v12 =	vmul.f32 v44, v55  }
0x1cb: {  	v54 =	vld [tilespmem:s2+$0x16AE0];
	v59 =	vperm.xlane v50, v3;
	v10 =	vmul.f32 v48, v57;
	[tilespmem:s2+$0x1A660] =	vst v14  }
0x1cc: {  	v60 =	vperm.xlane v50, v4;
	v8 =	vmul.f32 v8, v58;
	[tilespmem:s2+$0x1A5F0] =	vst v12  }
0x1cd: {  	v62 =	vperm.xlane v50, v6;
	v9 =	vmul.f32 v51, v59;
	[tilespmem:s2+$0x1A600] =	vst v10  }
0x1ce: {  	v61 =	vperm.xlane v50, v5;
	v13 =	vmul.f32 v53, v60;
	[tilespmem:s2+$0x1A610] =	vst v8  }
0x1cf: {  	v63 =	vmul.f32 v56, v62;
	[tilespmem:s2+$0x1A620] =	vst v9  }
0x1d0: {  	v8 =	vmul.f32 v54, v61;
	[tilespmem:s2+$0x1A630] =	vst v13  }
0x1d1: {  	[tilespmem:s2+$0x1A650] =	vst v63  }
0x1d2: {  	s8 =	sadd.s32 $0x1, s8;
	[tilespmem:s2+$0x1A640] =	vst v8  }
0x1d3: {  	[spmem:s3] =	stream.indirect.scatter.add.f32 [tilespmem:s24], [sflag:$0x4], $0x90, s1, s17, $0xb8;
	[tilespmem:$0x1DE20] =	vst v63  }
0x1d4: {  	p0 =	sne.s32 s8, $0x8;
	_ =	swait.ge [sflag:s31], $0x1C20  }
.Ltmp6:
0x1d5: {  	[sflag:s31] =	ssyncset.done $0x0;
	(pc) =	sbr.rel @p0 .LBB2_2-.Ltmp6, $4  }
0x1d6: {  	[sflag:s31] =	ssyncadd.s32 $0xFFFFE3E0  }
0x1d7: {  	_ =	swait.ge [sflag:s0], $0x1C20  }
0x1d8: {  	[sflag:s0] =	ssyncset.done $0x0  }
0x1d9: {  	[sflag:s0] =	ssyncadd.s32 $0xFFFFE3E0  }
0x1da: {  	[bflag:$0x0] =	sbarrier.arrive $0xFFFF  }
0x1db: {  	s8 =	rddreg [dreg:$0x6]  }
0x1dc: {  	s2 =	rddreg [dreg:$0x7]  }
0x1dd: {  	s4 =	rddreg [dreg:$0x9]  }
0x1de: {  	[hbm:s2], [sflag:s8] =	dma.local [spmem:s4], $0x2BF2  }
0x1df: {  	_ =	swait.ge [sflag:s14], $0x2BF2  }
0x1e0: {  	s11 =	rddreg [dreg:$0x4]  }
0x1e1: {  	s28 =	rddreg [dreg:$0x8];
	s11 =	sadd.s32 $0x1, s11  }
0x1e2: {  	p0 =	sne.s32 s11, s28  }
.Ltmp7:
0x1e3: {  	_ = 	snop;
	(pc) =	sbr.rel @p0 .LBB2_1-.Ltmp7, $3  }
0x1e4: {  	_ =	sdelay $0x1  }
0x1e5: {  	[sflag:s14] =	ssyncset.done $0x0  }
0x1e6: {  	[sflag:s14] =	ssyncadd.s32 $0xFFFFD40E  }
0x1e7: {  	_ =	sfence.sel $0x180000  }
0x1e8: {  	[bflag:$0x0] =	sbarrier.arrive $0xFFFF  }
0x1e9: {  	_ =	strace $0x9000004A  }
0x1ea: {  	s0 =	stileid.u32;
	[bflag:$0x2] =	sbarrier.arrive $0xFFFF  }
0x1eb: {  	p0 =	sne.s32 s0, $0x0;
	s0 =	rddreg [dreg:$0x3]  }
0x1ec: {  	s0 =	sadd.s32 @!p0 $0x100000, s0  }
0x1ed: {  	[sflag:s0] =	ssyncadd.tile.s32 @!p0 $0x1;
	_ =	shalt  }
.Lfunc_end2:
_tile_overlayer_lowered:
.L_overlay_start_2:
0x1ee: {  	(tag) =	ssettag $0x2  }
0x1ef: {  	s0 =	rddreg [dreg:$0x0];
	s2 =	stileid.u32  }
0x1f0: {  	s1 =	rddreg [dreg:$0x1];
	p0 =	sne.s32 s2, $0x0  }
0x1f1: {  	s3 =	rddreg [dreg:$0x2];
	[bflag:$0x3] =	sbarrier.arrive $0xFFFF;
	s2 =	simm.s32 @!p0 $0x1C06  }
0x1f2: {  	[timem:s3], [sflag:s2] =	dma.local @!p0 [hbm:s0], s1  }
0x1f3: {  	s0 =	simm.s32 @!p0 $0x6  }
0x1f4: {  	_ =	swait.ge @!p0 [sflag:s0], s1  }
0x1f5: {  	s1 =	ssub.s32 @!p0 $0x0, s1;
	[sflag:s0] =	ssyncset.done @!p0 $0x0  }
0x1f6: {  	[sflag:s0] =	ssyncadd.s32 @!p0 s1  }
0x1f7: {  	[bflag:$0x3] =	sbarrier.arrive $0xFFFF  }
0x1f8: {  	_ =	shalt  }

// kernel: kernel.14.cloned.1.call-start
scs
__scs_entry_jumppad:
0x0: {  	(pc) =	sbr.rel $0x88, $3  }
0x1: {  	(tag) =	ssettag $0x0;
	lr =	simm.s32 $0x1  }
0x2: {  	[smem:$0x3F95] =	sst lr;
	_ =	strace $0xD0000000  }
0x3: {  	_ = 	snop  }
0x4: {  	_ = 	snop  }
0x5: {  	_ = 	snop  }
0x6: {  	_ = 	snop  }
0x7: {  	_ = 	snop  }
__scs_overlays_trampoline_lowered:
0x8: {  	[smem:$0x3FA4] =	sst s0  }
0x9: {  	[smem:$0x3FA5] =	sst s1  }
0xa: {  	[smem:$0x3FA6] =	sst s2  }
0xb: {  	[smem:$0x3FA7] =	sst s3  }
0xc: {  	[smem:$0x3FA8] =	sst s4  }
0xd: {  	[smem:$0x3FA9] =	sst s5  }
0xe: {  	[smem:$0x3FAA] =	sst s6  }
0xf: {  	[smem:$0x3FAB] =	sst s7  }
0x10: {  	[smem:$0x3FAC] =	sst s8  }
0x11: {  	[smem:$0x3FAD] =	sst s9;
	s0 =	simm.s32 @!p0 $0x0  }
0x12: {  	s1 =	sld [smem:$0x3F93];
	s0 =	simm.s32 @p0 $0x1  }
0x13: {  	[smem:$0x3FAE] =	sst s0;
	s0 =	simm.s32 @!p1 $0x0  }
0x14: {  	s2 =	sld [smem:$0x3F92];
	s0 =	simm.s32 @p1 $0x1  }
0x15: {  	[smem:$0x3FAF] =	sst s0;
	s0 =	simm.s32 @!p2 $0x0  }
0x16: {  	s3 =	sld [smem:$0x3FDB];
	s0 =	simm.s32 @p2 $0x1  }
0x17: {  	s4 =	simm.s32 $0x1BF5;
	[smem:$0x3FB1] =	sst s0  }
0x18: {  	s0 =	sld [smem:$0x3F94];
	_ =	swait.ge [sflag:s4], $0x0  }
0x19: {  	s7 =	sld [smem:$0x3F95]  }
0x1a: {  	s8 =	sadd.s32 $0xFFFFE003, lr  }
0x1b: {  	s9 =	sadd.s32 $0xFFFFFEF7, lr;
	s5 =	simm.s32 $0xFFFFFFFF;
	p2 =	slt.u32 s8, $0xFFFFF086  }
0x1c: {  	p1 =	slt.u32 s9, $0xF7A;
	s5 =	simm.s32 @!p2 $0x0  }
0x1d: {  	s5 =	simm.s32 @p1 $0x1;
	p0 =	seq.s32 s7, s2  }
0x1e: {  	s7 =	smul.u32 @!p0 $0xF7A, s2;
	p2 =	seq.s32 @!p0 s5, $0x0  }
0x1f: {  	s9 =	smul.u32 $0xF7A, s1;
	s8 =	simm.s32 @!p0 $0x1BF5;
	p2 =	por !p2, p0  }
0x20: {  	[sflag:s8] =	ssyncset.s32 @!p0 $0xFFFFF086;
	s6 =	sadd.s32 @!p0 s3, s7;
	s7 =	simm.s32 @!p0 $0x108  }
0x21: {  	s3 =	sadd.s32 s3, s9;
	s6 =	sadd.s32 @!p0 $0x88, s6;
	s7 =	simm.s32 @p2 $0x1082  }
0x22: {  	[simem:s7], [sflag:s8] =	dma.local @!p0 [hbm:s6], $0xF7A  }
0x23: {  	s9 =	sor.u32 $0xD0000000, s2;
	s6 =	simm.s32 $0x108;
	_ =	swait.ge @!p0 [sflag:s8], $0x0  }
0x24: {  	s3 =	sadd.s32 $0x88, s3;
	s6 =	simm.s32 @!p1 $0x1082;
	[sflag:s4] =	ssyncset.s32 $0xFFFFF086  }
0x25: {  	[simem:s6], [sflag:s4] =	dma.local [hbm:s3], $0xF7A  }
0x26: {  	[smem:$0x3F95] =	sst s1;
	(tag) =	ssettag s2;
	_ =	strace s9  }
0x27: {  	s1 =	sld [smem:$0x3FA5]  }
0x28: {  	s2 =	sld [smem:$0x3FA6]  }
0x29: {  	s4 =	sld [smem:$0x3FA8]  }
0x2a: {  	p0 =	seq.s32 s5, $0x0;
	s5 =	sld [smem:$0x3FA9]  }
0x2b: {  	s6 =	sld [smem:$0x3FAA]  }
0x2c: {  	s7 =	sld [smem:$0x3FAB]  }
0x2d: {  	s3 =	simm.s32 $0x108;
	s8 =	sld [smem:$0x3FAC]  }
0x2e: {  	s3 =	simm.s32 @!p0 $0x1082;
	s9 =	sld [smem:$0x3FAD]  }
0x2f: {  	lr =	sadd.s32 s0, s3;
	s0 =	sld [smem:$0x3FA4]  }
0x30: {  	s3 =	sld [smem:$0x3FA7]  }
0x31: {  	[smem:$0x3FB0] =	sst s10  }
0x32: {  	s10 =	sld [smem:$0x3FAE];
	_ =	sdelay $0x3  }
0x33: {  	p0 =	seq.s32 s10, $0x1;
	s10 =	sld [smem:$0x3FB0];
	_ =	sdelay $0x3  }
0x34: {  	[smem:$0x3FB0] =	sst s10  }
0x35: {  	s10 =	sld [smem:$0x3FAF];
	_ =	sdelay $0x3  }
0x36: {  	p1 =	seq.s32 s10, $0x1;
	s10 =	sld [smem:$0x3FB0];
	_ =	sdelay $0x3  }
0x37: {  	[smem:$0x3FB0] =	sst s10  }
0x38: {  	s10 =	sld [smem:$0x3FB1]  }
0x39: {  	_ = 	snop;
	(pc) =	sbr.ind lr, $3  }
0x3a: {  	_ = 	snop  }
0x3b: {  	_ = 	snop  }
0x3c: {  	p2 =	seq.s32 s10, $0x1;
	s10 =	sld [smem:$0x3FB0]  }
0x3d: {  	_ =	shalt  }
0x3e: {  	_ =	shalt  }
0x3f: {  	_ =	shalt  }
0x40: {  	_ =	shalt  }
0x41: {  	_ =	shalt  }
0x42: {  	_ =	shalt  }
0x43: {  	_ =	shalt  }
0x44: {  	_ =	shalt  }
0x45: {  	_ =	shalt  }
0x46: {  	_ =	shalt  }
0x47: {  	_ =	shalt  }
0x48: {  	_ =	shalt  }
0x49: {  	_ =	shalt  }
0x4a: {  	_ =	shalt  }
0x4b: {  	_ =	shalt  }
0x4c: {  	_ =	shalt  }
0x4d: {  	_ =	shalt  }
0x4e: {  	_ =	shalt  }
0x4f: {  	_ =	shalt  }
0x50: {  	_ =	shalt  }
0x51: {  	_ =	shalt  }
0x52: {  	_ =	shalt  }
0x53: {  	_ =	shalt  }
0x54: {  	_ =	shalt  }
0x55: {  	_ =	shalt  }
0x56: {  	_ =	shalt  }
0x57: {  	_ =	shalt  }
0x58: {  	_ =	shalt  }
0x59: {  	_ =	shalt  }
0x5a: {  	_ =	shalt  }
0x5b: {  	_ =	shalt  }
0x5c: {  	_ =	shalt  }
0x5d: {  	_ =	shalt  }
0x5e: {  	_ =	shalt  }
0x5f: {  	_ =	shalt  }
0x60: {  	_ =	shalt  }
0x61: {  	_ =	shalt  }
0x62: {  	_ =	shalt  }
0x63: {  	_ =	shalt  }
0x64: {  	_ =	shalt  }
0x65: {  	_ =	shalt  }
0x66: {  	_ =	shalt  }
0x67: {  	_ =	shalt  }
0x68: {  	_ =	shalt  }
0x69: {  	_ =	shalt  }
0x6a: {  	_ =	shalt  }
0x6b: {  	_ =	shalt  }
0x6c: {  	_ =	shalt  }
0x6d: {  	_ =	shalt  }
0x6e: {  	_ =	shalt  }
0x6f: {  	_ =	shalt  }
0x70: {  	_ =	shalt  }
0x71: {  	_ =	shalt  }
0x72: {  	_ =	shalt  }
0x73: {  	_ =	shalt  }
0x74: {  	_ =	shalt  }
0x75: {  	_ =	shalt  }
0x76: {  	_ =	shalt  }
0x77: {  	_ =	shalt  }
0x78: {  	_ =	shalt  }
0x79: {  	_ =	shalt  }
0x7a: {  	_ =	shalt  }
0x7b: {  	_ =	shalt  }
0x7c: {  	_ =	shalt  }
0x7d: {  	_ =	shalt  }
0x7e: {  	_ =	shalt  }
0x7f: {  	_ =	shalt  }
0x80: {  	_ =	shalt  }
0x81: {  	_ =	shalt  }
0x82: {  	_ =	shalt  }
0x83: {  	_ =	shalt  }
0x84: {  	_ =	shalt  }
0x85: {  	_ =	shalt  }
0x86: {  	_ =	shalt  }
0x87: {  	_ =	shalt  }
.Lfunc_end0:
.L_simem_size_0:
called_computation.2_lowered:
.L_overlay_start_0:
0x88: {  	s2 =	sld [smem:$0x3FD9]  }
0x89: {  	s3 =	sld [smem:$0x3FFE];
	_ =	sdelay $0x1  }
0x8a: {  	s1 =	srdreg.scid  }
0x8b: {  	s0 =	sand.u32 $0x1, s1  }
0x8c: {  	s17 =	sshll.u32 s0, $0xA;
	s2 =	sadd.s32 s3, s2  }
0x8d: {  	s2 =	sadd.s32 s2, s17  }
0x8e: {  	[smem:$0x3FBC] =	sst s2  }
0x8f: {  	_ = 	snop  }
0x90: {  	s2 =	sld [smem:$0x3FD0];
	(tm) =	ssettm $0x1  }
0x91: {  	s18 =	sld [smem:$0x3FFB];
	_ =	sdelay $0x3  }
0x92: {  	_ =	strace s18  }
0x93: {  	s3 =	sld [smem:$0x3FFC];
	_ =	sdelay $0x3  }
0x94: {  	_ =	strace s3  }
0x95: {  	s3 =	sld [smem:$0x3FFD];
	_ =	sdelay $0x3  }
0x96: {  	_ =	strace s3  }
0x97: {  	_ =	strace $0x8FFFFFFF  }
0x98: {  	s19 =	sld [smem:$0x3FDB];
	_ =	sdelay $0x1  }
0x99: {  	s4 =	simm.s32 $_scs_section_size  }
0x9a: {  	s5 =	simm.s32 $_size__tile_overlayer_lowered;
	s6 =	simm.s32 $_tile_overlayer_lowered  }
0x9b: {  	s22 =	simm.s32 $0x1BFF;
	s21 =	sshll.u32 s6, $0x1;
	s3 =	sadd.s32 s4, s19  }
0x9c: {  	s7 =	simm.s32 $0x0;
	s20 =	sshll.u32 s5, $0x1;
	s5 =	sadd.s32 s21, s3  }
0x9d: {  	[timem:s7], [sflag:s22] =	dma.local [hbm:s5], s20  }
0x9e: {  	_ =	swait.ge [sflag:s22], s20  }
0x9f: {  	s4 =	ssub.s32 $0x0, s20;
	[sflag:s22] =	ssyncset.done $0x0  }
0xa0: {  	[sflag:s22] =	ssyncadd.s32 s4;
	_ =	sdelay $0x1  }
0xa1: {  	s23 =	simm.s32 $0x1B8B  }
0xa2: {  	_ =	swait.ge [sflag:s23], $0x1  }
0xa3: {  	[sflag:s23] =	ssyncset.done $0x0  }
0xa4: {  	s25 =	simm.s32 $0x1B8E;
	s24 =	sld [smem:$0x3FFE];
	[sflag:s23] =	ssyncadd.s32 $0xFFFFFFFF  }
0xa5: {  	s26 =	simm.s32 $execute0_lowered;
	[smem:$0x3FD2] =	sst s25  }
0xa6: {  	s5 =	sshll.u32 s26, $0x1;
	_ =	strace $0x8000004C;
	[dreg:$0x1] =	wrdreg $0xFFFFFFFF  }
0xa7: {  	s28 =	simm.s32 $_size_execute0_lowered;
	s3 =	sadd.s32 s3, s5;
	[dreg:$0x0] =	wrdreg $0x0  }
0xa8: {  	s5 =	sshll.u32 s28, $0x1;
	[dreg:$0x2] =	wrdreg s3  }
0xa9: {  	[dreg:$0x3] =	wrdreg s5  }
0xaa: {  	[dreg:$0x4] =	wrdreg $0xC0  }
0xab: {  	_ =	task [dreg:s7], $0x5FFFF  }
0xac: {  	[dreg:$0x1] =	wrdreg $0xFFFFFFFF  }
0xad: {  	[dreg:$0x0] =	wrdreg $0x60  }
0xae: {  	[dreg:$0x2] =	wrdreg s24  }
0xaf: {  	[dreg:$0x3] =	wrdreg s2  }
0xb0: {  	[dreg:$0x4] =	wrdreg $0x0  }
0xb1: {  	[dreg:$0x5] =	wrdreg $0x9  }
0xb2: {  	_ =	task.clear_ibuf [dreg:s7], $0x6FFFF;
	_ =	strace $0x9000004C  }
0xb3: {  	s29 =	simm.s32 $0x9;
	_ =	strace $0x8000004E  }
0xb4: {  	_ =	swait.ge [sflag:s29], $0x1  }
0xb5: {  	[sflag:s29] =	ssyncadd.s32 $0xFFFFFFFF  }
0xb6: {  	_ =	strace $0x9000004E  }
0xb7: {  	_ =	sfence  }
0xb8: {  	s30 =	sld [smem:$0x0];
	_ =	sdelay $0x2  }
0xb9: {  	s31 =	sshll.u32 s1, $0xD;
	s1 =	sshrl.u32 s1, $0x2  }
0xba: {  	s3 =	sand.u32 $0x4000, s31;
	s1 =	sadd.s32 s1, s30  }
0xbb: {  	s0 =	sor.u32 s3, s0;
	s1 =	sshll.u32 s1, $0x11  }
0xbc: {  	s0 =	sor.u32 s1, s0  }
0xbd: {  	s0 =	sadd.s32 $0x8F2B, s0  }
0xbe: {  	[sflag:s0] =	ssyncadd.remote.s32 $0x1  }
0xbf: {  	_ =	sfence.sel $0xFFFF  }
0xc0: {  	[dreg:$0x0] =	wrdreg $0xFFFFFFFF;
	(pc) =	sbr.abs _section_cstart, $3  }
0xc1: {  	[dreg:$0x1] =	wrdreg $0xFFFFFFFF  }
0xc2: {  	_ =	task.clear_ibuf [dreg:s7], $0x2FFFF;
	_ =	strace $0x9FFFFFFF  }
0xc3: {  	(tm) =	ssettm $0x7FFFFFFF  }
tec
execute0_lowered:
.L_overlay_start_1:
0x0: {  	(tag) =	ssettag $0x1  }
0x1: {  	s0 =	rddreg [dreg:$0x0]  }
0x2: {  	s2 =	rddreg [dreg:$0x1]  }
0x3: {  	s3 =	rddreg [dreg:$0x2];
	s1 =	srdreg.scid  }
0x4: {  	s7 =	stileid.u32;
	s11 =	simm.s32 $0x0;
	s14 =	simm.s32 $0x6  }
0x5: {  	s15 =	simm.s32 $0xC350;
	s16 =	simm.s32 $0xCB20;
	s17 =	simm.s32 $0x50  }
0x6: {  	s18 =	simm.s32 $0xD2F0;
	s19 =	simm.s32 $0x1;
	s21 =	simm.s32 $0xEBF0  }
0x7: {  	s29 =	simm.s32 $0x104F0;
	s30 =	simm.s32 $0x122F0;
	s31 =	simm.s32 $0x4  }
0x8: {  	s1 =	sand.u32 $0x1, s1;
	s4 =	smul.u32 $0xC350, s7;
	[smem:$0x7FF] =	sst s11  }
0x9: {  	s5 =	sadd.s32 $0x1D200, s0;
	s8 =	sadd.s32 $0x13400, s0;
	s22 =	sadd.s32 $0x9600, s0  }
0xa: {  	s9 =	sadd.s32 $0x3800, s0;
	_ =	strace $0x8000004D;
	[dreg:$0x5] =	wrdreg s8  }
0xb: {  	s26 =	sshll.u32 s7, $0x6;
	s6 =	smul.u32 $0xC3500, s1;
	[dreg:$0x6] =	wrdreg s22  }
0xc: {  	s23 =	ssub.s32 $0x2, s1;
	[dreg:$0x7] =	wrdreg s9;
	s1 =	sshll.u32 s1, $0x4  }
0xd: {  	s22 =	simm.s32 $0x3;
	s24 =	sshrl.u32 s23, $0x1;
	s1 =	sor.u32 s7, s1  }
0xe: {  	s7 =	sor.u32 $0x1C06, s26;
	s6 =	sadd.s32 s4, s6;
	s25 =	ssub.s32 s23, s24  }
0xf: {  	s4 =	sadd.s32 s4, s3;
	s10 =	smul.u32 $0x7D, s1;
	s23 =	simm.s32 $0xCB70  }
0x10: {  	[dreg:$0x8] =	wrdreg s7;
	s6 =	sshrl.u32 s6, $0x3;
	s28 =	smax.u32 s25, $0x1  }
0x11: {  	s4 =	sshrl.u32 s4, $0x3;
	s0 =	sadd.s32 s6, s0;
	[dreg:$0xa] =	wrdreg s28  }
0x12: {  	s24 =	simm.s32 $0x109F0;
	[dreg:$0xb] =	wrdreg s4;
	s0 =	sadd.s32 $0x35A00, s0  }
0x13: {  	v0 =	vimm.s32 $0x0;
	s25 =	simm.s32 $0x2;
	[dreg:$0x9] =	wrdreg s0;
	s0 =	simm.s32 $0x5  }
.LBB2_1:
0x14: {  	[dreg:$0x4] =	wrdreg s11  }
0x15: {  	s1 =	rddreg [dreg:$0x7]  }
0x16: {  	[spmem:s4], [sflag:s7] =	dma.local [hbm:s1], $0x186A  }
0x17: {  	_ =	swait.ge [sflag:s14], $0x186A  }
0x18: {  	[sflag:s14] =	ssyncset.done $0x0  }
0x19: {  	[sflag:s14] =	ssyncadd.s32 $0xFFFFE796  }
0x1a: {  	s8 =	simm.s32 $0x0;
	[bflag:$0x0] =	sbarrier.arrive $0xFFFF  }
.LBB2_2:
0x1b: {  	s1 =	smul.u32 $0x19, s8;
	_ =	sdelay $0x1  }
0x1c: {  	s1 =	sadd.s32 s10, s1  }
0x1d: {  	s1 =	smul.u32 $0xA, s1  }
0x1e: {  	s4 =	rddreg [dreg:$0x5]  }
0x1f: {  	s6 =	simm.s32 $0x0;
	s4 =	sadd.s32 s4, s1  }
0x20: {  	[tilespmem:s15], [sflag:$0x6] =	stream.linear.gather [hbm4b:s4+s6], $0x7D0, $0x38;
	[tilespmem:$0x13BF0] =	vst v63  }
0x21: {  	_ =	swait.ge [sflag:s14], $0x7D0  }
0x22: {  	[sflag:s14] =	ssyncset.done $0x0;
	s7 =	rddreg [dreg:$0x6]  }
0x23: {  	[sflag:s14] =	ssyncadd.s32 $0xFFFFF830;
	s1 =	sadd.s32 s7, s1  }
0x24: {  	[tilespmem:s16], [sflag:$0x6] =	stream.linear.gather [hbm4b:s1+s6], $0x7D0, $0x38;
	[tilespmem:$0x13BF0] =	vst v63  }
0x25: {  	_ =	swait.ge [sflag:s14], $0x7D0  }
0x26: {  	[sflag:s14] =	ssyncset.done $0x0  }
0x27: {  	[sflag:s14] =	ssyncadd.s32 $0xFFFFF830  }
0x28: {  	[tilespmem:s18], [sflag:$0x1] =	stream.indirect.gather [hbm4b:s5+s17], $0x50, s15, s17, $0xb8;
	[tilespmem:$0x13BF0] =	vst v63  }
0x29: {  	s9 =	simm.s32 $0x104F0  }
0x2a: {  	[tilespmem:s9], [sflag:$0x3] =	stream.indirect.gather [hbm4b:s2+s17], $0x10, s16, s17, $0xb8;
	[tilespmem:$0x13BF0] =	vst v63  }
0x2b: {  	_ =	swait.ge [sflag:s19], $0x1900  }
0x2c: {  	[sflag:s19] =	ssyncset.done $0x0  }
0x2d: {  	s11 =	simm.s32 $0xC3A0;
	[sflag:s19] =	ssyncadd.s32 $0xFFFFE700  }
0x2e: {  	[tilespmem:s21], [sflag:$0x2] =	stream.indirect.gather [hbm4b:s5+s17], $0x50, s11, s17, $0xb8;
	[tilespmem:$0x13BF0] =	vst v63  }
0x2f: {  	_ =	swait.ge [sflag:s22], $0x500  }
0x30: {  	[sflag:s22] =	ssyncset.done $0x0  }
0x31: {  	[sflag:s22] =	ssyncadd.s32 $0xFFFFFB00  }
0x32: {  	s13 =	simm.s32 $0x0;
	v1 =	vld [tilespmem:s9+$0x0]  }
0x33: {  	v2 =	vld [tilespmem:s13+$0xD2F0];
	_ =	sdelay $0x3  }
0x34: {  	s12 =	simm.s32 $0x10500;
	v9 =	vld [tilespmem:s13+$0xD300]  }
0x35: {  	s9 =	simm.s32 $0x50;
	v3 =	vld [tilespmem:s12+$0x0];
	v1 =	vadd.f32 v1, v2  }
0x36: {  	v2 =	vld [tilespmem:s9+$0xD2F0]  }
0x37: {  	v10 =	vld [tilespmem:s13+$0xD310];
	v5 =	vmul.f32 $2.000000030e-01, v1  }
0x38: {  	s26 =	simm.s32 $0x10520;
	v12 =	vld [tilespmem:s13+$0xD320];
	vm0 =	vge.f32 v1, $0.0e+00  }
0x39: {  	s4 =	simm.s32 $0xF0;
	v14 =	vld [tilespmem:s26+$0x0];
	v1 =	vsel vm0, v1, v5  }
0x3a: {  	s12 =	simm.s32 $0xA0;
	v15 =	vld [tilespmem:s4+$0xD2F0];
	v1 =	vmul.f32 $1.442695020e+00, v1  }
0x3b: {  	s20 =	simm.s32 $0x10510;
	v5 =	vld [tilespmem:s12+$0xD2F0];
	v2 =	vadd.f32 v3, v2  }
0x3c: {  	v3 =	vld [tilespmem:s20+$0x0];
	(erf) = vpow2.f32 v1  }
0x3d: {  	v16 =	vld [tilespmem:s13+$0xD330];
	v6 =	vmul.f32 $2.000000030e-01, v2  }
0x3e: {  	v4 =	vld [tilespmem:s9+$0xD300];
	vm13 =	vge.f32 v2, $0.0e+00  }
0x3f: {  	v7 =	vld [tilespmem:s9+$0xD310];
	v6 =	vsel vm13, v2, v6  }
0x40: {  	v11 =	vld [tilespmem:s9+$0xD320];
	v6 =	vmul.f32 $1.442695020e+00, v6  }
0x41: {  	s11 =	simm.s32 $0x140;
	v8 =	vld [tilespmem:s12+$0xD310];
	v13 =	vadd.f32 v3, v5  }
0x42: {  	v20 =	vadd.f32 v14, v15;
	v14 =	vld [tilespmem:s11+$0xD2F0];
	(erf) = vpow2.f32 v6  }
0x43: {  	v15 =	vld [tilespmem:s9+$0xD330];
	v17 =	vmul.f32 $2.000000030e-01, v13  }
0x44: {  	v1 =	vld [tilespmem:s12+$0xD300];
	vm14 =	vge.f32 v13, $0.0e+00  }
0x45: {  	v2 =	vld [tilespmem:s12+$0xD320];
	v17 =	vsel vm14, v13, v17;
	v18 =	vpop (erf)  }
0x46: {  	v3 =	vld [tilespmem:s4+$0xD300];
	v17 =	vmul.f32 $1.442695020e+00, v17;
	v19 =	vperm.xlane v18, v0  }
0x47: {  	s28 =	simm.s32 $0x10530;
	v5 =	vld [tilespmem:s4+$0xD310];
	[tilespmem:s13+$0x109F0] =	vst v18;
	v18 =	vmul.f32 $2.000000030e-01, v20  }
0x48: {  	v13 =	vld [tilespmem:s28+$0x0];
	(erf) = vpow2.f32 v17;
	v16 =	vmul.f32 v16, v19  }
0x49: {  	v6 =	vld [tilespmem:s4+$0xD320];
	v21 =	vmul.f32 v9, v19  }
0x4a: {  	vm15 =	vge.f32 v20, $0.0e+00;
	v9 =	vld [tilespmem:s11+$0xD300];
	v22 =	vmul.f32 v10, v19;
	[tilespmem:s13+$0x10A30] =	vst v16  }
0x4b: {  	v17 =	vmul.f32 v12, v19;
	v10 =	vld [tilespmem:s11+$0xD310];
	v16 =	vsel vm15, v20, v18;
	v18 =	vpop (erf);
	[tilespmem:s13+$0x10A00] =	vst v21  }
0x4c: {  	s1 =	simm.s32 $0x10540;
	s20 =	simm.s32 $0x640;
	v12 =	vld [tilespmem:s11+$0xD320];
	[tilespmem:s13+$0x10A10] =	vst v22;
	v19 =	vmul.f32 $1.442695020e+00, v16;
	v16 =	vperm.xlane v18, v0  }
.LBB2_3:
0x4d: {  	s6 =	sshra.s32 s20, $0x2;
	p0 =	sne.s32 s20, $0x62C0;
	s20 =	sadd.s32 $0x140, s20;
	v20 =	vadd.f32 v13, v14;
	v13 =	vld [tilespmem:s1+$0x0];
	[tilespmem:s13+$0x10A20] =	vst v17  }
.Ltmp0:
0x4e: {  	s13 =	smov.u32 s9;
	v14 =	vld [tilespmem:s6+$0xD2F0];
	(erf) = vpow2.f32 v19;
	[tilespmem:s9+$0x109F0] =	vst v18;
	v23 =	vmul.f32 v15, v16;
	s9 =	smov.u32 s12;
	(pc) =	sbr.rel @p0 .LBB2_3-.Ltmp0, $4  }
0x4f: {  	v21 =	vmul.f32 v4, v16;
	v4 =	vmovc v1;
	v1 =	vmovc v3;
	s12 =	smov.u32 s4;
	s4 =	smov.u32 s11;
	s11 =	smov.u32 s6;
	v19 =	vmul.f32 $2.000000030e-01, v20;
	v15 =	vld [tilespmem:s9+$0xD330];
	v3 =	vmov v9  }
0x50: {  	v22 =	vmul.f32 v7, v16;
	v17 =	vmul.f32 v11, v16;
	v7 =	vmovc v8;
	vm0 =	vge.f32 v20, $0.0e+00;
	v9 =	vld [tilespmem:s11+$0xD300];
	[tilespmem:s13+$0x10A30] =	vst v23  }
0x51: {  	v8 =	vmov v5;
	v5 =	vmov v10;
	v20 =	vsel vm0, v20, v19;
	v18 =	vpop (erf);
	[tilespmem:s13+$0x10A00] =	vst v21;
	v10 =	vld [tilespmem:s11+$0xD310]  }
0x52: {  	s1 =	sadd.s32 $0x10, s1;
	v11 =	vmovc v2;
	v2 =	vmovc v6;
	v6 =	vmov v12;
	v19 =	vmul.f32 $1.442695020e+00, v20;
	v16 =	vperm.xlane v18, v0;
	[tilespmem:s13+$0x10A10] =	vst v22;
	v12 =	vld [tilespmem:s11+$0xD320]  }
0x53: {  	v13 =	vadd.f32 v13, v14;
	_ =	sdelay $0x1  }
0x54: {  	v14 =	vmul.f32 $2.000000030e-01, v13;
	_ =	sdelay $0x1  }
0x55: {  	[tilespmem:s13+$0x10A20] =	vst v17;
	v17 =	vld [tilespmem:s12+$0xD330];
	(erf) = vpow2.f32 v19  }
0x56: {  	v4 =	vmul.f32 v4, v16;
	vm0 =	vge.f32 v13, $0.0e+00  }
0x57: {  	v13 =	vsel vm0, v13, v14;
	v14 =	vpop (erf)  }
0x58: {  	v7 =	vmul.f32 v7, v16;
	[tilespmem:s9+$0x10A00] =	vst v4;
	v4 =	vperm.xlane v14, v0  }
0x59: {  	v11 =	vmul.f32 v11, v16  }
0x5a: {  	[tilespmem:s9+$0x10A10] =	vst v7;
	v13 =	vmul.f32 $1.442695020e+00, v13;
	v7 =	vmul.f32 v17, v4;
	_ =	sdelay $0x1  }
0x5b: {  	[tilespmem:s9+$0x10A20] =	vst v11;
	v11 =	vld [tilespmem:s4+$0xD330];
	(erf) = vpow2.f32 v13  }
0x5c: {  	[tilespmem:s9+$0x109F0] =	vst v18;
	v1 =	vmul.f32 v1, v4  }
0x5d: {  	v15 =	vmul.f32 v15, v16;
	[tilespmem:s12+$0x10A30] =	vst v7;
	v7 =	vpop (erf)  }
0x5e: {  	v2 =	vmul.f32 v2, v4;
	[tilespmem:s12+$0x10A00] =	vst v1;
	v1 =	vperm.xlane v7, v0  }
0x5f: {  	[tilespmem:s9+$0x10A30] =	vst v15  }
0x60: {  	v8 =	vmul.f32 v8, v4;
	[tilespmem:s12+$0x10A20] =	vst v2;
	v2 =	vmul.f32 v11, v1  }
0x61: {  	[tilespmem:s12+$0x109F0] =	vst v14  }
0x62: {  	v4 =	vld [tilespmem:s11+$0xD330];
	[tilespmem:s12+$0x10A10] =	vst v8  }
0x63: {  	[tilespmem:s4+$0x109F0] =	vst v7;
	v3 =	vmul.f32 v3, v1  }
0x64: {  	v5 =	vmul.f32 v5, v1;
	[tilespmem:s4+$0x10A30] =	vst v2;
	v2 =	vpop (erf)  }
0x65: {  	v1 =	vmul.f32 v6, v1;
	[tilespmem:s4+$0x10A00] =	vst v3;
	v3 =	vperm.xlane v2, v0  }
0x66: {  	[tilespmem:s4+$0x10A10] =	vst v5  }
0x67: {  	[tilespmem:s4+$0x10A20] =	vst v1;
	v1 =	vmul.f32 v4, v3  }
0x68: {  	[tilespmem:s11+$0x109F0] =	vst v2;
	v2 =	vmul.f32 v9, v3  }
0x69: {  	v4 =	vmul.f32 v10, v3;
	[tilespmem:s11+$0x10A30] =	vst v1  }
0x6a: {  	v1 =	vmul.f32 v12, v3;
	[tilespmem:s11+$0x10A00] =	vst v2  }
0x6b: {  	[tilespmem:s11+$0x10A10] =	vst v4  }
0x6c: {  	s1 =	simm.s32 $0x104F0;
	[tilespmem:s11+$0x10A20] =	vst v1  }
0x6d: {  	[tilespmem:s1], [sflag:$0x3] =	stream.indirect.gather [hbm4b:s2+s17], $0x10, s23, s17, $0xb8;
	[tilespmem:$0x13BF0] =	vst v63  }
0x6e: {  	_ = 	snop  }
0x6f: {  	[spmem:s3] =	stream.indirect.scatter.add.f32 [tilespmem:s24], [sflag:$0x4], $0x50, s16, s17, $0xb8;
	[tilespmem:$0x13BF0] =	vst v63  }
0x70: {  	_ =	swait.ge [sflag:s25], $0x1900  }
0x71: {  	[sflag:s25] =	ssyncset.done $0x0  }
0x72: {  	s11 =	simm.s32 $0xC3F0;
	[sflag:s25] =	ssyncadd.s32 $0xFFFFE700  }
0x73: {  	[tilespmem:s18], [sflag:$0x1] =	stream.indirect.gather [hbm4b:s5+s17], $0x50, s11, s17, $0xb8;
	[tilespmem:$0x13BF0] =	vst v63  }
0x74: {  	_ =	swait.ge [sflag:s22], $0x500  }
0x75: {  	[sflag:s22] =	ssyncset.done $0x0  }
0x76: {  	[sflag:s22] =	ssyncadd.s32 $0xFFFFFB00  }
0x77: {  	s13 =	simm.s32 $0x0;
	v1 =	vld [tilespmem:s1+$0x0]  }
0x78: {  	v2 =	vld [tilespmem:s13+$0xEBF0];
	_ =	sdelay $0x3  }
0x79: {  	s12 =	simm.s32 $0x10500;
	v9 =	vld [tilespmem:s13+$0xEC00]  }
0x7a: {  	s9 =	simm.s32 $0x50;
	v3 =	vld [tilespmem:s12+$0x0];
	v1 =	vadd.f32 v1, v2  }
0x7b: {  	v2 =	vld [tilespmem:s9+$0xEBF0]  }
0x7c: {  	v10 =	vld [tilespmem:s13+$0xEC10];
	v5 =	vmul.f32 $2.000000030e-01, v1  }
0x7d: {  	v12 =	vld [tilespmem:s13+$0xEC20];
	vm12 =	vge.f32 v1, $0.0e+00  }
0x7e: {  	s26 =	simm.s32 $0x10520;
	v4 =	vld [tilespmem:s9+$0xEC00];
	v1 =	vsel vm12, v1, v5  }
0x7f: {  	s12 =	simm.s32 $0xA0;
	v14 =	vld [tilespmem:s26+$0x0];
	v1 =	vmul.f32 $1.442695020e+00, v1  }
0x80: {  	s20 =	simm.s32 $0x10510;
	v5 =	vld [tilespmem:s12+$0xEBF0];
	v2 =	vadd.f32 v3, v2  }
0x81: {  	s4 =	simm.s32 $0xF0;
	v3 =	vld [tilespmem:s20+$0x0];
	(erf) = vpow2.f32 v1  }
0x82: {  	v15 =	vld [tilespmem:s4+$0xEBF0];
	v6 =	vmul.f32 $2.000000030e-01, v2  }
0x83: {  	v7 =	vld [tilespmem:s9+$0xEC10];
	vm13 =	vge.f32 v2, $0.0e+00  }
0x84: {  	v11 =	vld [tilespmem:s9+$0xEC20];
	v6 =	vsel vm13, v2, v6  }
0x85: {  	v16 =	vld [tilespmem:s13+$0xEC30];
	v6 =	vmul.f32 $1.442695020e+00, v6  }
0x86: {  	s11 =	simm.s32 $0x140;
	v8 =	vld [tilespmem:s12+$0xEC10];
	v13 =	vadd.f32 v3, v5  }
0x87: {  	v20 =	vadd.f32 v14, v15;
	v14 =	vld [tilespmem:s11+$0xEBF0];
	(erf) = vpow2.f32 v6  }
0x88: {  	v15 =	vld [tilespmem:s9+$0xEC30];
	v17 =	vmul.f32 $2.000000030e-01, v13  }
0x89: {  	v1 =	vld [tilespmem:s12+$0xEC00];
	vm14 =	vge.f32 v13, $0.0e+00  }
0x8a: {  	v2 =	vld [tilespmem:s12+$0xEC20];
	v17 =	vsel vm14, v13, v17;
	v18 =	vpop (erf)  }
0x8b: {  	v3 =	vld [tilespmem:s4+$0xEC00];
	v17 =	vmul.f32 $1.442695020e+00, v17;
	v19 =	vperm.xlane v18, v0  }
0x8c: {  	s28 =	simm.s32 $0x10530;
	v5 =	vld [tilespmem:s4+$0xEC10];
	[tilespmem:s13+$0x122F0] =	vst v18;
	v18 =	vmul.f32 $2.000000030e-01, v20  }
0x8d: {  	v13 =	vld [tilespmem:s28+$0x0];
	(erf) = vpow2.f32 v17;
	v16 =	vmul.f32 v16, v19  }
0x8e: {  	v6 =	vld [tilespmem:s4+$0xEC20];
	v21 =	vmul.f32 v9, v19  }
0x8f: {  	vm15 =	vge.f32 v20, $0.0e+00;
	v9 =	vld [tilespmem:s11+$0xEC00];
	v22 =	vmul.f32 v10, v19;
	[tilespmem:s13+$0x12330] =	vst v16  }
0x90: {  	v17 =	vmul.f32 v12, v19;
	v10 =	vld [tilespmem:s11+$0xEC10];
	v16 =	vsel vm15, v20, v18;
	v18 =	vpop (erf);
	[tilespmem:s13+$0x12300] =	vst v21  }
0x91: {  	s1 =	simm.s32 $0x10540;
	s20 =	simm.s32 $0x640;
	v12 =	vld [tilespmem:s11+$0xEC20];
	[tilespmem:s13+$0x12310] =	vst v22;
	v19 =	vmul.f32 $1.442695020e+00, v16;
	v16 =	vperm.xlane v18, v0  }
.LBB2_5:
0x92: {  	s6 =	sshra.s32 s20, $0x2;
	p0 =	sne.s32 s20, $0x62C0;
	s20 =	sadd.s32 $0x140, s20;
	v20 =	vadd.f32 v13, v14;
	v13 =	vld [tilespmem:s1+$0x0];
	[tilespmem:s13+$0x12320] =	vst v17  }
.Ltmp1:
0x93: {  	s13 =	smov.u32 s9;
	v14 =	vld [tilespmem:s6+$0xEBF0];
	(erf) = vpow2.f32 v19;
	[tilespmem:s9+$0x122F0] =	vst v18;
	v23 =	vmul.f32 v15, v16;
	s9 =	smov.u32 s12;
	(pc) =	sbr.rel @p0 .LBB2_5-.Ltmp1, $4  }
0x94: {  	v21 =	vmul.f32 v4, v16;
	v4 =	vmovc v1;
	v1 =	vmovc v3;
	s12 =	smov.u32 s4;
	s4 =	smov.u32 s11;
	s11 =	smov.u32 s6;
	v19 =	vmul.f32 $2.000000030e-01, v20;
	v15 =	vld [tilespmem:s9+$0xEC30];
	v3 =	vmov v9  }
0x95: {  	v22 =	vmul.f32 v7, v16;
	v17 =	vmul.f32 v11, v16;
	v7 =	vmovc v8;
	vm0 =	vge.f32 v20, $0.0e+00;
	v9 =	vld [tilespmem:s11+$0xEC00];
	[tilespmem:s13+$0x12330] =	vst v23  }
0x96: {  	v8 =	vmov v5;
	v5 =	vmov v10;
	v20 =	vsel vm0, v20, v19;
	v18 =	vpop (erf);
	[tilespmem:s13+$0x12300] =	vst v21;
	v10 =	vld [tilespmem:s11+$0xEC10]  }
0x97: {  	s1 =	sadd.s32 $0x10, s1;
	v11 =	vmovc v2;
	v2 =	vmovc v6;
	v6 =	vmov v12;
	v19 =	vmul.f32 $1.442695020e+00, v20;
	v16 =	vperm.xlane v18, v0;
	[tilespmem:s13+$0x12310] =	vst v22;
	v12 =	vld [tilespmem:s11+$0xEC20]  }
0x98: {  	_ = 	snop  }
0x99: {  	v13 =	vadd.f32 v13, v14;
	(erf) = vpow2.f32 v19;
	_ =	sdelay $0x1  }
0x9a: {  	v14 =	vmul.f32 $2.000000030e-01, v13  }
0x9b: {  	vm0 =	vge.f32 v13, $0.0e+00  }
0x9c: {  	[tilespmem:s13+$0x12320] =	vst v17;
	v15 =	vmul.f32 v15, v16;
	v13 =	vsel vm0, v13, v14  }
0x9d: {  	[tilespmem:s9+$0x122F0] =	vst v18;
	v4 =	vmul.f32 v4, v16;
	v57 =	vpop (erf);
	v13 =	vmul.f32 $1.442695020e+00, v13  }
0x9e: {  	v56 =	vld [tilespmem:s12+$0xEC30];
	v7 =	vmul.f32 v7, v16;
	[tilespmem:s9+$0x12330] =	vst v15;
	v58 =	vperm.xlane v57, v0  }
0x9f: {  	v60 =	vld [tilespmem:s4+$0xEC30];
	v11 =	vmul.f32 v11, v16;
	[tilespmem:s9+$0x12300] =	vst v4;
	(erf) = vpow2.f32 v13  }
0xa0: {  	[tilespmem:s9+$0x12310] =	vst v7;
	v1 =	vmul.f32 v1, v58  }
0xa1: {  	[tilespmem:s9+$0x12320] =	vst v11;
	v61 =	vpop (erf)  }
0xa2: {  	v2 =	vmul.f32 v2, v58;
	[tilespmem:s12+$0x12300] =	vst v1;
	v1 =	vperm.xlane v61, v0  }
0xa3: {  	[tilespmem:s12+$0x122F0] =	vst v57;
	v59 =	vmul.f32 v56, v58  }
0xa4: {  	v8 =	vmul.f32 v8, v58;
	[tilespmem:s12+$0x12320] =	vst v2;
	v2 =	vmul.f32 v60, v1  }
0xa5: {  	[tilespmem:s12+$0x12330] =	vst v59  }
0xa6: {  	v62 =	vld [tilespmem:s11+$0xEC30];
	[tilespmem:s12+$0x12310] =	vst v8  }
0xa7: {  	[tilespmem:s4+$0x122F0] =	vst v61;
	v3 =	vmul.f32 v3, v1  }
0xa8: {  	v5 =	vmul.f32 v5, v1;
	[tilespmem:s4+$0x12330] =	vst v2;
	v2 =	vpop (erf)  }
0xa9: {  	v1 =	vmul.f32 v6, v1;
	[tilespmem:s4+$0x12300] =	vst v3;
	v3 =	vperm.xlane v2, v0  }
0xaa: {  	[tilespmem:s4+$0x12310] =	vst v5  }
0xab: {  	[tilespmem:s4+$0x12320] =	vst v1;
	v1 =	vmul.f32 v62, v3  }
0xac: {  	[tilespmem:s11+$0x122F0] =	vst v2;
	v2 =	vmul.f32 v9, v3  }
0xad: {  	v63 =	vmul.f32 v10, v3;
	[tilespmem:s11+$0x12330] =	vst v1  }
0xae: {  	v1 =	vmul.f32 v12, v3;
	[tilespmem:s11+$0x12300] =	vst v2  }
0xaf: {  	[tilespmem:s11+$0x12310] =	vst v63  }
0xb0: {  	s1 =	simm.s32 $0xCBC0;
	[tilespmem:s11+$0x12320] =	vst v1  }
0xb1: {  	[tilespmem:s29], [sflag:$0x3] =	stream.indirect.gather [hbm4b:s2+s17], $0x10, s1, s17, $0xb8;
	[tilespmem:$0x13BF0] =	vst v63  }
0xb2: {  	s11 =	simm.s32 $0x0  }
0xb3: {  	[spmem:s3] =	stream.indirect.scatter.add.f32 [tilespmem:s30], [sflag:$0x5], $0x50, s23, s17, $0xb8;
	[tilespmem:$0x13BF0] =	vst v63  }
.LBB2_7:
0xb4: {  	_ =	swait.ge [sflag:s19], $0x1900;
	s12 =	smul.u32 $0xA0, s11  }
0xb5: {  	[sflag:s19] =	ssyncset.done $0x0  }
0xb6: {  	[sflag:s19] =	ssyncadd.s32 $0xFFFFE700;
	s1 =	sadd.s32 $0xC440, s12  }
0xb7: {  	[tilespmem:s21], [sflag:$0x2] =	stream.indirect.gather [hbm4b:s5+s17], $0x50, s1, s17, $0xb8;
	[tilespmem:$0x13BF0] =	vst v63  }
0xb8: {  	_ =	swait.ge [sflag:s31], $0x1900  }
0xb9: {  	[sflag:s31] =	ssyncset.done $0x0  }
0xba: {  	[sflag:s31] =	ssyncadd.s32 $0xFFFFE700  }
0xbb: {  	_ =	swait.ge [sflag:s22], $0x500  }
0xbc: {  	[sflag:s22] =	ssyncset.done $0x0  }
0xbd: {  	s13 =	simm.s32 $0x104F0;
	[sflag:s22] =	ssyncadd.s32 $0xFFFFFB00  }
0xbe: {  	s26 =	simm.s32 $0x0;
	v1 =	vld [tilespmem:s13+$0x0]  }
0xbf: {  	v2 =	vld [tilespmem:s26+$0xD2F0];
	_ =	sdelay $0x3  }
0xc0: {  	s20 =	simm.s32 $0x10500;
	v9 =	vld [tilespmem:s26+$0xD300]  }
0xc1: {  	s9 =	simm.s32 $0x50;
	v3 =	vld [tilespmem:s20+$0x0];
	v1 =	vadd.f32 v1, v2  }
0xc2: {  	v2 =	vld [tilespmem:s9+$0xD2F0]  }
0xc3: {  	v10 =	vld [tilespmem:s26+$0xD310];
	v5 =	vmul.f32 $2.000000030e-01, v1  }
0xc4: {  	v12 =	vld [tilespmem:s26+$0xD320];
	vm0 =	vge.f32 v1, $0.0e+00  }
0xc5: {  	s6 =	simm.s32 $0x10520;
	v4 =	vld [tilespmem:s9+$0xD300];
	v1 =	vsel vm0, v1, v5  }
0xc6: {  	s20 =	simm.s32 $0xA0;
	v14 =	vld [tilespmem:s6+$0x0];
	v1 =	vmul.f32 $1.442695020e+00, v1  }
0xc7: {  	s4 =	simm.s32 $0x10510;
	v5 =	vld [tilespmem:s20+$0xD2F0];
	v2 =	vadd.f32 v3, v2  }
0xc8: {  	s13 =	simm.s32 $0xF0;
	v3 =	vld [tilespmem:s4+$0x0];
	(erf) = vpow2.f32 v1  }
0xc9: {  	v15 =	vld [tilespmem:s13+$0xD2F0];
	v6 =	vmul.f32 $2.000000030e-01, v2  }
0xca: {  	v7 =	vld [tilespmem:s9+$0xD310];
	vm13 =	vge.f32 v2, $0.0e+00  }
0xcb: {  	v11 =	vld [tilespmem:s9+$0xD320];
	v6 =	vsel vm13, v2, v6  }
0xcc: {  	v16 =	vld [tilespmem:s26+$0xD330];
	v6 =	vmul.f32 $1.442695020e+00, v6  }
0xcd: {  	v8 =	vld [tilespmem:s20+$0xD310];
	v13 =	vadd.f32 v3, v5  }
0xce: {  	v20 =	vadd.f32 v14, v15;
	v15 =	vld [tilespmem:s9+$0xD330];
	s4 =	simm.s32 $0x140;
	(erf) = vpow2.f32 v6  }
0xcf: {  	v14 =	vld [tilespmem:s4+$0xD2F0];
	v17 =	vmul.f32 $2.000000030e-01, v13  }
0xd0: {  	v1 =	vld [tilespmem:s20+$0xD300];
	vm14 =	vge.f32 v13, $0.0e+00  }
0xd1: {  	v2 =	vld [tilespmem:s20+$0xD320];
	v17 =	vsel vm14, v13, v17;
	v18 =	vpop (erf)  }
0xd2: {  	v3 =	vld [tilespmem:s13+$0xD300];
	v17 =	vmul.f32 $1.442695020e+00, v17;
	v19 =	vperm.xlane v18, v0  }
0xd3: {  	s7 =	simm.s32 $0x10530;
	v5 =	vld [tilespmem:s13+$0xD310];
	[tilespmem:s26+$0x109F0] =	vst v18;
	v18 =	vmul.f32 $2.000000030e-01, v20  }
0xd4: {  	v13 =	vld [tilespmem:s7+$0x0];
	(erf) = vpow2.f32 v17;
	v16 =	vmul.f32 v16, v19  }
0xd5: {  	v6 =	vld [tilespmem:s13+$0xD320];
	v21 =	vmul.f32 v9, v19  }
0xd6: {  	vm15 =	vge.f32 v20, $0.0e+00;
	v9 =	vld [tilespmem:s4+$0xD300];
	v22 =	vmul.f32 v10, v19;
	[tilespmem:s26+$0x10A30] =	vst v16  }
0xd7: {  	s28 =	sadd.s32 $0xF0, s12;
	v17 =	vmul.f32 v12, v19;
	v10 =	vld [tilespmem:s4+$0xD310];
	v16 =	vsel vm15, v20, v18;
	v18 =	vpop (erf);
	[tilespmem:s26+$0x10A00] =	vst v21  }
0xd8: {  	s1 =	simm.s32 $0x640;
	s6 =	simm.s32 $0x10540;
	v12 =	vld [tilespmem:s4+$0xD320];
	[tilespmem:s26+$0x10A10] =	vst v22;
	v19 =	vmul.f32 $1.442695020e+00, v16;
	v16 =	vperm.xlane v18, v0  }
.LBB2_8:
0xd9: {  	s7 =	sshra.s32 s1, $0x2;
	p0 =	sne.s32 s1, $0x62C0;
	s1 =	sadd.s32 $0x140, s1;
	v20 =	vadd.f32 v13, v14;
	v13 =	vld [tilespmem:s6+$0x0];
	[tilespmem:s26+$0x10A20] =	vst v17  }
.Ltmp2:
0xda: {  	s26 =	smov.u32 s9;
	v14 =	vld [tilespmem:s7+$0xD2F0];
	(erf) = vpow2.f32 v19;
	[tilespmem:s9+$0x109F0] =	vst v18;
	v23 =	vmul.f32 v15, v16;
	s9 =	smov.u32 s20;
	(pc) =	sbr.rel @p0 .LBB2_8-.Ltmp2, $4  }
0xdb: {  	v21 =	vmul.f32 v4, v16;
	v4 =	vmovc v1;
	v1 =	vmovc v3;
	s20 =	smov.u32 s13;
	s13 =	smov.u32 s4;
	s4 =	smov.u32 s7;
	v19 =	vmul.f32 $2.000000030e-01, v20;
	v15 =	vld [tilespmem:s9+$0xD330];
	v3 =	vmov v9  }
0xdc: {  	v22 =	vmul.f32 v7, v16;
	v17 =	vmul.f32 v11, v16;
	v7 =	vmovc v8;
	vm0 =	vge.f32 v20, $0.0e+00;
	v9 =	vld [tilespmem:s4+$0xD300];
	[tilespmem:s26+$0x10A30] =	vst v23  }
0xdd: {  	v8 =	vmov v5;
	v5 =	vmov v10;
	v20 =	vsel vm0, v20, v19;
	v18 =	vpop (erf);
	[tilespmem:s26+$0x10A00] =	vst v21;
	v10 =	vld [tilespmem:s4+$0xD310]  }
0xde: {  	s6 =	sadd.s32 $0x10, s6;
	v11 =	vmovc v2;
	v2 =	vmovc v6;
	v6 =	vmov v12;
	v19 =	vmul.f32 $1.442695020e+00, v20;
	v16 =	vperm.xlane v18, v0;
	[tilespmem:s26+$0x10A10] =	vst v22;
	v12 =	vld [tilespmem:s4+$0xD320]  }
0xdf: {  	v13 =	vadd.f32 v13, v14;
	_ =	sdelay $0x1  }
0xe0: {  	v14 =	vmul.f32 $2.000000030e-01, v13;
	_ =	sdelay $0x1  }
0xe1: {  	[tilespmem:s26+$0x10A20] =	vst v17;
	v17 =	vld [tilespmem:s20+$0xD330];
	(erf) = vpow2.f32 v19  }
0xe2: {  	v4 =	vmul.f32 v4, v16;
	vm0 =	vge.f32 v13, $0.0e+00  }
0xe3: {  	v13 =	vsel vm0, v13, v14;
	v14 =	vpop (erf)  }
0xe4: {  	v7 =	vmul.f32 v7, v16;
	[tilespmem:s9+$0x10A00] =	vst v4;
	v4 =	vperm.xlane v14, v0  }
0xe5: {  	v11 =	vmul.f32 v11, v16  }
0xe6: {  	[tilespmem:s9+$0x10A10] =	vst v7;
	v13 =	vmul.f32 $1.442695020e+00, v13;
	v7 =	vmul.f32 v17, v4;
	_ =	sdelay $0x1  }
0xe7: {  	[tilespmem:s9+$0x10A20] =	vst v11;
	v11 =	vld [tilespmem:s13+$0xD330];
	(erf) = vpow2.f32 v13  }
0xe8: {  	[tilespmem:s9+$0x109F0] =	vst v18;
	v1 =	vmul.f32 v1, v4  }
0xe9: {  	v15 =	vmul.f32 v15, v16;
	[tilespmem:s20+$0x10A30] =	vst v7;
	v7 =	vpop (erf)  }
0xea: {  	v2 =	vmul.f32 v2, v4;
	[tilespmem:s20+$0x10A00] =	vst v1;
	v1 =	vperm.xlane v7, v0  }
0xeb: {  	[tilespmem:s9+$0x10A30] =	vst v15  }
0xec: {  	v8 =	vmul.f32 v8, v4;
	[tilespmem:s20+$0x10A20] =	vst v2;
	v2 =	vmul.f32 v11, v1  }
0xed: {  	[tilespmem:s20+$0x109F0] =	vst v14  }
0xee: {  	v4 =	vld [tilespmem:s4+$0xD330];
	[tilespmem:s20+$0x10A10] =	vst v8  }
0xef: {  	[tilespmem:s13+$0x109F0] =	vst v7;
	v3 =	vmul.f32 v3, v1  }
0xf0: {  	v5 =	vmul.f32 v5, v1;
	[tilespmem:s13+$0x10A30] =	vst v2;
	v2 =	vpop (erf)  }
0xf1: {  	v1 =	vmul.f32 v6, v1;
	[tilespmem:s13+$0x10A00] =	vst v3;
	v3 =	vperm.xlane v2, v0  }
0xf2: {  	[tilespmem:s13+$0x10A10] =	vst v5  }
0xf3: {  	[tilespmem:s13+$0x10A20] =	vst v1;
	v1 =	vmul.f32 v4, v3  }
0xf4: {  	[tilespmem:s4+$0x109F0] =	vst v2;
	v2 =	vmul.f32 v9, v3  }
0xf5: {  	v4 =	vmul.f32 v10, v3;
	[tilespmem:s4+$0x10A30] =	vst v1  }
0xf6: {  	s13 =	smul.u32 $0x280, s11;
	v1 =	vmul.f32 v12, v3;
	[tilespmem:s4+$0x10A00] =	vst v2  }
0xf7: {  	[tilespmem:s4+$0x10A10] =	vst v4  }
0xf8: {  	s1 =	simm.s32 $0x104F0;
	s9 =	sadd.s32 $0xCB20, s28;
	[tilespmem:s4+$0x10A20] =	vst v1;
	s4 =	sshra.s32 s13, $0x2  }
0xf9: {  	[tilespmem:s1], [sflag:$0x3] =	stream.indirect.gather [hbm4b:s2+s17], $0x10, s9, s17, $0xb8;
	[tilespmem:$0x13BF0] =	vst v63  }
0xfa: {  	s4 =	sadd.s32 $0xCBC0, s4  }
0xfb: {  	[spmem:s3] =	stream.indirect.scatter.add.f32 [tilespmem:s24], [sflag:$0x4], $0x50, s4, s17, $0xb8;
	[tilespmem:$0x13BF0] =	vst v63  }
0xfc: {  	_ =	swait.ge [sflag:s25], $0x1900  }
0xfd: {  	[sflag:s25] =	ssyncset.done $0x0  }
0xfe: {  	s20 =	sadd.s32 $0xC490, s12;
	[sflag:s25] =	ssyncadd.s32 $0xFFFFE700  }
0xff: {  	[tilespmem:s18], [sflag:$0x1] =	stream.indirect.gather [hbm4b:s5+s17], $0x50, s20, s17, $0xb8;
	[tilespmem:$0x13BF0] =	vst v63  }
0x100: {  	_ =	swait.ge [sflag:s0], $0x1900  }
0x101: {  	[sflag:s0] =	ssyncset.done $0x0  }
0x102: {  	[sflag:s0] =	ssyncadd.s32 $0xFFFFE700  }
0x103: {  	_ =	swait.ge [sflag:s22], $0x500  }
0x104: {  	[sflag:s22] =	ssyncset.done $0x0  }
0x105: {  	[sflag:s22] =	ssyncadd.s32 $0xFFFFFB00  }
0x106: {  	s28 =	simm.s32 $0x0;
	v1 =	vld [tilespmem:s1+$0x0]  }
0x107: {  	v2 =	vld [tilespmem:s28+$0xEBF0];
	_ =	sdelay $0x3  }
0x108: {  	s26 =	simm.s32 $0x10500;
	v9 =	vld [tilespmem:s28+$0xEC00]  }
0x109: {  	s13 =	simm.s32 $0x50;
	v3 =	vld [tilespmem:s26+$0x0];
	v1 =	vadd.f32 v1, v2  }
0x10a: {  	v2 =	vld [tilespmem:s13+$0xEBF0]  }
0x10b: {  	v10 =	vld [tilespmem:s28+$0xEC10];
	v5 =	vmul.f32 $2.000000030e-01, v1  }
0x10c: {  	v12 =	vld [tilespmem:s28+$0xEC20];
	vm12 =	vge.f32 v1, $0.0e+00  }
0x10d: {  	v4 =	vld [tilespmem:s13+$0xEC00];
	v1 =	vsel vm12, v1, v5  }
0x10e: {  	v7 =	vld [tilespmem:s13+$0xEC10];
	s26 =	simm.s32 $0xA0;
	v1 =	vmul.f32 $1.442695020e+00, v1  }
0x10f: {  	s4 =	simm.s32 $0x10510;
	v5 =	vld [tilespmem:s26+$0xEBF0];
	v2 =	vadd.f32 v3, v2  }
0x110: {  	v3 =	vld [tilespmem:s4+$0x0];
	(erf) = vpow2.f32 v1  }
0x111: {  	s6 =	simm.s32 $0x10520;
	v11 =	vld [tilespmem:s13+$0xEC20];
	v6 =	vmul.f32 $2.000000030e-01, v2  }
0x112: {  	v14 =	vld [tilespmem:s6+$0x0];
	vm13 =	vge.f32 v2, $0.0e+00  }
0x113: {  	v16 =	vld [tilespmem:s28+$0xEC30];
	s4 =	simm.s32 $0xF0;
	v6 =	vsel vm13, v2, v6  }
0x114: {  	v15 =	vld [tilespmem:s4+$0xEBF0];
	v6 =	vmul.f32 $1.442695020e+00, v6  }
0x115: {  	v8 =	vld [tilespmem:s26+$0xEC10];
	v13 =	vadd.f32 v3, v5  }
0x116: {  	v1 =	vld [tilespmem:s26+$0xEC00];
	(erf) = vpow2.f32 v6  }
0x117: {  	v2 =	vld [tilespmem:s26+$0xEC20];
	v17 =	vmul.f32 $2.000000030e-01, v13  }
0x118: {  	v3 =	vld [tilespmem:s4+$0xEC00];
	vm14 =	vge.f32 v13, $0.0e+00  }
0x119: {  	s20 =	simm.s32 $0x140;
	v5 =	vld [tilespmem:s4+$0xEC10];
	v20 =	vadd.f32 v14, v15;
	v17 =	vsel vm14, v13, v17;
	v18 =	vpop (erf)  }
0x11a: {  	v14 =	vld [tilespmem:s20+$0xEBF0];
	v17 =	vmul.f32 $1.442695020e+00, v17;
	v19 =	vperm.xlane v18, v0  }
0x11b: {  	s7 =	simm.s32 $0x10530;
	v15 =	vld [tilespmem:s13+$0xEC30];
	[tilespmem:s28+$0x122F0] =	vst v18;
	v18 =	vmul.f32 $2.000000030e-01, v20  }
0x11c: {  	v13 =	vld [tilespmem:s7+$0x0];
	(erf) = vpow2.f32 v17;
	v16 =	vmul.f32 v16, v19  }
0x11d: {  	v6 =	vld [tilespmem:s4+$0xEC20];
	v21 =	vmul.f32 v9, v19  }
0x11e: {  	vm15 =	vge.f32 v20, $0.0e+00;
	v9 =	vld [tilespmem:s20+$0xEC00];
	v22 =	vmul.f32 v10, v19;
	[tilespmem:s28+$0x12330] =	vst v16  }
0x11f: {  	s12 =	sadd.s32 $0x140, s12;
	v17 =	vmul.f32 v12, v19;
	v10 =	vld [tilespmem:s20+$0xEC10];
	v16 =	vsel vm15, v20, v18;
	v18 =	vpop (erf);
	[tilespmem:s28+$0x12300] =	vst v21  }
0x120: {  	s1 =	simm.s32 $0x640;
	s6 =	simm.s32 $0x10540;
	v12 =	vld [tilespmem:s20+$0xEC20];
	[tilespmem:s28+$0x12310] =	vst v22;
	v19 =	vmul.f32 $1.442695020e+00, v16;
	v16 =	vperm.xlane v18, v0  }
.LBB2_10:
0x121: {  	s7 =	sshra.s32 s1, $0x2;
	p0 =	sne.s32 s1, $0x62C0;
	s1 =	sadd.s32 $0x140, s1;
	v20 =	vadd.f32 v13, v14;
	v13 =	vld [tilespmem:s6+$0x0];
	[tilespmem:s28+$0x12320] =	vst v17  }
.Ltmp3:
0x122: {  	s28 =	smov.u32 s13;
	v14 =	vld [tilespmem:s7+$0xEBF0];
	(erf) = vpow2.f32 v19;
	[tilespmem:s13+$0x122F0] =	vst v18;
	v23 =	vmul.f32 v15, v16;
	s13 =	smov.u32 s26;
	(pc) =	sbr.rel @p0 .LBB2_10-.Ltmp3, $4  }
0x123: {  	v21 =	vmul.f32 v4, v16;
	v4 =	vmovc v1;
	v1 =	vmovc v3;
	s26 =	smov.u32 s4;
	s4 =	smov.u32 s20;
	s20 =	smov.u32 s7;
	v19 =	vmul.f32 $2.000000030e-01, v20;
	v15 =	vld [tilespmem:s13+$0xEC30];
	v3 =	vmov v9  }
0x124: {  	v22 =	vmul.f32 v7, v16;
	v17 =	vmul.f32 v11, v16;
	v7 =	vmovc v8;
	vm0 =	vge.f32 v20, $0.0e+00;
	v9 =	vld [tilespmem:s20+$0xEC00];
	[tilespmem:s28+$0x12330] =	vst v23  }
0x125: {  	v8 =	vmov v5;
	v5 =	vmov v10;
	v20 =	vsel vm0, v20, v19;
	v18 =	vpop (erf);
	[tilespmem:s28+$0x12300] =	vst v21;
	v10 =	vld [tilespmem:s20+$0xEC10]  }
0x126: {  	s6 =	sadd.s32 $0x10, s6;
	v11 =	vmovc v2;
	v2 =	vmovc v6;
	v6 =	vmov v12;
	v19 =	vmul.f32 $1.442695020e+00, v20;
	v16 =	vperm.xlane v18, v0;
	[tilespmem:s28+$0x12310] =	vst v22;
	v12 =	vld [tilespmem:s20+$0xEC20]  }
0x127: {  	_ = 	snop  }
0x128: {  	v13 =	vadd.f32 v13, v14;
	(erf) = vpow2.f32 v19;
	_ =	sdelay $0x1  }
0x129: {  	v14 =	vmul.f32 $2.000000030e-01, v13  }
0x12a: {  	vm0 =	vge.f32 v13, $0.0e+00  }
0x12b: {  	[tilespmem:s28+$0x12320] =	vst v17;
	v15 =	vmul.f32 v15, v16;
	v13 =	vsel vm0, v13, v14  }
0x12c: {  	[tilespmem:s13+$0x122F0] =	vst v18;
	v4 =	vmul.f32 v4, v16;
	v57 =	vpop (erf);
	v13 =	vmul.f32 $1.442695020e+00, v13  }
0x12d: {  	v56 =	vld [tilespmem:s26+$0xEC30];
	v7 =	vmul.f32 v7, v16;
	[tilespmem:s13+$0x12330] =	vst v15;
	v58 =	vperm.xlane v57, v0  }
0x12e: {  	v60 =	vld [tilespmem:s4+$0xEC30];
	v11 =	vmul.f32 v11, v16;
	[tilespmem:s13+$0x12300] =	vst v4;
	(erf) = vpow2.f32 v13  }
0x12f: {  	[tilespmem:s13+$0x12310] =	vst v7;
	v1 =	vmul.f32 v1, v58  }
0x130: {  	[tilespmem:s13+$0x12320] =	vst v11;
	v61 =	vpop (erf)  }
0x131: {  	v2 =	vmul.f32 v2, v58;
	[tilespmem:s26+$0x12300] =	vst v1;
	v1 =	vperm.xlane v61, v0  }
0x132: {  	[tilespmem:s26+$0x122F0] =	vst v57;
	v59 =	vmul.f32 v56, v58  }
0x133: {  	v8 =	vmul.f32 v8, v58;
	[tilespmem:s26+$0x12320] =	vst v2;
	v2 =	vmul.f32 v60, v1  }
0x134: {  	[tilespmem:s26+$0x12330] =	vst v59  }
0x135: {  	v62 =	vld [tilespmem:s20+$0xEC30];
	[tilespmem:s26+$0x12310] =	vst v8  }
0x136: {  	[tilespmem:s4+$0x122F0] =	vst v61;
	v3 =	vmul.f32 v3, v1  }
0x137: {  	v5 =	vmul.f32 v5, v1;
	[tilespmem:s4+$0x12330] =	vst v2;
	v2 =	vpop (erf)  }
0x138: {  	v1 =	vmul.f32 v6, v1;
	[tilespmem:s4+$0x12300] =	vst v3;
	v3 =	vperm.xlane v2, v0  }
0x139: {  	[tilespmem:s4+$0x12310] =	vst v5  }
0x13a: {  	[tilespmem:s4+$0x12320] =	vst v1;
	v1 =	vmul.f32 v62, v3  }
0x13b: {  	[tilespmem:s20+$0x122F0] =	vst v2;
	v2 =	vmul.f32 v9, v3  }
0x13c: {  	s11 =	sadd.s32 $0x1, s11;
	v63 =	vmul.f32 v10, v3;
	[tilespmem:s20+$0x12330] =	vst v1  }
0x13d: {  	p0 =	sne.s32 s11, $0xB;
	v1 =	vmul.f32 v12, v3;
	[tilespmem:s20+$0x12300] =	vst v2  }
.Ltmp4:
0x13e: {  	[tilespmem:s20+$0x12310] =	vst v63;
	(pc) =	sbr.rel @p0 .LBB2_7-.Ltmp4, $4  }
0x13f: {  	s1 =	sadd.s32 $0xCB20, s12;
	[tilespmem:s20+$0x12320] =	vst v1  }
0x140: {  	[tilespmem:s29], [sflag:$0x3] =	stream.indirect.gather [hbm4b:s2+s17], $0x10, s1, s17, $0xb8;
	[tilespmem:$0x13BF0] =	vst v63  }
0x141: {  	_ = 	snop  }
0x142: {  	[spmem:s3] =	stream.indirect.scatter.add.f32 [tilespmem:s30], [sflag:$0x5], $0x50, s9, s17, $0xb8;
	[tilespmem:$0x13BF0] =	vst v63  }
0x143: {  	_ =	swait.ge [sflag:s19], $0x1900  }
0x144: {  	[sflag:s19] =	ssyncset.done $0x0  }
0x145: {  	[sflag:s19] =	ssyncadd.s32 $0xFFFFE700  }
0x146: {  	_ =	swait.ge [sflag:s31], $0x1900  }
0x147: {  	[sflag:s31] =	ssyncset.done $0x0  }
0x148: {  	[sflag:s31] =	ssyncadd.s32 $0xFFFFE700  }
0x149: {  	_ =	swait.ge [sflag:s22], $0x500  }
0x14a: {  	[sflag:s22] =	ssyncset.done $0x0  }
0x14b: {  	s1 =	simm.s32 $0x104F0;
	[sflag:s22] =	ssyncadd.s32 $0xFFFFFB00  }
0x14c: {  	s13 =	simm.s32 $0x0;
	v1 =	vld [tilespmem:s1+$0x0]  }
0x14d: {  	v2 =	vld [tilespmem:s13+$0xD2F0];
	_ =	sdelay $0x3  }
0x14e: {  	s12 =	simm.s32 $0x10500;
	v9 =	vld [tilespmem:s13+$0xD300]  }
0x14f: {  	s9 =	simm.s32 $0x50;
	v3 =	vld [tilespmem:s12+$0x0];
	v1 =	vadd.f32 v1, v2  }
0x150: {  	v2 =	vld [tilespmem:s9+$0xD2F0]  }
0x151: {  	v10 =	vld [tilespmem:s13+$0xD310];
	v5 =	vmul.f32 $2.000000030e-01, v1  }
0x152: {  	v12 =	vld [tilespmem:s13+$0xD320];
	vm0 =	vge.f32 v1, $0.0e+00  }
0x153: {  	s26 =	simm.s32 $0x10520;
	v4 =	vld [tilespmem:s9+$0xD300];
	v1 =	vsel vm0, v1, v5  }
0x154: {  	s12 =	simm.s32 $0xA0;
	v14 =	vld [tilespmem:s26+$0x0];
	v1 =	vmul.f32 $1.442695020e+00, v1  }
0x155: {  	s20 =	simm.s32 $0x10510;
	v5 =	vld [tilespmem:s12+$0xD2F0];
	v2 =	vadd.f32 v3, v2  }
0x156: {  	s4 =	simm.s32 $0xF0;
	v3 =	vld [tilespmem:s20+$0x0];
	(erf) = vpow2.f32 v1  }
0x157: {  	v15 =	vld [tilespmem:s4+$0xD2F0];
	v6 =	vmul.f32 $2.000000030e-01, v2  }
0x158: {  	v7 =	vld [tilespmem:s9+$0xD310];
	vm13 =	vge.f32 v2, $0.0e+00  }
0x159: {  	v11 =	vld [tilespmem:s9+$0xD320];
	v6 =	vsel vm13, v2, v6  }
0x15a: {  	v16 =	vld [tilespmem:s13+$0xD330];
	v6 =	vmul.f32 $1.442695020e+00, v6  }
0x15b: {  	s11 =	simm.s32 $0x140;
	v8 =	vld [tilespmem:s12+$0xD310];
	v13 =	vadd.f32 v3, v5  }
0x15c: {  	v20 =	vadd.f32 v14, v15;
	v14 =	vld [tilespmem:s11+$0xD2F0];
	(erf) = vpow2.f32 v6  }
0x15d: {  	v15 =	vld [tilespmem:s9+$0xD330];
	v17 =	vmul.f32 $2.000000030e-01, v13  }
0x15e: {  	v1 =	vld [tilespmem:s12+$0xD300];
	vm14 =	vge.f32 v13, $0.0e+00  }
0x15f: {  	v2 =	vld [tilespmem:s12+$0xD320];
	v17 =	vsel vm14, v13, v17;
	v18 =	vpop (erf)  }
0x160: {  	v3 =	vld [tilespmem:s4+$0xD300];
	v17 =	vmul.f32 $1.442695020e+00, v17;
	v19 =	vperm.xlane v18, v0  }
0x161: {  	s28 =	simm.s32 $0x10530;
	v5 =	vld [tilespmem:s4+$0xD310];
	[tilespmem:s13+$0x109F0] =	vst v18;
	v18 =	vmul.f32 $2.000000030e-01, v20  }
0x162: {  	v13 =	vld [tilespmem:s28+$0x0];
	(erf) = vpow2.f32 v17;
	v16 =	vmul.f32 v16, v19  }
0x163: {  	v6 =	vld [tilespmem:s4+$0xD320];
	v21 =	vmul.f32 v9, v19  }
0x164: {  	vm15 =	vge.f32 v20, $0.0e+00;
	v9 =	vld [tilespmem:s11+$0xD300];
	v22 =	vmul.f32 v10, v19;
	[tilespmem:s13+$0x10A30] =	vst v16  }
0x165: {  	v17 =	vmul.f32 v12, v19;
	v10 =	vld [tilespmem:s11+$0xD310];
	v16 =	vsel vm15, v20, v18;
	v18 =	vpop (erf);
	[tilespmem:s13+$0x10A00] =	vst v21  }
0x166: {  	s6 =	simm.s32 $0x10540;
	s1 =	simm.s32 $0x640;
	v12 =	vld [tilespmem:s11+$0xD320];
	[tilespmem:s13+$0x10A10] =	vst v22;
	v19 =	vmul.f32 $1.442695020e+00, v16;
	v16 =	vperm.xlane v18, v0  }
.LBB2_13:
0x167: {  	s7 =	sshra.s32 s1, $0x2;
	p0 =	sne.s32 s1, $0x62C0;
	s1 =	sadd.s32 $0x140, s1;
	v20 =	vadd.f32 v13, v14;
	v13 =	vld [tilespmem:s6+$0x0];
	[tilespmem:s13+$0x10A20] =	vst v17  }
.Ltmp5:
0x168: {  	s13 =	smov.u32 s9;
	v14 =	vld [tilespmem:s7+$0xD2F0];
	(erf) = vpow2.f32 v19;
	[tilespmem:s9+$0x109F0] =	vst v18;
	v23 =	vmul.f32 v15, v16;
	s9 =	smov.u32 s12;
	(pc) =	sbr.rel @p0 .LBB2_13-.Ltmp5, $4  }
0x169: {  	v21 =	vmul.f32 v4, v16;
	v4 =	vmovc v1;
	v1 =	vmovc v3;
	s12 =	smov.u32 s4;
	s4 =	smov.u32 s11;
	s11 =	smov.u32 s7;
	v19 =	vmul.f32 $2.000000030e-01, v20;
	v15 =	vld [tilespmem:s9+$0xD330];
	v3 =	vmov v9  }
0x16a: {  	v22 =	vmul.f32 v7, v16;
	v17 =	vmul.f32 v11, v16;
	v7 =	vmovc v8;
	vm0 =	vge.f32 v20, $0.0e+00;
	v9 =	vld [tilespmem:s11+$0xD300];
	[tilespmem:s13+$0x10A30] =	vst v23  }
0x16b: {  	v8 =	vmov v5;
	v5 =	vmov v10;
	v20 =	vsel vm0, v20, v19;
	v18 =	vpop (erf);
	[tilespmem:s13+$0x10A00] =	vst v21;
	v10 =	vld [tilespmem:s11+$0xD310]  }
0x16c: {  	s6 =	sadd.s32 $0x10, s6;
	v11 =	vmovc v2;
	v2 =	vmovc v6;
	v6 =	vmov v12;
	v19 =	vmul.f32 $1.442695020e+00, v20;
	v16 =	vperm.xlane v18, v0;
	[tilespmem:s13+$0x10A10] =	vst v22;
	v12 =	vld [tilespmem:s11+$0xD320]  }
0x16d: {  	_ = 	snop  }
0x16e: {  	v13 =	vadd.f32 v13, v14;
	(erf) = vpow2.f32 v19;
	_ =	sdelay $0x1  }
0x16f: {  	v14 =	vmul.f32 $2.000000030e-01, v13  }
0x170: {  	vm0 =	vge.f32 v13, $0.0e+00  }
0x171: {  	[tilespmem:s13+$0x10A20] =	vst v17;
	v15 =	vmul.f32 v15, v16;
	v13 =	vsel vm0, v13, v14  }
0x172: {  	[tilespmem:s9+$0x109F0] =	vst v18;
	v4 =	vmul.f32 v4, v16;
	v57 =	vpop (erf);
	v13 =	vmul.f32 $1.442695020e+00, v13  }
0x173: {  	v56 =	vld [tilespmem:s12+$0xD330];
	v7 =	vmul.f32 v7, v16;
	[tilespmem:s9+$0x10A30] =	vst v15;
	v58 =	vperm.xlane v57, v0  }
0x174: {  	v60 =	vld [tilespmem:s4+$0xD330];
	v11 =	vmul.f32 v11, v16;
	[tilespmem:s9+$0x10A00] =	vst v4;
	(erf) = vpow2.f32 v13  }
0x175: {  	[tilespmem:s9+$0x10A10] =	vst v7;
	v1 =	vmul.f32 v1, v58  }
0x176: {  	[tilespmem:s9+$0x10A20] =	vst v11;
	v61 =	vpop (erf)  }
0x177: {  	v2 =	vmul.f32 v2, v58;
	[tilespmem:s12+$0x10A00] =	vst v1;
	v1 =	vperm.xlane v61, v0  }
0x178: {  	[tilespmem:s12+$0x109F0] =	vst v57;
	v59 =	vmul.f32 v56, v58  }
0x179: {  	v8 =	vmul.f32 v8, v58;
	[tilespmem:s12+$0x10A20] =	vst v2;
	v2 =	vmul.f32 v60, v1  }
0x17a: {  	[tilespmem:s12+$0x10A30] =	vst v59  }
0x17b: {  	v62 =	vld [tilespmem:s11+$0xD330];
	[tilespmem:s12+$0x10A10] =	vst v8  }
0x17c: {  	[tilespmem:s4+$0x109F0] =	vst v61;
	v3 =	vmul.f32 v3, v1  }
0x17d: {  	v5 =	vmul.f32 v5, v1;
	[tilespmem:s4+$0x10A30] =	vst v2;
	v2 =	vpop (erf)  }
0x17e: {  	v1 =	vmul.f32 v6, v1;
	[tilespmem:s4+$0x10A00] =	vst v3;
	v3 =	vperm.xlane v2, v0  }
0x17f: {  	[tilespmem:s4+$0x10A10] =	vst v5  }
0x180: {  	[tilespmem:s4+$0x10A20] =	vst v1;
	v1 =	vmul.f32 v62, v3  }
0x181: {  	[tilespmem:s11+$0x109F0] =	vst v2;
	v2 =	vmul.f32 v9, v3  }
0x182: {  	v63 =	vmul.f32 v10, v3;
	[tilespmem:s11+$0x10A30] =	vst v1  }
0x183: {  	v1 =	vmul.f32 v12, v3;
	[tilespmem:s11+$0x10A00] =	vst v2  }
0x184: {  	[tilespmem:s11+$0x10A10] =	vst v63  }
0x185: {  	s1 =	simm.s32 $0xD2A0;
	s8 =	sadd.s32 $0x1, s8;
	[tilespmem:s11+$0x10A20] =	vst v1  }
0x186: {  	[spmem:s3] =	stream.indirect.scatter.add.f32 [tilespmem:s24], [sflag:$0x4], $0x50, s1, s17, $0xb8;
	[tilespmem:$0x13BF0] =	vst v63  }
0x187: {  	p0 =	sne.s32 s8, $0x5;
	_ =	swait.ge [sflag:s31], $0x1900  }
.Ltmp6:
0x188: {  	[sflag:s31] =	ssyncset.done $0x0;
	(pc) =	sbr.rel @p0 .LBB2_2-.Ltmp6, $4  }
0x189: {  	[sflag:s31] =	ssyncadd.s32 $0xFFFFE700  }
0x18a: {  	_ =	swait.ge [sflag:s0], $0x1900  }
0x18b: {  	[sflag:s0] =	ssyncset.done $0x0  }
0x18c: {  	[sflag:s0] =	ssyncadd.s32 $0xFFFFE700  }
0x18d: {  	[bflag:$0x0] =	sbarrier.arrive $0xFFFF  }
0x18e: {  	s7 =	rddreg [dreg:$0x8]  }
0x18f: {  	s1 =	rddreg [dreg:$0x9]  }
0x190: {  	s4 =	rddreg [dreg:$0xb]  }
0x191: {  	[hbm:s1], [sflag:s7] =	dma.local [spmem:s4], $0x186A  }
0x192: {  	_ =	swait.ge [sflag:s14], $0x186A  }
0x193: {  	s11 =	rddreg [dreg:$0x4]  }
0x194: {  	s28 =	rddreg [dreg:$0xa];
	s11 =	sadd.s32 $0x1, s11  }
0x195: {  	p0 =	sne.s32 s11, s28  }
.Ltmp7:
0x196: {  	_ = 	snop;
	(pc) =	sbr.rel @p0 .LBB2_1-.Ltmp7, $3  }
0x197: {  	_ =	sdelay $0x1  }
0x198: {  	[sflag:s14] =	ssyncset.done $0x0  }
0x199: {  	[sflag:s14] =	ssyncadd.s32 $0xFFFFE796  }
0x19a: {  	_ =	sfence.sel $0x180000  }
0x19b: {  	[bflag:$0x0] =	sbarrier.arrive $0xFFFF  }
0x19c: {  	_ =	strace $0x9000004D  }
0x19d: {  	s0 =	stileid.u32;
	[bflag:$0x2] =	sbarrier.arrive $0xFFFF  }
0x19e: {  	p0 =	sne.s32 s0, $0x0;
	s0 =	rddreg [dreg:$0x3]  }
0x19f: {  	s0 =	sadd.s32 @!p0 $0x100000, s0  }
0x1a0: {  	[sflag:s0] =	ssyncadd.tile.s32 @!p0 $0x1;
	_ =	shalt  }
.Lfunc_end2:
_tile_overlayer_lowered:
.L_overlay_start_2:
0x1a1: {  	(tag) =	ssettag $0x2  }
0x1a2: {  	s0 =	rddreg [dreg:$0x0];
	s2 =	stileid.u32  }
0x1a3: {  	s1 =	rddreg [dreg:$0x1];
	p0 =	sne.s32 s2, $0x0  }
0x1a4: {  	s3 =	rddreg [dreg:$0x2];
	[bflag:$0x3] =	sbarrier.arrive $0xFFFF;
	s2 =	simm.s32 @!p0 $0x1C06  }
0x1a5: {  	[timem:s3], [sflag:s2] =	dma.local @!p0 [hbm:s0], s1  }
0x1a6: {  	s0 =	simm.s32 @!p0 $0x6  }
0x1a7: {  	_ =	swait.ge @!p0 [sflag:s0], s1  }
0x1a8: {  	s1 =	ssub.s32 @!p0 $0x0, s1;
	[sflag:s0] =	ssyncset.done @!p0 $0x0  }
0x1a9: {  	[sflag:s0] =	ssyncadd.s32 @!p0 s1  }
0x1aa: {  	[bflag:$0x3] =	sbarrier.arrive $0xFFFF  }
0x1ab: {  	_ =	shalt  }

// kernel: kernel.8.cloned.1.call-start
scs
__scs_entry_jumppad:
0x0: {  	(pc) =	sbr.rel $0x88, $3  }
0x1: {  	(tag) =	ssettag $0x0;
	lr =	simm.s32 $0x1  }
0x2: {  	[smem:$0x3F95] =	sst lr;
	_ =	strace $0xD0000000  }
0x3: {  	_ = 	snop  }
0x4: {  	_ = 	snop  }
0x5: {  	_ = 	snop  }
0x6: {  	_ = 	snop  }
0x7: {  	_ = 	snop  }
__scs_overlays_trampoline_lowered:
0x8: {  	[smem:$0x3FA4] =	sst s0  }
0x9: {  	[smem:$0x3FA5] =	sst s1  }
0xa: {  	[smem:$0x3FA6] =	sst s2  }
0xb: {  	[smem:$0x3FA7] =	sst s3  }
0xc: {  	[smem:$0x3FA8] =	sst s4  }
0xd: {  	[smem:$0x3FA9] =	sst s5  }
0xe: {  	[smem:$0x3FAA] =	sst s6  }
0xf: {  	[smem:$0x3FAB] =	sst s7  }
0x10: {  	[smem:$0x3FAC] =	sst s8  }
0x11: {  	[smem:$0x3FAD] =	sst s9;
	s0 =	simm.s32 @!p0 $0x0  }
0x12: {  	s1 =	sld [smem:$0x3F93];
	s0 =	simm.s32 @p0 $0x1  }
0x13: {  	[smem:$0x3FAE] =	sst s0;
	s0 =	simm.s32 @!p1 $0x0  }
0x14: {  	s2 =	sld [smem:$0x3F92];
	s0 =	simm.s32 @p1 $0x1  }
0x15: {  	[smem:$0x3FAF] =	sst s0;
	s0 =	simm.s32 @!p2 $0x0  }
0x16: {  	s3 =	sld [smem:$0x3FDB];
	s0 =	simm.s32 @p2 $0x1  }
0x17: {  	s4 =	simm.s32 $0x1BF5;
	[smem:$0x3FB1] =	sst s0  }
0x18: {  	s0 =	sld [smem:$0x3F94];
	_ =	swait.ge [sflag:s4], $0x0  }
0x19: {  	s7 =	sld [smem:$0x3F95]  }
0x1a: {  	s8 =	sadd.s32 $0xFFFFE003, lr  }
0x1b: {  	s9 =	sadd.s32 $0xFFFFFEF7, lr;
	s5 =	simm.s32 $0xFFFFFFFF;
	p2 =	slt.u32 s8, $0xFFFFF086  }
0x1c: {  	p1 =	slt.u32 s9, $0xF7A;
	s5 =	simm.s32 @!p2 $0x0  }
0x1d: {  	s5 =	simm.s32 @p1 $0x1;
	p0 =	seq.s32 s7, s2  }
0x1e: {  	s7 =	smul.u32 @!p0 $0xF7A, s2;
	p2 =	seq.s32 @!p0 s5, $0x0  }
0x1f: {  	s9 =	smul.u32 $0xF7A, s1;
	s8 =	simm.s32 @!p0 $0x1BF5;
	p2 =	por !p2, p0  }
0x20: {  	[sflag:s8] =	ssyncset.s32 @!p0 $0xFFFFF086;
	s6 =	sadd.s32 @!p0 s3, s7;
	s7 =	simm.s32 @!p0 $0x108  }
0x21: {  	s3 =	sadd.s32 s3, s9;
	s6 =	sadd.s32 @!p0 $0x88, s6;
	s7 =	simm.s32 @p2 $0x1082  }
0x22: {  	[simem:s7], [sflag:s8] =	dma.local @!p0 [hbm:s6], $0xF7A  }
0x23: {  	s9 =	sor.u32 $0xD0000000, s2;
	s6 =	simm.s32 $0x108;
	_ =	swait.ge @!p0 [sflag:s8], $0x0  }
0x24: {  	s3 =	sadd.s32 $0x88, s3;
	s6 =	simm.s32 @!p1 $0x1082;
	[sflag:s4] =	ssyncset.s32 $0xFFFFF086  }
0x25: {  	[simem:s6], [sflag:s4] =	dma.local [hbm:s3], $0xF7A  }
0x26: {  	[smem:$0x3F95] =	sst s1;
	(tag) =	ssettag s2;
	_ =	strace s9  }
0x27: {  	s1 =	sld [smem:$0x3FA5]  }
0x28: {  	s2 =	sld [smem:$0x3FA6]  }
0x29: {  	s4 =	sld [smem:$0x3FA8]  }
0x2a: {  	p0 =	seq.s32 s5, $0x0;
	s5 =	sld [smem:$0x3FA9]  }
0x2b: {  	s6 =	sld [smem:$0x3FAA]  }
0x2c: {  	s7 =	sld [smem:$0x3FAB]  }
0x2d: {  	s3 =	simm.s32 $0x108;
	s8 =	sld [smem:$0x3FAC]  }
0x2e: {  	s3 =	simm.s32 @!p0 $0x1082;
	s9 =	sld [smem:$0x3FAD]  }
0x2f: {  	lr =	sadd.s32 s0, s3;
	s0 =	sld [smem:$0x3FA4]  }
0x30: {  	s3 =	sld [smem:$0x3FA7]  }
0x31: {  	[smem:$0x3FB0] =	sst s10  }
0x32: {  	s10 =	sld [smem:$0x3FAE];
	_ =	sdelay $0x3  }
0x33: {  	p0 =	seq.s32 s10, $0x1;
	s10 =	sld [smem:$0x3FB0];
	_ =	sdelay $0x3  }
0x34: {  	[smem:$0x3FB0] =	sst s10  }
0x35: {  	s10 =	sld [smem:$0x3FAF];
	_ =	sdelay $0x3  }
0x36: {  	p1 =	seq.s32 s10, $0x1;
	s10 =	sld [smem:$0x3FB0];
	_ =	sdelay $0x3  }
0x37: {  	[smem:$0x3FB0] =	sst s10  }
0x38: {  	s10 =	sld [smem:$0x3FB1]  }
0x39: {  	_ = 	snop;
	(pc) =	sbr.ind lr, $3  }
0x3a: {  	_ = 	snop  }
0x3b: {  	_ = 	snop  }
0x3c: {  	p2 =	seq.s32 s10, $0x1;
	s10 =	sld [smem:$0x3FB0]  }
0x3d: {  	_ =	shalt  }
0x3e: {  	_ =	shalt  }
0x3f: {  	_ =	shalt  }
0x40: {  	_ =	shalt  }
0x41: {  	_ =	shalt  }
0x42: {  	_ =	shalt  }
0x43: {  	_ =	shalt  }
0x44: {  	_ =	shalt  }
0x45: {  	_ =	shalt  }
0x46: {  	_ =	shalt  }
0x47: {  	_ =	shalt  }
0x48: {  	_ =	shalt  }
0x49: {  	_ =	shalt  }
0x4a: {  	_ =	shalt  }
0x4b: {  	_ =	shalt  }
0x4c: {  	_ =	shalt  }
0x4d: {  	_ =	shalt  }
0x4e: {  	_ =	shalt  }
0x4f: {  	_ =	shalt  }
0x50: {  	_ =	shalt  }
0x51: {  	_ =	shalt  }
0x52: {  	_ =	shalt  }
0x53: {  	_ =	shalt  }
0x54: {  	_ =	shalt  }
0x55: {  	_ =	shalt  }
0x56: {  	_ =	shalt  }
0x57: {  	_ =	shalt  }
0x58: {  	_ =	shalt  }
0x59: {  	_ =	shalt  }
0x5a: {  	_ =	shalt  }
0x5b: {  	_ =	shalt  }
0x5c: {  	_ =	shalt  }
0x5d: {  	_ =	shalt  }
0x5e: {  	_ =	shalt  }
0x5f: {  	_ =	shalt  }
0x60: {  	_ =	shalt  }
0x61: {  	_ =	shalt  }
0x62: {  	_ =	shalt  }
0x63: {  	_ =	shalt  }
0x64: {  	_ =	shalt  }
0x65: {  	_ =	shalt  }
0x66: {  	_ =	shalt  }
0x67: {  	_ =	shalt  }
0x68: {  	_ =	shalt  }
0x69: {  	_ =	shalt  }
0x6a: {  	_ =	shalt  }
0x6b: {  	_ =	shalt  }
0x6c: {  	_ =	shalt  }
0x6d: {  	_ =	shalt  }
0x6e: {  	_ =	shalt  }
0x6f: {  	_ =	shalt  }
0x70: {  	_ =	shalt  }
0x71: {  	_ =	shalt  }
0x72: {  	_ =	shalt  }
0x73: {  	_ =	shalt  }
0x74: {  	_ =	shalt  }
0x75: {  	_ =	shalt  }
0x76: {  	_ =	shalt  }
0x77: {  	_ =	shalt  }
0x78: {  	_ =	shalt  }
0x79: {  	_ =	shalt  }
0x7a: {  	_ =	shalt  }
0x7b: {  	_ =	shalt  }
0x7c: {  	_ =	shalt  }
0x7d: {  	_ =	shalt  }
0x7e: {  	_ =	shalt  }
0x7f: {  	_ =	shalt  }
0x80: {  	_ =	shalt  }
0x81: {  	_ =	shalt  }
0x82: {  	_ =	shalt  }
0x83: {  	_ =	shalt  }
0x84: {  	_ =	shalt  }
0x85: {  	_ =	shalt  }
0x86: {  	_ =	shalt  }
0x87: {  	_ =	shalt  }
.Lfunc_end0:
.L_simem_size_0:
called_computation_lowered:
.L_overlay_start_0:
0x88: {  	s2 =	sld [smem:$0x3FD9]  }
0x89: {  	s3 =	sld [smem:$0x3FFE];
	_ =	sdelay $0x1  }
0x8a: {  	s1 =	srdreg.scid  }
0x8b: {  	s0 =	sand.u32 $0x1, s1  }
0x8c: {  	s16 =	sshll.u32 s0, $0xA;
	s2 =	sadd.s32 s3, s2  }
0x8d: {  	s2 =	sadd.s32 s2, s16  }
0x8e: {  	[smem:$0x3FBC] =	sst s2  }
0x8f: {  	_ = 	snop  }
0x90: {  	(tm) =	ssettm $0x1  }
0x91: {  	s17 =	sld [smem:$0x3FFB];
	_ =	sdelay $0x3  }
0x92: {  	_ =	strace s17  }
0x93: {  	s2 =	sld [smem:$0x3FFC];
	_ =	sdelay $0x3  }
0x94: {  	_ =	strace s2  }
0x95: {  	s2 =	sld [smem:$0x3FFD];
	_ =	sdelay $0x3  }
0x96: {  	_ =	strace s2  }
0x97: {  	_ =	strace $0x8FFFFFFF  }
0x98: {  	s18 =	sld [smem:$0x3FDB];
	_ =	sdelay $0x1  }
0x99: {  	s19 =	simm.s32 $_scs_section_size  }
0x9a: {  	s4 =	simm.s32 $_size__tile_overlayer_lowered;
	s5 =	simm.s32 $_tile_overlayer_lowered  }
0x9b: {  	s22 =	simm.s32 $0x1BFF;
	s21 =	sshll.u32 s5, $0x1;
	s2 =	sadd.s32 s19, s18  }
0x9c: {  	s6 =	simm.s32 $0x0;
	s20 =	sshll.u32 s4, $0x1;
	s4 =	sadd.s32 s21, s2  }
0x9d: {  	[timem:s6], [sflag:s22] =	dma.local [hbm:s4], s20  }
0x9e: {  	_ =	swait.ge [sflag:s22], s20  }
0x9f: {  	s3 =	ssub.s32 $0x0, s20;
	[sflag:s22] =	ssyncset.done $0x0  }
0xa0: {  	[sflag:s22] =	ssyncadd.s32 s3;
	_ =	sdelay $0x1  }
0xa1: {  	s23 =	simm.s32 $0x1B8B  }
0xa2: {  	_ =	swait.ge [sflag:s23], $0x1  }
0xa3: {  	[sflag:s23] =	ssyncset.done $0x0  }
0xa4: {  	s25 =	simm.s32 $0x1B8E;
	s24 =	sld [smem:$0x3FFE];
	[sflag:s23] =	ssyncadd.s32 $0xFFFFFFFF  }
0xa5: {  	s26 =	simm.s32 $execute0_lowered;
	[smem:$0x3FD2] =	sst s25  }
0xa6: {  	s4 =	sshll.u32 s26, $0x1;
	_ =	strace $0x80000046;
	[dreg:$0x1] =	wrdreg $0xFFFFFFFF  }
0xa7: {  	s28 =	simm.s32 $_size_execute0_lowered;
	s2 =	sadd.s32 s2, s4;
	[dreg:$0x0] =	wrdreg $0x0  }
0xa8: {  	s4 =	sshll.u32 s28, $0x1;
	[dreg:$0x2] =	wrdreg s2  }
0xa9: {  	[dreg:$0x3] =	wrdreg s4  }
0xaa: {  	[dreg:$0x4] =	wrdreg $0xC0  }
0xab: {  	_ =	task [dreg:s6], $0x5FFFF  }
0xac: {  	[dreg:$0x1] =	wrdreg $0xFFFFFFFF  }
0xad: {  	[dreg:$0x0] =	wrdreg $0x60  }
0xae: {  	[dreg:$0x2] =	wrdreg s24  }
0xaf: {  	[dreg:$0x3] =	wrdreg $0x9  }
0xb0: {  	_ =	task.clear_ibuf [dreg:s6], $0x4FFFF;
	_ =	strace $0x90000046  }
0xb1: {  	s29 =	simm.s32 $0x9;
	_ =	strace $0x80000048  }
0xb2: {  	_ =	swait.ge [sflag:s29], $0x1  }
0xb3: {  	[sflag:s29] =	ssyncadd.s32 $0xFFFFFFFF  }
0xb4: {  	_ =	strace $0x90000048  }
0xb5: {  	_ =	sfence  }
0xb6: {  	s30 =	sld [smem:$0x0];
	_ =	sdelay $0x2  }
0xb7: {  	s31 =	sshll.u32 s1, $0xD;
	s1 =	sshrl.u32 s1, $0x2  }
0xb8: {  	s3 =	sand.u32 $0x4000, s31;
	s1 =	sadd.s32 s1, s30  }
0xb9: {  	s0 =	sor.u32 s3, s0;
	s1 =	sshll.u32 s1, $0x11  }
0xba: {  	s0 =	sor.u32 s1, s0  }
0xbb: {  	s0 =	sadd.s32 $0x8F2B, s0  }
0xbc: {  	[sflag:s0] =	ssyncadd.remote.s32 $0x1  }
0xbd: {  	_ =	sfence.sel $0xFFFF  }
0xbe: {  	[dreg:$0x0] =	wrdreg $0xFFFFFFFF;
	(pc) =	sbr.abs _section_cstart, $3  }
0xbf: {  	[dreg:$0x1] =	wrdreg $0xFFFFFFFF  }
0xc0: {  	_ =	task.clear_ibuf [dreg:s6], $0x2FFFF;
	_ =	strace $0x9FFFFFFF  }
0xc1: {  	(tm) =	ssettm $0x7FFFFFFF  }
tec
execute0_lowered:
.L_overlay_start_1:
0x0: {  	(tag) =	ssettag $0x1  }
0x1: {  	s0 =	srdreg.scid  }
0x2: {  	s13 =	sand.u32 $0x1, s0  }
0x3: {  	s0 =	stileid.u32;
	s1 =	sshll.u32 s13, $0x4  }
0x4: {  	s10 =	sor.u32 s0, s1  }
0x5: {  	s9 =	rddreg [dreg:$0x0];
	s2 =	simm.s32 $0x0;
	s3 =	smul.u32 $0x28, s10  }
0x6: {  	[smem:$0x7FF] =	sst s2  }
0x7: {  	s1 =	rddreg [dreg:$0x1];
	s3 =	sadd.s32 s3, s9  }
0x8: {  	_ =	strace $0x80000047;
	s4 =	sadd.s32 $0x4000, s3;
	s3 =	simm.s32 $0x2  }
0x9: {  	[tilespmem:s2], [sflag:$0x2] =	stream.linear.gather [hbm4b:s4+s2], $0x140, $0x38;
	[tilespmem:$0x640] =	vst v63  }
0xa: {  	_ =	swait.ge [sflag:s3], $0x140  }
0xb: {  	s6 =	simm.s32 $0x50;
	s7 =	simm.s32 $0x140;
	[sflag:s3] =	ssyncset.done $0x0  }
0xc: {  	s8 =	simm.s32 $0x1;
	s5 =	sadd.s32 $0x3800, s9;
	[sflag:s3] =	ssyncadd.s32 $0xFFFFFEC0  }
0xd: {  	[tilespmem:s7], [sflag:$0x1] =	stream.indirect.gather [hbm4b:s5+s6], $0x10, s2, s6, $0xb8;
	[tilespmem:$0x640] =	vst v63  }
0xe: {  	s11 =	smul.u32 $0x280, s10;
	_ =	swait.ge [sflag:s8], $0x500  }
0xf: {  	s12 =	sadd.s32 $0x4600, s9;
	[sflag:s8] =	ssyncset.done $0x0  }
0x10: {  	s9 =	sadd.s32 s12, s11;
	[sflag:s8] =	ssyncadd.s32 $0xFFFFFB00  }
0x11: {  	[hbm4b:s9+s2] =	stream.linear.scatter [tilespmem:s7], [sflag:$0x2], $0x500, $0x38;
	[tilespmem:$0x640] =	vst v63  }
0x12: {  	_ =	swait.ge [sflag:s3], $0x500  }
0x13: {  	[sflag:s3] =	ssyncset.done $0x0  }
0x14: {  	s10 =	smul.u32 $0x1400, s10;
	[sflag:s3] =	ssyncadd.s32 $0xFFFFFB00  }
0x15: {  	[tilespmem:s7], [sflag:$0x1] =	stream.indirect.gather [hbm4b:s5+s6], $0x10, s6, s6, $0xb8;
	[tilespmem:$0x640] =	vst v63  }
0x16: {  	s10 =	sshrl.u32 s10, $0x3;
	_ =	swait.ge [sflag:s8], $0x500  }
0x17: {  	s14 =	sadd.s32 s12, s10;
	[sflag:s8] =	ssyncset.done $0x0  }
0x18: {  	s10 =	sadd.s32 $0xA0, s14;
	[sflag:s8] =	ssyncadd.s32 $0xFFFFFB00  }
0x19: {  	[hbm4b:s10+s2] =	stream.linear.scatter [tilespmem:s7], [sflag:$0x2], $0x500, $0x38;
	[tilespmem:$0x640] =	vst v63  }
0x1a: {  	_ =	swait.ge [sflag:s3], $0x500  }
0x1b: {  	[sflag:s3] =	ssyncset.done $0x0  }
0x1c: {  	s11 =	simm.s32 $0xA0;
	[sflag:s3] =	ssyncadd.s32 $0xFFFFFB00  }
0x1d: {  	[tilespmem:s7], [sflag:$0x1] =	stream.indirect.gather [hbm4b:s5+s6], $0x10, s11, s6, $0xb8;
	[tilespmem:$0x640] =	vst v63  }
0x1e: {  	_ =	swait.ge [sflag:s8], $0x500  }
0x1f: {  	[sflag:s8] =	ssyncset.done $0x0  }
0x20: {  	s15 =	ssub.s32 $0x2, s13;
	s12 =	sadd.s32 $0x140, s14;
	[sflag:s8] =	ssyncadd.s32 $0xFFFFFB00  }
0x21: {  	[hbm4b:s12+s2] =	stream.linear.scatter [tilespmem:s7], [sflag:$0x2], $0x500, $0x38;
	[tilespmem:$0x640] =	vst v63  }
0x22: {  	s16 =	sshrl.u32 s15, $0x1;
	_ =	swait.ge [sflag:s3], $0x500  }
0x23: {  	s15 =	ssub.s32 s15, s16;
	[sflag:s3] =	ssyncset.done $0x0  }
0x24: {  	s13 =	simm.s32 $0xF0;
	s15 =	smax.u32 s15, $0x1;
	[sflag:s3] =	ssyncadd.s32 $0xFFFFFB00  }
0x25: {  	[tilespmem:s7], [sflag:$0x1] =	stream.indirect.gather [hbm4b:s5+s6], $0x10, s13, s6, $0xb8;
	[tilespmem:$0x640] =	vst v63  }
0x26: {  	p0 =	sne.s32 s15, $0x1;
	_ =	swait.ge [sflag:s8], $0x500  }
.Ltmp0:
0x27: {  	[sflag:s8] =	ssyncset.done $0x0;
	(pc) =	sbr.rel @!p0 .LBB2_2-.Ltmp0, $4  }
0x28: {  	s14 =	sadd.s32 $0x1E0, s14;
	[sflag:s8] =	ssyncadd.s32 $0xFFFFFB00  }
0x29: {  	[hbm4b:s14+s2] =	stream.linear.scatter [tilespmem:s7], [sflag:$0x2], $0x500, $0x38;
	[tilespmem:$0x640] =	vst v63  }
0x2a: {  	_ =	swait.ge [sflag:s3], $0x500  }
0x2b: {  	s15 =	sadd.s32 $0xFFFFFFFF, s15;
	[sflag:s3] =	ssyncset.done $0x0  }
.LBB2_1:
0x2c: {  	p0 =	sne.s32 s15, $0x1;
	s15 =	sadd.s32 $0xFFFFFFFF, s15;
	[sflag:s3] =	ssyncadd.s32 $0xFFFFFB00  }
0x2d: {  	[tilespmem:s2], [sflag:$0x2] =	stream.linear.gather [hbm4b:s4+s2], $0x140, $0x38;
	[tilespmem:$0x640] =	vst v63  }
0x2e: {  	_ =	swait.ge [sflag:s3], $0x140  }
0x2f: {  	[sflag:s3] =	ssyncset.done $0x0  }
0x30: {  	[sflag:s3] =	ssyncadd.s32 $0xFFFFFEC0  }
0x31: {  	[tilespmem:s7], [sflag:$0x1] =	stream.indirect.gather [hbm4b:s5+s6], $0x10, s2, s6, $0xb8;
	[tilespmem:$0x640] =	vst v63  }
0x32: {  	_ =	swait.ge [sflag:s8], $0x500  }
0x33: {  	[sflag:s8] =	ssyncset.done $0x0  }
0x34: {  	[sflag:s8] =	ssyncadd.s32 $0xFFFFFB00  }
0x35: {  	[hbm4b:s9+s2] =	stream.linear.scatter [tilespmem:s7], [sflag:$0x2], $0x500, $0x38;
	[tilespmem:$0x640] =	vst v63  }
0x36: {  	_ =	swait.ge [sflag:s3], $0x500  }
0x37: {  	[sflag:s3] =	ssyncset.done $0x0  }
0x38: {  	[sflag:s3] =	ssyncadd.s32 $0xFFFFFB00  }
0x39: {  	[tilespmem:s7], [sflag:$0x1] =	stream.indirect.gather [hbm4b:s5+s6], $0x10, s6, s6, $0xb8;
	[tilespmem:$0x640] =	vst v63  }
0x3a: {  	_ =	swait.ge [sflag:s8], $0x500  }
0x3b: {  	[sflag:s8] =	ssyncset.done $0x0  }
0x3c: {  	[sflag:s8] =	ssyncadd.s32 $0xFFFFFB00  }
0x3d: {  	[hbm4b:s10+s2] =	stream.linear.scatter [tilespmem:s7], [sflag:$0x2], $0x500, $0x38;
	[tilespmem:$0x640] =	vst v63  }
0x3e: {  	_ =	swait.ge [sflag:s3], $0x500  }
0x3f: {  	[sflag:s3] =	ssyncset.done $0x0  }
0x40: {  	[sflag:s3] =	ssyncadd.s32 $0xFFFFFB00  }
0x41: {  	[tilespmem:s7], [sflag:$0x1] =	stream.indirect.gather [hbm4b:s5+s6], $0x10, s11, s6, $0xb8;
	[tilespmem:$0x640] =	vst v63  }
0x42: {  	_ =	swait.ge [sflag:s8], $0x500  }
0x43: {  	[sflag:s8] =	ssyncset.done $0x0  }
0x44: {  	[sflag:s8] =	ssyncadd.s32 $0xFFFFFB00  }
0x45: {  	[hbm4b:s12+s2] =	stream.linear.scatter [tilespmem:s7], [sflag:$0x2], $0x500, $0x38;
	[tilespmem:$0x640] =	vst v63  }
0x46: {  	_ =	swait.ge [sflag:s3], $0x500  }
0x47: {  	[sflag:s3] =	ssyncset.done $0x0  }
0x48: {  	[sflag:s3] =	ssyncadd.s32 $0xFFFFFB00  }
0x49: {  	[tilespmem:s7], [sflag:$0x1] =	stream.indirect.gather [hbm4b:s5+s6], $0x10, s13, s6, $0xb8;
	[tilespmem:$0x640] =	vst v63  }
0x4a: {  	_ =	swait.ge [sflag:s8], $0x500  }
.Ltmp1:
0x4b: {  	[sflag:s8] =	ssyncset.done $0x0;
	(pc) =	sbr.rel @p0 .LBB2_1-.Ltmp1, $4  }
0x4c: {  	[sflag:s8] =	ssyncadd.s32 $0xFFFFFB00  }
0x4d: {  	[hbm4b:s14+s2] =	stream.linear.scatter [tilespmem:s7], [sflag:$0x2], $0x500, $0x38;
	[tilespmem:$0x640] =	vst v63  }
0x4e: {  	_ =	swait.ge [sflag:s3], $0x500  }
0x4f: {  	[sflag:s3] =	ssyncset.done $0x0  }
.LBB2_2:
0x50: {  	[sflag:s3] =	ssyncadd.s32 $0xFFFFFB00  }
0x51: {  	_ =	sfence.sel $0x180000  }
0x52: {  	[bflag:$0x0] =	sbarrier.arrive $0xFFFF  }
0x53: {  	p0 =	sne.s32 s0, $0x0;
	_ =	strace $0x90000047  }
0x54: {  	s0 =	sadd.s32 @!p0 $0x100000, s1;
	[bflag:$0x2] =	sbarrier.arrive $0xFFFF  }
0x55: {  	[sflag:s0] =	ssyncadd.tile.s32 @!p0 $0x1;
	_ =	shalt  }
.Lfunc_end2:
_tile_overlayer_lowered:
.L_overlay_start_2:
0x56: {  	(tag) =	ssettag $0x2  }
0x57: {  	s0 =	rddreg [dreg:$0x0];
	s2 =	stileid.u32  }
0x58: {  	s1 =	rddreg [dreg:$0x1];
	p0 =	sne.s32 s2, $0x0  }
0x59: {  	s3 =	rddreg [dreg:$0x2];
	[bflag:$0x3] =	sbarrier.arrive $0xFFFF;
	s2 =	simm.s32 @!p0 $0x1C02  }
0x5a: {  	[timem:s3], [sflag:s2] =	dma.local @!p0 [hbm:s0], s1  }
0x5b: {  	s0 =	simm.s32 @!p0 $0x2  }
0x5c: {  	_ =	swait.ge @!p0 [sflag:s0], s1  }
0x5d: {  	s1 =	ssub.s32 @!p0 $0x0, s1;
	[sflag:s0] =	ssyncset.done @!p0 $0x0  }
0x5e: {  	[sflag:s0] =	ssyncadd.s32 @!p0 s1  }
0x5f: {  	[bflag:$0x3] =	sbarrier.arrive $0xFFFF  }
0x60: {  	_ =	shalt  }

</sc_bundles>
